<compile_context>
chip_gen: v7x
topology: tpu7x:2x2x1
jax: 0.10.2.dev20260603
libtpu: 0.0.44.dev20260713+nightly
codegen_flags: <defaults>
</compile_context>

<pallas_src>
import functools

import jax
import jax.numpy as jnp
from jax import lax
from jax.experimental import pallas as pl
from jax.experimental.pallas import tpu as pltpu
from jax.experimental.pallas import tpu_sc as plsc

N = 16384
C = 1000
K = int(0.7 * N)
NSUB = 16
PER_TILE = N // NSUB
NV = PER_TILE // 16

SBLK = 2048
GRID = N // SBLK


def _tc_loss_body(x_ref, t_ref, o_ref):
    x = x_ref[...]
    tt = jnp.reshape(t_ref[...], (1, SBLK))
    e = jnp.exp(x)
    s = jnp.sum(e, axis=0, keepdims=True)
    rows = lax.broadcasted_iota(jnp.int32, (C, SBLK), 0)
    tv = jnp.sum(jnp.where(rows == tt, x, 0.0), axis=0, keepdims=True)
    loss = jnp.where(tt < 0, 0.0, jnp.log(s) - tv)
    o_ref[...] = loss[0]


def _tc_loss(logit_t, t):
    return pl.pallas_call(
        _tc_loss_body,
        grid=(GRID,),
        in_specs=[
            pl.BlockSpec((C, SBLK), lambda j: (0, j)),
            pl.BlockSpec((SBLK,), lambda j: (j,)),
        ],
        out_specs=pl.BlockSpec((SBLK,), lambda j: (j,)),
        out_shape=jax.ShapeDtypeStruct((N,), jnp.float32),
    )(logit_t, t)


def _splat_i32(v):
    return jnp.zeros((16,), jnp.int32) + v


def _splat_f32(v):
    return jnp.zeros((16,), jnp.float32) + v


def _sc_body(loss_hbm, out_hbm, vals_v, keys_v, hist_v, merged_v,
             histall_v, stats_v, statsall_v, out_v, hist_sh, stats_sh):
    c = lax.axis_index("c")
    s = lax.axis_index("s")

    @pl.when(c == 0)
    def _core0():
        _sc_core_body(loss_hbm, out_hbm, vals_v, keys_v, hist_v, merged_v,
                      histall_v, stats_v, statsall_v, out_v, hist_sh,
                      stats_sh, s)


def _sc_core_body(loss_hbm, out_hbm, vals_v, keys_v, hist_v, merged_v,
                  histall_v, stats_v, statsall_v, out_v, hist_sh, stats_sh, s):
    lane = lax.iota(jnp.int32, 16)
    lane_base = lane * 256
    zeros16 = jnp.zeros((16,), jnp.int32)
    ones16 = jnp.ones((16,), jnp.int32)

    pltpu.sync_copy(loss_hbm.at[pl.ds(s * PER_TILE, PER_TILE)], vals_v)

    def zero_hist(i, carry):
        hist_v[pl.ds(i * 16, 16)] = zeros16
        return carry

    def sub_tree(j, carry):
        for lvl in (8, 4, 2, 1):
            for s2 in range(lvl):
                a = s2 * 256 + j * 16
                b2 = (s2 + lvl) * 256 + j * 16
                hist_v[pl.ds(a, 16)] = hist_v[pl.ds(a, 16)] + hist_v[pl.ds(b2, 16)]
        return carry

    def global_tree(j, carry):
        for lvl in (8, 4, 2, 1):
            for s2 in range(lvl):
                sl = pl.ds(j * 16, 16)
                histall_v[s2, sl] = histall_v[s2, sl] + histall_v[s2 + lvl, sl]
        return carry

    def scan_bins(kr):
        totals = []
        for j in range(16):
            totals.append(jnp.sum(histall_v[0, pl.ds(j * 16, 16)]))
        suffix = [jnp.int32(0)] * 16
        acc = jnp.int32(0)
        for j in range(15, -1, -1):
            suffix[j] = acc
            acc = acc + totals[j]
        jstar = jnp.int32(0)
        sstar = jnp.int32(0)
        for j in range(16):
            cond = (suffix[j] < kr) & (suffix[j] + totals[j] >= kr)
            jstar = jnp.where(cond, jnp.int32(j), jstar)
            sstar = jnp.where(cond, suffix[j], sstar)
        gstar = histall_v[0, pl.ds(jstar * 16, 16)]
        ssum = lax.rev(jnp.cumsum(lax.rev(gstar, (0,))), (0,))
        condv = (ssum + _splat_i32(sstar)) >= _splat_i32(kr)
        bl = jnp.max(jnp.where(condv, lane, -1))
        sel = lane == _splat_i32(bl)
        hb = jnp.sum(jnp.where(sel, gstar, 0))
        sb = jnp.sum(jnp.where(sel, ssum, 0))
        count_above = sstar + sb - hb
        return jstar * 16 + bl, kr - count_above

    lax.fori_loop(0, 256, zero_hist, 0, unroll=8)

    def r0_body(i, carry):
        v = vals_v[pl.ds(i * 16, 16)]
        b = lax.bitcast_convert_type(v, jnp.int32)
        kv = jnp.where(b < 0, b ^ jnp.int32(0x7FFFFFFF), b)
        keys_v[pl.ds(i * 16, 16)] = kv
        bucket = (lax.shift_right_arithmetic(kv, _splat_i32(24)) & 255) ^ 128
        plsc.addupdate_scatter(hist_v, [lane_base + bucket], ones16)
        return carry
    lax.fori_loop(0, NV, r0_body, 0)

    lax.fori_loop(0, 16, sub_tree, 0, unroll=4)
    pltpu.sync_copy(hist_v.at[pl.ds(0, 256)], hist_sh.at[s])
    plsc.subcore_barrier()
    pltpu.sync_copy(hist_sh, histall_v)
    plsc.subcore_barrier()
    lax.fori_loop(0, 16, global_tree, 0, unroll=4)
    b0, kr = scan_bins(jnp.int32(K))
    p = lax.shift_left((b0 ^ 128) & 255, 24)

    lax.fori_loop(0, 256, zero_hist, 0, unroll=8)
    p_vec = _splat_i32(p)

    def r1_body(i, carry):
        kv = keys_v[pl.ds(i * 16, 16)]
        match = ((kv ^ p_vec) & jnp.int32(0xFF000000 - (1 << 32))) == 0
        bucket = lax.shift_right_arithmetic(kv, _splat_i32(16)) & 255
        plsc.addupdate_scatter(hist_v, [lane_base + bucket], ones16, mask=match)
        return carry
    lax.fori_loop(0, NV, r1_body, 0)

    lax.fori_loop(0, 16, sub_tree, 0, unroll=4)
    pltpu.sync_copy(hist_v.at[pl.ds(0, 256)], hist_sh.at[s])
    plsc.subcore_barrier()
    pltpu.sync_copy(hist_sh, histall_v)
    plsc.subcore_barrier()
    lax.fori_loop(0, 16, global_tree, 0, unroll=4)
    b1, kr = scan_bins(kr)
    p = p | lax.shift_left(b1 & 255, 16)

    t16_vec = _splat_i32(p | jnp.int32(0xFFFF))
    vmid_key = _splat_i32(p | jnp.int32(0x8000))
    vmid_vec = lax.bitcast_convert_type(
        jnp.where(vmid_key < 0, vmid_key ^ jnp.int32(0x7FFFFFFF), vmid_key),
        jnp.float32)

    def stat_body(i, carry):
        sacc, cacc = carry
        kv = keys_v[pl.ds(i * 16, 16)]
        vv = vals_v[pl.ds(i * 16, 16)]
        above = kv > t16_vec
        return (sacc + jnp.where(above, vv, 0.0),
                cacc + jnp.where(above, 1, 0))
    sacc, cacc = lax.fori_loop(
        0, NV, stat_body, (jnp.zeros((16,), jnp.float32), zeros16), unroll=8)
    my_sum = jnp.sum(sacc)
    my_cnt = jnp.sum(cacc).astype(jnp.float32)
    stats_v[pl.ds(0, 16)] = jnp.where(lane == 0, _splat_f32(my_sum),
                                      jnp.where(lane == 1, _splat_f32(my_cnt),
                                                jnp.zeros((16,), jnp.float32)))
    pltpu.sync_copy(stats_v, stats_sh.at[s])
    plsc.subcore_barrier()
    pltpu.sync_copy(stats_sh, statsall_v)

    def stat_acc(si, acc):
        return acc + statsall_v[si, pl.ds(0, 16)]
    tot = lax.fori_loop(0, NSUB, stat_acc, jnp.zeros((16,), jnp.float32),
                        unroll=4)
    ts = jnp.sum(jnp.where(lane == 0, tot, 0.0))
    tc_ = jnp.sum(jnp.where(lane == 1, tot, 0.0))
    kf = jnp.float32(K)
    out_v[...] = (_splat_f32(ts) + vmid_vec * (_splat_f32(kf) - _splat_f32(tc_))) / kf

    @pl.when(s == 0)
    def _():
        pltpu.sync_copy(out_v, out_hbm)


@functools.partial(
    pl.kernel,
    mesh=plsc.VectorSubcoreMesh(core_axis_name="c", subcore_axis_name="s"),
    out_type=jax.ShapeDtypeStruct((16,), jnp.float32),
    compiler_params=pltpu.CompilerParams(needs_layout_passes=False),
    scratch_types=[
        pltpu.VMEM((PER_TILE,), jnp.float32),
        pltpu.VMEM((PER_TILE,), jnp.int32),
        pltpu.VMEM((NSUB * 256,), jnp.int32),
        pltpu.VMEM((256,), jnp.int32),
        pltpu.VMEM((NSUB, 256), jnp.int32),
        pltpu.VMEM((256,), jnp.float32),
        pltpu.VMEM((NSUB, 256), jnp.float32),
        pltpu.VMEM((16,), jnp.float32),
        pltpu.VMEM_SHARED((NSUB, 256), jnp.int32),
        pltpu.VMEM_SHARED((NSUB, 256), jnp.float32),
    ],
)
def _sc_topk_mean(loss_hbm, out_hbm, *refs):
    _sc_body(loss_hbm, out_hbm, *refs)


NSPLIT = 4
def kernel(logit, t):
    loss = _tc_loss(logit.T, t.astype(jnp.int32))
    return _sc_topk_mean(loss)[0]

# --- scband reference (transcript-rebuilt; emitter-appended) ---
"""Pipeline reference for scband-ohemcross-entropy-loss-22952305229888 (READ-ONLY COPY).

The authoritative reference and input builder live on the scoring server;
editing this copy changes nothing except your own understanding.
"""

import jax, jax.numpy as jnp
import numpy as np

RATE = 0.7

def setup_inputs(seed: int = 0) -> dict:
    key = jax.random.key(seed)
    k1, k2 = jax.random.split(key)
    logit = jax.random.normal(k1, (16384, 1000), dtype=jnp.float32)
    t = jax.random.randint(k2, (16384,), 0, 1000, dtype=jnp.int64 if jax.config.jax_enable_x64 else jnp.int32)
    return {"logit": logit, "t": t}

def reference(logit, t):
    batch_size = logit.shape[0]
    # cross_entropy with reduction='none', ignore_index=-1
    logp = jax.nn.log_softmax(logit, axis=-1)
    safe_t = jnp.where(t == -1, 0, t)
    nll = -jnp.take_along_axis(logp, safe_t[:, None], axis=1)[:, 0]
    loss = jnp.where(t == -1, 0.0, nll)
    k = int(RATE * batch_size)
    topk_loss, _ = jax.lax.top_k(loss, k)
    return jnp.mean(topk_loss)

if __name__ == "__main__":
    import jax
    _d = setup_inputs()
    print(jax.jit(kernel)(*tuple(_d.values())))

</pallas_src>

<mosaic_0001>
#map = affine_map<(d0, d1) -> (0)>
module attributes {stable_mosaic.version = 14 : i64} {
  func.func @_sc_topk_mean(%arg0: i32, %arg1: i32, %arg2: memref<16384xf32, #tpu.memory_space<hbm>>, %arg3: memref<16xf32, #tpu.memory_space<hbm>>, %arg4: memref<1024xf32, #tpu.memory_space<vmem>>, %arg5: memref<1024xi32, #tpu.memory_space<vmem>>, %arg6: memref<4096xi32, #tpu.memory_space<vmem>>, %arg7: memref<256xi32, #tpu.memory_space<vmem>>, %arg8: memref<16x256xi32, #tpu.memory_space<vmem>>, %arg9: memref<256xf32, #tpu.memory_space<vmem>>, %arg10: memref<16x256xf32, #tpu.memory_space<vmem>>, %arg11: memref<16xf32, #tpu.memory_space<vmem>>, %arg12: memref<16x256xi32, #tpu.memory_space<vmem_shared>>, %arg13: memref<16x256xf32, #tpu.memory_space<vmem_shared>>) attributes {dimension_semantics = [#tpu.dimension_semantics<core_parallel>, #tpu.dimension_semantics<subcore_parallel>], iteration_bounds = array<i64: 2, 16>, scalar_prefetch = 0 : i64, scratch_operands = 10 : i64, tpu.core_type = #tpu.core_type<sc_vector_subcore>, window_params = [{transform_indices = #map}, {transform_indices = #map}]} {
    %eq3A = arith.constant 0 : i32
    %eq3A_0 = arith.cmpi eq, %arg0, %eq3A : i32
    %convert_element_type3A = arith.extui %eq3A_0 : i1 to i32
    %cond3A = arith.constant 0 : i32
    %cond3A_1 = arith.cmpi ne, %convert_element_type3A, %cond3A : i32
    scf.if %cond3A_1 {
      %iota3A = tpu.iota {dimensions = array<i32: 0>} : vector<16xi32>
      %mul3A = arith.constant 256 : i32
      %mul3A_2 = vector.broadcast %mul3A : i32 to vector<16xi32>
      %mul3A_3 = arith.muli %iota3A, %mul3A_2 : vector<16xi32>
      %broadcast_in_dim3A = arith.constant 0 : i32
      %broadcast_in_dim3A_4 = vector.broadcast %broadcast_in_dim3A : i32 to vector<16xi32>
      %broadcast_in_dim3A_5 = arith.constant 1 : i32
      %broadcast_in_dim3A_6 = vector.broadcast %broadcast_in_dim3A_5 : i32 to vector<16xi32>
      %mul3A_7 = arith.constant 1024 : i32
      %mul3A_8 = arith.muli %arg1, %mul3A_7 : i32
      "tpu.region"() ({
        %run_scoped3A = tpu.sem_alloc : memref<!tpu.dma_semaphore, #tpu.memory_space<semaphore_mem>>
        %dma_start3A = tpu.memref_slice %arg2[%mul3A_8] : memref<16384xf32, #tpu.memory_space<hbm>> -> memref<1024xf32, #tpu.memory_space<hbm>>
        %dma_start3A_856 = tpu.memref_slice %arg2[%mul3A_8] : memref<16384xf32, #tpu.memory_space<hbm>> -> memref<1024xf32, #tpu.memory_space<hbm>>
        tpu.enqueue_dma source(%dma_start3A_856 : memref<1024xf32, #tpu.memory_space<hbm>>) target(%arg4 : memref<1024xf32, #tpu.memory_space<vmem>>) target_semaphore(%run_scoped3A : memref<!tpu.dma_semaphore, #tpu.memory_space<semaphore_mem>>)
        %dma_wait3A = tpu.memref_slice %arg2[%mul3A_8] : memref<16384xf32, #tpu.memory_space<hbm>> -> memref<1024xf32, #tpu.memory_space<hbm>>
        %dma_wait3A_857 = tpu.memref_slice %arg2[%mul3A_8] : memref<16384xf32, #tpu.memory_space<hbm>> -> memref<1024xf32, #tpu.memory_space<hbm>>
        tpu.wait_dma2 semaphore(%run_scoped3A : memref<!tpu.dma_semaphore, #tpu.memory_space<semaphore_mem>>) src(%dma_wait3A_857 : memref<1024xf32, #tpu.memory_space<hbm>>) dst(%arg4 : memref<1024xf32, #tpu.memory_space<vmem>>)
        tpu.yield
      }) : () -> ()
      %scan3A = arith.constant 0 : i32
      %scan3A_9 = arith.constant 0 : i32
      %scan3A_10 = arith.constant 256 : i32
      %scan3A_11 = arith.addi %scan3A_9, %scan3A_10 : i32
      %scan3A_12 = arith.constant 8 : i32
      scf.for %scan3A_856 = %scan3A_9 to %scan3A_11 step %scan3A_12  : i32 {
        %mul3A_857 = arith.constant 16 : i32
        %mul3A_858 = arith.muli %scan3A_856, %mul3A_857 : i32
        %swap3A_859 = arith.index_cast %mul3A_858 : i32 to index
        %swap3A_860 = tpu.vector_load %arg6[%swap3A_859] {strides = array<i32>} : memref<4096xi32, #tpu.memory_space<vmem>>, vector<16xi32>,
        tpu.vector_store %arg6[%swap3A_859], %broadcast_in_dim3A_4 {strides = array<i32>} : memref<4096xi32, #tpu.memory_space<vmem>>, vector<16xi32>,
        %scan3A_861 = arith.constant 1 : i32
        %scan3A_862 = arith.addi %scan3A_856, %scan3A_861 : i32
        %mul3A_863 = arith.constant 16 : i32
        %mul3A_864 = arith.muli %scan3A_862, %mul3A_863 : i32
        %swap3A_865 = arith.index_cast %mul3A_864 : i32 to index
        %swap3A_866 = tpu.vector_load %arg6[%swap3A_865] {strides = array<i32>} : memref<4096xi32, #tpu.memory_space<vmem>>, vector<16xi32>,
        tpu.vector_store %arg6[%swap3A_865], %broadcast_in_dim3A_4 {strides = array<i32>} : memref<4096xi32, #tpu.memory_space<vmem>>, vector<16xi32>,
        %scan3A_867 = arith.constant 2 : i32
        %scan3A_868 = arith.addi %scan3A_856, %scan3A_867 : i32
        %mul3A_869 = arith.constant 16 : i32
        %mul3A_870 = arith.muli %scan3A_868, %mul3A_869 : i32
        %swap3A_871 = arith.index_cast %mul3A_870 : i32 to index
        %swap3A_872 = tpu.vector_load %arg6[%swap3A_871] {strides = array<i32>} : memref<4096xi32, #tpu.memory_space<vmem>>, vector<16xi32>,
        tpu.vector_store %arg6[%swap3A_871], %broadcast_in_dim3A_4 {strides = array<i32>} : memref<4096xi32, #tpu.memory_space<vmem>>, vector<16xi32>,
        %scan3A_873 = arith.constant 3 : i32
        %scan3A_874 = arith.addi %scan3A_856, %scan3A_873 : i32
        %mul3A_875 = arith.constant 16 : i32
        %mul3A_876 = arith.muli %scan3A_874, %mul3A_875 : i32
        %swap3A_877 = arith.index_cast %mul3A_876 : i32 to index
        %swap3A_878 = tpu.vector_load %arg6[%swap3A_877] {strides = array<i32>} : memref<4096xi32, #tpu.memory_space<vmem>>, vector<16xi32>,
        tpu.vector_store %arg6[%swap3A_877], %broadcast_in_dim3A_4 {strides = array<i32>} : memref<4096xi32, #tpu.memory_space<vmem>>, vector<16xi32>,
        %scan3A_879 = arith.constant 4 : i32
        %scan3A_880 = arith.addi %scan3A_856, %scan3A_879 : i32
        %mul3A_881 = arith.constant 16 : i32
        %mul3A_882 = arith.muli %scan3A_880, %mul3A_881 : i32
        %swap3A_883 = arith.index_cast %mul3A_882 : i32 to index
        %swap3A_884 = tpu.vector_load %arg6[%swap3A_883] {strides = array<i32>} : memref<4096xi32, #tpu.memory_space<vmem>>, vector<16xi32>,
        tpu.vector_store %arg6[%swap3A_883], %broadcast_in_dim3A_4 {strides = array<i32>} : memref<4096xi32, #tpu.memory_space<vmem>>, vector<16xi32>,
        %scan3A_885 = arith.constant 5 : i32
        %scan3A_886 = arith.addi %scan3A_856, %scan3A_885 : i32
        %mul3A_887 = arith.constant 16 : i32
        %mul3A_888 = arith.muli %scan3A_886, %mul3A_887 : i32
        %swap3A_889 = arith.index_cast %mul3A_888 : i32 to index
        %swap3A_890 = tpu.vector_load %arg6[%swap3A_889] {strides = array<i32>} : memref<4096xi32, #tpu.memory_space<vmem>>, vector<16xi32>,
        tpu.vector_store %arg6[%swap3A_889], %broadcast_in_dim3A_4 {strides = array<i32>} : memref<4096xi32, #tpu.memory_space<vmem>>, vector<16xi32>,
        %scan3A_891 = arith.constant 6 : i32
        %scan3A_892 = arith.addi %scan3A_856, %scan3A_891 : i32
        %mul3A_893 = arith.constant 16 : i32
        %mul3A_894 = arith.muli %scan3A_892, %mul3A_893 : i32
        %swap3A_895 = arith.index_cast %mul3A_894 : i32 to index
        %swap3A_896 = tpu.vector_load %arg6[%swap3A_895] {strides = array<i32>} : memref<4096xi32, #tpu.memory_space<vmem>>, vector<16xi32>,
        tpu.vector_store %arg6[%swap3A_895], %broadcast_in_dim3A_4 {strides = array<i32>} : memref<4096xi32, #tpu.memory_space<vmem>>, vector<16xi32>,
        %scan3A_897 = arith.constant 7 : i32
        %scan3A_898 = arith.addi %scan3A_856, %scan3A_897 : i32
        %mul3A_899 = arith.constant 16 : i32
        %mul3A_900 = arith.muli %scan3A_898, %mul3A_899 : i32
        %swap3A_901 = arith.index_cast %mul3A_900 : i32 to index
        %swap3A_902 = tpu.vector_load %arg6[%swap3A_901] {strides = array<i32>} : memref<4096xi32, #tpu.memory_space<vmem>>, vector<16xi32>,
        tpu.vector_store %arg6[%swap3A_901], %broadcast_in_dim3A_4 {strides = array<i32>} : memref<4096xi32, #tpu.memory_space<vmem>>, vector<16xi32>,
      }
      %scan3A_13 = arith.constant 256 : i32
      %scan3A_14 = arith.constant 0 : i32
      %scan3A_15 = arith.constant 0 : i32
      %scan3A_16 = arith.constant 64 : i32
      %scan3A_17 = arith.addi %scan3A_15, %scan3A_16 : i32
      %scan3A_18 = arith.constant 1 : i32
      scf.for %scan3A_856 = %scan3A_15 to %scan3A_17 step %scan3A_18  : i32 {
        %mul3A_857 = arith.constant 16 : i32
        %mul3A_858 = arith.muli %scan3A_856, %mul3A_857 : i32
        %get3A_859 = arith.index_cast %mul3A_858 : i32 to index
        %get3A_860 = tpu.vector_load %arg4[%get3A_859] {strides = array<i32>} : memref<1024xf32, #tpu.memory_space<vmem>>, vector<16xf32>,
        %bitcast_convert_type3A_861 = tpu.bitcast %get3A_860 : vector<16xf32> -> vector<16xi32>
        %lt3A_862 = arith.constant 0 : i32
        %lt3A_863 = vector.broadcast %lt3A_862 : i32 to vector<16xi32>
        %lt3A_864 = arith.cmpi slt, %bitcast_convert_type3A_861, %lt3A_863 : vector<16xi32>
        %xor3A_865 = arith.constant 2147483647 : i32
        %xor3A_866 = vector.broadcast %xor3A_865 : i32 to vector<16xi32>
        %xor3A_867 = arith.xori %bitcast_convert_type3A_861, %xor3A_866 : vector<16xi32>
        %select_n3A_868 = arith.select %lt3A_864, %xor3A_867, %bitcast_convert_type3A_861 : vector<16xi1>, vector<16xi32>
        %mul3A_869 = arith.constant 16 : i32
        %mul3A_870 = arith.muli %scan3A_856, %mul3A_869 : i32
        %swap3A_871 = arith.index_cast %mul3A_870 : i32 to index
        %swap3A_872 = tpu.vector_load %arg5[%swap3A_871] {strides = array<i32>} : memref<1024xi32, #tpu.memory_space<vmem>>, vector<16xi32>,
        tpu.vector_store %arg5[%swap3A_871], %select_n3A_868 {strides = array<i32>} : memref<1024xi32, #tpu.memory_space<vmem>>, vector<16xi32>,
        %broadcast_in_dim3A_873 = arith.constant 0 : i32
        %broadcast_in_dim3A_874 = vector.broadcast %broadcast_in_dim3A_873 : i32 to vector<16xi32>
        %add3A_875 = arith.constant 24 : i32
        %add3A_876 = vector.broadcast %add3A_875 : i32 to vector<16xi32>
        %add3A_877 = arith.addi %broadcast_in_dim3A_874, %add3A_876 : vector<16xi32>
        %shift_right_arithmetic3A = arith.shrsi %select_n3A_868, %add3A_877 : vector<16xi32>
        %and3A_878 = arith.constant 255 : i32
        %and3A_879 = vector.broadcast %and3A_878 : i32 to vector<16xi32>
        %and3A_880 = arith.andi %shift_right_arithmetic3A, %and3A_879 : vector<16xi32>
        %xor3A_881 = arith.constant 128 : i32
        %xor3A_882 = vector.broadcast %xor3A_881 : i32 to vector<16xi32>
        %xor3A_883 = arith.xori %and3A_880, %xor3A_882 : vector<16xi32>
        %add3A_884 = arith.addi %mul3A_3, %xor3A_883 : vector<16xi32>
        tpu.vector_store_idx %arg6[%add3A_884], %broadcast_in_dim3A_6 {add = true} : memref<4096xi32, #tpu.memory_space<vmem>>[vector<16xi32>], vector<16xi32>,
      }
      %scan3A_19 = arith.constant 64 : i32
      %scan3A_20 = arith.constant 0 : i32
      %scan3A_21 = arith.constant 0 : i32
      %scan3A_22 = arith.constant 16 : i32
      %scan3A_23 = arith.addi %scan3A_21, %scan3A_22 : i32
      %scan3A_24 = arith.constant 4 : i32
      scf.for %scan3A_856 = %scan3A_21 to %scan3A_23 step %scan3A_24  : i32 {
        %mul3A_857 = arith.constant 16 : i32
        %mul3A_858 = arith.muli %scan3A_856, %mul3A_857 : i32
        %add3A_859 = arith.constant 0 : i32
        %add3A_860 = arith.addi %add3A_859, %mul3A_858 : i32
        %mul3A_861 = arith.constant 16 : i32
        %mul3A_862 = arith.muli %scan3A_856, %mul3A_861 : i32
        %add3A_863 = arith.constant 2048 : i32
        %add3A_864 = arith.addi %add3A_863, %mul3A_862 : i32
        %get3A_865 = arith.index_cast %add3A_860 : i32 to index
        %get3A_866 = tpu.vector_load %arg6[%get3A_865] {strides = array<i32>} : memref<4096xi32, #tpu.memory_space<vmem>>, vector<16xi32>,
        %get3A_867 = arith.index_cast %add3A_864 : i32 to index
        %get3A_868 = tpu.vector_load %arg6[%get3A_867] {strides = array<i32>} : memref<4096xi32, #tpu.memory_space<vmem>>, vector<16xi32>,
        %add3A_869 = arith.addi %get3A_866, %get3A_868 : vector<16xi32>
        %swap3A_870 = arith.index_cast %add3A_860 : i32 to index
        %swap3A_871 = tpu.vector_load %arg6[%swap3A_870] {strides = array<i32>} : memref<4096xi32, #tpu.memory_space<vmem>>, vector<16xi32>,
        tpu.vector_store %arg6[%swap3A_870], %add3A_869 {strides = array<i32>} : memref<4096xi32, #tpu.memory_space<vmem>>, vector<16xi32>,
        %mul3A_872 = arith.constant 16 : i32
        %mul3A_873 = arith.muli %scan3A_856, %mul3A_872 : i32
        %add3A_874 = arith.constant 256 : i32
        %add3A_875 = arith.addi %add3A_874, %mul3A_873 : i32
        %mul3A_876 = arith.constant 16 : i32
        %mul3A_877 = arith.muli %scan3A_856, %mul3A_876 : i32
        %add3A_878 = arith.constant 2304 : i32
        %add3A_879 = arith.addi %add3A_878, %mul3A_877 : i32
        %get3A_880 = arith.index_cast %add3A_875 : i32 to index
        %get3A_881 = tpu.vector_load %arg6[%get3A_880] {strides = array<i32>} : memref<4096xi32, #tpu.memory_space<vmem>>, vector<16xi32>,
        %get3A_882 = arith.index_cast %add3A_879 : i32 to index
        %get3A_883 = tpu.vector_load %arg6[%get3A_882] {strides = array<i32>} : memref<4096xi32, #tpu.memory_space<vmem>>, vector<16xi32>,
        %add3A_884 = arith.addi %get3A_881, %get3A_883 : vector<16xi32>
        %swap3A_885 = arith.index_cast %add3A_875 : i32 to index
        %swap3A_886 = tpu.vector_load %arg6[%swap3A_885] {strides = array<i32>} : memref<4096xi32, #tpu.memory_space<vmem>>, vector<16xi32>,
        tpu.vector_store %arg6[%swap3A_885], %add3A_884 {strides = array<i32>} : memref<4096xi32, #tpu.memory_space<vmem>>, vector<16xi32>,
        %mul3A_887 = arith.constant 16 : i32
        %mul3A_888 = arith.muli %scan3A_856, %mul3A_887 : i32
        %add3A_889 = arith.constant 512 : i32
        %add3A_890 = arith.addi %add3A_889, %mul3A_888 : i32
        %mul3A_891 = arith.constant 16 : i32
        %mul3A_892 = arith.muli %scan3A_856, %mul3A_891 : i32
        %add3A_893 = arith.constant 2560 : i32
        %add3A_894 = arith.addi %add3A_893, %mul3A_892 : i32
        %get3A_895 = arith.index_cast %add3A_890 : i32 to index
        %get3A_896 = tpu.vector_load %arg6[%get3A_895] {strides = array<i32>} : memref<4096xi32, #tpu.memory_space<vmem>>, vector<16xi32>,
        %get3A_897 = arith.index_cast %add3A_894 : i32 to index
        %get3A_898 = tpu.vector_load %arg6[%get3A_897] {strides = array<i32>} : memref<4096xi32, #tpu.memory_space<vmem>>, vector<16xi32>,
        %add3A_899 = arith.addi %get3A_896, %get3A_898 : vector<16xi32>
        %swap3A_900 = arith.index_cast %add3A_890 : i32 to index
        %swap3A_901 = tpu.vector_load %arg6[%swap3A_900] {strides = array<i32>} : memref<4096xi32, #tpu.memory_space<vmem>>, vector<16xi32>,
        tpu.vector_store %arg6[%swap3A_900], %add3A_899 {strides = array<i32>} : memref<4096xi32, #tpu.memory_space<vmem>>, vector<16xi32>,
        %mul3A_902 = arith.constant 16 : i32
        %mul3A_903 = arith.muli %scan3A_856, %mul3A_902 : i32
        %add3A_904 = arith.constant 768 : i32
        %add3A_905 = arith.addi %add3A_904, %mul3A_903 : i32
        %mul3A_906 = arith.constant 16 : i32
        %mul3A_907 = arith.muli %scan3A_856, %mul3A_906 : i32
        %add3A_908 = arith.constant 2816 : i32
        %add3A_909 = arith.addi %add3A_908, %mul3A_907 : i32
        %get3A_910 = arith.index_cast %add3A_905 : i32 to index
        %get3A_911 = tpu.vector_load %arg6[%get3A_910] {strides = array<i32>} : memref<4096xi32, #tpu.memory_space<vmem>>, vector<16xi32>,
        %get3A_912 = arith.index_cast %add3A_909 : i32 to index
        %get3A_913 = tpu.vector_load %arg6[%get3A_912] {strides = array<i32>} : memref<4096xi32, #tpu.memory_space<vmem>>, vector<16xi32>,
        %add3A_914 = arith.addi %get3A_911, %get3A_913 : vector<16xi32>
        %swap3A_915 = arith.index_cast %add3A_905 : i32 to index
        %swap3A_916 = tpu.vector_load %arg6[%swap3A_915] {strides = array<i32>} : memref<4096xi32, #tpu.memory_space<vmem>>, vector<16xi32>,
        tpu.vector_store %arg6[%swap3A_915], %add3A_914 {strides = array<i32>} : memref<4096xi32, #tpu.memory_space<vmem>>, vector<16xi32>,
        %mul3A_917 = arith.constant 16 : i32
        %mul3A_918 = arith.muli %scan3A_856, %mul3A_917 : i32
        %add3A_919 = arith.constant 1024 : i32
        %add3A_920 = arith.addi %add3A_919, %mul3A_918 : i32
        %mul3A_921 = arith.constant 16 : i32
        %mul3A_922 = arith.muli %scan3A_856, %mul3A_921 : i32
        %add3A_923 = arith.constant 3072 : i32
        %add3A_924 = arith.addi %add3A_923, %mul3A_922 : i32
        %get3A_925 = arith.index_cast %add3A_920 : i32 to index
        %get3A_926 = tpu.vector_load %arg6[%get3A_925] {strides = array<i32>} : memref<4096xi32, #tpu.memory_space<vmem>>, vector<16xi32>,
        %get3A_927 = arith.index_cast %add3A_924 : i32 to index
        %get3A_928 = tpu.vector_load %arg6[%get3A_927] {strides = array<i32>} : memref<4096xi32, #tpu.memory_space<vmem>>, vector<16xi32>,
        %add3A_929 = arith.addi %get3A_926, %get3A_928 : vector<16xi32>
        %swap3A_930 = arith.index_cast %add3A_920 : i32 to index
        %swap3A_931 = tpu.vector_load %arg6[%swap3A_930] {strides = array<i32>} : memref<4096xi32, #tpu.memory_space<vmem>>, vector<16xi32>,
        tpu.vector_store %arg6[%swap3A_930], %add3A_929 {strides = array<i32>} : memref<4096xi32, #tpu.memory_space<vmem>>, vector<16xi32>,
        %mul3A_932 = arith.constant 16 : i32
        %mul3A_933 = arith.muli %scan3A_856, %mul3A_932 : i32
        %add3A_934 = arith.constant 1280 : i32
        %add3A_935 = arith.addi %add3A_934, %mul3A_933 : i32
        %mul3A_936 = arith.constant 16 : i32
        %mul3A_937 = arith.muli %scan3A_856, %mul3A_936 : i32
        %add3A_938 = arith.constant 3328 : i32
        %add3A_939 = arith.addi %add3A_938, %mul3A_937 : i32
        %get3A_940 = arith.index_cast %add3A_935 : i32 to index
        %get3A_941 = tpu.vector_load %arg6[%get3A_940] {strides = array<i32>} : memref<4096xi32, #tpu.memory_space<vmem>>, vector<16xi32>,
        %get3A_942 = arith.index_cast %add3A_939 : i32 to index
        %get3A_943 = tpu.vector_load %arg6[%get3A_942] {strides = array<i32>} : memref<4096xi32, #tpu.memory_space<vmem>>, vector<16xi32>,
        %add3A_944 = arith.addi %get3A_941, %get3A_943 : vector<16xi32>
        %swap3A_945 = arith.index_cast %add3A_935 : i32 to index
        %swap3A_946 = tpu.vector_load %arg6[%swap3A_945] {strides = array<i32>} : memref<4096xi32, #tpu.memory_space<vmem>>, vector<16xi32>,
        tpu.vector_store %arg6[%swap3A_945], %add3A_944 {strides = array<i32>} : memref<4096xi32, #tpu.memory_space<vmem>>, vector<16xi32>,
        %mul3A_947 = arith.constant 16 : i32
        %mul3A_948 = arith.muli %scan3A_856, %mul3A_947 : i32
        %add3A_949 = arith.constant 1536 : i32
        %add3A_950 = arith.addi %add3A_949, %mul3A_948 : i32
        %mul3A_951 = arith.constant 16 : i32
        %mul3A_952 = arith.muli %scan3A_856, %mul3A_951 : i32
        %add3A_953 = arith.constant 3584 : i32
        %add3A_954 = arith.addi %add3A_953, %mul3A_952 : i32
        %get3A_955 = arith.index_cast %add3A_950 : i32 to index
        %get3A_956 = tpu.vector_load %arg6[%get3A_955] {strides = array<i32>} : memref<4096xi32, #tpu.memory_space<vmem>>, vector<16xi32>,
        %get3A_957 = arith.index_cast %add3A_954 : i32 to index
        %get3A_958 = tpu.vector_load %arg6[%get3A_957] {strides = array<i32>} : memref<4096xi32, #tpu.memory_space<vmem>>, vector<16xi32>,
        %add3A_959 = arith.addi %get3A_956, %get3A_958 : vector<16xi32>
        %swap3A_960 = arith.index_cast %add3A_950 : i32 to index
        %swap3A_961 = tpu.vector_load %arg6[%swap3A_960] {strides = array<i32>} : memref<4096xi32, #tpu.memory_space<vmem>>, vector<16xi32>,
        tpu.vector_store %arg6[%swap3A_960], %add3A_959 {strides = array<i32>} : memref<4096xi32, #tpu.memory_space<vmem>>, vector<16xi32>,
        %mul3A_962 = arith.constant 16 : i32
        %mul3A_963 = arith.muli %scan3A_856, %mul3A_962 : i32
        %add3A_964 = arith.constant 1792 : i32
        %add3A_965 = arith.addi %add3A_964, %mul3A_963 : i32
        %mul3A_966 = arith.constant 16 : i32
        %mul3A_967 = arith.muli %scan3A_856, %mul3A_966 : i32
        %add3A_968 = arith.constant 3840 : i32
        %add3A_969 = arith.addi %add3A_968, %mul3A_967 : i32
        %get3A_970 = arith.index_cast %add3A_965 : i32 to index
        %get3A_971 = tpu.vector_load %arg6[%get3A_970] {strides = array<i32>} : memref<4096xi32, #tpu.memory_space<vmem>>, vector<16xi32>,
        %get3A_972 = arith.index_cast %add3A_969 : i32 to index
        %get3A_973 = tpu.vector_load %arg6[%get3A_972] {strides = array<i32>} : memref<4096xi32, #tpu.memory_space<vmem>>, vector<16xi32>,
        %add3A_974 = arith.addi %get3A_971, %get3A_973 : vector<16xi32>
        %swap3A_975 = arith.index_cast %add3A_965 : i32 to index
        %swap3A_976 = tpu.vector_load %arg6[%swap3A_975] {strides = array<i32>} : memref<4096xi32, #tpu.memory_space<vmem>>, vector<16xi32>,
        tpu.vector_store %arg6[%swap3A_975], %add3A_974 {strides = array<i32>} : memref<4096xi32, #tpu.memory_space<vmem>>, vector<16xi32>,
        %mul3A_977 = arith.constant 16 : i32
        %mul3A_978 = arith.muli %scan3A_856, %mul3A_977 : i32
        %add3A_979 = arith.constant 0 : i32
        %add3A_980 = arith.addi %add3A_979, %mul3A_978 : i32
        %mul3A_981 = arith.constant 16 : i32
        %mul3A_982 = arith.muli %scan3A_856, %mul3A_981 : i32
        %add3A_983 = arith.constant 1024 : i32
        %add3A_984 = arith.addi %add3A_983, %mul3A_982 : i32
        %get3A_985 = arith.index_cast %add3A_980 : i32 to index
        %get3A_986 = tpu.vector_load %arg6[%get3A_985] {strides = array<i32>} : memref<4096xi32, #tpu.memory_space<vmem>>, vector<16xi32>,
        %get3A_987 = arith.index_cast %add3A_984 : i32 to index
        %get3A_988 = tpu.vector_load %arg6[%get3A_987] {strides = array<i32>} : memref<4096xi32, #tpu.memory_space<vmem>>, vector<16xi32>,
        %add3A_989 = arith.addi %get3A_986, %get3A_988 : vector<16xi32>
        %swap3A_990 = arith.index_cast %add3A_980 : i32 to index
        %swap3A_991 = tpu.vector_load %arg6[%swap3A_990] {strides = array<i32>} : memref<4096xi32, #tpu.memory_space<vmem>>, vector<16xi32>,
        tpu.vector_store %arg6[%swap3A_990], %add3A_989 {strides = array<i32>} : memref<4096xi32, #tpu.memory_space<vmem>>, vector<16xi32>,
        %mul3A_992 = arith.constant 16 : i32
        %mul3A_993 = arith.muli %scan3A_856, %mul3A_992 : i32
        %add3A_994 = arith.constant 256 : i32
        %add3A_995 = arith.addi %add3A_994, %mul3A_993 : i32
        %mul3A_996 = arith.constant 16 : i32
        %mul3A_997 = arith.muli %scan3A_856, %mul3A_996 : i32
        %add3A_998 = arith.constant 1280 : i32
        %add3A_999 = arith.addi %add3A_998, %mul3A_997 : i32
        %get3A_1000 = arith.index_cast %add3A_995 : i32 to index
        %get3A_1001 = tpu.vector_load %arg6[%get3A_1000] {strides = array<i32>} : memref<4096xi32, #tpu.memory_space<vmem>>, vector<16xi32>,
        %get3A_1002 = arith.index_cast %add3A_999 : i32 to index
        %get3A_1003 = tpu.vector_load %arg6[%get3A_1002] {strides = array<i32>} : memref<4096xi32, #tpu.memory_space<vmem>>, vector<16xi32>,
        %add3A_1004 = arith.addi %get3A_1001, %get3A_1003 : vector<16xi32>
        %swap3A_1005 = arith.index_cast %add3A_995 : i32 to index
        %swap3A_1006 = tpu.vector_load %arg6[%swap3A_1005] {strides = array<i32>} : memref<4096xi32, #tpu.memory_space<vmem>>, vector<16xi32>,
        tpu.vector_store %arg6[%swap3A_1005], %add3A_1004 {strides = array<i32>} : memref<4096xi32, #tpu.memory_space<vmem>>, vector<16xi32>,
        %mul3A_1007 = arith.constant 16 : i32
        %mul3A_1008 = arith.muli %scan3A_856, %mul3A_1007 : i32
        %add3A_1009 = arith.constant 512 : i32
        %add3A_1010 = arith.addi %add3A_1009, %mul3A_1008 : i32
        %mul3A_1011 = arith.constant 16 : i32
        %mul3A_1012 = arith.muli %scan3A_856, %mul3A_1011 : i32
        %add3A_1013 = arith.constant 1536 : i32
        %add3A_1014 = arith.addi %add3A_1013, %mul3A_1012 : i32
        %get3A_1015 = arith.index_cast %add3A_1010 : i32 to index
        %get3A_1016 = tpu.vector_load %arg6[%get3A_1015] {strides = array<i32>} : memref<4096xi32, #tpu.memory_space<vmem>>, vector<16xi32>,
        %get3A_1017 = arith.index_cast %add3A_1014 : i32 to index
        %get3A_1018 = tpu.vector_load %arg6[%get3A_1017] {strides = array<i32>} : memref<4096xi32, #tpu.memory_space<vmem>>, vector<16xi32>,
        %add3A_1019 = arith.addi %get3A_1016, %get3A_1018 : vector<16xi32>
        %swap3A_1020 = arith.index_cast %add3A_1010 : i32 to index
        %swap3A_1021 = tpu.vector_load %arg6[%swap3A_1020] {strides = array<i32>} : memref<4096xi32, #tpu.memory_space<vmem>>, vector<16xi32>,
        tpu.vector_store %arg6[%swap3A_1020], %add3A_1019 {strides = array<i32>} : memref<4096xi32, #tpu.memory_space<vmem>>, vector<16xi32>,
        %mul3A_1022 = arith.constant 16 : i32
        %mul3A_1023 = arith.muli %scan3A_856, %mul3A_1022 : i32
        %add3A_1024 = arith.constant 768 : i32
        %add3A_1025 = arith.addi %add3A_1024, %mul3A_1023 : i32
        %mul3A_1026 = arith.constant 16 : i32
        %mul3A_1027 = arith.muli %scan3A_856, %mul3A_1026 : i32
        %add3A_1028 = arith.constant 1792 : i32
        %add3A_1029 = arith.addi %add3A_1028, %mul3A_1027 : i32
        %get3A_1030 = arith.index_cast %add3A_1025 : i32 to index
        %get3A_1031 = tpu.vector_load %arg6[%get3A_1030] {strides = array<i32>} : memref<4096xi32, #tpu.memory_space<vmem>>, vector<16xi32>,
        %get3A_1032 = arith.index_cast %add3A_1029 : i32 to index
        %get3A_1033 = tpu.vector_load %arg6[%get3A_1032] {strides = array<i32>} : memref<4096xi32, #tpu.memory_space<vmem>>, vector<16xi32>,
        %add3A_1034 = arith.addi %get3A_1031, %get3A_1033 : vector<16xi32>
        %swap3A_1035 = arith.index_cast %add3A_1025 : i32 to index
        %swap3A_1036 = tpu.vector_load %arg6[%swap3A_1035] {strides = array<i32>} : memref<4096xi32, #tpu.memory_space<vmem>>, vector<16xi32>,
        tpu.vector_store %arg6[%swap3A_1035], %add3A_1034 {strides = array<i32>} : memref<4096xi32, #tpu.memory_space<vmem>>, vector<16xi32>,
        %mul3A_1037 = arith.constant 16 : i32
        %mul3A_1038 = arith.muli %scan3A_856, %mul3A_1037 : i32
        %add3A_1039 = arith.constant 0 : i32
        %add3A_1040 = arith.addi %add3A_1039, %mul3A_1038 : i32
        %mul3A_1041 = arith.constant 16 : i32
        %mul3A_1042 = arith.muli %scan3A_856, %mul3A_1041 : i32
        %add3A_1043 = arith.constant 512 : i32
        %add3A_1044 = arith.addi %add3A_1043, %mul3A_1042 : i32
        %get3A_1045 = arith.index_cast %add3A_1040 : i32 to index
        %get3A_1046 = tpu.vector_load %arg6[%get3A_1045] {strides = array<i32>} : memref<4096xi32, #tpu.memory_space<vmem>>, vector<16xi32>,
        %get3A_1047 = arith.index_cast %add3A_1044 : i32 to index
        %get3A_1048 = tpu.vector_load %arg6[%get3A_1047] {strides = array<i32>} : memref<4096xi32, #tpu.memory_space<vmem>>, vector<16xi32>,
        %add3A_1049 = arith.addi %get3A_1046, %get3A_1048 : vector<16xi32>
        %swap3A_1050 = arith.index_cast %add3A_1040 : i32 to index
        %swap3A_1051 = tpu.vector_load %arg6[%swap3A_1050] {strides = array<i32>} : memref<4096xi32, #tpu.memory_space<vmem>>, vector<16xi32>,
        tpu.vector_store %arg6[%swap3A_1050], %add3A_1049 {strides = array<i32>} : memref<4096xi32, #tpu.memory_space<vmem>>, vector<16xi32>,
        %mul3A_1052 = arith.constant 16 : i32
        %mul3A_1053 = arith.muli %scan3A_856, %mul3A_1052 : i32
        %add3A_1054 = arith.constant 256 : i32
        %add3A_1055 = arith.addi %add3A_1054, %mul3A_1053 : i32
        %mul3A_1056 = arith.constant 16 : i32
        %mul3A_1057 = arith.muli %scan3A_856, %mul3A_1056 : i32
        %add3A_1058 = arith.constant 768 : i32
        %add3A_1059 = arith.addi %add3A_1058, %mul3A_1057 : i32
        %get3A_1060 = arith.index_cast %add3A_1055 : i32 to index
        %get3A_1061 = tpu.vector_load %arg6[%get3A_1060] {strides = array<i32>} : memref<4096xi32, #tpu.memory_space<vmem>>, vector<16xi32>,
        %get3A_1062 = arith.index_cast %add3A_1059 : i32 to index
        %get3A_1063 = tpu.vector_load %arg6[%get3A_1062] {strides = array<i32>} : memref<4096xi32, #tpu.memory_space<vmem>>, vector<16xi32>,
        %add3A_1064 = arith.addi %get3A_1061, %get3A_1063 : vector<16xi32>
        %swap3A_1065 = arith.index_cast %add3A_1055 : i32 to index
        %swap3A_1066 = tpu.vector_load %arg6[%swap3A_1065] {strides = array<i32>} : memref<4096xi32, #tpu.memory_space<vmem>>, vector<16xi32>,
        tpu.vector_store %arg6[%swap3A_1065], %add3A_1064 {strides = array<i32>} : memref<4096xi32, #tpu.memory_space<vmem>>, vector<16xi32>,
        %mul3A_1067 = arith.constant 16 : i32
        %mul3A_1068 = arith.muli %scan3A_856, %mul3A_1067 : i32
        %add3A_1069 = arith.constant 0 : i32
        %add3A_1070 = arith.addi %add3A_1069, %mul3A_1068 : i32
        %mul3A_1071 = arith.constant 16 : i32
        %mul3A_1072 = arith.muli %scan3A_856, %mul3A_1071 : i32
        %add3A_1073 = arith.constant 256 : i32
        %add3A_1074 = arith.addi %add3A_1073, %mul3A_1072 : i32
        %get3A_1075 = arith.index_cast %add3A_1070 : i32 to index
        %get3A_1076 = tpu.vector_load %arg6[%get3A_1075] {strides = array<i32>} : memref<4096xi32, #tpu.memory_space<vmem>>, vector<16xi32>,
        %get3A_1077 = arith.index_cast %add3A_1074 : i32 to index
        %get3A_1078 = tpu.vector_load %arg6[%get3A_1077] {strides = array<i32>} : memref<4096xi32, #tpu.memory_space<vmem>>, vector<16xi32>,
        %add3A_1079 = arith.addi %get3A_1076, %get3A_1078 : vector<16xi32>
        %swap3A_1080 = arith.index_cast %add3A_1070 : i32 to index
        %swap3A_1081 = tpu.vector_load %arg6[%swap3A_1080] {strides = array<i32>} : memref<4096xi32, #tpu.memory_space<vmem>>, vector<16xi32>,
        tpu.vector_store %arg6[%swap3A_1080], %add3A_1079 {strides = array<i32>} : memref<4096xi32, #tpu.memory_space<vmem>>, vector<16xi32>,
        %scan3A_1082 = arith.constant 1 : i32
        %scan3A_1083 = arith.addi %scan3A_856, %scan3A_1082 : i32
        %mul3A_1084 = arith.constant 16 : i32
        %mul3A_1085 = arith.muli %scan3A_1083, %mul3A_1084 : i32
        %add3A_1086 = arith.constant 0 : i32
        %add3A_1087 = arith.addi %add3A_1086, %mul3A_1085 : i32
        %mul3A_1088 = arith.constant 16 : i32
        %mul3A_1089 = arith.muli %scan3A_1083, %mul3A_1088 : i32
        %add3A_1090 = arith.constant 2048 : i32
        %add3A_1091 = arith.addi %add3A_1090, %mul3A_1089 : i32
        %get3A_1092 = arith.index_cast %add3A_1087 : i32 to index
        %get3A_1093 = tpu.vector_load %arg6[%get3A_1092] {strides = array<i32>} : memref<4096xi32, #tpu.memory_space<vmem>>, vector<16xi32>,
        %get3A_1094 = arith.index_cast %add3A_1091 : i32 to index
        %get3A_1095 = tpu.vector_load %arg6[%get3A_1094] {strides = array<i32>} : memref<4096xi32, #tpu.memory_space<vmem>>, vector<16xi32>,
        %add3A_1096 = arith.addi %get3A_1093, %get3A_1095 : vector<16xi32>
        %swap3A_1097 = arith.index_cast %add3A_1087 : i32 to index
        %swap3A_1098 = tpu.vector_load %arg6[%swap3A_1097] {strides = array<i32>} : memref<4096xi32, #tpu.memory_space<vmem>>, vector<16xi32>,
        tpu.vector_store %arg6[%swap3A_1097], %add3A_1096 {strides = array<i32>} : memref<4096xi32, #tpu.memory_space<vmem>>, vector<16xi32>,
        %mul3A_1099 = arith.constant 16 : i32
        %mul3A_1100 = arith.muli %scan3A_1083, %mul3A_1099 : i32
        %add3A_1101 = arith.constant 256 : i32
        %add3A_1102 = arith.addi %add3A_1101, %mul3A_1100 : i32
        %mul3A_1103 = arith.constant 16 : i32
        %mul3A_1104 = arith.muli %scan3A_1083, %mul3A_1103 : i32
        %add3A_1105 = arith.constant 2304 : i32
        %add3A_1106 = arith.addi %add3A_1105, %mul3A_1104 : i32
        %get3A_1107 = arith.index_cast %add3A_1102 : i32 to index
        %get3A_1108 = tpu.vector_load %arg6[%get3A_1107] {strides = array<i32>} : memref<4096xi32, #tpu.memory_space<vmem>>, vector<16xi32>,
        %get3A_1109 = arith.index_cast %add3A_1106 : i32 to index
        %get3A_1110 = tpu.vector_load %arg6[%get3A_1109] {strides = array<i32>} : memref<4096xi32, #tpu.memory_space<vmem>>, vector<16xi32>,
        %add3A_1111 = arith.addi %get3A_1108, %get3A_1110 : vector<16xi32>
        %swap3A_1112 = arith.index_cast %add3A_1102 : i32 to index
        %swap3A_1113 = tpu.vector_load %arg6[%swap3A_1112] {strides = array<i32>} : memref<4096xi32, #tpu.memory_space<vmem>>, vector<16xi32>,
        tpu.vector_store %arg6[%swap3A_1112], %add3A_1111 {strides = array<i32>} : memref<4096xi32, #tpu.memory_space<vmem>>, vector<16xi32>,
        %mul3A_1114 = arith.constant 16 : i32
        %mul3A_1115 = arith.muli %scan3A_1083, %mul3A_1114 : i32
        %add3A_1116 = arith.constant 512 : i32
        %add3A_1117 = arith.addi %add3A_1116, %mul3A_1115 : i32
        %mul3A_1118 = arith.constant 16 : i32
        %mul3A_1119 = arith.muli %scan3A_1083, %mul3A_1118 : i32
        %add3A_1120 = arith.constant 2560 : i32
        %add3A_1121 = arith.addi %add3A_1120, %mul3A_1119 : i32
        %get3A_1122 = arith.index_cast %add3A_1117 : i32 to index
        %get3A_1123 = tpu.vector_load %arg6[%get3A_1122] {strides = array<i32>} : memref<4096xi32, #tpu.memory_space<vmem>>, vector<16xi32>,
        %get3A_1124 = arith.index_cast %add3A_1121 : i32 to index
        %get3A_1125 = tpu.vector_load %arg6[%get3A_1124] {strides = array<i32>} : memref<4096xi32, #tpu.memory_space<vmem>>, vector<16xi32>,
        %add3A_1126 = arith.addi %get3A_1123, %get3A_1125 : vector<16xi32>
        %swap3A_1127 = arith.index_cast %add3A_1117 : i32 to index
        %swap3A_1128 = tpu.vector_load %arg6[%swap3A_1127] {strides = array<i32>} : memref<4096xi32, #tpu.memory_space<vmem>>, vector<16xi32>,
        tpu.vector_store %arg6[%swap3A_1127], %add3A_1126 {strides = array<i32>} : memref<4096xi32, #tpu.memory_space<vmem>>, vector<16xi32>,
        %mul3A_1129 = arith.constant 16 : i32
        %mul3A_1130 = arith.muli %scan3A_1083, %mul3A_1129 : i32
        %add3A_1131 = arith.constant 768 : i32
        %add3A_1132 = arith.addi %add3A_1131, %mul3A_1130 : i32
        %mul3A_1133 = arith.constant 16 : i32
        %mul3A_1134 = arith.muli %scan3A_1083, %mul3A_1133 : i32
        %add3A_1135 = arith.constant 2816 : i32
        %add3A_1136 = arith.addi %add3A_1135, %mul3A_1134 : i32
        %get3A_1137 = arith.index_cast %add3A_1132 : i32 to index
        %get3A_1138 = tpu.vector_load %arg6[%get3A_1137] {strides = array<i32>} : memref<4096xi32, #tpu.memory_space<vmem>>, vector<16xi32>,
        %get3A_1139 = arith.index_cast %add3A_1136 : i32 to index
        %get3A_1140 = tpu.vector_load %arg6[%get3A_1139] {strides = array<i32>} : memref<4096xi32, #tpu.memory_space<vmem>>, vector<16xi32>,
        %add3A_1141 = arith.addi %get3A_1138, %get3A_1140 : vector<16xi32>
        %swap3A_1142 = arith.index_cast %add3A_1132 : i32 to index
        %swap3A_1143 = tpu.vector_load %arg6[%swap3A_1142] {strides = array<i32>} : memref<4096xi32, #tpu.memory_space<vmem>>, vector<16xi32>,
        tpu.vector_store %arg6[%swap3A_1142], %add3A_1141 {strides = array<i32>} : memref<4096xi32, #tpu.memory_space<vmem>>, vector<16xi32>,
        %mul3A_1144 = arith.constant 16 : i32
        %mul3A_1145 = arith.muli %scan3A_1083, %mul3A_1144 : i32
        %add3A_1146 = arith.constant 1024 : i32
        %add3A_1147 = arith.addi %add3A_1146, %mul3A_1145 : i32
        %mul3A_1148 = arith.constant 16 : i32
        %mul3A_1149 = arith.muli %scan3A_1083, %mul3A_1148 : i32
        %add3A_1150 = arith.constant 3072 : i32
        %add3A_1151 = arith.addi %add3A_1150, %mul3A_1149 : i32
        %get3A_1152 = arith.index_cast %add3A_1147 : i32 to index
        %get3A_1153 = tpu.vector_load %arg6[%get3A_1152] {strides = array<i32>} : memref<4096xi32, #tpu.memory_space<vmem>>, vector<16xi32>,
        %get3A_1154 = arith.index_cast %add3A_1151 : i32 to index
        %get3A_1155 = tpu.vector_load %arg6[%get3A_1154] {strides = array<i32>} : memref<4096xi32, #tpu.memory_space<vmem>>, vector<16xi32>,
        %add3A_1156 = arith.addi %get3A_1153, %get3A_1155 : vector<16xi32>
        %swap3A_1157 = arith.index_cast %add3A_1147 : i32 to index
        %swap3A_1158 = tpu.vector_load %arg6[%swap3A_1157] {strides = array<i32>} : memref<4096xi32, #tpu.memory_space<vmem>>, vector<16xi32>,
        tpu.vector_store %arg6[%swap3A_1157], %add3A_1156 {strides = array<i32>} : memref<4096xi32, #tpu.memory_space<vmem>>, vector<16xi32>,
        %mul3A_1159 = arith.constant 16 : i32
        %mul3A_1160 = arith.muli %scan3A_1083, %mul3A_1159 : i32
        %add3A_1161 = arith.constant 1280 : i32
        %add3A_1162 = arith.addi %add3A_1161, %mul3A_1160 : i32
        %mul3A_1163 = arith.constant 16 : i32
        %mul3A_1164 = arith.muli %scan3A_1083, %mul3A_1163 : i32
        %add3A_1165 = arith.constant 3328 : i32
        %add3A_1166 = arith.addi %add3A_1165, %mul3A_1164 : i32
        %get3A_1167 = arith.index_cast %add3A_1162 : i32 to index
        %get3A_1168 = tpu.vector_load %arg6[%get3A_1167] {strides = array<i32>} : memref<4096xi32, #tpu.memory_space<vmem>>, vector<16xi32>,
        %get3A_1169 = arith.index_cast %add3A_1166 : i32 to index
        %get3A_1170 = tpu.vector_load %arg6[%get3A_1169] {strides = array<i32>} : memref<4096xi32, #tpu.memory_space<vmem>>, vector<16xi32>,
        %add3A_1171 = arith.addi %get3A_1168, %get3A_1170 : vector<16xi32>
        %swap3A_1172 = arith.index_cast %add3A_1162 : i32 to index
        %swap3A_1173 = tpu.vector_load %arg6[%swap3A_1172] {strides = array<i32>} : memref<4096xi32, #tpu.memory_space<vmem>>, vector<16xi32>,
        tpu.vector_store %arg6[%swap3A_1172], %add3A_1171 {strides = array<i32>} : memref<4096xi32, #tpu.memory_space<vmem>>, vector<16xi32>,
        %mul3A_1174 = arith.constant 16 : i32
        %mul3A_1175 = arith.muli %scan3A_1083, %mul3A_1174 : i32
        %add3A_1176 = arith.constant 1536 : i32
        %add3A_1177 = arith.addi %add3A_1176, %mul3A_1175 : i32
        %mul3A_1178 = arith.constant 16 : i32
        %mul3A_1179 = arith.muli %scan3A_1083, %mul3A_1178 : i32
        %add3A_1180 = arith.constant 3584 : i32
        %add3A_1181 = arith.addi %add3A_1180, %mul3A_1179 : i32
        %get3A_1182 = arith.index_cast %add3A_1177 : i32 to index
        %get3A_1183 = tpu.vector_load %arg6[%get3A_1182] {strides = array<i32>} : memref<4096xi32, #tpu.memory_space<vmem>>, vector<16xi32>,
        %get3A_1184 = arith.index_cast %add3A_1181 : i32 to index
        %get3A_1185 = tpu.vector_load %arg6[%get3A_1184] {strides = array<i32>} : memref<4096xi32, #tpu.memory_space<vmem>>, vector<16xi32>,
        %add3A_1186 = arith.addi %get3A_1183, %get3A_1185 : vector<16xi32>
        %swap3A_1187 = arith.index_cast %add3A_1177 : i32 to index
        %swap3A_1188 = tpu.vector_load %arg6[%swap3A_1187] {strides = array<i32>} : memref<4096xi32, #tpu.memory_space<vmem>>, vector<16xi32>,
        tpu.vector_store %arg6[%swap3A_1187], %add3A_1186 {strides = array<i32>} : memref<4096xi32, #tpu.memory_space<vmem>>, vector<16xi32>,
        %mul3A_1189 = arith.constant 16 : i32
        %mul3A_1190 = arith.muli %scan3A_1083, %mul3A_1189 : i32
        %add3A_1191 = arith.constant 1792 : i32
        %add3A_1192 = arith.addi %add3A_1191, %mul3A_1190 : i32
        %mul3A_1193 = arith.constant 16 : i32
        %mul3A_1194 = arith.muli %scan3A_1083, %mul3A_1193 : i32
        %add3A_1195 = arith.constant 3840 : i32
        %add3A_1196 = arith.addi %add3A_1195, %mul3A_1194 : i32
        %get3A_1197 = arith.index_cast %add3A_1192 : i32 to index
        %get3A_1198 = tpu.vector_load %arg6[%get3A_1197] {strides = array<i32>} : memref<4096xi32, #tpu.memory_space<vmem>>, vector<16xi32>,
        %get3A_1199 = arith.index_cast %add3A_1196 : i32 to index
        %get3A_1200 = tpu.vector_load %arg6[%get3A_1199] {strides = array<i32>} : memref<4096xi32, #tpu.memory_space<vmem>>, vector<16xi32>,
        %add3A_1201 = arith.addi %get3A_1198, %get3A_1200 : vector<16xi32>
        %swap3A_1202 = arith.index_cast %add3A_1192 : i32 to index
        %swap3A_1203 = tpu.vector_load %arg6[%swap3A_1202] {strides = array<i32>} : memref<4096xi32, #tpu.memory_space<vmem>>, vector<16xi32>,
        tpu.vector_store %arg6[%swap3A_1202], %add3A_1201 {strides = array<i32>} : memref<4096xi32, #tpu.memory_space<vmem>>, vector<16xi32>,
        %mul3A_1204 = arith.constant 16 : i32
        %mul3A_1205 = arith.muli %scan3A_1083, %mul3A_1204 : i32
        %add3A_1206 = arith.constant 0 : i32
        %add3A_1207 = arith.addi %add3A_1206, %mul3A_1205 : i32
        %mul3A_1208 = arith.constant 16 : i32
        %mul3A_1209 = arith.muli %scan3A_1083, %mul3A_1208 : i32
        %add3A_1210 = arith.constant 1024 : i32
        %add3A_1211 = arith.addi %add3A_1210, %mul3A_1209 : i32
        %get3A_1212 = arith.index_cast %add3A_1207 : i32 to index
        %get3A_1213 = tpu.vector_load %arg6[%get3A_1212] {strides = array<i32>} : memref<4096xi32, #tpu.memory_space<vmem>>, vector<16xi32>,
        %get3A_1214 = arith.index_cast %add3A_1211 : i32 to index
        %get3A_1215 = tpu.vector_load %arg6[%get3A_1214] {strides = array<i32>} : memref<4096xi32, #tpu.memory_space<vmem>>, vector<16xi32>,
        %add3A_1216 = arith.addi %get3A_1213, %get3A_1215 : vector<16xi32>
        %swap3A_1217 = arith.index_cast %add3A_1207 : i32 to index
        %swap3A_1218 = tpu.vector_load %arg6[%swap3A_1217] {strides = array<i32>} : memref<4096xi32, #tpu.memory_space<vmem>>, vector<16xi32>,
        tpu.vector_store %arg6[%swap3A_1217], %add3A_1216 {strides = array<i32>} : memref<4096xi32, #tpu.memory_space<vmem>>, vector<16xi32>,
        %mul3A_1219 = arith.constant 16 : i32
        %mul3A_1220 = arith.muli %scan3A_1083, %mul3A_1219 : i32
        %add3A_1221 = arith.constant 256 : i32
        %add3A_1222 = arith.addi %add3A_1221, %mul3A_1220 : i32
        %mul3A_1223 = arith.constant 16 : i32
        %mul3A_1224 = arith.muli %scan3A_1083, %mul3A_1223 : i32
        %add3A_1225 = arith.constant 1280 : i32
        %add3A_1226 = arith.addi %add3A_1225, %mul3A_1224 : i32
        %get3A_1227 = arith.index_cast %add3A_1222 : i32 to index
        %get3A_1228 = tpu.vector_load %arg6[%get3A_1227] {strides = array<i32>} : memref<4096xi32, #tpu.memory_space<vmem>>, vector<16xi32>,
        %get3A_1229 = arith.index_cast %add3A_1226 : i32 to index
        %get3A_1230 = tpu.vector_load %arg6[%get3A_1229] {strides = array<i32>} : memref<4096xi32, #tpu.memory_space<vmem>>, vector<16xi32>,
        %add3A_1231 = arith.addi %get3A_1228, %get3A_1230 : vector<16xi32>
        %swap3A_1232 = arith.index_cast %add3A_1222 : i32 to index
        %swap3A_1233 = tpu.vector_load %arg6[%swap3A_1232] {strides = array<i32>} : memref<4096xi32, #tpu.memory_space<vmem>>, vector<16xi32>,
        tpu.vector_store %arg6[%swap3A_1232], %add3A_1231 {strides = array<i32>} : memref<4096xi32, #tpu.memory_space<vmem>>, vector<16xi32>,
        %mul3A_1234 = arith.constant 16 : i32
        %mul3A_1235 = arith.muli %scan3A_1083, %mul3A_1234 : i32
        %add3A_1236 = arith.constant 512 : i32
        %add3A_1237 = arith.addi %add3A_1236, %mul3A_1235 : i32
        %mul3A_1238 = arith.constant 16 : i32
        %mul3A_1239 = arith.muli %scan3A_1083, %mul3A_1238 : i32
        %add3A_1240 = arith.constant 1536 : i32
        %add3A_1241 = arith.addi %add3A_1240, %mul3A_1239 : i32
        %get3A_1242 = arith.index_cast %add3A_1237 : i32 to index
        %get3A_1243 = tpu.vector_load %arg6[%get3A_1242] {strides = array<i32>} : memref<4096xi32, #tpu.memory_space<vmem>>, vector<16xi32>,
        %get3A_1244 = arith.index_cast %add3A_1241 : i32 to index
        %get3A_1245 = tpu.vector_load %arg6[%get3A_1244] {strides = array<i32>} : memref<4096xi32, #tpu.memory_space<vmem>>, vector<16xi32>,
        %add3A_1246 = arith.addi %get3A_1243, %get3A_1245 : vector<16xi32>
        %swap3A_1247 = arith.index_cast %add3A_1237 : i32 to index
        %swap3A_1248 = tpu.vector_load %arg6[%swap3A_1247] {strides = array<i32>} : memref<4096xi32, #tpu.memory_space<vmem>>, vector<16xi32>,
        tpu.vector_store %arg6[%swap3A_1247], %add3A_1246 {strides = array<i32>} : memref<4096xi32, #tpu.memory_space<vmem>>, vector<16xi32>,
        %mul3A_1249 = arith.constant 16 : i32
        %mul3A_1250 = arith.muli %scan3A_1083, %mul3A_1249 : i32
        %add3A_1251 = arith.constant 768 : i32
        %add3A_1252 = arith.addi %add3A_1251, %mul3A_1250 : i32
        %mul3A_1253 = arith.constant 16 : i32
        %mul3A_1254 = arith.muli %scan3A_1083, %mul3A_1253 : i32
        %add3A_1255 = arith.constant 1792 : i32
        %add3A_1256 = arith.addi %add3A_1255, %mul3A_1254 : i32
        %get3A_1257 = arith.index_cast %add3A_1252 : i32 to index
        %get3A_1258 = tpu.vector_load %arg6[%get3A_1257] {strides = array<i32>} : memref<4096xi32, #tpu.memory_space<vmem>>, vector<16xi32>,
        %get3A_1259 = arith.index_cast %add3A_1256 : i32 to index
        %get3A_1260 = tpu.vector_load %arg6[%get3A_1259] {strides = array<i32>} : memref<4096xi32, #tpu.memory_space<vmem>>, vector<16xi32>,
        %add3A_1261 = arith.addi %get3A_1258, %get3A_1260 : vector<16xi32>
        %swap3A_1262 = arith.index_cast %add3A_1252 : i32 to index
        %swap3A_1263 = tpu.vector_load %arg6[%swap3A_1262] {strides = array<i32>} : memref<4096xi32, #tpu.memory_space<vmem>>, vector<16xi32>,
        tpu.vector_store %arg6[%swap3A_1262], %add3A_1261 {strides = array<i32>} : memref<4096xi32, #tpu.memory_space<vmem>>, vector<16xi32>,
        %mul3A_1264 = arith.constant 16 : i32
        %mul3A_1265 = arith.muli %scan3A_1083, %mul3A_1264 : i32
        %add3A_1266 = arith.constant 0 : i32
        %add3A_1267 = arith.addi %add3A_1266, %mul3A_1265 : i32
        %mul3A_1268 = arith.constant 16 : i32
        %mul3A_1269 = arith.muli %scan3A_1083, %mul3A_1268 : i32
        %add3A_1270 = arith.constant 512 : i32
        %add3A_1271 = arith.addi %add3A_1270, %mul3A_1269 : i32
        %get3A_1272 = arith.index_cast %add3A_1267 : i32 to index
        %get3A_1273 = tpu.vector_load %arg6[%get3A_1272] {strides = array<i32>} : memref<4096xi32, #tpu.memory_space<vmem>>, vector<16xi32>,
        %get3A_1274 = arith.index_cast %add3A_1271 : i32 to index
        %get3A_1275 = tpu.vector_load %arg6[%get3A_1274] {strides = array<i32>} : memref<4096xi32, #tpu.memory_space<vmem>>, vector<16xi32>,
        %add3A_1276 = arith.addi %get3A_1273, %get3A_1275 : vector<16xi32>
        %swap3A_1277 = arith.index_cast %add3A_1267 : i32 to index
        %swap3A_1278 = tpu.vector_load %arg6[%swap3A_1277] {strides = array<i32>} : memref<4096xi32, #tpu.memory_space<vmem>>, vector<16xi32>,
        tpu.vector_store %arg6[%swap3A_1277], %add3A_1276 {strides = array<i32>} : memref<4096xi32, #tpu.memory_space<vmem>>, vector<16xi32>,
        %mul3A_1279 = arith.constant 16 : i32
        %mul3A_1280 = arith.muli %scan3A_1083, %mul3A_1279 : i32
        %add3A_1281 = arith.constant 256 : i32
        %add3A_1282 = arith.addi %add3A_1281, %mul3A_1280 : i32
        %mul3A_1283 = arith.constant 16 : i32
        %mul3A_1284 = arith.muli %scan3A_1083, %mul3A_1283 : i32
        %add3A_1285 = arith.constant 768 : i32
        %add3A_1286 = arith.addi %add3A_1285, %mul3A_1284 : i32
        %get3A_1287 = arith.index_cast %add3A_1282 : i32 to index
        %get3A_1288 = tpu.vector_load %arg6[%get3A_1287] {strides = array<i32>} : memref<4096xi32, #tpu.memory_space<vmem>>, vector<16xi32>,
        %get3A_1289 = arith.index_cast %add3A_1286 : i32 to index
        %get3A_1290 = tpu.vector_load %arg6[%get3A_1289] {strides = array<i32>} : memref<4096xi32, #tpu.memory_space<vmem>>, vector<16xi32>,
        %add3A_1291 = arith.addi %get3A_1288, %get3A_1290 : vector<16xi32>
        %swap3A_1292 = arith.index_cast %add3A_1282 : i32 to index
        %swap3A_1293 = tpu.vector_load %arg6[%swap3A_1292] {strides = array<i32>} : memref<4096xi32, #tpu.memory_space<vmem>>, vector<16xi32>,
        tpu.vector_store %arg6[%swap3A_1292], %add3A_1291 {strides = array<i32>} : memref<4096xi32, #tpu.memory_space<vmem>>, vector<16xi32>,
        %mul3A_1294 = arith.constant 16 : i32
        %mul3A_1295 = arith.muli %scan3A_1083, %mul3A_1294 : i32
        %add3A_1296 = arith.constant 0 : i32
        %add3A_1297 = arith.addi %add3A_1296, %mul3A_1295 : i32
        %mul3A_1298 = arith.constant 16 : i32
        %mul3A_1299 = arith.muli %scan3A_1083, %mul3A_1298 : i32
        %add3A_1300 = arith.constant 256 : i32
        %add3A_1301 = arith.addi %add3A_1300, %mul3A_1299 : i32
        %get3A_1302 = arith.index_cast %add3A_1297 : i32 to index
        %get3A_1303 = tpu.vector_load %arg6[%get3A_1302] {strides = array<i32>} : memref<4096xi32, #tpu.memory_space<vmem>>, vector<16xi32>,
        %get3A_1304 = arith.index_cast %add3A_1301 : i32 to index
        %get3A_1305 = tpu.vector_load %arg6[%get3A_1304] {strides = array<i32>} : memref<4096xi32, #tpu.memory_space<vmem>>, vector<16xi32>,
        %add3A_1306 = arith.addi %get3A_1303, %get3A_1305 : vector<16xi32>
        %swap3A_1307 = arith.index_cast %add3A_1297 : i32 to index
        %swap3A_1308 = tpu.vector_load %arg6[%swap3A_1307] {strides = array<i32>} : memref<4096xi32, #tpu.memory_space<vmem>>, vector<16xi32>,
        tpu.vector_store %arg6[%swap3A_1307], %add3A_1306 {strides = array<i32>} : memref<4096xi32, #tpu.memory_space<vmem>>, vector<16xi32>,
        %scan3A_1309 = arith.constant 2 : i32
        %scan3A_1310 = arith.addi %scan3A_856, %scan3A_1309 : i32
        %mul3A_1311 = arith.constant 16 : i32
        %mul3A_1312 = arith.muli %scan3A_1310, %mul3A_1311 : i32
        %add3A_1313 = arith.constant 0 : i32
        %add3A_1314 = arith.addi %add3A_1313, %mul3A_1312 : i32
        %mul3A_1315 = arith.constant 16 : i32
        %mul3A_1316 = arith.muli %scan3A_1310, %mul3A_1315 : i32
        %add3A_1317 = arith.constant 2048 : i32
        %add3A_1318 = arith.addi %add3A_1317, %mul3A_1316 : i32
        %get3A_1319 = arith.index_cast %add3A_1314 : i32 to index
        %get3A_1320 = tpu.vector_load %arg6[%get3A_1319] {strides = array<i32>} : memref<4096xi32, #tpu.memory_space<vmem>>, vector<16xi32>,
        %get3A_1321 = arith.index_cast %add3A_1318 : i32 to index
        %get3A_1322 = tpu.vector_load %arg6[%get3A_1321] {strides = array<i32>} : memref<4096xi32, #tpu.memory_space<vmem>>, vector<16xi32>,
        %add3A_1323 = arith.addi %get3A_1320, %get3A_1322 : vector<16xi32>
        %swap3A_1324 = arith.index_cast %add3A_1314 : i32 to index
        %swap3A_1325 = tpu.vector_load %arg6[%swap3A_1324] {strides = array<i32>} : memref<4096xi32, #tpu.memory_space<vmem>>, vector<16xi32>,
        tpu.vector_store %arg6[%swap3A_1324], %add3A_1323 {strides = array<i32>} : memref<4096xi32, #tpu.memory_space<vmem>>, vector<16xi32>,
        %mul3A_1326 = arith.constant 16 : i32
        %mul3A_1327 = arith.muli %scan3A_1310, %mul3A_1326 : i32
        %add3A_1328 = arith.constant 256 : i32
        %add3A_1329 = arith.addi %add3A_1328, %mul3A_1327 : i32
        %mul3A_1330 = arith.constant 16 : i32
        %mul3A_1331 = arith.muli %scan3A_1310, %mul3A_1330 : i32
        %add3A_1332 = arith.constant 2304 : i32
        %add3A_1333 = arith.addi %add3A_1332, %mul3A_1331 : i32
        %get3A_1334 = arith.index_cast %add3A_1329 : i32 to index
        %get3A_1335 = tpu.vector_load %arg6[%get3A_1334] {strides = array<i32>} : memref<4096xi32, #tpu.memory_space<vmem>>, vector<16xi32>,
        %get3A_1336 = arith.index_cast %add3A_1333 : i32 to index
        %get3A_1337 = tpu.vector_load %arg6[%get3A_1336] {strides = array<i32>} : memref<4096xi32, #tpu.memory_space<vmem>>, vector<16xi32>,
        %add3A_1338 = arith.addi %get3A_1335, %get3A_1337 : vector<16xi32>
        %swap3A_1339 = arith.index_cast %add3A_1329 : i32 to index
        %swap3A_1340 = tpu.vector_load %arg6[%swap3A_1339] {strides = array<i32>} : memref<4096xi32, #tpu.memory_space<vmem>>, vector<16xi32>,
        tpu.vector_store %arg6[%swap3A_1339], %add3A_1338 {strides = array<i32>} : memref<4096xi32, #tpu.memory_space<vmem>>, vector<16xi32>,
        %mul3A_1341 = arith.constant 16 : i32
        %mul3A_1342 = arith.muli %scan3A_1310, %mul3A_1341 : i32
        %add3A_1343 = arith.constant 512 : i32
        %add3A_1344 = arith.addi %add3A_1343, %mul3A_1342 : i32
        %mul3A_1345 = arith.constant 16 : i32
        %mul3A_1346 = arith.muli %scan3A_1310, %mul3A_1345 : i32
        %add3A_1347 = arith.constant 2560 : i32
        %add3A_1348 = arith.addi %add3A_1347, %mul3A_1346 : i32
        %get3A_1349 = arith.index_cast %add3A_1344 : i32 to index
        %get3A_1350 = tpu.vector_load %arg6[%get3A_1349] {strides = array<i32>} : memref<4096xi32, #tpu.memory_space<vmem>>, vector<16xi32>,
        %get3A_1351 = arith.index_cast %add3A_1348 : i32 to index
        %get3A_1352 = tpu.vector_load %arg6[%get3A_1351] {strides = array<i32>} : memref<4096xi32, #tpu.memory_space<vmem>>, vector<16xi32>,
        %add3A_1353 = arith.addi %get3A_1350, %get3A_1352 : vector<16xi32>
        %swap3A_1354 = arith.index_cast %add3A_1344 : i32 to index
        %swap3A_1355 = tpu.vector_load %arg6[%swap3A_1354] {strides = array<i32>} : memref<4096xi32, #tpu.memory_space<vmem>>, vector<16xi32>,
        tpu.vector_store %arg6[%swap3A_1354], %add3A_1353 {strides = array<i32>} : memref<4096xi32, #tpu.memory_space<vmem>>, vector<16xi32>,
        %mul3A_1356 = arith.constant 16 : i32
        %mul3A_1357 = arith.muli %scan3A_1310, %mul3A_1356 : i32
        %add3A_1358 = arith.constant 768 : i32
        %add3A_1359 = arith.addi %add3A_1358, %mul3A_1357 : i32
        %mul3A_1360 = arith.constant 16 : i32
        %mul3A_1361 = arith.muli %scan3A_1310, %mul3A_1360 : i32
        %add3A_1362 = arith.constant 2816 : i32
        %add3A_1363 = arith.addi %add3A_1362, %mul3A_1361 : i32
        %get3A_1364 = arith.index_cast %add3A_1359 : i32 to index
        %get3A_1365 = tpu.vector_load %arg6[%get3A_1364] {strides = array<i32>} : memref<4096xi32, #tpu.memory_space<vmem>>, vector<16xi32>,
        %get3A_1366 = arith.index_cast %add3A_1363 : i32 to index
        %get3A_1367 = tpu.vector_load %arg6[%get3A_1366] {strides = array<i32>} : memref<4096xi32, #tpu.memory_space<vmem>>, vector<16xi32>,
        %add3A_1368 = arith.addi %get3A_1365, %get3A_1367 : vector<16xi32>
        %swap3A_1369 = arith.index_cast %add3A_1359 : i32 to index
        %swap3A_1370 = tpu.vector_load %arg6[%swap3A_1369] {strides = array<i32>} : memref<4096xi32, #tpu.memory_space<vmem>>, vector<16xi32>,
        tpu.vector_store %arg6[%swap3A_1369], %add3A_1368 {strides = array<i32>} : memref<4096xi32, #tpu.memory_space<vmem>>, vector<16xi32>,
        %mul3A_1371 = arith.constant 16 : i32
        %mul3A_1372 = arith.muli %scan3A_1310, %mul3A_1371 : i32
        %add3A_1373 = arith.constant 1024 : i32
        %add3A_1374 = arith.addi %add3A_1373, %mul3A_1372 : i32
        %mul3A_1375 = arith.constant 16 : i32
        %mul3A_1376 = arith.muli %scan3A_1310, %mul3A_1375 : i32
        %add3A_1377 = arith.constant 3072 : i32
        %add3A_1378 = arith.addi %add3A_1377, %mul3A_1376 : i32
        %get3A_1379 = arith.index_cast %add3A_1374 : i32 to index
        %get3A_1380 = tpu.vector_load %arg6[%get3A_1379] {strides = array<i32>} : memref<4096xi32, #tpu.memory_space<vmem>>, vector<16xi32>,
        %get3A_1381 = arith.index_cast %add3A_1378 : i32 to index
        %get3A_1382 = tpu.vector_load %arg6[%get3A_1381] {strides = array<i32>} : memref<4096xi32, #tpu.memory_space<vmem>>, vector<16xi32>,
        %add3A_1383 = arith.addi %get3A_1380, %get3A_1382 : vector<16xi32>
        %swap3A_1384 = arith.index_cast %add3A_1374 : i32 to index
        %swap3A_1385 = tpu.vector_load %arg6[%swap3A_1384] {strides = array<i32>} : memref<4096xi32, #tpu.memory_space<vmem>>, vector<16xi32>,
        tpu.vector_store %arg6[%swap3A_1384], %add3A_1383 {strides = array<i32>} : memref<4096xi32, #tpu.memory_space<vmem>>, vector<16xi32>,
        %mul3A_1386 = arith.constant 16 : i32
        %mul3A_1387 = arith.muli %scan3A_1310, %mul3A_1386 : i32
        %add3A_1388 = arith.constant 1280 : i32
        %add3A_1389 = arith.addi %add3A_1388, %mul3A_1387 : i32
        %mul3A_1390 = arith.constant 16 : i32
        %mul3A_1391 = arith.muli %scan3A_1310, %mul3A_1390 : i32
        %add3A_1392 = arith.constant 3328 : i32
        %add3A_1393 = arith.addi %add3A_1392, %mul3A_1391 : i32
        %get3A_1394 = arith.index_cast %add3A_1389 : i32 to index
        %get3A_1395 = tpu.vector_load %arg6[%get3A_1394] {strides = array<i32>} : memref<4096xi32, #tpu.memory_space<vmem>>, vector<16xi32>,
        %get3A_1396 = arith.index_cast %add3A_1393 : i32 to index
        %get3A_1397 = tpu.vector_load %arg6[%get3A_1396] {strides = array<i32>} : memref<4096xi32, #tpu.memory_space<vmem>>, vector<16xi32>,
        %add3A_1398 = arith.addi %get3A_1395, %get3A_1397 : vector<16xi32>
        %swap3A_1399 = arith.index_cast %add3A_1389 : i32 to index
        %swap3A_1400 = tpu.vector_load %arg6[%swap3A_1399] {strides = array<i32>} : memref<4096xi32, #tpu.memory_space<vmem>>, vector<16xi32>,
        tpu.vector_store %arg6[%swap3A_1399], %add3A_1398 {strides = array<i32>} : memref<4096xi32, #tpu.memory_space<vmem>>, vector<16xi32>,
        %mul3A_1401 = arith.constant 16 : i32
        %mul3A_1402 = arith.muli %scan3A_1310, %mul3A_1401 : i32
        %add3A_1403 = arith.constant 1536 : i32
        %add3A_1404 = arith.addi %add3A_1403, %mul3A_1402 : i32
        %mul3A_1405 = arith.constant 16 : i32
        %mul3A_1406 = arith.muli %scan3A_1310, %mul3A_1405 : i32
        %add3A_1407 = arith.constant 3584 : i32
        %add3A_1408 = arith.addi %add3A_1407, %mul3A_1406 : i32
        %get3A_1409 = arith.index_cast %add3A_1404 : i32 to index
        %get3A_1410 = tpu.vector_load %arg6[%get3A_1409] {strides = array<i32>} : memref<4096xi32, #tpu.memory_space<vmem>>, vector<16xi32>,
        %get3A_1411 = arith.index_cast %add3A_1408 : i32 to index
        %get3A_1412 = tpu.vector_load %arg6[%get3A_1411] {strides = array<i32>} : memref<4096xi32, #tpu.memory_space<vmem>>, vector<16xi32>,
        %add3A_1413 = arith.addi %get3A_1410, %get3A_1412 : vector<16xi32>
        %swap3A_1414 = arith.index_cast %add3A_1404 : i32 to index
        %swap3A_1415 = tpu.vector_load %arg6[%swap3A_1414] {strides = array<i32>} : memref<4096xi32, #tpu.memory_space<vmem>>, vector<16xi32>,
        tpu.vector_store %arg6[%swap3A_1414], %add3A_1413 {strides = array<i32>} : memref<4096xi32, #tpu.memory_space<vmem>>, vector<16xi32>,
        %mul3A_1416 = arith.constant 16 : i32
        %mul3A_1417 = arith.muli %scan3A_1310, %mul3A_1416 : i32
        %add3A_1418 = arith.constant 1792 : i32
        %add3A_1419 = arith.addi %add3A_1418, %mul3A_1417 : i32
        %mul3A_1420 = arith.constant 16 : i32
        %mul3A_1421 = arith.muli %scan3A_1310, %mul3A_1420 : i32
        %add3A_1422 = arith.constant 3840 : i32
        %add3A_1423 = arith.addi %add3A_1422, %mul3A_1421 : i32
        %get3A_1424 = arith.index_cast %add3A_1419 : i32 to index
        %get3A_1425 = tpu.vector_load %arg6[%get3A_1424] {strides = array<i32>} : memref<4096xi32, #tpu.memory_space<vmem>>, vector<16xi32>,
        %get3A_1426 = arith.index_cast %add3A_1423 : i32 to index
        %get3A_1427 = tpu.vector_load %arg6[%get3A_1426] {strides = array<i32>} : memref<4096xi32, #tpu.memory_space<vmem>>, vector<16xi32>,
        %add3A_1428 = arith.addi %get3A_1425, %get3A_1427 : vector<16xi32>
        %swap3A_1429 = arith.index_cast %add3A_1419 : i32 to index
        %swap3A_1430 = tpu.vector_load %arg6[%swap3A_1429] {strides = array<i32>} : memref<4096xi32, #tpu.memory_space<vmem>>, vector<16xi32>,
        tpu.vector_store %arg6[%swap3A_1429], %add3A_1428 {strides = array<i32>} : memref<4096xi32, #tpu.memory_space<vmem>>, vector<16xi32>,
        %mul3A_1431 = arith.constant 16 : i32
        %mul3A_1432 = arith.muli %scan3A_1310, %mul3A_1431 : i32
        %add3A_1433 = arith.constant 0 : i32
        %add3A_1434 = arith.addi %add3A_1433, %mul3A_1432 : i32
        %mul3A_1435 = arith.constant 16 : i32
        %mul3A_1436 = arith.muli %scan3A_1310, %mul3A_1435 : i32
        %add3A_1437 = arith.constant 1024 : i32
        %add3A_1438 = arith.addi %add3A_1437, %mul3A_1436 : i32
        %get3A_1439 = arith.index_cast %add3A_1434 : i32 to index
        %get3A_1440 = tpu.vector_load %arg6[%get3A_1439] {strides = array<i32>} : memref<4096xi32, #tpu.memory_space<vmem>>, vector<16xi32>,
        %get3A_1441 = arith.index_cast %add3A_1438 : i32 to index
        %get3A_1442 = tpu.vector_load %arg6[%get3A_1441] {strides = array<i32>} : memref<4096xi32, #tpu.memory_space<vmem>>, vector<16xi32>,
        %add3A_1443 = arith.addi %get3A_1440, %get3A_1442 : vector<16xi32>
        %swap3A_1444 = arith.index_cast %add3A_1434 : i32 to index
        %swap3A_1445 = tpu.vector_load %arg6[%swap3A_1444] {strides = array<i32>} : memref<4096xi32, #tpu.memory_space<vmem>>, vector<16xi32>,
        tpu.vector_store %arg6[%swap3A_1444], %add3A_1443 {strides = array<i32>} : memref<4096xi32, #tpu.memory_space<vmem>>, vector<16xi32>,
        %mul3A_1446 = arith.constant 16 : i32
        %mul3A_1447 = arith.muli %scan3A_1310, %mul3A_1446 : i32
        %add3A_1448 = arith.constant 256 : i32
        %add3A_1449 = arith.addi %add3A_1448, %mul3A_1447 : i32
        %mul3A_1450 = arith.constant 16 : i32
        %mul3A_1451 = arith.muli %scan3A_1310, %mul3A_1450 : i32
        %add3A_1452 = arith.constant 1280 : i32
        %add3A_1453 = arith.addi %add3A_1452, %mul3A_1451 : i32
        %get3A_1454 = arith.index_cast %add3A_1449 : i32 to index
        %get3A_1455 = tpu.vector_load %arg6[%get3A_1454] {strides = array<i32>} : memref<4096xi32, #tpu.memory_space<vmem>>, vector<16xi32>,
        %get3A_1456 = arith.index_cast %add3A_1453 : i32 to index
        %get3A_1457 = tpu.vector_load %arg6[%get3A_1456] {strides = array<i32>} : memref<4096xi32, #tpu.memory_space<vmem>>, vector<16xi32>,
        %add3A_1458 = arith.addi %get3A_1455, %get3A_1457 : vector<16xi32>
        %swap3A_1459 = arith.index_cast %add3A_1449 : i32 to index
        %swap3A_1460 = tpu.vector_load %arg6[%swap3A_1459] {strides = array<i32>} : memref<4096xi32, #tpu.memory_space<vmem>>, vector<16xi32>,
        tpu.vector_store %arg6[%swap3A_1459], %add3A_1458 {strides = array<i32>} : memref<4096xi32, #tpu.memory_space<vmem>>, vector<16xi32>,
        %mul3A_1461 = arith.constant 16 : i32
        %mul3A_1462 = arith.muli %scan3A_1310, %mul3A_1461 : i32
        %add3A_1463 = arith.constant 512 : i32
        %add3A_1464 = arith.addi %add3A_1463, %mul3A_1462 : i32
        %mul3A_1465 = arith.constant 16 : i32
        %mul3A_1466 = arith.muli %scan3A_1310, %mul3A_1465 : i32
        %add3A_1467 = arith.constant 1536 : i32
        %add3A_1468 = arith.addi %add3A_1467, %mul3A_1466 : i32
        %get3A_1469 = arith.index_cast %add3A_1464 : i32 to index
        %get3A_1470 = tpu.vector_load %arg6[%get3A_1469] {strides = array<i32>} : memref<4096xi32, #tpu.memory_space<vmem>>, vector<16xi32>,
        %get3A_1471 = arith.index_cast %add3A_1468 : i32 to index
        %get3A_1472 = tpu.vector_load %arg6[%get3A_1471] {strides = array<i32>} : memref<4096xi32, #tpu.memory_space<vmem>>, vector<16xi32>,
        %add3A_1473 = arith.addi %get3A_1470, %get3A_1472 : vector<16xi32>
        %swap3A_1474 = arith.index_cast %add3A_1464 : i32 to index
        %swap3A_1475 = tpu.vector_load %arg6[%swap3A_1474] {strides = array<i32>} : memref<4096xi32, #tpu.memory_space<vmem>>, vector<16xi32>,
        tpu.vector_store %arg6[%swap3A_1474], %add3A_1473 {strides = array<i32>} : memref<4096xi32, #tpu.memory_space<vmem>>, vector<16xi32>,
        %mul3A_1476 = arith.constant 16 : i32
        %mul3A_1477 = arith.muli %scan3A_1310, %mul3A_1476 : i32
        %add3A_1478 = arith.constant 768 : i32
        %add3A_1479 = arith.addi %add3A_1478, %mul3A_1477 : i32
        %mul3A_1480 = arith.constant 16 : i32
        %mul3A_1481 = arith.muli %scan3A_1310, %mul3A_1480 : i32
        %add3A_1482 = arith.constant 1792 : i32
        %add3A_1483 = arith.addi %add3A_1482, %mul3A_1481 : i32
        %get3A_1484 = arith.index_cast %add3A_1479 : i32 to index
        %get3A_1485 = tpu.vector_load %arg6[%get3A_1484] {strides = array<i32>} : memref<4096xi32, #tpu.memory_space<vmem>>, vector<16xi32>,
        %get3A_1486 = arith.index_cast %add3A_1483 : i32 to index
        %get3A_1487 = tpu.vector_load %arg6[%get3A_1486] {strides = array<i32>} : memref<4096xi32, #tpu.memory_space<vmem>>, vector<16xi32>,
        %add3A_1488 = arith.addi %get3A_1485, %get3A_1487 : vector<16xi32>
        %swap3A_1489 = arith.index_cast %add3A_1479 : i32 to index
        %swap3A_1490 = tpu.vector_load %arg6[%swap3A_1489] {strides = array<i32>} : memref<4096xi32, #tpu.memory_space<vmem>>, vector<16xi32>,
        tpu.vector_store %arg6[%swap3A_1489], %add3A_1488 {strides = array<i32>} : memref<4096xi32, #tpu.memory_space<vmem>>, vector<16xi32>,
        %mul3A_1491 = arith.constant 16 : i32
        %mul3A_1492 = arith.muli %scan3A_1310, %mul3A_1491 : i32
        %add3A_1493 = arith.constant 0 : i32
        %add3A_1494 = arith.addi %add3A_1493, %mul3A_1492 : i32
        %mul3A_1495 = arith.constant 16 : i32
        %mul3A_1496 = arith.muli %scan3A_1310, %mul3A_1495 : i32
        %add3A_1497 = arith.constant 512 : i32
        %add3A_1498 = arith.addi %add3A_1497, %mul3A_1496 : i32
        %get3A_1499 = arith.index_cast %add3A_1494 : i32 to index
        %get3A_1500 = tpu.vector_load %arg6[%get3A_1499] {strides = array<i32>} : memref<4096xi32, #tpu.memory_space<vmem>>, vector<16xi32>,
        %get3A_1501 = arith.index_cast %add3A_1498 : i32 to index
        %get3A_1502 = tpu.vector_load %arg6[%get3A_1501] {strides = array<i32>} : memref<4096xi32, #tpu.memory_space<vmem>>, vector<16xi32>,
        %add3A_1503 = arith.addi %get3A_1500, %get3A_1502 : vector<16xi32>
        %swap3A_1504 = arith.index_cast %add3A_1494 : i32 to index
        %swap3A_1505 = tpu.vector_load %arg6[%swap3A_1504] {strides = array<i32>} : memref<4096xi32, #tpu.memory_space<vmem>>, vector<16xi32>,
        tpu.vector_store %arg6[%swap3A_1504], %add3A_1503 {strides = array<i32>} : memref<4096xi32, #tpu.memory_space<vmem>>, vector<16xi32>,
        %mul3A_1506 = arith.constant 16 : i32
        %mul3A_1507 = arith.muli %scan3A_1310, %mul3A_1506 : i32
        %add3A_1508 = arith.constant 256 : i32
        %add3A_1509 = arith.addi %add3A_1508, %mul3A_1507 : i32
        %mul3A_1510 = arith.constant 16 : i32
        %mul3A_1511 = arith.muli %scan3A_1310, %mul3A_1510 : i32
        %add3A_1512 = arith.constant 768 : i32
        %add3A_1513 = arith.addi %add3A_1512, %mul3A_1511 : i32
        %get3A_1514 = arith.index_cast %add3A_1509 : i32 to index
        %get3A_1515 = tpu.vector_load %arg6[%get3A_1514] {strides = array<i32>} : memref<4096xi32, #tpu.memory_space<vmem>>, vector<16xi32>,
        %get3A_1516 = arith.index_cast %add3A_1513 : i32 to index
        %get3A_1517 = tpu.vector_load %arg6[%get3A_1516] {strides = array<i32>} : memref<4096xi32, #tpu.memory_space<vmem>>, vector<16xi32>,
        %add3A_1518 = arith.addi %get3A_1515, %get3A_1517 : vector<16xi32>
        %swap3A_1519 = arith.index_cast %add3A_1509 : i32 to index
        %swap3A_1520 = tpu.vector_load %arg6[%swap3A_1519] {strides = array<i32>} : memref<4096xi32, #tpu.memory_space<vmem>>, vector<16xi32>,
        tpu.vector_store %arg6[%swap3A_1519], %add3A_1518 {strides = array<i32>} : memref<4096xi32, #tpu.memory_space<vmem>>, vector<16xi32>,
        %mul3A_1521 = arith.constant 16 : i32
        %mul3A_1522 = arith.muli %scan3A_1310, %mul3A_1521 : i32
        %add3A_1523 = arith.constant 0 : i32
        %add3A_1524 = arith.addi %add3A_1523, %mul3A_1522 : i32
        %mul3A_1525 = arith.constant 16 : i32
        %mul3A_1526 = arith.muli %scan3A_1310, %mul3A_1525 : i32
        %add3A_1527 = arith.constant 256 : i32
        %add3A_1528 = arith.addi %add3A_1527, %mul3A_1526 : i32
        %get3A_1529 = arith.index_cast %add3A_1524 : i32 to index
        %get3A_1530 = tpu.vector_load %arg6[%get3A_1529] {strides = array<i32>} : memref<4096xi32, #tpu.memory_space<vmem>>, vector<16xi32>,
        %get3A_1531 = arith.index_cast %add3A_1528 : i32 to index
        %get3A_1532 = tpu.vector_load %arg6[%get3A_1531] {strides = array<i32>} : memref<4096xi32, #tpu.memory_space<vmem>>, vector<16xi32>,
        %add3A_1533 = arith.addi %get3A_1530, %get3A_1532 : vector<16xi32>
        %swap3A_1534 = arith.index_cast %add3A_1524 : i32 to index
        %swap3A_1535 = tpu.vector_load %arg6[%swap3A_1534] {strides = array<i32>} : memref<4096xi32, #tpu.memory_space<vmem>>, vector<16xi32>,
        tpu.vector_store %arg6[%swap3A_1534], %add3A_1533 {strides = array<i32>} : memref<4096xi32, #tpu.memory_space<vmem>>, vector<16xi32>,
        %scan3A_1536 = arith.constant 3 : i32
        %scan3A_1537 = arith.addi %scan3A_856, %scan3A_1536 : i32
        %mul3A_1538 = arith.constant 16 : i32
        %mul3A_1539 = arith.muli %scan3A_1537, %mul3A_1538 : i32
        %add3A_1540 = arith.constant 0 : i32
        %add3A_1541 = arith.addi %add3A_1540, %mul3A_1539 : i32
        %mul3A_1542 = arith.constant 16 : i32
        %mul3A_1543 = arith.muli %scan3A_1537, %mul3A_1542 : i32
        %add3A_1544 = arith.constant 2048 : i32
        %add3A_1545 = arith.addi %add3A_1544, %mul3A_1543 : i32
        %get3A_1546 = arith.index_cast %add3A_1541 : i32 to index
        %get3A_1547 = tpu.vector_load %arg6[%get3A_1546] {strides = array<i32>} : memref<4096xi32, #tpu.memory_space<vmem>>, vector<16xi32>,
        %get3A_1548 = arith.index_cast %add3A_1545 : i32 to index
        %get3A_1549 = tpu.vector_load %arg6[%get3A_1548] {strides = array<i32>} : memref<4096xi32, #tpu.memory_space<vmem>>, vector<16xi32>,
        %add3A_1550 = arith.addi %get3A_1547, %get3A_1549 : vector<16xi32>
        %swap3A_1551 = arith.index_cast %add3A_1541 : i32 to index
        %swap3A_1552 = tpu.vector_load %arg6[%swap3A_1551] {strides = array<i32>} : memref<4096xi32, #tpu.memory_space<vmem>>, vector<16xi32>,
        tpu.vector_store %arg6[%swap3A_1551], %add3A_1550 {strides = array<i32>} : memref<4096xi32, #tpu.memory_space<vmem>>, vector<16xi32>,
        %mul3A_1553 = arith.constant 16 : i32
        %mul3A_1554 = arith.muli %scan3A_1537, %mul3A_1553 : i32
        %add3A_1555 = arith.constant 256 : i32
        %add3A_1556 = arith.addi %add3A_1555, %mul3A_1554 : i32
        %mul3A_1557 = arith.constant 16 : i32
        %mul3A_1558 = arith.muli %scan3A_1537, %mul3A_1557 : i32
        %add3A_1559 = arith.constant 2304 : i32
        %add3A_1560 = arith.addi %add3A_1559, %mul3A_1558 : i32
        %get3A_1561 = arith.index_cast %add3A_1556 : i32 to index
        %get3A_1562 = tpu.vector_load %arg6[%get3A_1561] {strides = array<i32>} : memref<4096xi32, #tpu.memory_space<vmem>>, vector<16xi32>,
        %get3A_1563 = arith.index_cast %add3A_1560 : i32 to index
        %get3A_1564 = tpu.vector_load %arg6[%get3A_1563] {strides = array<i32>} : memref<4096xi32, #tpu.memory_space<vmem>>, vector<16xi32>,
        %add3A_1565 = arith.addi %get3A_1562, %get3A_1564 : vector<16xi32>
        %swap3A_1566 = arith.index_cast %add3A_1556 : i32 to index
        %swap3A_1567 = tpu.vector_load %arg6[%swap3A_1566] {strides = array<i32>} : memref<4096xi32, #tpu.memory_space<vmem>>, vector<16xi32>,
        tpu.vector_store %arg6[%swap3A_1566], %add3A_1565 {strides = array<i32>} : memref<4096xi32, #tpu.memory_space<vmem>>, vector<16xi32>,
        %mul3A_1568 = arith.constant 16 : i32
        %mul3A_1569 = arith.muli %scan3A_1537, %mul3A_1568 : i32
        %add3A_1570 = arith.constant 512 : i32
        %add3A_1571 = arith.addi %add3A_1570, %mul3A_1569 : i32
        %mul3A_1572 = arith.constant 16 : i32
        %mul3A_1573 = arith.muli %scan3A_1537, %mul3A_1572 : i32
        %add3A_1574 = arith.constant 2560 : i32
        %add3A_1575 = arith.addi %add3A_1574, %mul3A_1573 : i32
        %get3A_1576 = arith.index_cast %add3A_1571 : i32 to index
        %get3A_1577 = tpu.vector_load %arg6[%get3A_1576] {strides = array<i32>} : memref<4096xi32, #tpu.memory_space<vmem>>, vector<16xi32>,
        %get3A_1578 = arith.index_cast %add3A_1575 : i32 to index
        %get3A_1579 = tpu.vector_load %arg6[%get3A_1578] {strides = array<i32>} : memref<4096xi32, #tpu.memory_space<vmem>>, vector<16xi32>,
        %add3A_1580 = arith.addi %get3A_1577, %get3A_1579 : vector<16xi32>
        %swap3A_1581 = arith.index_cast %add3A_1571 : i32 to index
        %swap3A_1582 = tpu.vector_load %arg6[%swap3A_1581] {strides = array<i32>} : memref<4096xi32, #tpu.memory_space<vmem>>, vector<16xi32>,
        tpu.vector_store %arg6[%swap3A_1581], %add3A_1580 {strides = array<i32>} : memref<4096xi32, #tpu.memory_space<vmem>>, vector<16xi32>,
        %mul3A_1583 = arith.constant 16 : i32
        %mul3A_1584 = arith.muli %scan3A_1537, %mul3A_1583 : i32
        %add3A_1585 = arith.constant 768 : i32
        %add3A_1586 = arith.addi %add3A_1585, %mul3A_1584 : i32
        %mul3A_1587 = arith.constant 16 : i32
        %mul3A_1588 = arith.muli %scan3A_1537, %mul3A_1587 : i32
        %add3A_1589 = arith.constant 2816 : i32
        %add3A_1590 = arith.addi %add3A_1589, %mul3A_1588 : i32
        %get3A_1591 = arith.index_cast %add3A_1586 : i32 to index
        %get3A_1592 = tpu.vector_load %arg6[%get3A_1591] {strides = array<i32>} : memref<4096xi32, #tpu.memory_space<vmem>>, vector<16xi32>,
        %get3A_1593 = arith.index_cast %add3A_1590 : i32 to index
        %get3A_1594 = tpu.vector_load %arg6[%get3A_1593] {strides = array<i32>} : memref<4096xi32, #tpu.memory_space<vmem>>, vector<16xi32>,
        %add3A_1595 = arith.addi %get3A_1592, %get3A_1594 : vector<16xi32>
        %swap3A_1596 = arith.index_cast %add3A_1586 : i32 to index
        %swap3A_1597 = tpu.vector_load %arg6[%swap3A_1596] {strides = array<i32>} : memref<4096xi32, #tpu.memory_space<vmem>>, vector<16xi32>,
        tpu.vector_store %arg6[%swap3A_1596], %add3A_1595 {strides = array<i32>} : memref<4096xi32, #tpu.memory_space<vmem>>, vector<16xi32>,
        %mul3A_1598 = arith.constant 16 : i32
        %mul3A_1599 = arith.muli %scan3A_1537, %mul3A_1598 : i32
        %add3A_1600 = arith.constant 1024 : i32
        %add3A_1601 = arith.addi %add3A_1600, %mul3A_1599 : i32
        %mul3A_1602 = arith.constant 16 : i32
        %mul3A_1603 = arith.muli %scan3A_1537, %mul3A_1602 : i32
        %add3A_1604 = arith.constant 3072 : i32
        %add3A_1605 = arith.addi %add3A_1604, %mul3A_1603 : i32
        %get3A_1606 = arith.index_cast %add3A_1601 : i32 to index
        %get3A_1607 = tpu.vector_load %arg6[%get3A_1606] {strides = array<i32>} : memref<4096xi32, #tpu.memory_space<vmem>>, vector<16xi32>,
        %get3A_1608 = arith.index_cast %add3A_1605 : i32 to index
        %get3A_1609 = tpu.vector_load %arg6[%get3A_1608] {strides = array<i32>} : memref<4096xi32, #tpu.memory_space<vmem>>, vector<16xi32>,
        %add3A_1610 = arith.addi %get3A_1607, %get3A_1609 : vector<16xi32>
        %swap3A_1611 = arith.index_cast %add3A_1601 : i32 to index
        %swap3A_1612 = tpu.vector_load %arg6[%swap3A_1611] {strides = array<i32>} : memref<4096xi32, #tpu.memory_space<vmem>>, vector<16xi32>,
        tpu.vector_store %arg6[%swap3A_1611], %add3A_1610 {strides = array<i32>} : memref<4096xi32, #tpu.memory_space<vmem>>, vector<16xi32>,
        %mul3A_1613 = arith.constant 16 : i32
        %mul3A_1614 = arith.muli %scan3A_1537, %mul3A_1613 : i32
        %add3A_1615 = arith.constant 1280 : i32
        %add3A_1616 = arith.addi %add3A_1615, %mul3A_1614 : i32
        %mul3A_1617 = arith.constant 16 : i32
        %mul3A_1618 = arith.muli %scan3A_1537, %mul3A_1617 : i32
        %add3A_1619 = arith.constant 3328 : i32
        %add3A_1620 = arith.addi %add3A_1619, %mul3A_1618 : i32
        %get3A_1621 = arith.index_cast %add3A_1616 : i32 to index
        %get3A_1622 = tpu.vector_load %arg6[%get3A_1621] {strides = array<i32>} : memref<4096xi32, #tpu.memory_space<vmem>>, vector<16xi32>,
        %get3A_1623 = arith.index_cast %add3A_1620 : i32 to index
        %get3A_1624 = tpu.vector_load %arg6[%get3A_1623] {strides = array<i32>} : memref<4096xi32, #tpu.memory_space<vmem>>, vector<16xi32>,
        %add3A_1625 = arith.addi %get3A_1622, %get3A_1624 : vector<16xi32>
        %swap3A_1626 = arith.index_cast %add3A_1616 : i32 to index
        %swap3A_1627 = tpu.vector_load %arg6[%swap3A_1626] {strides = array<i32>} : memref<4096xi32, #tpu.memory_space<vmem>>, vector<16xi32>,
        tpu.vector_store %arg6[%swap3A_1626], %add3A_1625 {strides = array<i32>} : memref<4096xi32, #tpu.memory_space<vmem>>, vector<16xi32>,
        %mul3A_1628 = arith.constant 16 : i32
        %mul3A_1629 = arith.muli %scan3A_1537, %mul3A_1628 : i32
        %add3A_1630 = arith.constant 1536 : i32
        %add3A_1631 = arith.addi %add3A_1630, %mul3A_1629 : i32
        %mul3A_1632 = arith.constant 16 : i32
        %mul3A_1633 = arith.muli %scan3A_1537, %mul3A_1632 : i32
        %add3A_1634 = arith.constant 3584 : i32
        %add3A_1635 = arith.addi %add3A_1634, %mul3A_1633 : i32
        %get3A_1636 = arith.index_cast %add3A_1631 : i32 to index
        %get3A_1637 = tpu.vector_load %arg6[%get3A_1636] {strides = array<i32>} : memref<4096xi32, #tpu.memory_space<vmem>>, vector<16xi32>,
        %get3A_1638 = arith.index_cast %add3A_1635 : i32 to index
        %get3A_1639 = tpu.vector_load %arg6[%get3A_1638] {strides = array<i32>} : memref<4096xi32, #tpu.memory_space<vmem>>, vector<16xi32>,
        %add3A_1640 = arith.addi %get3A_1637, %get3A_1639 : vector<16xi32>
        %swap3A_1641 = arith.index_cast %add3A_1631 : i32 to index
        %swap3A_1642 = tpu.vector_load %arg6[%swap3A_1641] {strides = array<i32>} : memref<4096xi32, #tpu.memory_space<vmem>>, vector<16xi32>,
        tpu.vector_store %arg6[%swap3A_1641], %add3A_1640 {strides = array<i32>} : memref<4096xi32, #tpu.memory_space<vmem>>, vector<16xi32>,
        %mul3A_1643 = arith.constant 16 : i32
        %mul3A_1644 = arith.muli %scan3A_1537, %mul3A_1643 : i32
        %add3A_1645 = arith.constant 1792 : i32
        %add3A_1646 = arith.addi %add3A_1645, %mul3A_1644 : i32
        %mul3A_1647 = arith.constant 16 : i32
        %mul3A_1648 = arith.muli %scan3A_1537, %mul3A_1647 : i32
        %add3A_1649 = arith.constant 3840 : i32
        %add3A_1650 = arith.addi %add3A_1649, %mul3A_1648 : i32
        %get3A_1651 = arith.index_cast %add3A_1646 : i32 to index
        %get3A_1652 = tpu.vector_load %arg6[%get3A_1651] {strides = array<i32>} : memref<4096xi32, #tpu.memory_space<vmem>>, vector<16xi32>,
        %get3A_1653 = arith.index_cast %add3A_1650 : i32 to index
        %get3A_1654 = tpu.vector_load %arg6[%get3A_1653] {strides = array<i32>} : memref<4096xi32, #tpu.memory_space<vmem>>, vector<16xi32>,
        %add3A_1655 = arith.addi %get3A_1652, %get3A_1654 : vector<16xi32>
        %swap3A_1656 = arith.index_cast %add3A_1646 : i32 to index
        %swap3A_1657 = tpu.vector_load %arg6[%swap3A_1656] {strides = array<i32>} : memref<4096xi32, #tpu.memory_space<vmem>>, vector<16xi32>,
        tpu.vector_store %arg6[%swap3A_1656], %add3A_1655 {strides = array<i32>} : memref<4096xi32, #tpu.memory_space<vmem>>, vector<16xi32>,
        %mul3A_1658 = arith.constant 16 : i32
        %mul3A_1659 = arith.muli %scan3A_1537, %mul3A_1658 : i32
        %add3A_1660 = arith.constant 0 : i32
        %add3A_1661 = arith.addi %add3A_1660, %mul3A_1659 : i32
        %mul3A_1662 = arith.constant 16 : i32
        %mul3A_1663 = arith.muli %scan3A_1537, %mul3A_1662 : i32
        %add3A_1664 = arith.constant 1024 : i32
        %add3A_1665 = arith.addi %add3A_1664, %mul3A_1663 : i32
        %get3A_1666 = arith.index_cast %add3A_1661 : i32 to index
        %get3A_1667 = tpu.vector_load %arg6[%get3A_1666] {strides = array<i32>} : memref<4096xi32, #tpu.memory_space<vmem>>, vector<16xi32>,
        %get3A_1668 = arith.index_cast %add3A_1665 : i32 to index
        %get3A_1669 = tpu.vector_load %arg6[%get3A_1668] {strides = array<i32>} : memref<4096xi32, #tpu.memory_space<vmem>>, vector<16xi32>,
        %add3A_1670 = arith.addi %get3A_1667, %get3A_1669 : vector<16xi32>
        %swap3A_1671 = arith.index_cast %add3A_1661 : i32 to index
        %swap3A_1672 = tpu.vector_load %arg6[%swap3A_1671] {strides = array<i32>} : memref<4096xi32, #tpu.memory_space<vmem>>, vector<16xi32>,
        tpu.vector_store %arg6[%swap3A_1671], %add3A_1670 {strides = array<i32>} : memref<4096xi32, #tpu.memory_space<vmem>>, vector<16xi32>,
        %mul3A_1673 = arith.constant 16 : i32
        %mul3A_1674 = arith.muli %scan3A_1537, %mul3A_1673 : i32
        %add3A_1675 = arith.constant 256 : i32
        %add3A_1676 = arith.addi %add3A_1675, %mul3A_1674 : i32
        %mul3A_1677 = arith.constant 16 : i32
        %mul3A_1678 = arith.muli %scan3A_1537, %mul3A_1677 : i32
        %add3A_1679 = arith.constant 1280 : i32
        %add3A_1680 = arith.addi %add3A_1679, %mul3A_1678 : i32
        %get3A_1681 = arith.index_cast %add3A_1676 : i32 to index
        %get3A_1682 = tpu.vector_load %arg6[%get3A_1681] {strides = array<i32>} : memref<4096xi32, #tpu.memory_space<vmem>>, vector<16xi32>,
        %get3A_1683 = arith.index_cast %add3A_1680 : i32 to index
        %get3A_1684 = tpu.vector_load %arg6[%get3A_1683] {strides = array<i32>} : memref<4096xi32, #tpu.memory_space<vmem>>, vector<16xi32>,
        %add3A_1685 = arith.addi %get3A_1682, %get3A_1684 : vector<16xi32>
        %swap3A_1686 = arith.index_cast %add3A_1676 : i32 to index
        %swap3A_1687 = tpu.vector_load %arg6[%swap3A_1686] {strides = array<i32>} : memref<4096xi32, #tpu.memory_space<vmem>>, vector<16xi32>,
        tpu.vector_store %arg6[%swap3A_1686], %add3A_1685 {strides = array<i32>} : memref<4096xi32, #tpu.memory_space<vmem>>, vector<16xi32>,
        %mul3A_1688 = arith.constant 16 : i32
        %mul3A_1689 = arith.muli %scan3A_1537, %mul3A_1688 : i32
        %add3A_1690 = arith.constant 512 : i32
        %add3A_1691 = arith.addi %add3A_1690, %mul3A_1689 : i32
        %mul3A_1692 = arith.constant 16 : i32
        %mul3A_1693 = arith.muli %scan3A_1537, %mul3A_1692 : i32
        %add3A_1694 = arith.constant 1536 : i32
        %add3A_1695 = arith.addi %add3A_1694, %mul3A_1693 : i32
        %get3A_1696 = arith.index_cast %add3A_1691 : i32 to index
        %get3A_1697 = tpu.vector_load %arg6[%get3A_1696] {strides = array<i32>} : memref<4096xi32, #tpu.memory_space<vmem>>, vector<16xi32>,
        %get3A_1698 = arith.index_cast %add3A_1695 : i32 to index
        %get3A_1699 = tpu.vector_load %arg6[%get3A_1698] {strides = array<i32>} : memref<4096xi32, #tpu.memory_space<vmem>>, vector<16xi32>,
        %add3A_1700 = arith.addi %get3A_1697, %get3A_1699 : vector<16xi32>
        %swap3A_1701 = arith.index_cast %add3A_1691 : i32 to index
        %swap3A_1702 = tpu.vector_load %arg6[%swap3A_1701] {strides = array<i32>} : memref<4096xi32, #tpu.memory_space<vmem>>, vector<16xi32>,
        tpu.vector_store %arg6[%swap3A_1701], %add3A_1700 {strides = array<i32>} : memref<4096xi32, #tpu.memory_space<vmem>>, vector<16xi32>,
        %mul3A_1703 = arith.constant 16 : i32
        %mul3A_1704 = arith.muli %scan3A_1537, %mul3A_1703 : i32
        %add3A_1705 = arith.constant 768 : i32
        %add3A_1706 = arith.addi %add3A_1705, %mul3A_1704 : i32
        %mul3A_1707 = arith.constant 16 : i32
        %mul3A_1708 = arith.muli %scan3A_1537, %mul3A_1707 : i32
        %add3A_1709 = arith.constant 1792 : i32
        %add3A_1710 = arith.addi %add3A_1709, %mul3A_1708 : i32
        %get3A_1711 = arith.index_cast %add3A_1706 : i32 to index
        %get3A_1712 = tpu.vector_load %arg6[%get3A_1711] {strides = array<i32>} : memref<4096xi32, #tpu.memory_space<vmem>>, vector<16xi32>,
        %get3A_1713 = arith.index_cast %add3A_1710 : i32 to index
        %get3A_1714 = tpu.vector_load %arg6[%get3A_1713] {strides = array<i32>} : memref<4096xi32, #tpu.memory_space<vmem>>, vector<16xi32>,
        %add3A_1715 = arith.addi %get3A_1712, %get3A_1714 : vector<16xi32>
        %swap3A_1716 = arith.index_cast %add3A_1706 : i32 to index
        %swap3A_1717 = tpu.vector_load %arg6[%swap3A_1716] {strides = array<i32>} : memref<4096xi32, #tpu.memory_space<vmem>>, vector<16xi32>,
        tpu.vector_store %arg6[%swap3A_1716], %add3A_1715 {strides = array<i32>} : memref<4096xi32, #tpu.memory_space<vmem>>, vector<16xi32>,
        %mul3A_1718 = arith.constant 16 : i32
        %mul3A_1719 = arith.muli %scan3A_1537, %mul3A_1718 : i32
        %add3A_1720 = arith.constant 0 : i32
        %add3A_1721 = arith.addi %add3A_1720, %mul3A_1719 : i32
        %mul3A_1722 = arith.constant 16 : i32
        %mul3A_1723 = arith.muli %scan3A_1537, %mul3A_1722 : i32
        %add3A_1724 = arith.constant 512 : i32
        %add3A_1725 = arith.addi %add3A_1724, %mul3A_1723 : i32
        %get3A_1726 = arith.index_cast %add3A_1721 : i32 to index
        %get3A_1727 = tpu.vector_load %arg6[%get3A_1726] {strides = array<i32>} : memref<4096xi32, #tpu.memory_space<vmem>>, vector<16xi32>,
        %get3A_1728 = arith.index_cast %add3A_1725 : i32 to index
        %get3A_1729 = tpu.vector_load %arg6[%get3A_1728] {strides = array<i32>} : memref<4096xi32, #tpu.memory_space<vmem>>, vector<16xi32>,
        %add3A_1730 = arith.addi %get3A_1727, %get3A_1729 : vector<16xi32>
        %swap3A_1731 = arith.index_cast %add3A_1721 : i32 to index
        %swap3A_1732 = tpu.vector_load %arg6[%swap3A_1731] {strides = array<i32>} : memref<4096xi32, #tpu.memory_space<vmem>>, vector<16xi32>,
        tpu.vector_store %arg6[%swap3A_1731], %add3A_1730 {strides = array<i32>} : memref<4096xi32, #tpu.memory_space<vmem>>, vector<16xi32>,
        %mul3A_1733 = arith.constant 16 : i32
        %mul3A_1734 = arith.muli %scan3A_1537, %mul3A_1733 : i32
        %add3A_1735 = arith.constant 256 : i32
        %add3A_1736 = arith.addi %add3A_1735, %mul3A_1734 : i32
        %mul3A_1737 = arith.constant 16 : i32
        %mul3A_1738 = arith.muli %scan3A_1537, %mul3A_1737 : i32
        %add3A_1739 = arith.constant 768 : i32
        %add3A_1740 = arith.addi %add3A_1739, %mul3A_1738 : i32
        %get3A_1741 = arith.index_cast %add3A_1736 : i32 to index
        %get3A_1742 = tpu.vector_load %arg6[%get3A_1741] {strides = array<i32>} : memref<4096xi32, #tpu.memory_space<vmem>>, vector<16xi32>,
        %get3A_1743 = arith.index_cast %add3A_1740 : i32 to index
        %get3A_1744 = tpu.vector_load %arg6[%get3A_1743] {strides = array<i32>} : memref<4096xi32, #tpu.memory_space<vmem>>, vector<16xi32>,
        %add3A_1745 = arith.addi %get3A_1742, %get3A_1744 : vector<16xi32>
        %swap3A_1746 = arith.index_cast %add3A_1736 : i32 to index
        %swap3A_1747 = tpu.vector_load %arg6[%swap3A_1746] {strides = array<i32>} : memref<4096xi32, #tpu.memory_space<vmem>>, vector<16xi32>,
        tpu.vector_store %arg6[%swap3A_1746], %add3A_1745 {strides = array<i32>} : memref<4096xi32, #tpu.memory_space<vmem>>, vector<16xi32>,
        %mul3A_1748 = arith.constant 16 : i32
        %mul3A_1749 = arith.muli %scan3A_1537, %mul3A_1748 : i32
        %add3A_1750 = arith.constant 0 : i32
        %add3A_1751 = arith.addi %add3A_1750, %mul3A_1749 : i32
        %mul3A_1752 = arith.constant 16 : i32
        %mul3A_1753 = arith.muli %scan3A_1537, %mul3A_1752 : i32
        %add3A_1754 = arith.constant 256 : i32
        %add3A_1755 = arith.addi %add3A_1754, %mul3A_1753 : i32
        %get3A_1756 = arith.index_cast %add3A_1751 : i32 to index
        %get3A_1757 = tpu.vector_load %arg6[%get3A_1756] {strides = array<i32>} : memref<4096xi32, #tpu.memory_space<vmem>>, vector<16xi32>,
        %get3A_1758 = arith.index_cast %add3A_1755 : i32 to index
        %get3A_1759 = tpu.vector_load %arg6[%get3A_1758] {strides = array<i32>} : memref<4096xi32, #tpu.memory_space<vmem>>, vector<16xi32>,
        %add3A_1760 = arith.addi %get3A_1757, %get3A_1759 : vector<16xi32>
        %swap3A_1761 = arith.index_cast %add3A_1751 : i32 to index
        %swap3A_1762 = tpu.vector_load %arg6[%swap3A_1761] {strides = array<i32>} : memref<4096xi32, #tpu.memory_space<vmem>>, vector<16xi32>,
        tpu.vector_store %arg6[%swap3A_1761], %add3A_1760 {strides = array<i32>} : memref<4096xi32, #tpu.memory_space<vmem>>, vector<16xi32>,
      }
      %scan3A_25 = arith.constant 16 : i32
      "tpu.region"() ({
        %run_scoped3A = tpu.sem_alloc : memref<!tpu.dma_semaphore, #tpu.memory_space<semaphore_mem>>
        %dma_start3A = arith.constant 0 : i32
        %dma_start3A_856 = tpu.memref_slice %arg6[%dma_start3A] : memref<4096xi32, #tpu.memory_space<vmem>> -> memref<256xi32, #tpu.memory_space<vmem>>
        %dma_start3A_857 = arith.constant 0 : i32
        %dma_start3A_858 = tpu.memref_slice %arg12[%arg1, %dma_start3A_857] : memref<16x256xi32, #tpu.memory_space<vmem_shared>> -> memref<1x256xi32, #tpu.memory_space<vmem_shared>>
        %dma_start3A_859 = tpu.memref_squeeze %dma_start3A_858 : memref<1x256xi32, #tpu.memory_space<vmem_shared>> -> memref<256xi32, #tpu.memory_space<vmem_shared>>
        %dma_start3A_860 = arith.constant 0 : i32
        %dma_start3A_861 = tpu.memref_slice %arg12[%arg1, %dma_start3A_860] : memref<16x256xi32, #tpu.memory_space<vmem_shared>> -> memref<1x256xi32, #tpu.memory_space<vmem_shared>>
        %dma_start3A_862 = tpu.memref_squeeze %dma_start3A_861 : memref<1x256xi32, #tpu.memory_space<vmem_shared>> -> memref<256xi32, #tpu.memory_space<vmem_shared>>
        %dma_start3A_863 = arith.constant 0 : i32
        %dma_start3A_864 = tpu.memref_slice %arg6[%dma_start3A_863] : memref<4096xi32, #tpu.memory_space<vmem>> -> memref<256xi32, #tpu.memory_space<vmem>>
        tpu.enqueue_dma source(%dma_start3A_864 : memref<256xi32, #tpu.memory_space<vmem>>) target(%dma_start3A_862 : memref<256xi32, #tpu.memory_space<vmem_shared>>) target_semaphore(%run_scoped3A : memref<!tpu.dma_semaphore, #tpu.memory_space<semaphore_mem>>)
        %dma_wait3A = arith.constant 0 : i32
        %dma_wait3A_865 = tpu.memref_slice %arg6[%dma_wait3A] : memref<4096xi32, #tpu.memory_space<vmem>> -> memref<256xi32, #tpu.memory_space<vmem>>
        %dma_wait3A_866 = arith.constant 0 : i32
        %dma_wait3A_867 = tpu.memref_slice %arg12[%arg1, %dma_wait3A_866] : memref<16x256xi32, #tpu.memory_space<vmem_shared>> -> memref<1x256xi32, #tpu.memory_space<vmem_shared>>
        %dma_wait3A_868 = tpu.memref_squeeze %dma_wait3A_867 : memref<1x256xi32, #tpu.memory_space<vmem_shared>> -> memref<256xi32, #tpu.memory_space<vmem_shared>>
        %dma_wait3A_869 = arith.constant 0 : i32
        %dma_wait3A_870 = tpu.memref_slice %arg12[%arg1, %dma_wait3A_869] : memref<16x256xi32, #tpu.memory_space<vmem_shared>> -> memref<1x256xi32, #tpu.memory_space<vmem_shared>>
        %dma_wait3A_871 = tpu.memref_squeeze %dma_wait3A_870 : memref<1x256xi32, #tpu.memory_space<vmem_shared>> -> memref<256xi32, #tpu.memory_space<vmem_shared>>
        %dma_wait3A_872 = arith.constant 0 : i32
        %dma_wait3A_873 = tpu.memref_slice %arg6[%dma_wait3A_872] : memref<4096xi32, #tpu.memory_space<vmem>> -> memref<256xi32, #tpu.memory_space<vmem>>
        tpu.wait_dma2 semaphore(%run_scoped3A : memref<!tpu.dma_semaphore, #tpu.memory_space<semaphore_mem>>) src(%dma_wait3A_873 : memref<256xi32, #tpu.memory_space<vmem>>) dst(%dma_wait3A_871 : memref<256xi32, #tpu.memory_space<vmem_shared>>)
        tpu.yield
      }) : () -> ()
      %barrier3A = arith.constant 0 : index
      tpu.barrier barrier_id(%barrier3A)
      "tpu.region"() ({
        %run_scoped3A = tpu.sem_alloc : memref<!tpu.dma_semaphore, #tpu.memory_space<semaphore_mem>>
        tpu.enqueue_dma source(%arg12 : memref<16x256xi32, #tpu.memory_space<vmem_shared>>) target(%arg8 : memref<16x256xi32, #tpu.memory_space<vmem>>) target_semaphore(%run_scoped3A : memref<!tpu.dma_semaphore, #tpu.memory_space<semaphore_mem>>)
        tpu.wait_dma2 semaphore(%run_scoped3A : memref<!tpu.dma_semaphore, #tpu.memory_space<semaphore_mem>>) src(%arg12 : memref<16x256xi32, #tpu.memory_space<vmem_shared>>) dst(%arg8 : memref<16x256xi32, #tpu.memory_space<vmem>>)
        tpu.yield
      }) : () -> ()
      %barrier3A_26 = arith.constant 0 : index
      tpu.barrier barrier_id(%barrier3A_26)
      %scan3A_27 = arith.constant 0 : i32
      %scan3A_28 = arith.constant 0 : i32
      %scan3A_29 = arith.constant 16 : i32
      %scan3A_30 = arith.addi %scan3A_28, %scan3A_29 : i32
      %scan3A_31 = arith.constant 4 : i32
      scf.for %scan3A_856 = %scan3A_28 to %scan3A_30 step %scan3A_31  : i32 {
        %mul3A_857 = arith.constant 16 : i32
        %mul3A_858 = arith.muli %scan3A_856, %mul3A_857 : i32
        %get3A_859 = arith.constant 0 : i32
        %get3A_860 = arith.index_cast %get3A_859 : i32 to index
        %get3A_861 = arith.index_cast %mul3A_858 : i32 to index
        %get3A_862 = tpu.vector_load %arg8[%get3A_860, %get3A_861] {strides = array<i32>} : memref<16x256xi32, #tpu.memory_space<vmem>>, vector<16xi32>,
        %get3A_863 = arith.constant 8 : i32
        %get3A_864 = arith.index_cast %get3A_863 : i32 to index
        %get3A_865 = arith.index_cast %mul3A_858 : i32 to index
        %get3A_866 = tpu.vector_load %arg8[%get3A_864, %get3A_865] {strides = array<i32>} : memref<16x256xi32, #tpu.memory_space<vmem>>, vector<16xi32>,
        %add3A_867 = arith.addi %get3A_862, %get3A_866 : vector<16xi32>
        %swap3A_868 = arith.constant 0 : i32
        %swap3A_869 = arith.index_cast %swap3A_868 : i32 to index
        %swap3A_870 = arith.index_cast %mul3A_858 : i32 to index
        %swap3A_871 = tpu.vector_load %arg8[%swap3A_869, %swap3A_870] {strides = array<i32>} : memref<16x256xi32, #tpu.memory_space<vmem>>, vector<16xi32>,
        tpu.vector_store %arg8[%swap3A_869, %swap3A_870], %add3A_867 {strides = array<i32>} : memref<16x256xi32, #tpu.memory_space<vmem>>, vector<16xi32>,
        %mul3A_872 = arith.constant 16 : i32
        %mul3A_873 = arith.muli %scan3A_856, %mul3A_872 : i32
        %get3A_874 = arith.constant 1 : i32
        %get3A_875 = arith.index_cast %get3A_874 : i32 to index
        %get3A_876 = arith.index_cast %mul3A_873 : i32 to index
        %get3A_877 = tpu.vector_load %arg8[%get3A_875, %get3A_876] {strides = array<i32>} : memref<16x256xi32, #tpu.memory_space<vmem>>, vector<16xi32>,
        %get3A_878 = arith.constant 9 : i32
        %get3A_879 = arith.index_cast %get3A_878 : i32 to index
        %get3A_880 = arith.index_cast %mul3A_873 : i32 to index
        %get3A_881 = tpu.vector_load %arg8[%get3A_879, %get3A_880] {strides = array<i32>} : memref<16x256xi32, #tpu.memory_space<vmem>>, vector<16xi32>,
        %add3A_882 = arith.addi %get3A_877, %get3A_881 : vector<16xi32>
        %swap3A_883 = arith.constant 1 : i32
        %swap3A_884 = arith.index_cast %swap3A_883 : i32 to index
        %swap3A_885 = arith.index_cast %mul3A_873 : i32 to index
        %swap3A_886 = tpu.vector_load %arg8[%swap3A_884, %swap3A_885] {strides = array<i32>} : memref<16x256xi32, #tpu.memory_space<vmem>>, vector<16xi32>,
        tpu.vector_store %arg8[%swap3A_884, %swap3A_885], %add3A_882 {strides = array<i32>} : memref<16x256xi32, #tpu.memory_space<vmem>>, vector<16xi32>,
        %mul3A_887 = arith.constant 16 : i32
        %mul3A_888 = arith.muli %scan3A_856, %mul3A_887 : i32
        %get3A_889 = arith.constant 2 : i32
        %get3A_890 = arith.index_cast %get3A_889 : i32 to index
        %get3A_891 = arith.index_cast %mul3A_888 : i32 to index
        %get3A_892 = tpu.vector_load %arg8[%get3A_890, %get3A_891] {strides = array<i32>} : memref<16x256xi32, #tpu.memory_space<vmem>>, vector<16xi32>,
        %get3A_893 = arith.constant 10 : i32
        %get3A_894 = arith.index_cast %get3A_893 : i32 to index
        %get3A_895 = arith.index_cast %mul3A_888 : i32 to index
        %get3A_896 = tpu.vector_load %arg8[%get3A_894, %get3A_895] {strides = array<i32>} : memref<16x256xi32, #tpu.memory_space<vmem>>, vector<16xi32>,
        %add3A_897 = arith.addi %get3A_892, %get3A_896 : vector<16xi32>
        %swap3A_898 = arith.constant 2 : i32
        %swap3A_899 = arith.index_cast %swap3A_898 : i32 to index
        %swap3A_900 = arith.index_cast %mul3A_888 : i32 to index
        %swap3A_901 = tpu.vector_load %arg8[%swap3A_899, %swap3A_900] {strides = array<i32>} : memref<16x256xi32, #tpu.memory_space<vmem>>, vector<16xi32>,
        tpu.vector_store %arg8[%swap3A_899, %swap3A_900], %add3A_897 {strides = array<i32>} : memref<16x256xi32, #tpu.memory_space<vmem>>, vector<16xi32>,
        %mul3A_902 = arith.constant 16 : i32
        %mul3A_903 = arith.muli %scan3A_856, %mul3A_902 : i32
        %get3A_904 = arith.constant 3 : i32
        %get3A_905 = arith.index_cast %get3A_904 : i32 to index
        %get3A_906 = arith.index_cast %mul3A_903 : i32 to index
        %get3A_907 = tpu.vector_load %arg8[%get3A_905, %get3A_906] {strides = array<i32>} : memref<16x256xi32, #tpu.memory_space<vmem>>, vector<16xi32>,
        %get3A_908 = arith.constant 11 : i32
        %get3A_909 = arith.index_cast %get3A_908 : i32 to index
        %get3A_910 = arith.index_cast %mul3A_903 : i32 to index
        %get3A_911 = tpu.vector_load %arg8[%get3A_909, %get3A_910] {strides = array<i32>} : memref<16x256xi32, #tpu.memory_space<vmem>>, vector<16xi32>,
        %add3A_912 = arith.addi %get3A_907, %get3A_911 : vector<16xi32>
        %swap3A_913 = arith.constant 3 : i32
        %swap3A_914 = arith.index_cast %swap3A_913 : i32 to index
        %swap3A_915 = arith.index_cast %mul3A_903 : i32 to index
        %swap3A_916 = tpu.vector_load %arg8[%swap3A_914, %swap3A_915] {strides = array<i32>} : memref<16x256xi32, #tpu.memory_space<vmem>>, vector<16xi32>,
        tpu.vector_store %arg8[%swap3A_914, %swap3A_915], %add3A_912 {strides = array<i32>} : memref<16x256xi32, #tpu.memory_space<vmem>>, vector<16xi32>,
        %mul3A_917 = arith.constant 16 : i32
        %mul3A_918 = arith.muli %scan3A_856, %mul3A_917 : i32
        %get3A_919 = arith.constant 4 : i32
        %get3A_920 = arith.index_cast %get3A_919 : i32 to index
        %get3A_921 = arith.index_cast %mul3A_918 : i32 to index
        %get3A_922 = tpu.vector_load %arg8[%get3A_920, %get3A_921] {strides = array<i32>} : memref<16x256xi32, #tpu.memory_space<vmem>>, vector<16xi32>,
        %get3A_923 = arith.constant 12 : i32
        %get3A_924 = arith.index_cast %get3A_923 : i32 to index
        %get3A_925 = arith.index_cast %mul3A_918 : i32 to index
        %get3A_926 = tpu.vector_load %arg8[%get3A_924, %get3A_925] {strides = array<i32>} : memref<16x256xi32, #tpu.memory_space<vmem>>, vector<16xi32>,
        %add3A_927 = arith.addi %get3A_922, %get3A_926 : vector<16xi32>
        %swap3A_928 = arith.constant 4 : i32
        %swap3A_929 = arith.index_cast %swap3A_928 : i32 to index
        %swap3A_930 = arith.index_cast %mul3A_918 : i32 to index
        %swap3A_931 = tpu.vector_load %arg8[%swap3A_929, %swap3A_930] {strides = array<i32>} : memref<16x256xi32, #tpu.memory_space<vmem>>, vector<16xi32>,
        tpu.vector_store %arg8[%swap3A_929, %swap3A_930], %add3A_927 {strides = array<i32>} : memref<16x256xi32, #tpu.memory_space<vmem>>, vector<16xi32>,
        %mul3A_932 = arith.constant 16 : i32
        %mul3A_933 = arith.muli %scan3A_856, %mul3A_932 : i32
        %get3A_934 = arith.constant 5 : i32
        %get3A_935 = arith.index_cast %get3A_934 : i32 to index
        %get3A_936 = arith.index_cast %mul3A_933 : i32 to index
        %get3A_937 = tpu.vector_load %arg8[%get3A_935, %get3A_936] {strides = array<i32>} : memref<16x256xi32, #tpu.memory_space<vmem>>, vector<16xi32>,
        %get3A_938 = arith.constant 13 : i32
        %get3A_939 = arith.index_cast %get3A_938 : i32 to index
        %get3A_940 = arith.index_cast %mul3A_933 : i32 to index
        %get3A_941 = tpu.vector_load %arg8[%get3A_939, %get3A_940] {strides = array<i32>} : memref<16x256xi32, #tpu.memory_space<vmem>>, vector<16xi32>,
        %add3A_942 = arith.addi %get3A_937, %get3A_941 : vector<16xi32>
        %swap3A_943 = arith.constant 5 : i32
        %swap3A_944 = arith.index_cast %swap3A_943 : i32 to index
        %swap3A_945 = arith.index_cast %mul3A_933 : i32 to index
        %swap3A_946 = tpu.vector_load %arg8[%swap3A_944, %swap3A_945] {strides = array<i32>} : memref<16x256xi32, #tpu.memory_space<vmem>>, vector<16xi32>,
        tpu.vector_store %arg8[%swap3A_944, %swap3A_945], %add3A_942 {strides = array<i32>} : memref<16x256xi32, #tpu.memory_space<vmem>>, vector<16xi32>,
        %mul3A_947 = arith.constant 16 : i32
        %mul3A_948 = arith.muli %scan3A_856, %mul3A_947 : i32
        %get3A_949 = arith.constant 6 : i32
        %get3A_950 = arith.index_cast %get3A_949 : i32 to index
        %get3A_951 = arith.index_cast %mul3A_948 : i32 to index
        %get3A_952 = tpu.vector_load %arg8[%get3A_950, %get3A_951] {strides = array<i32>} : memref<16x256xi32, #tpu.memory_space<vmem>>, vector<16xi32>,
        %get3A_953 = arith.constant 14 : i32
        %get3A_954 = arith.index_cast %get3A_953 : i32 to index
        %get3A_955 = arith.index_cast %mul3A_948 : i32 to index
        %get3A_956 = tpu.vector_load %arg8[%get3A_954, %get3A_955] {strides = array<i32>} : memref<16x256xi32, #tpu.memory_space<vmem>>, vector<16xi32>,
        %add3A_957 = arith.addi %get3A_952, %get3A_956 : vector<16xi32>
        %swap3A_958 = arith.constant 6 : i32
        %swap3A_959 = arith.index_cast %swap3A_958 : i32 to index
        %swap3A_960 = arith.index_cast %mul3A_948 : i32 to index
        %swap3A_961 = tpu.vector_load %arg8[%swap3A_959, %swap3A_960] {strides = array<i32>} : memref<16x256xi32, #tpu.memory_space<vmem>>, vector<16xi32>,
        tpu.vector_store %arg8[%swap3A_959, %swap3A_960], %add3A_957 {strides = array<i32>} : memref<16x256xi32, #tpu.memory_space<vmem>>, vector<16xi32>,
        %mul3A_962 = arith.constant 16 : i32
        %mul3A_963 = arith.muli %scan3A_856, %mul3A_962 : i32
        %get3A_964 = arith.constant 7 : i32
        %get3A_965 = arith.index_cast %get3A_964 : i32 to index
        %get3A_966 = arith.index_cast %mul3A_963 : i32 to index
        %get3A_967 = tpu.vector_load %arg8[%get3A_965, %get3A_966] {strides = array<i32>} : memref<16x256xi32, #tpu.memory_space<vmem>>, vector<16xi32>,
        %get3A_968 = arith.constant 15 : i32
        %get3A_969 = arith.index_cast %get3A_968 : i32 to index
        %get3A_970 = arith.index_cast %mul3A_963 : i32 to index
        %get3A_971 = tpu.vector_load %arg8[%get3A_969, %get3A_970] {strides = array<i32>} : memref<16x256xi32, #tpu.memory_space<vmem>>, vector<16xi32>,
        %add3A_972 = arith.addi %get3A_967, %get3A_971 : vector<16xi32>
        %swap3A_973 = arith.constant 7 : i32
        %swap3A_974 = arith.index_cast %swap3A_973 : i32 to index
        %swap3A_975 = arith.index_cast %mul3A_963 : i32 to index
        %swap3A_976 = tpu.vector_load %arg8[%swap3A_974, %swap3A_975] {strides = array<i32>} : memref<16x256xi32, #tpu.memory_space<vmem>>, vector<16xi32>,
        tpu.vector_store %arg8[%swap3A_974, %swap3A_975], %add3A_972 {strides = array<i32>} : memref<16x256xi32, #tpu.memory_space<vmem>>, vector<16xi32>,
        %mul3A_977 = arith.constant 16 : i32
        %mul3A_978 = arith.muli %scan3A_856, %mul3A_977 : i32
        %get3A_979 = arith.constant 0 : i32
        %get3A_980 = arith.index_cast %get3A_979 : i32 to index
        %get3A_981 = arith.index_cast %mul3A_978 : i32 to index
        %get3A_982 = tpu.vector_load %arg8[%get3A_980, %get3A_981] {strides = array<i32>} : memref<16x256xi32, #tpu.memory_space<vmem>>, vector<16xi32>,
        %get3A_983 = arith.constant 4 : i32
        %get3A_984 = arith.index_cast %get3A_983 : i32 to index
        %get3A_985 = arith.index_cast %mul3A_978 : i32 to index
        %get3A_986 = tpu.vector_load %arg8[%get3A_984, %get3A_985] {strides = array<i32>} : memref<16x256xi32, #tpu.memory_space<vmem>>, vector<16xi32>,
        %add3A_987 = arith.addi %get3A_982, %get3A_986 : vector<16xi32>
        %swap3A_988 = arith.constant 0 : i32
        %swap3A_989 = arith.index_cast %swap3A_988 : i32 to index
        %swap3A_990 = arith.index_cast %mul3A_978 : i32 to index
        %swap3A_991 = tpu.vector_load %arg8[%swap3A_989, %swap3A_990] {strides = array<i32>} : memref<16x256xi32, #tpu.memory_space<vmem>>, vector<16xi32>,
        tpu.vector_store %arg8[%swap3A_989, %swap3A_990], %add3A_987 {strides = array<i32>} : memref<16x256xi32, #tpu.memory_space<vmem>>, vector<16xi32>,
        %mul3A_992 = arith.constant 16 : i32
        %mul3A_993 = arith.muli %scan3A_856, %mul3A_992 : i32
        %get3A_994 = arith.constant 1 : i32
        %get3A_995 = arith.index_cast %get3A_994 : i32 to index
        %get3A_996 = arith.index_cast %mul3A_993 : i32 to index
        %get3A_997 = tpu.vector_load %arg8[%get3A_995, %get3A_996] {strides = array<i32>} : memref<16x256xi32, #tpu.memory_space<vmem>>, vector<16xi32>,
        %get3A_998 = arith.constant 5 : i32
        %get3A_999 = arith.index_cast %get3A_998 : i32 to index
        %get3A_1000 = arith.index_cast %mul3A_993 : i32 to index
        %get3A_1001 = tpu.vector_load %arg8[%get3A_999, %get3A_1000] {strides = array<i32>} : memref<16x256xi32, #tpu.memory_space<vmem>>, vector<16xi32>,
        %add3A_1002 = arith.addi %get3A_997, %get3A_1001 : vector<16xi32>
        %swap3A_1003 = arith.constant 1 : i32
        %swap3A_1004 = arith.index_cast %swap3A_1003 : i32 to index
        %swap3A_1005 = arith.index_cast %mul3A_993 : i32 to index
        %swap3A_1006 = tpu.vector_load %arg8[%swap3A_1004, %swap3A_1005] {strides = array<i32>} : memref<16x256xi32, #tpu.memory_space<vmem>>, vector<16xi32>,
        tpu.vector_store %arg8[%swap3A_1004, %swap3A_1005], %add3A_1002 {strides = array<i32>} : memref<16x256xi32, #tpu.memory_space<vmem>>, vector<16xi32>,
        %mul3A_1007 = arith.constant 16 : i32
        %mul3A_1008 = arith.muli %scan3A_856, %mul3A_1007 : i32
        %get3A_1009 = arith.constant 2 : i32
        %get3A_1010 = arith.index_cast %get3A_1009 : i32 to index
        %get3A_1011 = arith.index_cast %mul3A_1008 : i32 to index
        %get3A_1012 = tpu.vector_load %arg8[%get3A_1010, %get3A_1011] {strides = array<i32>} : memref<16x256xi32, #tpu.memory_space<vmem>>, vector<16xi32>,
        %get3A_1013 = arith.constant 6 : i32
        %get3A_1014 = arith.index_cast %get3A_1013 : i32 to index
        %get3A_1015 = arith.index_cast %mul3A_1008 : i32 to index
        %get3A_1016 = tpu.vector_load %arg8[%get3A_1014, %get3A_1015] {strides = array<i32>} : memref<16x256xi32, #tpu.memory_space<vmem>>, vector<16xi32>,
        %add3A_1017 = arith.addi %get3A_1012, %get3A_1016 : vector<16xi32>
        %swap3A_1018 = arith.constant 2 : i32
        %swap3A_1019 = arith.index_cast %swap3A_1018 : i32 to index
        %swap3A_1020 = arith.index_cast %mul3A_1008 : i32 to index
        %swap3A_1021 = tpu.vector_load %arg8[%swap3A_1019, %swap3A_1020] {strides = array<i32>} : memref<16x256xi32, #tpu.memory_space<vmem>>, vector<16xi32>,
        tpu.vector_store %arg8[%swap3A_1019, %swap3A_1020], %add3A_1017 {strides = array<i32>} : memref<16x256xi32, #tpu.memory_space<vmem>>, vector<16xi32>,
        %mul3A_1022 = arith.constant 16 : i32
        %mul3A_1023 = arith.muli %scan3A_856, %mul3A_1022 : i32
        %get3A_1024 = arith.constant 3 : i32
        %get3A_1025 = arith.index_cast %get3A_1024 : i32 to index
        %get3A_1026 = arith.index_cast %mul3A_1023 : i32 to index
        %get3A_1027 = tpu.vector_load %arg8[%get3A_1025, %get3A_1026] {strides = array<i32>} : memref<16x256xi32, #tpu.memory_space<vmem>>, vector<16xi32>,
        %get3A_1028 = arith.constant 7 : i32
        %get3A_1029 = arith.index_cast %get3A_1028 : i32 to index
        %get3A_1030 = arith.index_cast %mul3A_1023 : i32 to index
        %get3A_1031 = tpu.vector_load %arg8[%get3A_1029, %get3A_1030] {strides = array<i32>} : memref<16x256xi32, #tpu.memory_space<vmem>>, vector<16xi32>,
        %add3A_1032 = arith.addi %get3A_1027, %get3A_1031 : vector<16xi32>
        %swap3A_1033 = arith.constant 3 : i32
        %swap3A_1034 = arith.index_cast %swap3A_1033 : i32 to index
        %swap3A_1035 = arith.index_cast %mul3A_1023 : i32 to index
        %swap3A_1036 = tpu.vector_load %arg8[%swap3A_1034, %swap3A_1035] {strides = array<i32>} : memref<16x256xi32, #tpu.memory_space<vmem>>, vector<16xi32>,
        tpu.vector_store %arg8[%swap3A_1034, %swap3A_1035], %add3A_1032 {strides = array<i32>} : memref<16x256xi32, #tpu.memory_space<vmem>>, vector<16xi32>,
        %mul3A_1037 = arith.constant 16 : i32
        %mul3A_1038 = arith.muli %scan3A_856, %mul3A_1037 : i32
        %get3A_1039 = arith.constant 0 : i32
        %get3A_1040 = arith.index_cast %get3A_1039 : i32 to index
        %get3A_1041 = arith.index_cast %mul3A_1038 : i32 to index
        %get3A_1042 = tpu.vector_load %arg8[%get3A_1040, %get3A_1041] {strides = array<i32>} : memref<16x256xi32, #tpu.memory_space<vmem>>, vector<16xi32>,
        %get3A_1043 = arith.constant 2 : i32
        %get3A_1044 = arith.index_cast %get3A_1043 : i32 to index
        %get3A_1045 = arith.index_cast %mul3A_1038 : i32 to index
        %get3A_1046 = tpu.vector_load %arg8[%get3A_1044, %get3A_1045] {strides = array<i32>} : memref<16x256xi32, #tpu.memory_space<vmem>>, vector<16xi32>,
        %add3A_1047 = arith.addi %get3A_1042, %get3A_1046 : vector<16xi32>
        %swap3A_1048 = arith.constant 0 : i32
        %swap3A_1049 = arith.index_cast %swap3A_1048 : i32 to index
        %swap3A_1050 = arith.index_cast %mul3A_1038 : i32 to index
        %swap3A_1051 = tpu.vector_load %arg8[%swap3A_1049, %swap3A_1050] {strides = array<i32>} : memref<16x256xi32, #tpu.memory_space<vmem>>, vector<16xi32>,
        tpu.vector_store %arg8[%swap3A_1049, %swap3A_1050], %add3A_1047 {strides = array<i32>} : memref<16x256xi32, #tpu.memory_space<vmem>>, vector<16xi32>,
        %mul3A_1052 = arith.constant 16 : i32
        %mul3A_1053 = arith.muli %scan3A_856, %mul3A_1052 : i32
        %get3A_1054 = arith.constant 1 : i32
        %get3A_1055 = arith.index_cast %get3A_1054 : i32 to index
        %get3A_1056 = arith.index_cast %mul3A_1053 : i32 to index
        %get3A_1057 = tpu.vector_load %arg8[%get3A_1055, %get3A_1056] {strides = array<i32>} : memref<16x256xi32, #tpu.memory_space<vmem>>, vector<16xi32>,
        %get3A_1058 = arith.constant 3 : i32
        %get3A_1059 = arith.index_cast %get3A_1058 : i32 to index
        %get3A_1060 = arith.index_cast %mul3A_1053 : i32 to index
        %get3A_1061 = tpu.vector_load %arg8[%get3A_1059, %get3A_1060] {strides = array<i32>} : memref<16x256xi32, #tpu.memory_space<vmem>>, vector<16xi32>,
        %add3A_1062 = arith.addi %get3A_1057, %get3A_1061 : vector<16xi32>
        %swap3A_1063 = arith.constant 1 : i32
        %swap3A_1064 = arith.index_cast %swap3A_1063 : i32 to index
        %swap3A_1065 = arith.index_cast %mul3A_1053 : i32 to index
        %swap3A_1066 = tpu.vector_load %arg8[%swap3A_1064, %swap3A_1065] {strides = array<i32>} : memref<16x256xi32, #tpu.memory_space<vmem>>, vector<16xi32>,
        tpu.vector_store %arg8[%swap3A_1064, %swap3A_1065], %add3A_1062 {strides = array<i32>} : memref<16x256xi32, #tpu.memory_space<vmem>>, vector<16xi32>,
        %mul3A_1067 = arith.constant 16 : i32
        %mul3A_1068 = arith.muli %scan3A_856, %mul3A_1067 : i32
        %get3A_1069 = arith.constant 0 : i32
        %get3A_1070 = arith.index_cast %get3A_1069 : i32 to index
        %get3A_1071 = arith.index_cast %mul3A_1068 : i32 to index
        %get3A_1072 = tpu.vector_load %arg8[%get3A_1070, %get3A_1071] {strides = array<i32>} : memref<16x256xi32, #tpu.memory_space<vmem>>, vector<16xi32>,
        %get3A_1073 = arith.constant 1 : i32
        %get3A_1074 = arith.index_cast %get3A_1073 : i32 to index
        %get3A_1075 = arith.index_cast %mul3A_1068 : i32 to index
        %get3A_1076 = tpu.vector_load %arg8[%get3A_1074, %get3A_1075] {strides = array<i32>} : memref<16x256xi32, #tpu.memory_space<vmem>>, vector<16xi32>,
        %add3A_1077 = arith.addi %get3A_1072, %get3A_1076 : vector<16xi32>
        %swap3A_1078 = arith.constant 0 : i32
        %swap3A_1079 = arith.index_cast %swap3A_1078 : i32 to index
        %swap3A_1080 = arith.index_cast %mul3A_1068 : i32 to index
        %swap3A_1081 = tpu.vector_load %arg8[%swap3A_1079, %swap3A_1080] {strides = array<i32>} : memref<16x256xi32, #tpu.memory_space<vmem>>, vector<16xi32>,
        tpu.vector_store %arg8[%swap3A_1079, %swap3A_1080], %add3A_1077 {strides = array<i32>} : memref<16x256xi32, #tpu.memory_space<vmem>>, vector<16xi32>,
        %scan3A_1082 = arith.constant 1 : i32
        %scan3A_1083 = arith.addi %scan3A_856, %scan3A_1082 : i32
        %mul3A_1084 = arith.constant 16 : i32
        %mul3A_1085 = arith.muli %scan3A_1083, %mul3A_1084 : i32
        %get3A_1086 = arith.constant 0 : i32
        %get3A_1087 = arith.index_cast %get3A_1086 : i32 to index
        %get3A_1088 = arith.index_cast %mul3A_1085 : i32 to index
        %get3A_1089 = tpu.vector_load %arg8[%get3A_1087, %get3A_1088] {strides = array<i32>} : memref<16x256xi32, #tpu.memory_space<vmem>>, vector<16xi32>,
        %get3A_1090 = arith.constant 8 : i32
        %get3A_1091 = arith.index_cast %get3A_1090 : i32 to index
        %get3A_1092 = arith.index_cast %mul3A_1085 : i32 to index
        %get3A_1093 = tpu.vector_load %arg8[%get3A_1091, %get3A_1092] {strides = array<i32>} : memref<16x256xi32, #tpu.memory_space<vmem>>, vector<16xi32>,
        %add3A_1094 = arith.addi %get3A_1089, %get3A_1093 : vector<16xi32>
        %swap3A_1095 = arith.constant 0 : i32
        %swap3A_1096 = arith.index_cast %swap3A_1095 : i32 to index
        %swap3A_1097 = arith.index_cast %mul3A_1085 : i32 to index
        %swap3A_1098 = tpu.vector_load %arg8[%swap3A_1096, %swap3A_1097] {strides = array<i32>} : memref<16x256xi32, #tpu.memory_space<vmem>>, vector<16xi32>,
        tpu.vector_store %arg8[%swap3A_1096, %swap3A_1097], %add3A_1094 {strides = array<i32>} : memref<16x256xi32, #tpu.memory_space<vmem>>, vector<16xi32>,
        %mul3A_1099 = arith.constant 16 : i32
        %mul3A_1100 = arith.muli %scan3A_1083, %mul3A_1099 : i32
        %get3A_1101 = arith.constant 1 : i32
        %get3A_1102 = arith.index_cast %get3A_1101 : i32 to index
        %get3A_1103 = arith.index_cast %mul3A_1100 : i32 to index
        %get3A_1104 = tpu.vector_load %arg8[%get3A_1102, %get3A_1103] {strides = array<i32>} : memref<16x256xi32, #tpu.memory_space<vmem>>, vector<16xi32>,
        %get3A_1105 = arith.constant 9 : i32
        %get3A_1106 = arith.index_cast %get3A_1105 : i32 to index
        %get3A_1107 = arith.index_cast %mul3A_1100 : i32 to index
        %get3A_1108 = tpu.vector_load %arg8[%get3A_1106, %get3A_1107] {strides = array<i32>} : memref<16x256xi32, #tpu.memory_space<vmem>>, vector<16xi32>,
        %add3A_1109 = arith.addi %get3A_1104, %get3A_1108 : vector<16xi32>
        %swap3A_1110 = arith.constant 1 : i32
        %swap3A_1111 = arith.index_cast %swap3A_1110 : i32 to index
        %swap3A_1112 = arith.index_cast %mul3A_1100 : i32 to index
        %swap3A_1113 = tpu.vector_load %arg8[%swap3A_1111, %swap3A_1112] {strides = array<i32>} : memref<16x256xi32, #tpu.memory_space<vmem>>, vector<16xi32>,
        tpu.vector_store %arg8[%swap3A_1111, %swap3A_1112], %add3A_1109 {strides = array<i32>} : memref<16x256xi32, #tpu.memory_space<vmem>>, vector<16xi32>,
        %mul3A_1114 = arith.constant 16 : i32
        %mul3A_1115 = arith.muli %scan3A_1083, %mul3A_1114 : i32
        %get3A_1116 = arith.constant 2 : i32
        %get3A_1117 = arith.index_cast %get3A_1116 : i32 to index
        %get3A_1118 = arith.index_cast %mul3A_1115 : i32 to index
        %get3A_1119 = tpu.vector_load %arg8[%get3A_1117, %get3A_1118] {strides = array<i32>} : memref<16x256xi32, #tpu.memory_space<vmem>>, vector<16xi32>,
        %get3A_1120 = arith.constant 10 : i32
        %get3A_1121 = arith.index_cast %get3A_1120 : i32 to index
        %get3A_1122 = arith.index_cast %mul3A_1115 : i32 to index
        %get3A_1123 = tpu.vector_load %arg8[%get3A_1121, %get3A_1122] {strides = array<i32>} : memref<16x256xi32, #tpu.memory_space<vmem>>, vector<16xi32>,
        %add3A_1124 = arith.addi %get3A_1119, %get3A_1123 : vector<16xi32>
        %swap3A_1125 = arith.constant 2 : i32
        %swap3A_1126 = arith.index_cast %swap3A_1125 : i32 to index
        %swap3A_1127 = arith.index_cast %mul3A_1115 : i32 to index
        %swap3A_1128 = tpu.vector_load %arg8[%swap3A_1126, %swap3A_1127] {strides = array<i32>} : memref<16x256xi32, #tpu.memory_space<vmem>>, vector<16xi32>,
        tpu.vector_store %arg8[%swap3A_1126, %swap3A_1127], %add3A_1124 {strides = array<i32>} : memref<16x256xi32, #tpu.memory_space<vmem>>, vector<16xi32>,
        %mul3A_1129 = arith.constant 16 : i32
        %mul3A_1130 = arith.muli %scan3A_1083, %mul3A_1129 : i32
        %get3A_1131 = arith.constant 3 : i32
        %get3A_1132 = arith.index_cast %get3A_1131 : i32 to index
        %get3A_1133 = arith.index_cast %mul3A_1130 : i32 to index
        %get3A_1134 = tpu.vector_load %arg8[%get3A_1132, %get3A_1133] {strides = array<i32>} : memref<16x256xi32, #tpu.memory_space<vmem>>, vector<16xi32>,
        %get3A_1135 = arith.constant 11 : i32
        %get3A_1136 = arith.index_cast %get3A_1135 : i32 to index
        %get3A_1137 = arith.index_cast %mul3A_1130 : i32 to index
        %get3A_1138 = tpu.vector_load %arg8[%get3A_1136, %get3A_1137] {strides = array<i32>} : memref<16x256xi32, #tpu.memory_space<vmem>>, vector<16xi32>,
        %add3A_1139 = arith.addi %get3A_1134, %get3A_1138 : vector<16xi32>
        %swap3A_1140 = arith.constant 3 : i32
        %swap3A_1141 = arith.index_cast %swap3A_1140 : i32 to index
        %swap3A_1142 = arith.index_cast %mul3A_1130 : i32 to index
        %swap3A_1143 = tpu.vector_load %arg8[%swap3A_1141, %swap3A_1142] {strides = array<i32>} : memref<16x256xi32, #tpu.memory_space<vmem>>, vector<16xi32>,
        tpu.vector_store %arg8[%swap3A_1141, %swap3A_1142], %add3A_1139 {strides = array<i32>} : memref<16x256xi32, #tpu.memory_space<vmem>>, vector<16xi32>,
        %mul3A_1144 = arith.constant 16 : i32
        %mul3A_1145 = arith.muli %scan3A_1083, %mul3A_1144 : i32
        %get3A_1146 = arith.constant 4 : i32
        %get3A_1147 = arith.index_cast %get3A_1146 : i32 to index
        %get3A_1148 = arith.index_cast %mul3A_1145 : i32 to index
        %get3A_1149 = tpu.vector_load %arg8[%get3A_1147, %get3A_1148] {strides = array<i32>} : memref<16x256xi32, #tpu.memory_space<vmem>>, vector<16xi32>,
        %get3A_1150 = arith.constant 12 : i32
        %get3A_1151 = arith.index_cast %get3A_1150 : i32 to index
        %get3A_1152 = arith.index_cast %mul3A_1145 : i32 to index
        %get3A_1153 = tpu.vector_load %arg8[%get3A_1151, %get3A_1152] {strides = array<i32>} : memref<16x256xi32, #tpu.memory_space<vmem>>, vector<16xi32>,
        %add3A_1154 = arith.addi %get3A_1149, %get3A_1153 : vector<16xi32>
        %swap3A_1155 = arith.constant 4 : i32
        %swap3A_1156 = arith.index_cast %swap3A_1155 : i32 to index
        %swap3A_1157 = arith.index_cast %mul3A_1145 : i32 to index
        %swap3A_1158 = tpu.vector_load %arg8[%swap3A_1156, %swap3A_1157] {strides = array<i32>} : memref<16x256xi32, #tpu.memory_space<vmem>>, vector<16xi32>,
        tpu.vector_store %arg8[%swap3A_1156, %swap3A_1157], %add3A_1154 {strides = array<i32>} : memref<16x256xi32, #tpu.memory_space<vmem>>, vector<16xi32>,
        %mul3A_1159 = arith.constant 16 : i32
        %mul3A_1160 = arith.muli %scan3A_1083, %mul3A_1159 : i32
        %get3A_1161 = arith.constant 5 : i32
        %get3A_1162 = arith.index_cast %get3A_1161 : i32 to index
        %get3A_1163 = arith.index_cast %mul3A_1160 : i32 to index
        %get3A_1164 = tpu.vector_load %arg8[%get3A_1162, %get3A_1163] {strides = array<i32>} : memref<16x256xi32, #tpu.memory_space<vmem>>, vector<16xi32>,
        %get3A_1165 = arith.constant 13 : i32
        %get3A_1166 = arith.index_cast %get3A_1165 : i32 to index
        %get3A_1167 = arith.index_cast %mul3A_1160 : i32 to index
        %get3A_1168 = tpu.vector_load %arg8[%get3A_1166, %get3A_1167] {strides = array<i32>} : memref<16x256xi32, #tpu.memory_space<vmem>>, vector<16xi32>,
        %add3A_1169 = arith.addi %get3A_1164, %get3A_1168 : vector<16xi32>
        %swap3A_1170 = arith.constant 5 : i32
        %swap3A_1171 = arith.index_cast %swap3A_1170 : i32 to index
        %swap3A_1172 = arith.index_cast %mul3A_1160 : i32 to index
        %swap3A_1173 = tpu.vector_load %arg8[%swap3A_1171, %swap3A_1172] {strides = array<i32>} : memref<16x256xi32, #tpu.memory_space<vmem>>, vector<16xi32>,
        tpu.vector_store %arg8[%swap3A_1171, %swap3A_1172], %add3A_1169 {strides = array<i32>} : memref<16x256xi32, #tpu.memory_space<vmem>>, vector<16xi32>,
        %mul3A_1174 = arith.constant 16 : i32
        %mul3A_1175 = arith.muli %scan3A_1083, %mul3A_1174 : i32
        %get3A_1176 = arith.constant 6 : i32
        %get3A_1177 = arith.index_cast %get3A_1176 : i32 to index
        %get3A_1178 = arith.index_cast %mul3A_1175 : i32 to index
        %get3A_1179 = tpu.vector_load %arg8[%get3A_1177, %get3A_1178] {strides = array<i32>} : memref<16x256xi32, #tpu.memory_space<vmem>>, vector<16xi32>,
        %get3A_1180 = arith.constant 14 : i32
        %get3A_1181 = arith.index_cast %get3A_1180 : i32 to index
        %get3A_1182 = arith.index_cast %mul3A_1175 : i32 to index
        %get3A_1183 = tpu.vector_load %arg8[%get3A_1181, %get3A_1182] {strides = array<i32>} : memref<16x256xi32, #tpu.memory_space<vmem>>, vector<16xi32>,
        %add3A_1184 = arith.addi %get3A_1179, %get3A_1183 : vector<16xi32>
        %swap3A_1185 = arith.constant 6 : i32
        %swap3A_1186 = arith.index_cast %swap3A_1185 : i32 to index
        %swap3A_1187 = arith.index_cast %mul3A_1175 : i32 to index
        %swap3A_1188 = tpu.vector_load %arg8[%swap3A_1186, %swap3A_1187] {strides = array<i32>} : memref<16x256xi32, #tpu.memory_space<vmem>>, vector<16xi32>,
        tpu.vector_store %arg8[%swap3A_1186, %swap3A_1187], %add3A_1184 {strides = array<i32>} : memref<16x256xi32, #tpu.memory_space<vmem>>, vector<16xi32>,
        %mul3A_1189 = arith.constant 16 : i32
        %mul3A_1190 = arith.muli %scan3A_1083, %mul3A_1189 : i32
        %get3A_1191 = arith.constant 7 : i32
        %get3A_1192 = arith.index_cast %get3A_1191 : i32 to index
        %get3A_1193 = arith.index_cast %mul3A_1190 : i32 to index
        %get3A_1194 = tpu.vector_load %arg8[%get3A_1192, %get3A_1193] {strides = array<i32>} : memref<16x256xi32, #tpu.memory_space<vmem>>, vector<16xi32>,
        %get3A_1195 = arith.constant 15 : i32
        %get3A_1196 = arith.index_cast %get3A_1195 : i32 to index
        %get3A_1197 = arith.index_cast %mul3A_1190 : i32 to index
        %get3A_1198 = tpu.vector_load %arg8[%get3A_1196, %get3A_1197] {strides = array<i32>} : memref<16x256xi32, #tpu.memory_space<vmem>>, vector<16xi32>,
        %add3A_1199 = arith.addi %get3A_1194, %get3A_1198 : vector<16xi32>
        %swap3A_1200 = arith.constant 7 : i32
        %swap3A_1201 = arith.index_cast %swap3A_1200 : i32 to index
        %swap3A_1202 = arith.index_cast %mul3A_1190 : i32 to index
        %swap3A_1203 = tpu.vector_load %arg8[%swap3A_1201, %swap3A_1202] {strides = array<i32>} : memref<16x256xi32, #tpu.memory_space<vmem>>, vector<16xi32>,
        tpu.vector_store %arg8[%swap3A_1201, %swap3A_1202], %add3A_1199 {strides = array<i32>} : memref<16x256xi32, #tpu.memory_space<vmem>>, vector<16xi32>,
        %mul3A_1204 = arith.constant 16 : i32
        %mul3A_1205 = arith.muli %scan3A_1083, %mul3A_1204 : i32
        %get3A_1206 = arith.constant 0 : i32
        %get3A_1207 = arith.index_cast %get3A_1206 : i32 to index
        %get3A_1208 = arith.index_cast %mul3A_1205 : i32 to index
        %get3A_1209 = tpu.vector_load %arg8[%get3A_1207, %get3A_1208] {strides = array<i32>} : memref<16x256xi32, #tpu.memory_space<vmem>>, vector<16xi32>,
        %get3A_1210 = arith.constant 4 : i32
        %get3A_1211 = arith.index_cast %get3A_1210 : i32 to index
        %get3A_1212 = arith.index_cast %mul3A_1205 : i32 to index
        %get3A_1213 = tpu.vector_load %arg8[%get3A_1211, %get3A_1212] {strides = array<i32>} : memref<16x256xi32, #tpu.memory_space<vmem>>, vector<16xi32>,
        %add3A_1214 = arith.addi %get3A_1209, %get3A_1213 : vector<16xi32>
        %swap3A_1215 = arith.constant 0 : i32
        %swap3A_1216 = arith.index_cast %swap3A_1215 : i32 to index
        %swap3A_1217 = arith.index_cast %mul3A_1205 : i32 to index
        %swap3A_1218 = tpu.vector_load %arg8[%swap3A_1216, %swap3A_1217] {strides = array<i32>} : memref<16x256xi32, #tpu.memory_space<vmem>>, vector<16xi32>,
        tpu.vector_store %arg8[%swap3A_1216, %swap3A_1217], %add3A_1214 {strides = array<i32>} : memref<16x256xi32, #tpu.memory_space<vmem>>, vector<16xi32>,
        %mul3A_1219 = arith.constant 16 : i32
        %mul3A_1220 = arith.muli %scan3A_1083, %mul3A_1219 : i32
        %get3A_1221 = arith.constant 1 : i32
        %get3A_1222 = arith.index_cast %get3A_1221 : i32 to index
        %get3A_1223 = arith.index_cast %mul3A_1220 : i32 to index
        %get3A_1224 = tpu.vector_load %arg8[%get3A_1222, %get3A_1223] {strides = array<i32>} : memref<16x256xi32, #tpu.memory_space<vmem>>, vector<16xi32>,
        %get3A_1225 = arith.constant 5 : i32
        %get3A_1226 = arith.index_cast %get3A_1225 : i32 to index
        %get3A_1227 = arith.index_cast %mul3A_1220 : i32 to index
        %get3A_1228 = tpu.vector_load %arg8[%get3A_1226, %get3A_1227] {strides = array<i32>} : memref<16x256xi32, #tpu.memory_space<vmem>>, vector<16xi32>,
        %add3A_1229 = arith.addi %get3A_1224, %get3A_1228 : vector<16xi32>
        %swap3A_1230 = arith.constant 1 : i32
        %swap3A_1231 = arith.index_cast %swap3A_1230 : i32 to index
        %swap3A_1232 = arith.index_cast %mul3A_1220 : i32 to index
        %swap3A_1233 = tpu.vector_load %arg8[%swap3A_1231, %swap3A_1232] {strides = array<i32>} : memref<16x256xi32, #tpu.memory_space<vmem>>, vector<16xi32>,
        tpu.vector_store %arg8[%swap3A_1231, %swap3A_1232], %add3A_1229 {strides = array<i32>} : memref<16x256xi32, #tpu.memory_space<vmem>>, vector<16xi32>,
        %mul3A_1234 = arith.constant 16 : i32
        %mul3A_1235 = arith.muli %scan3A_1083, %mul3A_1234 : i32
        %get3A_1236 = arith.constant 2 : i32
        %get3A_1237 = arith.index_cast %get3A_1236 : i32 to index
        %get3A_1238 = arith.index_cast %mul3A_1235 : i32 to index
        %get3A_1239 = tpu.vector_load %arg8[%get3A_1237, %get3A_1238] {strides = array<i32>} : memref<16x256xi32, #tpu.memory_space<vmem>>, vector<16xi32>,
        %get3A_1240 = arith.constant 6 : i32
        %get3A_1241 = arith.index_cast %get3A_1240 : i32 to index
        %get3A_1242 = arith.index_cast %mul3A_1235 : i32 to index
        %get3A_1243 = tpu.vector_load %arg8[%get3A_1241, %get3A_1242] {strides = array<i32>} : memref<16x256xi32, #tpu.memory_space<vmem>>, vector<16xi32>,
        %add3A_1244 = arith.addi %get3A_1239, %get3A_1243 : vector<16xi32>
        %swap3A_1245 = arith.constant 2 : i32
        %swap3A_1246 = arith.index_cast %swap3A_1245 : i32 to index
        %swap3A_1247 = arith.index_cast %mul3A_1235 : i32 to index
        %swap3A_1248 = tpu.vector_load %arg8[%swap3A_1246, %swap3A_1247] {strides = array<i32>} : memref<16x256xi32, #tpu.memory_space<vmem>>, vector<16xi32>,
        tpu.vector_store %arg8[%swap3A_1246, %swap3A_1247], %add3A_1244 {strides = array<i32>} : memref<16x256xi32, #tpu.memory_space<vmem>>, vector<16xi32>,
        %mul3A_1249 = arith.constant 16 : i32
        %mul3A_1250 = arith.muli %scan3A_1083, %mul3A_1249 : i32
        %get3A_1251 = arith.constant 3 : i32
        %get3A_1252 = arith.index_cast %get3A_1251 : i32 to index
        %get3A_1253 = arith.index_cast %mul3A_1250 : i32 to index
        %get3A_1254 = tpu.vector_load %arg8[%get3A_1252, %get3A_1253] {strides = array<i32>} : memref<16x256xi32, #tpu.memory_space<vmem>>, vector<16xi32>,
        %get3A_1255 = arith.constant 7 : i32
        %get3A_1256 = arith.index_cast %get3A_1255 : i32 to index
        %get3A_1257 = arith.index_cast %mul3A_1250 : i32 to index
        %get3A_1258 = tpu.vector_load %arg8[%get3A_1256, %get3A_1257] {strides = array<i32>} : memref<16x256xi32, #tpu.memory_space<vmem>>, vector<16xi32>,
        %add3A_1259 = arith.addi %get3A_1254, %get3A_1258 : vector<16xi32>
        %swap3A_1260 = arith.constant 3 : i32
        %swap3A_1261 = arith.index_cast %swap3A_1260 : i32 to index
        %swap3A_1262 = arith.index_cast %mul3A_1250 : i32 to index
        %swap3A_1263 = tpu.vector_load %arg8[%swap3A_1261, %swap3A_1262] {strides = array<i32>} : memref<16x256xi32, #tpu.memory_space<vmem>>, vector<16xi32>,
        tpu.vector_store %arg8[%swap3A_1261, %swap3A_1262], %add3A_1259 {strides = array<i32>} : memref<16x256xi32, #tpu.memory_space<vmem>>, vector<16xi32>,
        %mul3A_1264 = arith.constant 16 : i32
        %mul3A_1265 = arith.muli %scan3A_1083, %mul3A_1264 : i32
        %get3A_1266 = arith.constant 0 : i32
        %get3A_1267 = arith.index_cast %get3A_1266 : i32 to index
        %get3A_1268 = arith.index_cast %mul3A_1265 : i32 to index
        %get3A_1269 = tpu.vector_load %arg8[%get3A_1267, %get3A_1268] {strides = array<i32>} : memref<16x256xi32, #tpu.memory_space<vmem>>, vector<16xi32>,
        %get3A_1270 = arith.constant 2 : i32
        %get3A_1271 = arith.index_cast %get3A_1270 : i32 to index
        %get3A_1272 = arith.index_cast %mul3A_1265 : i32 to index
        %get3A_1273 = tpu.vector_load %arg8[%get3A_1271, %get3A_1272] {strides = array<i32>} : memref<16x256xi32, #tpu.memory_space<vmem>>, vector<16xi32>,
        %add3A_1274 = arith.addi %get3A_1269, %get3A_1273 : vector<16xi32>
        %swap3A_1275 = arith.constant 0 : i32
        %swap3A_1276 = arith.index_cast %swap3A_1275 : i32 to index
        %swap3A_1277 = arith.index_cast %mul3A_1265 : i32 to index
        %swap3A_1278 = tpu.vector_load %arg8[%swap3A_1276, %swap3A_1277] {strides = array<i32>} : memref<16x256xi32, #tpu.memory_space<vmem>>, vector<16xi32>,
        tpu.vector_store %arg8[%swap3A_1276, %swap3A_1277], %add3A_1274 {strides = array<i32>} : memref<16x256xi32, #tpu.memory_space<vmem>>, vector<16xi32>,
        %mul3A_1279 = arith.constant 16 : i32
        %mul3A_1280 = arith.muli %scan3A_1083, %mul3A_1279 : i32
        %get3A_1281 = arith.constant 1 : i32
        %get3A_1282 = arith.index_cast %get3A_1281 : i32 to index
        %get3A_1283 = arith.index_cast %mul3A_1280 : i32 to index
        %get3A_1284 = tpu.vector_load %arg8[%get3A_1282, %get3A_1283] {strides = array<i32>} : memref<16x256xi32, #tpu.memory_space<vmem>>, vector<16xi32>,
        %get3A_1285 = arith.constant 3 : i32
        %get3A_1286 = arith.index_cast %get3A_1285 : i32 to index
        %get3A_1287 = arith.index_cast %mul3A_1280 : i32 to index
        %get3A_1288 = tpu.vector_load %arg8[%get3A_1286, %get3A_1287] {strides = array<i32>} : memref<16x256xi32, #tpu.memory_space<vmem>>, vector<16xi32>,
        %add3A_1289 = arith.addi %get3A_1284, %get3A_1288 : vector<16xi32>
        %swap3A_1290 = arith.constant 1 : i32
        %swap3A_1291 = arith.index_cast %swap3A_1290 : i32 to index
        %swap3A_1292 = arith.index_cast %mul3A_1280 : i32 to index
        %swap3A_1293 = tpu.vector_load %arg8[%swap3A_1291, %swap3A_1292] {strides = array<i32>} : memref<16x256xi32, #tpu.memory_space<vmem>>, vector<16xi32>,
        tpu.vector_store %arg8[%swap3A_1291, %swap3A_1292], %add3A_1289 {strides = array<i32>} : memref<16x256xi32, #tpu.memory_space<vmem>>, vector<16xi32>,
        %mul3A_1294 = arith.constant 16 : i32
        %mul3A_1295 = arith.muli %scan3A_1083, %mul3A_1294 : i32
        %get3A_1296 = arith.constant 0 : i32
        %get3A_1297 = arith.index_cast %get3A_1296 : i32 to index
        %get3A_1298 = arith.index_cast %mul3A_1295 : i32 to index
        %get3A_1299 = tpu.vector_load %arg8[%get3A_1297, %get3A_1298] {strides = array<i32>} : memref<16x256xi32, #tpu.memory_space<vmem>>, vector<16xi32>,
        %get3A_1300 = arith.constant 1 : i32
        %get3A_1301 = arith.index_cast %get3A_1300 : i32 to index
        %get3A_1302 = arith.index_cast %mul3A_1295 : i32 to index
        %get3A_1303 = tpu.vector_load %arg8[%get3A_1301, %get3A_1302] {strides = array<i32>} : memref<16x256xi32, #tpu.memory_space<vmem>>, vector<16xi32>,
        %add3A_1304 = arith.addi %get3A_1299, %get3A_1303 : vector<16xi32>
        %swap3A_1305 = arith.constant 0 : i32
        %swap3A_1306 = arith.index_cast %swap3A_1305 : i32 to index
        %swap3A_1307 = arith.index_cast %mul3A_1295 : i32 to index
        %swap3A_1308 = tpu.vector_load %arg8[%swap3A_1306, %swap3A_1307] {strides = array<i32>} : memref<16x256xi32, #tpu.memory_space<vmem>>, vector<16xi32>,
        tpu.vector_store %arg8[%swap3A_1306, %swap3A_1307], %add3A_1304 {strides = array<i32>} : memref<16x256xi32, #tpu.memory_space<vmem>>, vector<16xi32>,
        %scan3A_1309 = arith.constant 2 : i32
        %scan3A_1310 = arith.addi %scan3A_856, %scan3A_1309 : i32
        %mul3A_1311 = arith.constant 16 : i32
        %mul3A_1312 = arith.muli %scan3A_1310, %mul3A_1311 : i32
        %get3A_1313 = arith.constant 0 : i32
        %get3A_1314 = arith.index_cast %get3A_1313 : i32 to index
        %get3A_1315 = arith.index_cast %mul3A_1312 : i32 to index
        %get3A_1316 = tpu.vector_load %arg8[%get3A_1314, %get3A_1315] {strides = array<i32>} : memref<16x256xi32, #tpu.memory_space<vmem>>, vector<16xi32>,
        %get3A_1317 = arith.constant 8 : i32
        %get3A_1318 = arith.index_cast %get3A_1317 : i32 to index
        %get3A_1319 = arith.index_cast %mul3A_1312 : i32 to index
        %get3A_1320 = tpu.vector_load %arg8[%get3A_1318, %get3A_1319] {strides = array<i32>} : memref<16x256xi32, #tpu.memory_space<vmem>>, vector<16xi32>,
        %add3A_1321 = arith.addi %get3A_1316, %get3A_1320 : vector<16xi32>
        %swap3A_1322 = arith.constant 0 : i32
        %swap3A_1323 = arith.index_cast %swap3A_1322 : i32 to index
        %swap3A_1324 = arith.index_cast %mul3A_1312 : i32 to index
        %swap3A_1325 = tpu.vector_load %arg8[%swap3A_1323, %swap3A_1324] {strides = array<i32>} : memref<16x256xi32, #tpu.memory_space<vmem>>, vector<16xi32>,
        tpu.vector_store %arg8[%swap3A_1323, %swap3A_1324], %add3A_1321 {strides = array<i32>} : memref<16x256xi32, #tpu.memory_space<vmem>>, vector<16xi32>,
        %mul3A_1326 = arith.constant 16 : i32
        %mul3A_1327 = arith.muli %scan3A_1310, %mul3A_1326 : i32
        %get3A_1328 = arith.constant 1 : i32
        %get3A_1329 = arith.index_cast %get3A_1328 : i32 to index
        %get3A_1330 = arith.index_cast %mul3A_1327 : i32 to index
        %get3A_1331 = tpu.vector_load %arg8[%get3A_1329, %get3A_1330] {strides = array<i32>} : memref<16x256xi32, #tpu.memory_space<vmem>>, vector<16xi32>,
        %get3A_1332 = arith.constant 9 : i32
        %get3A_1333 = arith.index_cast %get3A_1332 : i32 to index
        %get3A_1334 = arith.index_cast %mul3A_1327 : i32 to index
        %get3A_1335 = tpu.vector_load %arg8[%get3A_1333, %get3A_1334] {strides = array<i32>} : memref<16x256xi32, #tpu.memory_space<vmem>>, vector<16xi32>,
        %add3A_1336 = arith.addi %get3A_1331, %get3A_1335 : vector<16xi32>
        %swap3A_1337 = arith.constant 1 : i32
        %swap3A_1338 = arith.index_cast %swap3A_1337 : i32 to index
        %swap3A_1339 = arith.index_cast %mul3A_1327 : i32 to index
        %swap3A_1340 = tpu.vector_load %arg8[%swap3A_1338, %swap3A_1339] {strides = array<i32>} : memref<16x256xi32, #tpu.memory_space<vmem>>, vector<16xi32>,
        tpu.vector_store %arg8[%swap3A_1338, %swap3A_1339], %add3A_1336 {strides = array<i32>} : memref<16x256xi32, #tpu.memory_space<vmem>>, vector<16xi32>,
        %mul3A_1341 = arith.constant 16 : i32
        %mul3A_1342 = arith.muli %scan3A_1310, %mul3A_1341 : i32
        %get3A_1343 = arith.constant 2 : i32
        %get3A_1344 = arith.index_cast %get3A_1343 : i32 to index
        %get3A_1345 = arith.index_cast %mul3A_1342 : i32 to index
        %get3A_1346 = tpu.vector_load %arg8[%get3A_1344, %get3A_1345] {strides = array<i32>} : memref<16x256xi32, #tpu.memory_space<vmem>>, vector<16xi32>,
        %get3A_1347 = arith.constant 10 : i32
        %get3A_1348 = arith.index_cast %get3A_1347 : i32 to index
        %get3A_1349 = arith.index_cast %mul3A_1342 : i32 to index
        %get3A_1350 = tpu.vector_load %arg8[%get3A_1348, %get3A_1349] {strides = array<i32>} : memref<16x256xi32, #tpu.memory_space<vmem>>, vector<16xi32>,
        %add3A_1351 = arith.addi %get3A_1346, %get3A_1350 : vector<16xi32>
        %swap3A_1352 = arith.constant 2 : i32
        %swap3A_1353 = arith.index_cast %swap3A_1352 : i32 to index
        %swap3A_1354 = arith.index_cast %mul3A_1342 : i32 to index
        %swap3A_1355 = tpu.vector_load %arg8[%swap3A_1353, %swap3A_1354] {strides = array<i32>} : memref<16x256xi32, #tpu.memory_space<vmem>>, vector<16xi32>,
        tpu.vector_store %arg8[%swap3A_1353, %swap3A_1354], %add3A_1351 {strides = array<i32>} : memref<16x256xi32, #tpu.memory_space<vmem>>, vector<16xi32>,
        %mul3A_1356 = arith.constant 16 : i32
        %mul3A_1357 = arith.muli %scan3A_1310, %mul3A_1356 : i32
        %get3A_1358 = arith.constant 3 : i32
        %get3A_1359 = arith.index_cast %get3A_1358 : i32 to index
        %get3A_1360 = arith.index_cast %mul3A_1357 : i32 to index
        %get3A_1361 = tpu.vector_load %arg8[%get3A_1359, %get3A_1360] {strides = array<i32>} : memref<16x256xi32, #tpu.memory_space<vmem>>, vector<16xi32>,
        %get3A_1362 = arith.constant 11 : i32
        %get3A_1363 = arith.index_cast %get3A_1362 : i32 to index
        %get3A_1364 = arith.index_cast %mul3A_1357 : i32 to index
        %get3A_1365 = tpu.vector_load %arg8[%get3A_1363, %get3A_1364] {strides = array<i32>} : memref<16x256xi32, #tpu.memory_space<vmem>>, vector<16xi32>,
        %add3A_1366 = arith.addi %get3A_1361, %get3A_1365 : vector<16xi32>
        %swap3A_1367 = arith.constant 3 : i32
        %swap3A_1368 = arith.index_cast %swap3A_1367 : i32 to index
        %swap3A_1369 = arith.index_cast %mul3A_1357 : i32 to index
        %swap3A_1370 = tpu.vector_load %arg8[%swap3A_1368, %swap3A_1369] {strides = array<i32>} : memref<16x256xi32, #tpu.memory_space<vmem>>, vector<16xi32>,
        tpu.vector_store %arg8[%swap3A_1368, %swap3A_1369], %add3A_1366 {strides = array<i32>} : memref<16x256xi32, #tpu.memory_space<vmem>>, vector<16xi32>,
        %mul3A_1371 = arith.constant 16 : i32
        %mul3A_1372 = arith.muli %scan3A_1310, %mul3A_1371 : i32
        %get3A_1373 = arith.constant 4 : i32
        %get3A_1374 = arith.index_cast %get3A_1373 : i32 to index
        %get3A_1375 = arith.index_cast %mul3A_1372 : i32 to index
        %get3A_1376 = tpu.vector_load %arg8[%get3A_1374, %get3A_1375] {strides = array<i32>} : memref<16x256xi32, #tpu.memory_space<vmem>>, vector<16xi32>,
        %get3A_1377 = arith.constant 12 : i32
        %get3A_1378 = arith.index_cast %get3A_1377 : i32 to index
        %get3A_1379 = arith.index_cast %mul3A_1372 : i32 to index
        %get3A_1380 = tpu.vector_load %arg8[%get3A_1378, %get3A_1379] {strides = array<i32>} : memref<16x256xi32, #tpu.memory_space<vmem>>, vector<16xi32>,
        %add3A_1381 = arith.addi %get3A_1376, %get3A_1380 : vector<16xi32>
        %swap3A_1382 = arith.constant 4 : i32
        %swap3A_1383 = arith.index_cast %swap3A_1382 : i32 to index
        %swap3A_1384 = arith.index_cast %mul3A_1372 : i32 to index
        %swap3A_1385 = tpu.vector_load %arg8[%swap3A_1383, %swap3A_1384] {strides = array<i32>} : memref<16x256xi32, #tpu.memory_space<vmem>>, vector<16xi32>,
        tpu.vector_store %arg8[%swap3A_1383, %swap3A_1384], %add3A_1381 {strides = array<i32>} : memref<16x256xi32, #tpu.memory_space<vmem>>, vector<16xi32>,
        %mul3A_1386 = arith.constant 16 : i32
        %mul3A_1387 = arith.muli %scan3A_1310, %mul3A_1386 : i32
        %get3A_1388 = arith.constant 5 : i32
        %get3A_1389 = arith.index_cast %get3A_1388 : i32 to index
        %get3A_1390 = arith.index_cast %mul3A_1387 : i32 to index
        %get3A_1391 = tpu.vector_load %arg8[%get3A_1389, %get3A_1390] {strides = array<i32>} : memref<16x256xi32, #tpu.memory_space<vmem>>, vector<16xi32>,
        %get3A_1392 = arith.constant 13 : i32
        %get3A_1393 = arith.index_cast %get3A_1392 : i32 to index
        %get3A_1394 = arith.index_cast %mul3A_1387 : i32 to index
        %get3A_1395 = tpu.vector_load %arg8[%get3A_1393, %get3A_1394] {strides = array<i32>} : memref<16x256xi32, #tpu.memory_space<vmem>>, vector<16xi32>,
        %add3A_1396 = arith.addi %get3A_1391, %get3A_1395 : vector<16xi32>
        %swap3A_1397 = arith.constant 5 : i32
        %swap3A_1398 = arith.index_cast %swap3A_1397 : i32 to index
        %swap3A_1399 = arith.index_cast %mul3A_1387 : i32 to index
        %swap3A_1400 = tpu.vector_load %arg8[%swap3A_1398, %swap3A_1399] {strides = array<i32>} : memref<16x256xi32, #tpu.memory_space<vmem>>, vector<16xi32>,
        tpu.vector_store %arg8[%swap3A_1398, %swap3A_1399], %add3A_1396 {strides = array<i32>} : memref<16x256xi32, #tpu.memory_space<vmem>>, vector<16xi32>,
        %mul3A_1401 = arith.constant 16 : i32
        %mul3A_1402 = arith.muli %scan3A_1310, %mul3A_1401 : i32
        %get3A_1403 = arith.constant 6 : i32
        %get3A_1404 = arith.index_cast %get3A_1403 : i32 to index
        %get3A_1405 = arith.index_cast %mul3A_1402 : i32 to index
        %get3A_1406 = tpu.vector_load %arg8[%get3A_1404, %get3A_1405] {strides = array<i32>} : memref<16x256xi32, #tpu.memory_space<vmem>>, vector<16xi32>,
        %get3A_1407 = arith.constant 14 : i32
        %get3A_1408 = arith.index_cast %get3A_1407 : i32 to index
        %get3A_1409 = arith.index_cast %mul3A_1402 : i32 to index
        %get3A_1410 = tpu.vector_load %arg8[%get3A_1408, %get3A_1409] {strides = array<i32>} : memref<16x256xi32, #tpu.memory_space<vmem>>, vector<16xi32>,
        %add3A_1411 = arith.addi %get3A_1406, %get3A_1410 : vector<16xi32>
        %swap3A_1412 = arith.constant 6 : i32
        %swap3A_1413 = arith.index_cast %swap3A_1412 : i32 to index
        %swap3A_1414 = arith.index_cast %mul3A_1402 : i32 to index
        %swap3A_1415 = tpu.vector_load %arg8[%swap3A_1413, %swap3A_1414] {strides = array<i32>} : memref<16x256xi32, #tpu.memory_space<vmem>>, vector<16xi32>,
        tpu.vector_store %arg8[%swap3A_1413, %swap3A_1414], %add3A_1411 {strides = array<i32>} : memref<16x256xi32, #tpu.memory_space<vmem>>, vector<16xi32>,
        %mul3A_1416 = arith.constant 16 : i32
        %mul3A_1417 = arith.muli %scan3A_1310, %mul3A_1416 : i32
        %get3A_1418 = arith.constant 7 : i32
        %get3A_1419 = arith.index_cast %get3A_1418 : i32 to index
        %get3A_1420 = arith.index_cast %mul3A_1417 : i32 to index
        %get3A_1421 = tpu.vector_load %arg8[%get3A_1419, %get3A_1420] {strides = array<i32>} : memref<16x256xi32, #tpu.memory_space<vmem>>, vector<16xi32>,
        %get3A_1422 = arith.constant 15 : i32
        %get3A_1423 = arith.index_cast %get3A_1422 : i32 to index
        %get3A_1424 = arith.index_cast %mul3A_1417 : i32 to index
        %get3A_1425 = tpu.vector_load %arg8[%get3A_1423, %get3A_1424] {strides = array<i32>} : memref<16x256xi32, #tpu.memory_space<vmem>>, vector<16xi32>,
        %add3A_1426 = arith.addi %get3A_1421, %get3A_1425 : vector<16xi32>
        %swap3A_1427 = arith.constant 7 : i32
        %swap3A_1428 = arith.index_cast %swap3A_1427 : i32 to index
        %swap3A_1429 = arith.index_cast %mul3A_1417 : i32 to index
        %swap3A_1430 = tpu.vector_load %arg8[%swap3A_1428, %swap3A_1429] {strides = array<i32>} : memref<16x256xi32, #tpu.memory_space<vmem>>, vector<16xi32>,
        tpu.vector_store %arg8[%swap3A_1428, %swap3A_1429], %add3A_1426 {strides = array<i32>} : memref<16x256xi32, #tpu.memory_space<vmem>>, vector<16xi32>,
        %mul3A_1431 = arith.constant 16 : i32
        %mul3A_1432 = arith.muli %scan3A_1310, %mul3A_1431 : i32
        %get3A_1433 = arith.constant 0 : i32
        %get3A_1434 = arith.index_cast %get3A_1433 : i32 to index
        %get3A_1435 = arith.index_cast %mul3A_1432 : i32 to index
        %get3A_1436 = tpu.vector_load %arg8[%get3A_1434, %get3A_1435] {strides = array<i32>} : memref<16x256xi32, #tpu.memory_space<vmem>>, vector<16xi32>,
        %get3A_1437 = arith.constant 4 : i32
        %get3A_1438 = arith.index_cast %get3A_1437 : i32 to index
        %get3A_1439 = arith.index_cast %mul3A_1432 : i32 to index
        %get3A_1440 = tpu.vector_load %arg8[%get3A_1438, %get3A_1439] {strides = array<i32>} : memref<16x256xi32, #tpu.memory_space<vmem>>, vector<16xi32>,
        %add3A_1441 = arith.addi %get3A_1436, %get3A_1440 : vector<16xi32>
        %swap3A_1442 = arith.constant 0 : i32
        %swap3A_1443 = arith.index_cast %swap3A_1442 : i32 to index
        %swap3A_1444 = arith.index_cast %mul3A_1432 : i32 to index
        %swap3A_1445 = tpu.vector_load %arg8[%swap3A_1443, %swap3A_1444] {strides = array<i32>} : memref<16x256xi32, #tpu.memory_space<vmem>>, vector<16xi32>,
        tpu.vector_store %arg8[%swap3A_1443, %swap3A_1444], %add3A_1441 {strides = array<i32>} : memref<16x256xi32, #tpu.memory_space<vmem>>, vector<16xi32>,
        %mul3A_1446 = arith.constant 16 : i32
        %mul3A_1447 = arith.muli %scan3A_1310, %mul3A_1446 : i32
        %get3A_1448 = arith.constant 1 : i32
        %get3A_1449 = arith.index_cast %get3A_1448 : i32 to index
        %get3A_1450 = arith.index_cast %mul3A_1447 : i32 to index
        %get3A_1451 = tpu.vector_load %arg8[%get3A_1449, %get3A_1450] {strides = array<i32>} : memref<16x256xi32, #tpu.memory_space<vmem>>, vector<16xi32>,
        %get3A_1452 = arith.constant 5 : i32
        %get3A_1453 = arith.index_cast %get3A_1452 : i32 to index
        %get3A_1454 = arith.index_cast %mul3A_1447 : i32 to index
        %get3A_1455 = tpu.vector_load %arg8[%get3A_1453, %get3A_1454] {strides = array<i32>} : memref<16x256xi32, #tpu.memory_space<vmem>>, vector<16xi32>,
        %add3A_1456 = arith.addi %get3A_1451, %get3A_1455 : vector<16xi32>
        %swap3A_1457 = arith.constant 1 : i32
        %swap3A_1458 = arith.index_cast %swap3A_1457 : i32 to index
        %swap3A_1459 = arith.index_cast %mul3A_1447 : i32 to index
        %swap3A_1460 = tpu.vector_load %arg8[%swap3A_1458, %swap3A_1459] {strides = array<i32>} : memref<16x256xi32, #tpu.memory_space<vmem>>, vector<16xi32>,
        tpu.vector_store %arg8[%swap3A_1458, %swap3A_1459], %add3A_1456 {strides = array<i32>} : memref<16x256xi32, #tpu.memory_space<vmem>>, vector<16xi32>,
        %mul3A_1461 = arith.constant 16 : i32
        %mul3A_1462 = arith.muli %scan3A_1310, %mul3A_1461 : i32
        %get3A_1463 = arith.constant 2 : i32
        %get3A_1464 = arith.index_cast %get3A_1463 : i32 to index
        %get3A_1465 = arith.index_cast %mul3A_1462 : i32 to index
        %get3A_1466 = tpu.vector_load %arg8[%get3A_1464, %get3A_1465] {strides = array<i32>} : memref<16x256xi32, #tpu.memory_space<vmem>>, vector<16xi32>,
        %get3A_1467 = arith.constant 6 : i32
        %get3A_1468 = arith.index_cast %get3A_1467 : i32 to index
        %get3A_1469 = arith.index_cast %mul3A_1462 : i32 to index
        %get3A_1470 = tpu.vector_load %arg8[%get3A_1468, %get3A_1469] {strides = array<i32>} : memref<16x256xi32, #tpu.memory_space<vmem>>, vector<16xi32>,
        %add3A_1471 = arith.addi %get3A_1466, %get3A_1470 : vector<16xi32>
        %swap3A_1472 = arith.constant 2 : i32
        %swap3A_1473 = arith.index_cast %swap3A_1472 : i32 to index
        %swap3A_1474 = arith.index_cast %mul3A_1462 : i32 to index
        %swap3A_1475 = tpu.vector_load %arg8[%swap3A_1473, %swap3A_1474] {strides = array<i32>} : memref<16x256xi32, #tpu.memory_space<vmem>>, vector<16xi32>,
        tpu.vector_store %arg8[%swap3A_1473, %swap3A_1474], %add3A_1471 {strides = array<i32>} : memref<16x256xi32, #tpu.memory_space<vmem>>, vector<16xi32>,
        %mul3A_1476 = arith.constant 16 : i32
        %mul3A_1477 = arith.muli %scan3A_1310, %mul3A_1476 : i32
        %get3A_1478 = arith.constant 3 : i32
        %get3A_1479 = arith.index_cast %get3A_1478 : i32 to index
        %get3A_1480 = arith.index_cast %mul3A_1477 : i32 to index
        %get3A_1481 = tpu.vector_load %arg8[%get3A_1479, %get3A_1480] {strides = array<i32>} : memref<16x256xi32, #tpu.memory_space<vmem>>, vector<16xi32>,
        %get3A_1482 = arith.constant 7 : i32
        %get3A_1483 = arith.index_cast %get3A_1482 : i32 to index
        %get3A_1484 = arith.index_cast %mul3A_1477 : i32 to index
        %get3A_1485 = tpu.vector_load %arg8[%get3A_1483, %get3A_1484] {strides = array<i32>} : memref<16x256xi32, #tpu.memory_space<vmem>>, vector<16xi32>,
        %add3A_1486 = arith.addi %get3A_1481, %get3A_1485 : vector<16xi32>
        %swap3A_1487 = arith.constant 3 : i32
        %swap3A_1488 = arith.index_cast %swap3A_1487 : i32 to index
        %swap3A_1489 = arith.index_cast %mul3A_1477 : i32 to index
        %swap3A_1490 = tpu.vector_load %arg8[%swap3A_1488, %swap3A_1489] {strides = array<i32>} : memref<16x256xi32, #tpu.memory_space<vmem>>, vector<16xi32>,
        tpu.vector_store %arg8[%swap3A_1488, %swap3A_1489], %add3A_1486 {strides = array<i32>} : memref<16x256xi32, #tpu.memory_space<vmem>>, vector<16xi32>,
        %mul3A_1491 = arith.constant 16 : i32
        %mul3A_1492 = arith.muli %scan3A_1310, %mul3A_1491 : i32
        %get3A_1493 = arith.constant 0 : i32
        %get3A_1494 = arith.index_cast %get3A_1493 : i32 to index
        %get3A_1495 = arith.index_cast %mul3A_1492 : i32 to index
        %get3A_1496 = tpu.vector_load %arg8[%get3A_1494, %get3A_1495] {strides = array<i32>} : memref<16x256xi32, #tpu.memory_space<vmem>>, vector<16xi32>,
        %get3A_1497 = arith.constant 2 : i32
        %get3A_1498 = arith.index_cast %get3A_1497 : i32 to index
        %get3A_1499 = arith.index_cast %mul3A_1492 : i32 to index
        %get3A_1500 = tpu.vector_load %arg8[%get3A_1498, %get3A_1499] {strides = array<i32>} : memref<16x256xi32, #tpu.memory_space<vmem>>, vector<16xi32>,
        %add3A_1501 = arith.addi %get3A_1496, %get3A_1500 : vector<16xi32>
        %swap3A_1502 = arith.constant 0 : i32
        %swap3A_1503 = arith.index_cast %swap3A_1502 : i32 to index
        %swap3A_1504 = arith.index_cast %mul3A_1492 : i32 to index
        %swap3A_1505 = tpu.vector_load %arg8[%swap3A_1503, %swap3A_1504] {strides = array<i32>} : memref<16x256xi32, #tpu.memory_space<vmem>>, vector<16xi32>,
        tpu.vector_store %arg8[%swap3A_1503, %swap3A_1504], %add3A_1501 {strides = array<i32>} : memref<16x256xi32, #tpu.memory_space<vmem>>, vector<16xi32>,
        %mul3A_1506 = arith.constant 16 : i32
        %mul3A_1507 = arith.muli %scan3A_1310, %mul3A_1506 : i32
        %get3A_1508 = arith.constant 1 : i32
        %get3A_1509 = arith.index_cast %get3A_1508 : i32 to index
        %get3A_1510 = arith.index_cast %mul3A_1507 : i32 to index
        %get3A_1511 = tpu.vector_load %arg8[%get3A_1509, %get3A_1510] {strides = array<i32>} : memref<16x256xi32, #tpu.memory_space<vmem>>, vector<16xi32>,
        %get3A_1512 = arith.constant 3 : i32
        %get3A_1513 = arith.index_cast %get3A_1512 : i32 to index
        %get3A_1514 = arith.index_cast %mul3A_1507 : i32 to index
        %get3A_1515 = tpu.vector_load %arg8[%get3A_1513, %get3A_1514] {strides = array<i32>} : memref<16x256xi32, #tpu.memory_space<vmem>>, vector<16xi32>,
        %add3A_1516 = arith.addi %get3A_1511, %get3A_1515 : vector<16xi32>
        %swap3A_1517 = arith.constant 1 : i32
        %swap3A_1518 = arith.index_cast %swap3A_1517 : i32 to index
        %swap3A_1519 = arith.index_cast %mul3A_1507 : i32 to index
        %swap3A_1520 = tpu.vector_load %arg8[%swap3A_1518, %swap3A_1519] {strides = array<i32>} : memref<16x256xi32, #tpu.memory_space<vmem>>, vector<16xi32>,
        tpu.vector_store %arg8[%swap3A_1518, %swap3A_1519], %add3A_1516 {strides = array<i32>} : memref<16x256xi32, #tpu.memory_space<vmem>>, vector<16xi32>,
        %mul3A_1521 = arith.constant 16 : i32
        %mul3A_1522 = arith.muli %scan3A_1310, %mul3A_1521 : i32
        %get3A_1523 = arith.constant 0 : i32
        %get3A_1524 = arith.index_cast %get3A_1523 : i32 to index
        %get3A_1525 = arith.index_cast %mul3A_1522 : i32 to index
        %get3A_1526 = tpu.vector_load %arg8[%get3A_1524, %get3A_1525] {strides = array<i32>} : memref<16x256xi32, #tpu.memory_space<vmem>>, vector<16xi32>,
        %get3A_1527 = arith.constant 1 : i32
        %get3A_1528 = arith.index_cast %get3A_1527 : i32 to index
        %get3A_1529 = arith.index_cast %mul3A_1522 : i32 to index
        %get3A_1530 = tpu.vector_load %arg8[%get3A_1528, %get3A_1529] {strides = array<i32>} : memref<16x256xi32, #tpu.memory_space<vmem>>, vector<16xi32>,
        %add3A_1531 = arith.addi %get3A_1526, %get3A_1530 : vector<16xi32>
        %swap3A_1532 = arith.constant 0 : i32
        %swap3A_1533 = arith.index_cast %swap3A_1532 : i32 to index
        %swap3A_1534 = arith.index_cast %mul3A_1522 : i32 to index
        %swap3A_1535 = tpu.vector_load %arg8[%swap3A_1533, %swap3A_1534] {strides = array<i32>} : memref<16x256xi32, #tpu.memory_space<vmem>>, vector<16xi32>,
        tpu.vector_store %arg8[%swap3A_1533, %swap3A_1534], %add3A_1531 {strides = array<i32>} : memref<16x256xi32, #tpu.memory_space<vmem>>, vector<16xi32>,
        %scan3A_1536 = arith.constant 3 : i32
        %scan3A_1537 = arith.addi %scan3A_856, %scan3A_1536 : i32
        %mul3A_1538 = arith.constant 16 : i32
        %mul3A_1539 = arith.muli %scan3A_1537, %mul3A_1538 : i32
        %get3A_1540 = arith.constant 0 : i32
        %get3A_1541 = arith.index_cast %get3A_1540 : i32 to index
        %get3A_1542 = arith.index_cast %mul3A_1539 : i32 to index
        %get3A_1543 = tpu.vector_load %arg8[%get3A_1541, %get3A_1542] {strides = array<i32>} : memref<16x256xi32, #tpu.memory_space<vmem>>, vector<16xi32>,
        %get3A_1544 = arith.constant 8 : i32
        %get3A_1545 = arith.index_cast %get3A_1544 : i32 to index
        %get3A_1546 = arith.index_cast %mul3A_1539 : i32 to index
        %get3A_1547 = tpu.vector_load %arg8[%get3A_1545, %get3A_1546] {strides = array<i32>} : memref<16x256xi32, #tpu.memory_space<vmem>>, vector<16xi32>,
        %add3A_1548 = arith.addi %get3A_1543, %get3A_1547 : vector<16xi32>
        %swap3A_1549 = arith.constant 0 : i32
        %swap3A_1550 = arith.index_cast %swap3A_1549 : i32 to index
        %swap3A_1551 = arith.index_cast %mul3A_1539 : i32 to index
        %swap3A_1552 = tpu.vector_load %arg8[%swap3A_1550, %swap3A_1551] {strides = array<i32>} : memref<16x256xi32, #tpu.memory_space<vmem>>, vector<16xi32>,
        tpu.vector_store %arg8[%swap3A_1550, %swap3A_1551], %add3A_1548 {strides = array<i32>} : memref<16x256xi32, #tpu.memory_space<vmem>>, vector<16xi32>,
        %mul3A_1553 = arith.constant 16 : i32
        %mul3A_1554 = arith.muli %scan3A_1537, %mul3A_1553 : i32
        %get3A_1555 = arith.constant 1 : i32
        %get3A_1556 = arith.index_cast %get3A_1555 : i32 to index
        %get3A_1557 = arith.index_cast %mul3A_1554 : i32 to index
        %get3A_1558 = tpu.vector_load %arg8[%get3A_1556, %get3A_1557] {strides = array<i32>} : memref<16x256xi32, #tpu.memory_space<vmem>>, vector<16xi32>,
        %get3A_1559 = arith.constant 9 : i32
        %get3A_1560 = arith.index_cast %get3A_1559 : i32 to index
        %get3A_1561 = arith.index_cast %mul3A_1554 : i32 to index
        %get3A_1562 = tpu.vector_load %arg8[%get3A_1560, %get3A_1561] {strides = array<i32>} : memref<16x256xi32, #tpu.memory_space<vmem>>, vector<16xi32>,
        %add3A_1563 = arith.addi %get3A_1558, %get3A_1562 : vector<16xi32>
        %swap3A_1564 = arith.constant 1 : i32
        %swap3A_1565 = arith.index_cast %swap3A_1564 : i32 to index
        %swap3A_1566 = arith.index_cast %mul3A_1554 : i32 to index
        %swap3A_1567 = tpu.vector_load %arg8[%swap3A_1565, %swap3A_1566] {strides = array<i32>} : memref<16x256xi32, #tpu.memory_space<vmem>>, vector<16xi32>,
        tpu.vector_store %arg8[%swap3A_1565, %swap3A_1566], %add3A_1563 {strides = array<i32>} : memref<16x256xi32, #tpu.memory_space<vmem>>, vector<16xi32>,
        %mul3A_1568 = arith.constant 16 : i32
        %mul3A_1569 = arith.muli %scan3A_1537, %mul3A_1568 : i32
        %get3A_1570 = arith.constant 2 : i32
        %get3A_1571 = arith.index_cast %get3A_1570 : i32 to index
        %get3A_1572 = arith.index_cast %mul3A_1569 : i32 to index
        %get3A_1573 = tpu.vector_load %arg8[%get3A_1571, %get3A_1572] {strides = array<i32>} : memref<16x256xi32, #tpu.memory_space<vmem>>, vector<16xi32>,
        %get3A_1574 = arith.constant 10 : i32
        %get3A_1575 = arith.index_cast %get3A_1574 : i32 to index
        %get3A_1576 = arith.index_cast %mul3A_1569 : i32 to index
        %get3A_1577 = tpu.vector_load %arg8[%get3A_1575, %get3A_1576] {strides = array<i32>} : memref<16x256xi32, #tpu.memory_space<vmem>>, vector<16xi32>,
        %add3A_1578 = arith.addi %get3A_1573, %get3A_1577 : vector<16xi32>
        %swap3A_1579 = arith.constant 2 : i32
        %swap3A_1580 = arith.index_cast %swap3A_1579 : i32 to index
        %swap3A_1581 = arith.index_cast %mul3A_1569 : i32 to index
        %swap3A_1582 = tpu.vector_load %arg8[%swap3A_1580, %swap3A_1581] {strides = array<i32>} : memref<16x256xi32, #tpu.memory_space<vmem>>, vector<16xi32>,
        tpu.vector_store %arg8[%swap3A_1580, %swap3A_1581], %add3A_1578 {strides = array<i32>} : memref<16x256xi32, #tpu.memory_space<vmem>>, vector<16xi32>,
        %mul3A_1583 = arith.constant 16 : i32
        %mul3A_1584 = arith.muli %scan3A_1537, %mul3A_1583 : i32
        %get3A_1585 = arith.constant 3 : i32
        %get3A_1586 = arith.index_cast %get3A_1585 : i32 to index
        %get3A_1587 = arith.index_cast %mul3A_1584 : i32 to index
        %get3A_1588 = tpu.vector_load %arg8[%get3A_1586, %get3A_1587] {strides = array<i32>} : memref<16x256xi32, #tpu.memory_space<vmem>>, vector<16xi32>,
        %get3A_1589 = arith.constant 11 : i32
        %get3A_1590 = arith.index_cast %get3A_1589 : i32 to index
        %get3A_1591 = arith.index_cast %mul3A_1584 : i32 to index
        %get3A_1592 = tpu.vector_load %arg8[%get3A_1590, %get3A_1591] {strides = array<i32>} : memref<16x256xi32, #tpu.memory_space<vmem>>, vector<16xi32>,
        %add3A_1593 = arith.addi %get3A_1588, %get3A_1592 : vector<16xi32>
        %swap3A_1594 = arith.constant 3 : i32
        %swap3A_1595 = arith.index_cast %swap3A_1594 : i32 to index
        %swap3A_1596 = arith.index_cast %mul3A_1584 : i32 to index
        %swap3A_1597 = tpu.vector_load %arg8[%swap3A_1595, %swap3A_1596] {strides = array<i32>} : memref<16x256xi32, #tpu.memory_space<vmem>>, vector<16xi32>,
        tpu.vector_store %arg8[%swap3A_1595, %swap3A_1596], %add3A_1593 {strides = array<i32>} : memref<16x256xi32, #tpu.memory_space<vmem>>, vector<16xi32>,
        %mul3A_1598 = arith.constant 16 : i32
        %mul3A_1599 = arith.muli %scan3A_1537, %mul3A_1598 : i32
        %get3A_1600 = arith.constant 4 : i32
        %get3A_1601 = arith.index_cast %get3A_1600 : i32 to index
        %get3A_1602 = arith.index_cast %mul3A_1599 : i32 to index
        %get3A_1603 = tpu.vector_load %arg8[%get3A_1601, %get3A_1602] {strides = array<i32>} : memref<16x256xi32, #tpu.memory_space<vmem>>, vector<16xi32>,
        %get3A_1604 = arith.constant 12 : i32
        %get3A_1605 = arith.index_cast %get3A_1604 : i32 to index
        %get3A_1606 = arith.index_cast %mul3A_1599 : i32 to index
        %get3A_1607 = tpu.vector_load %arg8[%get3A_1605, %get3A_1606] {strides = array<i32>} : memref<16x256xi32, #tpu.memory_space<vmem>>, vector<16xi32>,
        %add3A_1608 = arith.addi %get3A_1603, %get3A_1607 : vector<16xi32>
        %swap3A_1609 = arith.constant 4 : i32
        %swap3A_1610 = arith.index_cast %swap3A_1609 : i32 to index
        %swap3A_1611 = arith.index_cast %mul3A_1599 : i32 to index
        %swap3A_1612 = tpu.vector_load %arg8[%swap3A_1610, %swap3A_1611] {strides = array<i32>} : memref<16x256xi32, #tpu.memory_space<vmem>>, vector<16xi32>,
        tpu.vector_store %arg8[%swap3A_1610, %swap3A_1611], %add3A_1608 {strides = array<i32>} : memref<16x256xi32, #tpu.memory_space<vmem>>, vector<16xi32>,
        %mul3A_1613 = arith.constant 16 : i32
        %mul3A_1614 = arith.muli %scan3A_1537, %mul3A_1613 : i32
        %get3A_1615 = arith.constant 5 : i32
        %get3A_1616 = arith.index_cast %get3A_1615 : i32 to index
        %get3A_1617 = arith.index_cast %mul3A_1614 : i32 to index
        %get3A_1618 = tpu.vector_load %arg8[%get3A_1616, %get3A_1617] {strides = array<i32>} : memref<16x256xi32, #tpu.memory_space<vmem>>, vector<16xi32>,
        %get3A_1619 = arith.constant 13 : i32
        %get3A_1620 = arith.index_cast %get3A_1619 : i32 to index
        %get3A_1621 = arith.index_cast %mul3A_1614 : i32 to index
        %get3A_1622 = tpu.vector_load %arg8[%get3A_1620, %get3A_1621] {strides = array<i32>} : memref<16x256xi32, #tpu.memory_space<vmem>>, vector<16xi32>,
        %add3A_1623 = arith.addi %get3A_1618, %get3A_1622 : vector<16xi32>
        %swap3A_1624 = arith.constant 5 : i32
        %swap3A_1625 = arith.index_cast %swap3A_1624 : i32 to index
        %swap3A_1626 = arith.index_cast %mul3A_1614 : i32 to index
        %swap3A_1627 = tpu.vector_load %arg8[%swap3A_1625, %swap3A_1626] {strides = array<i32>} : memref<16x256xi32, #tpu.memory_space<vmem>>, vector<16xi32>,
        tpu.vector_store %arg8[%swap3A_1625, %swap3A_1626], %add3A_1623 {strides = array<i32>} : memref<16x256xi32, #tpu.memory_space<vmem>>, vector<16xi32>,
        %mul3A_1628 = arith.constant 16 : i32
        %mul3A_1629 = arith.muli %scan3A_1537, %mul3A_1628 : i32
        %get3A_1630 = arith.constant 6 : i32
        %get3A_1631 = arith.index_cast %get3A_1630 : i32 to index
        %get3A_1632 = arith.index_cast %mul3A_1629 : i32 to index
        %get3A_1633 = tpu.vector_load %arg8[%get3A_1631, %get3A_1632] {strides = array<i32>} : memref<16x256xi32, #tpu.memory_space<vmem>>, vector<16xi32>,
        %get3A_1634 = arith.constant 14 : i32
        %get3A_1635 = arith.index_cast %get3A_1634 : i32 to index
        %get3A_1636 = arith.index_cast %mul3A_1629 : i32 to index
        %get3A_1637 = tpu.vector_load %arg8[%get3A_1635, %get3A_1636] {strides = array<i32>} : memref<16x256xi32, #tpu.memory_space<vmem>>, vector<16xi32>,
        %add3A_1638 = arith.addi %get3A_1633, %get3A_1637 : vector<16xi32>
        %swap3A_1639 = arith.constant 6 : i32
        %swap3A_1640 = arith.index_cast %swap3A_1639 : i32 to index
        %swap3A_1641 = arith.index_cast %mul3A_1629 : i32 to index
        %swap3A_1642 = tpu.vector_load %arg8[%swap3A_1640, %swap3A_1641] {strides = array<i32>} : memref<16x256xi32, #tpu.memory_space<vmem>>, vector<16xi32>,
        tpu.vector_store %arg8[%swap3A_1640, %swap3A_1641], %add3A_1638 {strides = array<i32>} : memref<16x256xi32, #tpu.memory_space<vmem>>, vector<16xi32>,
        %mul3A_1643 = arith.constant 16 : i32
        %mul3A_1644 = arith.muli %scan3A_1537, %mul3A_1643 : i32
        %get3A_1645 = arith.constant 7 : i32
        %get3A_1646 = arith.index_cast %get3A_1645 : i32 to index
        %get3A_1647 = arith.index_cast %mul3A_1644 : i32 to index
        %get3A_1648 = tpu.vector_load %arg8[%get3A_1646, %get3A_1647] {strides = array<i32>} : memref<16x256xi32, #tpu.memory_space<vmem>>, vector<16xi32>,
        %get3A_1649 = arith.constant 15 : i32
        %get3A_1650 = arith.index_cast %get3A_1649 : i32 to index
        %get3A_1651 = arith.index_cast %mul3A_1644 : i32 to index
        %get3A_1652 = tpu.vector_load %arg8[%get3A_1650, %get3A_1651] {strides = array<i32>} : memref<16x256xi32, #tpu.memory_space<vmem>>, vector<16xi32>,
        %add3A_1653 = arith.addi %get3A_1648, %get3A_1652 : vector<16xi32>
        %swap3A_1654 = arith.constant 7 : i32
        %swap3A_1655 = arith.index_cast %swap3A_1654 : i32 to index
        %swap3A_1656 = arith.index_cast %mul3A_1644 : i32 to index
        %swap3A_1657 = tpu.vector_load %arg8[%swap3A_1655, %swap3A_1656] {strides = array<i32>} : memref<16x256xi32, #tpu.memory_space<vmem>>, vector<16xi32>,
        tpu.vector_store %arg8[%swap3A_1655, %swap3A_1656], %add3A_1653 {strides = array<i32>} : memref<16x256xi32, #tpu.memory_space<vmem>>, vector<16xi32>,
        %mul3A_1658 = arith.constant 16 : i32
        %mul3A_1659 = arith.muli %scan3A_1537, %mul3A_1658 : i32
        %get3A_1660 = arith.constant 0 : i32
        %get3A_1661 = arith.index_cast %get3A_1660 : i32 to index
        %get3A_1662 = arith.index_cast %mul3A_1659 : i32 to index
        %get3A_1663 = tpu.vector_load %arg8[%get3A_1661, %get3A_1662] {strides = array<i32>} : memref<16x256xi32, #tpu.memory_space<vmem>>, vector<16xi32>,
        %get3A_1664 = arith.constant 4 : i32
        %get3A_1665 = arith.index_cast %get3A_1664 : i32 to index
        %get3A_1666 = arith.index_cast %mul3A_1659 : i32 to index
        %get3A_1667 = tpu.vector_load %arg8[%get3A_1665, %get3A_1666] {strides = array<i32>} : memref<16x256xi32, #tpu.memory_space<vmem>>, vector<16xi32>,
        %add3A_1668 = arith.addi %get3A_1663, %get3A_1667 : vector<16xi32>
        %swap3A_1669 = arith.constant 0 : i32
        %swap3A_1670 = arith.index_cast %swap3A_1669 : i32 to index
        %swap3A_1671 = arith.index_cast %mul3A_1659 : i32 to index
        %swap3A_1672 = tpu.vector_load %arg8[%swap3A_1670, %swap3A_1671] {strides = array<i32>} : memref<16x256xi32, #tpu.memory_space<vmem>>, vector<16xi32>,
        tpu.vector_store %arg8[%swap3A_1670, %swap3A_1671], %add3A_1668 {strides = array<i32>} : memref<16x256xi32, #tpu.memory_space<vmem>>, vector<16xi32>,
        %mul3A_1673 = arith.constant 16 : i32
        %mul3A_1674 = arith.muli %scan3A_1537, %mul3A_1673 : i32
        %get3A_1675 = arith.constant 1 : i32
        %get3A_1676 = arith.index_cast %get3A_1675 : i32 to index
        %get3A_1677 = arith.index_cast %mul3A_1674 : i32 to index
        %get3A_1678 = tpu.vector_load %arg8[%get3A_1676, %get3A_1677] {strides = array<i32>} : memref<16x256xi32, #tpu.memory_space<vmem>>, vector<16xi32>,
        %get3A_1679 = arith.constant 5 : i32
        %get3A_1680 = arith.index_cast %get3A_1679 : i32 to index
        %get3A_1681 = arith.index_cast %mul3A_1674 : i32 to index
        %get3A_1682 = tpu.vector_load %arg8[%get3A_1680, %get3A_1681] {strides = array<i32>} : memref<16x256xi32, #tpu.memory_space<vmem>>, vector<16xi32>,
        %add3A_1683 = arith.addi %get3A_1678, %get3A_1682 : vector<16xi32>
        %swap3A_1684 = arith.constant 1 : i32
        %swap3A_1685 = arith.index_cast %swap3A_1684 : i32 to index
        %swap3A_1686 = arith.index_cast %mul3A_1674 : i32 to index
        %swap3A_1687 = tpu.vector_load %arg8[%swap3A_1685, %swap3A_1686] {strides = array<i32>} : memref<16x256xi32, #tpu.memory_space<vmem>>, vector<16xi32>,
        tpu.vector_store %arg8[%swap3A_1685, %swap3A_1686], %add3A_1683 {strides = array<i32>} : memref<16x256xi32, #tpu.memory_space<vmem>>, vector<16xi32>,
        %mul3A_1688 = arith.constant 16 : i32
        %mul3A_1689 = arith.muli %scan3A_1537, %mul3A_1688 : i32
        %get3A_1690 = arith.constant 2 : i32
        %get3A_1691 = arith.index_cast %get3A_1690 : i32 to index
        %get3A_1692 = arith.index_cast %mul3A_1689 : i32 to index
        %get3A_1693 = tpu.vector_load %arg8[%get3A_1691, %get3A_1692] {strides = array<i32>} : memref<16x256xi32, #tpu.memory_space<vmem>>, vector<16xi32>,
        %get3A_1694 = arith.constant 6 : i32
        %get3A_1695 = arith.index_cast %get3A_1694 : i32 to index
        %get3A_1696 = arith.index_cast %mul3A_1689 : i32 to index
        %get3A_1697 = tpu.vector_load %arg8[%get3A_1695, %get3A_1696] {strides = array<i32>} : memref<16x256xi32, #tpu.memory_space<vmem>>, vector<16xi32>,
        %add3A_1698 = arith.addi %get3A_1693, %get3A_1697 : vector<16xi32>
        %swap3A_1699 = arith.constant 2 : i32
        %swap3A_1700 = arith.index_cast %swap3A_1699 : i32 to index
        %swap3A_1701 = arith.index_cast %mul3A_1689 : i32 to index
        %swap3A_1702 = tpu.vector_load %arg8[%swap3A_1700, %swap3A_1701] {strides = array<i32>} : memref<16x256xi32, #tpu.memory_space<vmem>>, vector<16xi32>,
        tpu.vector_store %arg8[%swap3A_1700, %swap3A_1701], %add3A_1698 {strides = array<i32>} : memref<16x256xi32, #tpu.memory_space<vmem>>, vector<16xi32>,
        %mul3A_1703 = arith.constant 16 : i32
        %mul3A_1704 = arith.muli %scan3A_1537, %mul3A_1703 : i32
        %get3A_1705 = arith.constant 3 : i32
        %get3A_1706 = arith.index_cast %get3A_1705 : i32 to index
        %get3A_1707 = arith.index_cast %mul3A_1704 : i32 to index
        %get3A_1708 = tpu.vector_load %arg8[%get3A_1706, %get3A_1707] {strides = array<i32>} : memref<16x256xi32, #tpu.memory_space<vmem>>, vector<16xi32>,
        %get3A_1709 = arith.constant 7 : i32
        %get3A_1710 = arith.index_cast %get3A_1709 : i32 to index
        %get3A_1711 = arith.index_cast %mul3A_1704 : i32 to index
        %get3A_1712 = tpu.vector_load %arg8[%get3A_1710, %get3A_1711] {strides = array<i32>} : memref<16x256xi32, #tpu.memory_space<vmem>>, vector<16xi32>,
        %add3A_1713 = arith.addi %get3A_1708, %get3A_1712 : vector<16xi32>
        %swap3A_1714 = arith.constant 3 : i32
        %swap3A_1715 = arith.index_cast %swap3A_1714 : i32 to index
        %swap3A_1716 = arith.index_cast %mul3A_1704 : i32 to index
        %swap3A_1717 = tpu.vector_load %arg8[%swap3A_1715, %swap3A_1716] {strides = array<i32>} : memref<16x256xi32, #tpu.memory_space<vmem>>, vector<16xi32>,
        tpu.vector_store %arg8[%swap3A_1715, %swap3A_1716], %add3A_1713 {strides = array<i32>} : memref<16x256xi32, #tpu.memory_space<vmem>>, vector<16xi32>,
        %mul3A_1718 = arith.constant 16 : i32
        %mul3A_1719 = arith.muli %scan3A_1537, %mul3A_1718 : i32
        %get3A_1720 = arith.constant 0 : i32
        %get3A_1721 = arith.index_cast %get3A_1720 : i32 to index
        %get3A_1722 = arith.index_cast %mul3A_1719 : i32 to index
        %get3A_1723 = tpu.vector_load %arg8[%get3A_1721, %get3A_1722] {strides = array<i32>} : memref<16x256xi32, #tpu.memory_space<vmem>>, vector<16xi32>,
        %get3A_1724 = arith.constant 2 : i32
        %get3A_1725 = arith.index_cast %get3A_1724 : i32 to index
        %get3A_1726 = arith.index_cast %mul3A_1719 : i32 to index
        %get3A_1727 = tpu.vector_load %arg8[%get3A_1725, %get3A_1726] {strides = array<i32>} : memref<16x256xi32, #tpu.memory_space<vmem>>, vector<16xi32>,
        %add3A_1728 = arith.addi %get3A_1723, %get3A_1727 : vector<16xi32>
        %swap3A_1729 = arith.constant 0 : i32
        %swap3A_1730 = arith.index_cast %swap3A_1729 : i32 to index
        %swap3A_1731 = arith.index_cast %mul3A_1719 : i32 to index
        %swap3A_1732 = tpu.vector_load %arg8[%swap3A_1730, %swap3A_1731] {strides = array<i32>} : memref<16x256xi32, #tpu.memory_space<vmem>>, vector<16xi32>,
        tpu.vector_store %arg8[%swap3A_1730, %swap3A_1731], %add3A_1728 {strides = array<i32>} : memref<16x256xi32, #tpu.memory_space<vmem>>, vector<16xi32>,
        %mul3A_1733 = arith.constant 16 : i32
        %mul3A_1734 = arith.muli %scan3A_1537, %mul3A_1733 : i32
        %get3A_1735 = arith.constant 1 : i32
        %get3A_1736 = arith.index_cast %get3A_1735 : i32 to index
        %get3A_1737 = arith.index_cast %mul3A_1734 : i32 to index
        %get3A_1738 = tpu.vector_load %arg8[%get3A_1736, %get3A_1737] {strides = array<i32>} : memref<16x256xi32, #tpu.memory_space<vmem>>, vector<16xi32>,
        %get3A_1739 = arith.constant 3 : i32
        %get3A_1740 = arith.index_cast %get3A_1739 : i32 to index
        %get3A_1741 = arith.index_cast %mul3A_1734 : i32 to index
        %get3A_1742 = tpu.vector_load %arg8[%get3A_1740, %get3A_1741] {strides = array<i32>} : memref<16x256xi32, #tpu.memory_space<vmem>>, vector<16xi32>,
        %add3A_1743 = arith.addi %get3A_1738, %get3A_1742 : vector<16xi32>
        %swap3A_1744 = arith.constant 1 : i32
        %swap3A_1745 = arith.index_cast %swap3A_1744 : i32 to index
        %swap3A_1746 = arith.index_cast %mul3A_1734 : i32 to index
        %swap3A_1747 = tpu.vector_load %arg8[%swap3A_1745, %swap3A_1746] {strides = array<i32>} : memref<16x256xi32, #tpu.memory_space<vmem>>, vector<16xi32>,
        tpu.vector_store %arg8[%swap3A_1745, %swap3A_1746], %add3A_1743 {strides = array<i32>} : memref<16x256xi32, #tpu.memory_space<vmem>>, vector<16xi32>,
        %mul3A_1748 = arith.constant 16 : i32
        %mul3A_1749 = arith.muli %scan3A_1537, %mul3A_1748 : i32
        %get3A_1750 = arith.constant 0 : i32
        %get3A_1751 = arith.index_cast %get3A_1750 : i32 to index
        %get3A_1752 = arith.index_cast %mul3A_1749 : i32 to index
        %get3A_1753 = tpu.vector_load %arg8[%get3A_1751, %get3A_1752] {strides = array<i32>} : memref<16x256xi32, #tpu.memory_space<vmem>>, vector<16xi32>,
        %get3A_1754 = arith.constant 1 : i32
        %get3A_1755 = arith.index_cast %get3A_1754 : i32 to index
        %get3A_1756 = arith.index_cast %mul3A_1749 : i32 to index
        %get3A_1757 = tpu.vector_load %arg8[%get3A_1755, %get3A_1756] {strides = array<i32>} : memref<16x256xi32, #tpu.memory_space<vmem>>, vector<16xi32>,
        %add3A_1758 = arith.addi %get3A_1753, %get3A_1757 : vector<16xi32>
        %swap3A_1759 = arith.constant 0 : i32
        %swap3A_1760 = arith.index_cast %swap3A_1759 : i32 to index
        %swap3A_1761 = arith.index_cast %mul3A_1749 : i32 to index
        %swap3A_1762 = tpu.vector_load %arg8[%swap3A_1760, %swap3A_1761] {strides = array<i32>} : memref<16x256xi32, #tpu.memory_space<vmem>>, vector<16xi32>,
        tpu.vector_store %arg8[%swap3A_1760, %swap3A_1761], %add3A_1758 {strides = array<i32>} : memref<16x256xi32, #tpu.memory_space<vmem>>, vector<16xi32>,
      }
      %scan3A_32 = arith.constant 16 : i32
      %get3A = arith.constant 0 : i32
      %get3A_33 = arith.index_cast %get3A : i32 to index
      %get3A_34 = arith.constant 0 : index
      %get3A_35 = tpu.vector_load %arg8[%get3A_33, %get3A_34] {strides = array<i32>} : memref<16x256xi32, #tpu.memory_space<vmem>>, vector<16xi32>,
      %reduce_sum3A = arith.constant true
      %reduce_sum3A_36 = vector.broadcast %reduce_sum3A : i1 to vector<16xi1>
      %reduce_sum3A_37 = tpu.scan <sum>, %get3A_35 masked %reduce_sum3A_36 : vector<16xi32>, vector<16xi1> -> vector<16xi32>
      %reduce_sum3A_38 = vector.extract %reduce_sum3A_37[15] : i32 from vector<16xi32>
      %get3A_39 = arith.constant 0 : i32
      %get3A_40 = arith.index_cast %get3A_39 : i32 to index
      %get3A_41 = arith.constant 16 : index
      %get3A_42 = tpu.vector_load %arg8[%get3A_40, %get3A_41] {strides = array<i32>} : memref<16x256xi32, #tpu.memory_space<vmem>>, vector<16xi32>,
      %reduce_sum3A_43 = arith.constant true
      %reduce_sum3A_44 = vector.broadcast %reduce_sum3A_43 : i1 to vector<16xi1>
      %reduce_sum3A_45 = tpu.scan <sum>, %get3A_42 masked %reduce_sum3A_44 : vector<16xi32>, vector<16xi1> -> vector<16xi32>
      %reduce_sum3A_46 = vector.extract %reduce_sum3A_45[15] : i32 from vector<16xi32>
      %get3A_47 = arith.constant 0 : i32
      %get3A_48 = arith.index_cast %get3A_47 : i32 to index
      %get3A_49 = arith.constant 32 : index
      %get3A_50 = tpu.vector_load %arg8[%get3A_48, %get3A_49] {strides = array<i32>} : memref<16x256xi32, #tpu.memory_space<vmem>>, vector<16xi32>,
      %reduce_sum3A_51 = arith.constant true
      %reduce_sum3A_52 = vector.broadcast %reduce_sum3A_51 : i1 to vector<16xi1>
      %reduce_sum3A_53 = tpu.scan <sum>, %get3A_50 masked %reduce_sum3A_52 : vector<16xi32>, vector<16xi1> -> vector<16xi32>
      %reduce_sum3A_54 = vector.extract %reduce_sum3A_53[15] : i32 from vector<16xi32>
      %get3A_55 = arith.constant 0 : i32
      %get3A_56 = arith.index_cast %get3A_55 : i32 to index
      %get3A_57 = arith.constant 48 : index
      %get3A_58 = tpu.vector_load %arg8[%get3A_56, %get3A_57] {strides = array<i32>} : memref<16x256xi32, #tpu.memory_space<vmem>>, vector<16xi32>,
      %reduce_sum3A_59 = arith.constant true
      %reduce_sum3A_60 = vector.broadcast %reduce_sum3A_59 : i1 to vector<16xi1>
      %reduce_sum3A_61 = tpu.scan <sum>, %get3A_58 masked %reduce_sum3A_60 : vector<16xi32>, vector<16xi1> -> vector<16xi32>
      %reduce_sum3A_62 = vector.extract %reduce_sum3A_61[15] : i32 from vector<16xi32>
      %get3A_63 = arith.constant 0 : i32
      %get3A_64 = arith.index_cast %get3A_63 : i32 to index
      %get3A_65 = arith.constant 64 : index
      %get3A_66 = tpu.vector_load %arg8[%get3A_64, %get3A_65] {strides = array<i32>} : memref<16x256xi32, #tpu.memory_space<vmem>>, vector<16xi32>,
      %reduce_sum3A_67 = arith.constant true
      %reduce_sum3A_68 = vector.broadcast %reduce_sum3A_67 : i1 to vector<16xi1>
      %reduce_sum3A_69 = tpu.scan <sum>, %get3A_66 masked %reduce_sum3A_68 : vector<16xi32>, vector<16xi1> -> vector<16xi32>
      %reduce_sum3A_70 = vector.extract %reduce_sum3A_69[15] : i32 from vector<16xi32>
      %get3A_71 = arith.constant 0 : i32
      %get3A_72 = arith.index_cast %get3A_71 : i32 to index
      %get3A_73 = arith.constant 80 : index
      %get3A_74 = tpu.vector_load %arg8[%get3A_72, %get3A_73] {strides = array<i32>} : memref<16x256xi32, #tpu.memory_space<vmem>>, vector<16xi32>,
      %reduce_sum3A_75 = arith.constant true
      %reduce_sum3A_76 = vector.broadcast %reduce_sum3A_75 : i1 to vector<16xi1>
      %reduce_sum3A_77 = tpu.scan <sum>, %get3A_74 masked %reduce_sum3A_76 : vector<16xi32>, vector<16xi1> -> vector<16xi32>
      %reduce_sum3A_78 = vector.extract %reduce_sum3A_77[15] : i32 from vector<16xi32>
      %get3A_79 = arith.constant 0 : i32
      %get3A_80 = arith.index_cast %get3A_79 : i32 to index
      %get3A_81 = arith.constant 96 : index
      %get3A_82 = tpu.vector_load %arg8[%get3A_80, %get3A_81] {strides = array<i32>} : memref<16x256xi32, #tpu.memory_space<vmem>>, vector<16xi32>,
      %reduce_sum3A_83 = arith.constant true
      %reduce_sum3A_84 = vector.broadcast %reduce_sum3A_83 : i1 to vector<16xi1>
      %reduce_sum3A_85 = tpu.scan <sum>, %get3A_82 masked %reduce_sum3A_84 : vector<16xi32>, vector<16xi1> -> vector<16xi32>
      %reduce_sum3A_86 = vector.extract %reduce_sum3A_85[15] : i32 from vector<16xi32>
      %get3A_87 = arith.constant 0 : i32
      %get3A_88 = arith.index_cast %get3A_87 : i32 to index
      %get3A_89 = arith.constant 112 : index
      %get3A_90 = tpu.vector_load %arg8[%get3A_88, %get3A_89] {strides = array<i32>} : memref<16x256xi32, #tpu.memory_space<vmem>>, vector<16xi32>,
      %reduce_sum3A_91 = arith.constant true
      %reduce_sum3A_92 = vector.broadcast %reduce_sum3A_91 : i1 to vector<16xi1>
      %reduce_sum3A_93 = tpu.scan <sum>, %get3A_90 masked %reduce_sum3A_92 : vector<16xi32>, vector<16xi1> -> vector<16xi32>
      %reduce_sum3A_94 = vector.extract %reduce_sum3A_93[15] : i32 from vector<16xi32>
      %get3A_95 = arith.constant 0 : i32
      %get3A_96 = arith.index_cast %get3A_95 : i32 to index
      %get3A_97 = arith.constant 128 : index
      %get3A_98 = tpu.vector_load %arg8[%get3A_96, %get3A_97] {strides = array<i32>} : memref<16x256xi32, #tpu.memory_space<vmem>>, vector<16xi32>,
      %reduce_sum3A_99 = arith.constant true
      %reduce_sum3A_100 = vector.broadcast %reduce_sum3A_99 : i1 to vector<16xi1>
      %reduce_sum3A_101 = tpu.scan <sum>, %get3A_98 masked %reduce_sum3A_100 : vector<16xi32>, vector<16xi1> -> vector<16xi32>
      %reduce_sum3A_102 = vector.extract %reduce_sum3A_101[15] : i32 from vector<16xi32>
      %get3A_103 = arith.constant 0 : i32
      %get3A_104 = arith.index_cast %get3A_103 : i32 to index
      %get3A_105 = arith.constant 144 : index
      %get3A_106 = tpu.vector_load %arg8[%get3A_104, %get3A_105] {strides = array<i32>} : memref<16x256xi32, #tpu.memory_space<vmem>>, vector<16xi32>,
      %reduce_sum3A_107 = arith.constant true
      %reduce_sum3A_108 = vector.broadcast %reduce_sum3A_107 : i1 to vector<16xi1>
      %reduce_sum3A_109 = tpu.scan <sum>, %get3A_106 masked %reduce_sum3A_108 : vector<16xi32>, vector<16xi1> -> vector<16xi32>
      %reduce_sum3A_110 = vector.extract %reduce_sum3A_109[15] : i32 from vector<16xi32>
      %get3A_111 = arith.constant 0 : i32
      %get3A_112 = arith.index_cast %get3A_111 : i32 to index
      %get3A_113 = arith.constant 160 : index
      %get3A_114 = tpu.vector_load %arg8[%get3A_112, %get3A_113] {strides = array<i32>} : memref<16x256xi32, #tpu.memory_space<vmem>>, vector<16xi32>,
      %reduce_sum3A_115 = arith.constant true
      %reduce_sum3A_116 = vector.broadcast %reduce_sum3A_115 : i1 to vector<16xi1>
      %reduce_sum3A_117 = tpu.scan <sum>, %get3A_114 masked %reduce_sum3A_116 : vector<16xi32>, vector<16xi1> -> vector<16xi32>
      %reduce_sum3A_118 = vector.extract %reduce_sum3A_117[15] : i32 from vector<16xi32>
      %get3A_119 = arith.constant 0 : i32
      %get3A_120 = arith.index_cast %get3A_119 : i32 to index
      %get3A_121 = arith.constant 176 : index
      %get3A_122 = tpu.vector_load %arg8[%get3A_120, %get3A_121] {strides = array<i32>} : memref<16x256xi32, #tpu.memory_space<vmem>>, vector<16xi32>,
      %reduce_sum3A_123 = arith.constant true
      %reduce_sum3A_124 = vector.broadcast %reduce_sum3A_123 : i1 to vector<16xi1>
      %reduce_sum3A_125 = tpu.scan <sum>, %get3A_122 masked %reduce_sum3A_124 : vector<16xi32>, vector<16xi1> -> vector<16xi32>
      %reduce_sum3A_126 = vector.extract %reduce_sum3A_125[15] : i32 from vector<16xi32>
      %get3A_127 = arith.constant 0 : i32
      %get3A_128 = arith.index_cast %get3A_127 : i32 to index
      %get3A_129 = arith.constant 192 : index
      %get3A_130 = tpu.vector_load %arg8[%get3A_128, %get3A_129] {strides = array<i32>} : memref<16x256xi32, #tpu.memory_space<vmem>>, vector<16xi32>,
      %reduce_sum3A_131 = arith.constant true
      %reduce_sum3A_132 = vector.broadcast %reduce_sum3A_131 : i1 to vector<16xi1>
      %reduce_sum3A_133 = tpu.scan <sum>, %get3A_130 masked %reduce_sum3A_132 : vector<16xi32>, vector<16xi1> -> vector<16xi32>
      %reduce_sum3A_134 = vector.extract %reduce_sum3A_133[15] : i32 from vector<16xi32>
      %get3A_135 = arith.constant 0 : i32
      %get3A_136 = arith.index_cast %get3A_135 : i32 to index
      %get3A_137 = arith.constant 208 : index
      %get3A_138 = tpu.vector_load %arg8[%get3A_136, %get3A_137] {strides = array<i32>} : memref<16x256xi32, #tpu.memory_space<vmem>>, vector<16xi32>,
      %reduce_sum3A_139 = arith.constant true
      %reduce_sum3A_140 = vector.broadcast %reduce_sum3A_139 : i1 to vector<16xi1>
      %reduce_sum3A_141 = tpu.scan <sum>, %get3A_138 masked %reduce_sum3A_140 : vector<16xi32>, vector<16xi1> -> vector<16xi32>
      %reduce_sum3A_142 = vector.extract %reduce_sum3A_141[15] : i32 from vector<16xi32>
      %get3A_143 = arith.constant 0 : i32
      %get3A_144 = arith.index_cast %get3A_143 : i32 to index
      %get3A_145 = arith.constant 224 : index
      %get3A_146 = tpu.vector_load %arg8[%get3A_144, %get3A_145] {strides = array<i32>} : memref<16x256xi32, #tpu.memory_space<vmem>>, vector<16xi32>,
      %reduce_sum3A_147 = arith.constant true
      %reduce_sum3A_148 = vector.broadcast %reduce_sum3A_147 : i1 to vector<16xi1>
      %reduce_sum3A_149 = tpu.scan <sum>, %get3A_146 masked %reduce_sum3A_148 : vector<16xi32>, vector<16xi1> -> vector<16xi32>
      %reduce_sum3A_150 = vector.extract %reduce_sum3A_149[15] : i32 from vector<16xi32>
      %get3A_151 = arith.constant 0 : i32
      %get3A_152 = arith.index_cast %get3A_151 : i32 to index
      %get3A_153 = arith.constant 240 : index
      %get3A_154 = tpu.vector_load %arg8[%get3A_152, %get3A_153] {strides = array<i32>} : memref<16x256xi32, #tpu.memory_space<vmem>>, vector<16xi32>,
      %reduce_sum3A_155 = arith.constant true
      %reduce_sum3A_156 = vector.broadcast %reduce_sum3A_155 : i1 to vector<16xi1>
      %reduce_sum3A_157 = tpu.scan <sum>, %get3A_154 masked %reduce_sum3A_156 : vector<16xi32>, vector<16xi1> -> vector<16xi32>
      %reduce_sum3A_158 = vector.extract %reduce_sum3A_157[15] : i32 from vector<16xi32>
      %add3A = arith.constant 0 : i32
      %add3A_159 = arith.addi %add3A, %reduce_sum3A_158 : i32
      %add3A_160 = arith.addi %add3A_159, %reduce_sum3A_150 : i32
      %add3A_161 = arith.addi %add3A_160, %reduce_sum3A_142 : i32
      %add3A_162 = arith.addi %add3A_161, %reduce_sum3A_134 : i32
      %add3A_163 = arith.addi %add3A_162, %reduce_sum3A_126 : i32
      %add3A_164 = arith.addi %add3A_163, %reduce_sum3A_118 : i32
      %add3A_165 = arith.addi %add3A_164, %reduce_sum3A_110 : i32
      %add3A_166 = arith.addi %add3A_165, %reduce_sum3A_102 : i32
      %add3A_167 = arith.addi %add3A_166, %reduce_sum3A_94 : i32
      %add3A_168 = arith.addi %add3A_167, %reduce_sum3A_86 : i32
      %add3A_169 = arith.addi %add3A_168, %reduce_sum3A_78 : i32
      %add3A_170 = arith.addi %add3A_169, %reduce_sum3A_70 : i32
      %add3A_171 = arith.addi %add3A_170, %reduce_sum3A_62 : i32
      %add3A_172 = arith.addi %add3A_171, %reduce_sum3A_54 : i32
      %add3A_173 = arith.addi %add3A_172, %reduce_sum3A_46 : i32
      %add3A_174 = arith.addi %add3A_173, %reduce_sum3A_38 : i32
      %lt3A = arith.constant 11468 : i32
      %lt3A_175 = arith.cmpi slt, %add3A_173, %lt3A : i32
      %add3A_176 = arith.addi %add3A_173, %reduce_sum3A_38 : i32
      %ge3A = arith.constant 11468 : i32
      %ge3A_177 = arith.cmpi sge, %add3A_176, %ge3A : i32
      %and3A = arith.andi %lt3A_175, %ge3A_177 : i1
      %jit3A = arith.constant 0 : i32
      %jit3A_178 = arith.constant 0 : i32
      %select_n3A = arith.select %and3A, %jit3A, %jit3A_178 : i32
      %jit3A_179 = arith.constant 0 : i32
      %select_n3A_180 = arith.select %and3A, %add3A_173, %jit3A_179 : i32
      %lt3A_181 = arith.constant 11468 : i32
      %lt3A_182 = arith.cmpi slt, %add3A_172, %lt3A_181 : i32
      %add3A_183 = arith.addi %add3A_172, %reduce_sum3A_46 : i32
      %ge3A_184 = arith.constant 11468 : i32
      %ge3A_185 = arith.cmpi sge, %add3A_183, %ge3A_184 : i32
      %and3A_186 = arith.andi %lt3A_182, %ge3A_185 : i1
      %jit3A_187 = arith.constant 1 : i32
      %select_n3A_188 = arith.select %and3A_186, %jit3A_187, %select_n3A : i32
      %select_n3A_189 = arith.select %and3A_186, %add3A_172, %select_n3A_180 : i32
      %lt3A_190 = arith.constant 11468 : i32
      %lt3A_191 = arith.cmpi slt, %add3A_171, %lt3A_190 : i32
      %add3A_192 = arith.addi %add3A_171, %reduce_sum3A_54 : i32
      %ge3A_193 = arith.constant 11468 : i32
      %ge3A_194 = arith.cmpi sge, %add3A_192, %ge3A_193 : i32
      %and3A_195 = arith.andi %lt3A_191, %ge3A_194 : i1
      %jit3A_196 = arith.constant 2 : i32
      %select_n3A_197 = arith.select %and3A_195, %jit3A_196, %select_n3A_188 : i32
      %select_n3A_198 = arith.select %and3A_195, %add3A_171, %select_n3A_189 : i32
      %lt3A_199 = arith.constant 11468 : i32
      %lt3A_200 = arith.cmpi slt, %add3A_170, %lt3A_199 : i32
      %add3A_201 = arith.addi %add3A_170, %reduce_sum3A_62 : i32
      %ge3A_202 = arith.constant 11468 : i32
      %ge3A_203 = arith.cmpi sge, %add3A_201, %ge3A_202 : i32
      %and3A_204 = arith.andi %lt3A_200, %ge3A_203 : i1
      %jit3A_205 = arith.constant 3 : i32
      %select_n3A_206 = arith.select %and3A_204, %jit3A_205, %select_n3A_197 : i32
      %select_n3A_207 = arith.select %and3A_204, %add3A_170, %select_n3A_198 : i32
      %lt3A_208 = arith.constant 11468 : i32
      %lt3A_209 = arith.cmpi slt, %add3A_169, %lt3A_208 : i32
      %add3A_210 = arith.addi %add3A_169, %reduce_sum3A_70 : i32
      %ge3A_211 = arith.constant 11468 : i32
      %ge3A_212 = arith.cmpi sge, %add3A_210, %ge3A_211 : i32
      %and3A_213 = arith.andi %lt3A_209, %ge3A_212 : i1
      %jit3A_214 = arith.constant 4 : i32
      %select_n3A_215 = arith.select %and3A_213, %jit3A_214, %select_n3A_206 : i32
      %select_n3A_216 = arith.select %and3A_213, %add3A_169, %select_n3A_207 : i32
      %lt3A_217 = arith.constant 11468 : i32
      %lt3A_218 = arith.cmpi slt, %add3A_168, %lt3A_217 : i32
      %add3A_219 = arith.addi %add3A_168, %reduce_sum3A_78 : i32
      %ge3A_220 = arith.constant 11468 : i32
      %ge3A_221 = arith.cmpi sge, %add3A_219, %ge3A_220 : i32
      %and3A_222 = arith.andi %lt3A_218, %ge3A_221 : i1
      %jit3A_223 = arith.constant 5 : i32
      %select_n3A_224 = arith.select %and3A_222, %jit3A_223, %select_n3A_215 : i32
      %select_n3A_225 = arith.select %and3A_222, %add3A_168, %select_n3A_216 : i32
      %lt3A_226 = arith.constant 11468 : i32
      %lt3A_227 = arith.cmpi slt, %add3A_167, %lt3A_226 : i32
      %add3A_228 = arith.addi %add3A_167, %reduce_sum3A_86 : i32
      %ge3A_229 = arith.constant 11468 : i32
      %ge3A_230 = arith.cmpi sge, %add3A_228, %ge3A_229 : i32
      %and3A_231 = arith.andi %lt3A_227, %ge3A_230 : i1
      %jit3A_232 = arith.constant 6 : i32
      %select_n3A_233 = arith.select %and3A_231, %jit3A_232, %select_n3A_224 : i32
      %select_n3A_234 = arith.select %and3A_231, %add3A_167, %select_n3A_225 : i32
      %lt3A_235 = arith.constant 11468 : i32
      %lt3A_236 = arith.cmpi slt, %add3A_166, %lt3A_235 : i32
      %add3A_237 = arith.addi %add3A_166, %reduce_sum3A_94 : i32
      %ge3A_238 = arith.constant 11468 : i32
      %ge3A_239 = arith.cmpi sge, %add3A_237, %ge3A_238 : i32
      %and3A_240 = arith.andi %lt3A_236, %ge3A_239 : i1
      %jit3A_241 = arith.constant 7 : i32
      %select_n3A_242 = arith.select %and3A_240, %jit3A_241, %select_n3A_233 : i32
      %select_n3A_243 = arith.select %and3A_240, %add3A_166, %select_n3A_234 : i32
      %lt3A_244 = arith.constant 11468 : i32
      %lt3A_245 = arith.cmpi slt, %add3A_165, %lt3A_244 : i32
      %add3A_246 = arith.addi %add3A_165, %reduce_sum3A_102 : i32
      %ge3A_247 = arith.constant 11468 : i32
      %ge3A_248 = arith.cmpi sge, %add3A_246, %ge3A_247 : i32
      %and3A_249 = arith.andi %lt3A_245, %ge3A_248 : i1
      %jit3A_250 = arith.constant 8 : i32
      %select_n3A_251 = arith.select %and3A_249, %jit3A_250, %select_n3A_242 : i32
      %select_n3A_252 = arith.select %and3A_249, %add3A_165, %select_n3A_243 : i32
      %lt3A_253 = arith.constant 11468 : i32
      %lt3A_254 = arith.cmpi slt, %add3A_164, %lt3A_253 : i32
      %add3A_255 = arith.addi %add3A_164, %reduce_sum3A_110 : i32
      %ge3A_256 = arith.constant 11468 : i32
      %ge3A_257 = arith.cmpi sge, %add3A_255, %ge3A_256 : i32
      %and3A_258 = arith.andi %lt3A_254, %ge3A_257 : i1
      %jit3A_259 = arith.constant 9 : i32
      %select_n3A_260 = arith.select %and3A_258, %jit3A_259, %select_n3A_251 : i32
      %select_n3A_261 = arith.select %and3A_258, %add3A_164, %select_n3A_252 : i32
      %lt3A_262 = arith.constant 11468 : i32
      %lt3A_263 = arith.cmpi slt, %add3A_163, %lt3A_262 : i32
      %add3A_264 = arith.addi %add3A_163, %reduce_sum3A_118 : i32
      %ge3A_265 = arith.constant 11468 : i32
      %ge3A_266 = arith.cmpi sge, %add3A_264, %ge3A_265 : i32
      %and3A_267 = arith.andi %lt3A_263, %ge3A_266 : i1
      %jit3A_268 = arith.constant 10 : i32
      %select_n3A_269 = arith.select %and3A_267, %jit3A_268, %select_n3A_260 : i32
      %select_n3A_270 = arith.select %and3A_267, %add3A_163, %select_n3A_261 : i32
      %lt3A_271 = arith.constant 11468 : i32
      %lt3A_272 = arith.cmpi slt, %add3A_162, %lt3A_271 : i32
      %add3A_273 = arith.addi %add3A_162, %reduce_sum3A_126 : i32
      %ge3A_274 = arith.constant 11468 : i32
      %ge3A_275 = arith.cmpi sge, %add3A_273, %ge3A_274 : i32
      %and3A_276 = arith.andi %lt3A_272, %ge3A_275 : i1
      %jit3A_277 = arith.constant 11 : i32
      %select_n3A_278 = arith.select %and3A_276, %jit3A_277, %select_n3A_269 : i32
      %select_n3A_279 = arith.select %and3A_276, %add3A_162, %select_n3A_270 : i32
      %lt3A_280 = arith.constant 11468 : i32
      %lt3A_281 = arith.cmpi slt, %add3A_161, %lt3A_280 : i32
      %add3A_282 = arith.addi %add3A_161, %reduce_sum3A_134 : i32
      %ge3A_283 = arith.constant 11468 : i32
      %ge3A_284 = arith.cmpi sge, %add3A_282, %ge3A_283 : i32
      %and3A_285 = arith.andi %lt3A_281, %ge3A_284 : i1
      %jit3A_286 = arith.constant 12 : i32
      %select_n3A_287 = arith.select %and3A_285, %jit3A_286, %select_n3A_278 : i32
      %select_n3A_288 = arith.select %and3A_285, %add3A_161, %select_n3A_279 : i32
      %lt3A_289 = arith.constant 11468 : i32
      %lt3A_290 = arith.cmpi slt, %add3A_160, %lt3A_289 : i32
      %add3A_291 = arith.addi %add3A_160, %reduce_sum3A_142 : i32
      %ge3A_292 = arith.constant 11468 : i32
      %ge3A_293 = arith.cmpi sge, %add3A_291, %ge3A_292 : i32
      %and3A_294 = arith.andi %lt3A_290, %ge3A_293 : i1
      %jit3A_295 = arith.constant 13 : i32
      %select_n3A_296 = arith.select %and3A_294, %jit3A_295, %select_n3A_287 : i32
      %select_n3A_297 = arith.select %and3A_294, %add3A_160, %select_n3A_288 : i32
      %lt3A_298 = arith.constant 11468 : i32
      %lt3A_299 = arith.cmpi slt, %add3A_159, %lt3A_298 : i32
      %add3A_300 = arith.addi %add3A_159, %reduce_sum3A_150 : i32
      %ge3A_301 = arith.constant 11468 : i32
      %ge3A_302 = arith.cmpi sge, %add3A_300, %ge3A_301 : i32
      %and3A_303 = arith.andi %lt3A_299, %ge3A_302 : i1
      %jit3A_304 = arith.constant 14 : i32
      %select_n3A_305 = arith.select %and3A_303, %jit3A_304, %select_n3A_296 : i32
      %select_n3A_306 = arith.select %and3A_303, %add3A_159, %select_n3A_297 : i32
      %lt3A_307 = arith.constant 0 : i32
      %lt3A_308 = arith.constant 11468 : i32
      %lt3A_309 = arith.cmpi slt, %lt3A_307, %lt3A_308 : i32
      %add3A_310 = arith.constant 0 : i32
      %add3A_311 = arith.addi %add3A_310, %reduce_sum3A_158 : i32
      %ge3A_312 = arith.constant 11468 : i32
      %ge3A_313 = arith.cmpi sge, %add3A_311, %ge3A_312 : i32
      %and3A_314 = arith.andi %lt3A_309, %ge3A_313 : i1
      %jit3A_315 = arith.constant 15 : i32
      %select_n3A_316 = arith.select %and3A_314, %jit3A_315, %select_n3A_305 : i32
      %jit3A_317 = arith.constant 0 : i32
      %select_n3A_318 = arith.select %and3A_314, %jit3A_317, %select_n3A_306 : i32
      %mul3A_319 = arith.constant 16 : i32
      %mul3A_320 = arith.muli %select_n3A_316, %mul3A_319 : i32
      %get3A_321 = arith.constant 0 : i32
      %get3A_322 = arith.index_cast %get3A_321 : i32 to index
      %get3A_323 = arith.index_cast %mul3A_320 : i32 to index
      %get3A_324 = tpu.vector_load %arg8[%get3A_322, %get3A_323] {strides = array<i32>} : memref<16x256xi32, #tpu.memory_space<vmem>>, vector<16xi32>,
      %rev3A = arith.constant 15 : i32
      %rev3A_325 = vector.broadcast %rev3A : i32 to vector<16xi32>
      %rev3A_326 = tpu.iota {dimensions = array<i32: 0>} : vector<16xi32>
      %rev3A_327 = arith.subi %rev3A_325, %rev3A_326 : vector<16xi32>
      %rev3A_328 = tpu.dynamic_gather %get3A_324[%rev3A_327] in [0] : vector<16xi32>, vector<16xi32> -> vector<16xi32>
      %cumsum3A = arith.constant true
      %cumsum3A_329 = vector.broadcast %cumsum3A : i1 to vector<16xi1>
      %cumsum3A_330 = tpu.scan <sum>, %rev3A_328 masked %cumsum3A_329 : vector<16xi32>, vector<16xi1> -> vector<16xi32>
      %rev3A_331 = arith.constant 15 : i32
      %rev3A_332 = vector.broadcast %rev3A_331 : i32 to vector<16xi32>
      %rev3A_333 = tpu.iota {dimensions = array<i32: 0>} : vector<16xi32>
      %rev3A_334 = arith.subi %rev3A_332, %rev3A_333 : vector<16xi32>
      %rev3A_335 = tpu.dynamic_gather %cumsum3A_330[%rev3A_334] in [0] : vector<16xi32>, vector<16xi32> -> vector<16xi32>
      %broadcast_in_dim3A_336 = arith.constant 0 : i32
      %broadcast_in_dim3A_337 = vector.broadcast %broadcast_in_dim3A_336 : i32 to vector<16xi32>
      %add3A_338 = vector.broadcast %select_n3A_318 : i32 to vector<16xi32>
      %add3A_339 = arith.addi %broadcast_in_dim3A_337, %add3A_338 : vector<16xi32>
      %add3A_340 = arith.addi %rev3A_335, %add3A_339 : vector<16xi32>
      %broadcast_in_dim3A_341 = arith.constant 0 : i32
      %broadcast_in_dim3A_342 = vector.broadcast %broadcast_in_dim3A_341 : i32 to vector<16xi32>
      %add3A_343 = arith.constant 11468 : i32
      %add3A_344 = vector.broadcast %add3A_343 : i32 to vector<16xi32>
      %add3A_345 = arith.addi %broadcast_in_dim3A_342, %add3A_344 : vector<16xi32>
      %ge3A_346 = arith.cmpi sge, %add3A_340, %add3A_345 : vector<16xi32>
      %jit3A_347 = arith.constant -1 : i32
      %broadcast_in_dim3A_348 = vector.broadcast %jit3A_347 : i32 to vector<16xi32>
      %select_n3A_349 = arith.select %ge3A_346, %iota3A, %broadcast_in_dim3A_348 : vector<16xi1>, vector<16xi32>
      %reduce_max3A = arith.constant true
      %reduce_max3A_350 = vector.broadcast %reduce_max3A : i1 to vector<16xi1>
      %reduce_max3A_351 = arith.constant -2147483648 : i32
      %reduce_max3A_352 = vector.broadcast %reduce_max3A_351 : i32 to vector<16xi32>
      %reduce_max3A_353 = arith.xori %select_n3A_349, %reduce_max3A_352 : vector<16xi32>
      %reduce_max3A_354 = tpu.scan <max>, %reduce_max3A_353 masked %reduce_max3A_350 : vector<16xi32>, vector<16xi1> -> vector<16xi32>
      %reduce_max3A_355 = arith.xori %reduce_max3A_354, %reduce_max3A_352 : vector<16xi32>
      %reduce_max3A_356 = vector.extract %reduce_max3A_355[15] : i32 from vector<16xi32>
      %broadcast_in_dim3A_357 = arith.constant 0 : i32
      %broadcast_in_dim3A_358 = vector.broadcast %broadcast_in_dim3A_357 : i32 to vector<16xi32>
      %add3A_359 = vector.broadcast %reduce_max3A_356 : i32 to vector<16xi32>
      %add3A_360 = arith.addi %broadcast_in_dim3A_358, %add3A_359 : vector<16xi32>
      %eq3A_361 = arith.cmpi eq, %iota3A, %add3A_360 : vector<16xi32>
      %jit3A_362 = arith.constant 0 : i32
      %broadcast_in_dim3A_363 = vector.broadcast %jit3A_362 : i32 to vector<16xi32>
      %select_n3A_364 = arith.select %eq3A_361, %get3A_324, %broadcast_in_dim3A_363 : vector<16xi1>, vector<16xi32>
      %reduce_sum3A_365 = arith.constant true
      %reduce_sum3A_366 = vector.broadcast %reduce_sum3A_365 : i1 to vector<16xi1>
      %reduce_sum3A_367 = tpu.scan <sum>, %select_n3A_364 masked %reduce_sum3A_366 : vector<16xi32>, vector<16xi1> -> vector<16xi32>
      %reduce_sum3A_368 = vector.extract %reduce_sum3A_367[15] : i32 from vector<16xi32>
      %jit3A_369 = arith.constant 0 : i32
      %broadcast_in_dim3A_370 = vector.broadcast %jit3A_369 : i32 to vector<16xi32>
      %select_n3A_371 = arith.select %eq3A_361, %rev3A_335, %broadcast_in_dim3A_370 : vector<16xi1>, vector<16xi32>
      %reduce_sum3A_372 = arith.constant true
      %reduce_sum3A_373 = vector.broadcast %reduce_sum3A_372 : i1 to vector<16xi1>
      %reduce_sum3A_374 = tpu.scan <sum>, %select_n3A_371 masked %reduce_sum3A_373 : vector<16xi32>, vector<16xi1> -> vector<16xi32>
      %reduce_sum3A_375 = vector.extract %reduce_sum3A_374[15] : i32 from vector<16xi32>
      %add3A_376 = arith.addi %select_n3A_318, %reduce_sum3A_375 : i32
      %sub3A = arith.subi %add3A_376, %reduce_sum3A_368 : i32
      %mul3A_377 = arith.constant 16 : i32
      %mul3A_378 = arith.muli %select_n3A_316, %mul3A_377 : i32
      %add3A_379 = arith.addi %mul3A_378, %reduce_max3A_356 : i32
      %sub3A_380 = arith.constant 11468 : i32
      %sub3A_381 = arith.subi %sub3A_380, %sub3A : i32
      %xor3A = arith.constant 128 : i32
      %xor3A_382 = arith.xori %add3A_379, %xor3A : i32
      %and3A_383 = arith.constant 255 : i32
      %and3A_384 = arith.andi %xor3A_382, %and3A_383 : i32
      %shift_left3A = arith.constant 24 : i32
      %shift_left3A_385 = arith.shli %and3A_384, %shift_left3A : i32
      %scan3A_386 = arith.constant 0 : i32
      %scan3A_387 = arith.constant 0 : i32
      %scan3A_388 = arith.constant 256 : i32
      %scan3A_389 = arith.addi %scan3A_387, %scan3A_388 : i32
      %scan3A_390 = arith.constant 8 : i32
      scf.for %scan3A_856 = %scan3A_387 to %scan3A_389 step %scan3A_390  : i32 {
        %mul3A_857 = arith.constant 16 : i32
        %mul3A_858 = arith.muli %scan3A_856, %mul3A_857 : i32
        %swap3A_859 = arith.index_cast %mul3A_858 : i32 to index
        %swap3A_860 = tpu.vector_load %arg6[%swap3A_859] {strides = array<i32>} : memref<4096xi32, #tpu.memory_space<vmem>>, vector<16xi32>,
        tpu.vector_store %arg6[%swap3A_859], %broadcast_in_dim3A_4 {strides = array<i32>} : memref<4096xi32, #tpu.memory_space<vmem>>, vector<16xi32>,
        %scan3A_861 = arith.constant 1 : i32
        %scan3A_862 = arith.addi %scan3A_856, %scan3A_861 : i32
        %mul3A_863 = arith.constant 16 : i32
        %mul3A_864 = arith.muli %scan3A_862, %mul3A_863 : i32
        %swap3A_865 = arith.index_cast %mul3A_864 : i32 to index
        %swap3A_866 = tpu.vector_load %arg6[%swap3A_865] {strides = array<i32>} : memref<4096xi32, #tpu.memory_space<vmem>>, vector<16xi32>,
        tpu.vector_store %arg6[%swap3A_865], %broadcast_in_dim3A_4 {strides = array<i32>} : memref<4096xi32, #tpu.memory_space<vmem>>, vector<16xi32>,
        %scan3A_867 = arith.constant 2 : i32
        %scan3A_868 = arith.addi %scan3A_856, %scan3A_867 : i32
        %mul3A_869 = arith.constant 16 : i32
        %mul3A_870 = arith.muli %scan3A_868, %mul3A_869 : i32
        %swap3A_871 = arith.index_cast %mul3A_870 : i32 to index
        %swap3A_872 = tpu.vector_load %arg6[%swap3A_871] {strides = array<i32>} : memref<4096xi32, #tpu.memory_space<vmem>>, vector<16xi32>,
        tpu.vector_store %arg6[%swap3A_871], %broadcast_in_dim3A_4 {strides = array<i32>} : memref<4096xi32, #tpu.memory_space<vmem>>, vector<16xi32>,
        %scan3A_873 = arith.constant 3 : i32
        %scan3A_874 = arith.addi %scan3A_856, %scan3A_873 : i32
        %mul3A_875 = arith.constant 16 : i32
        %mul3A_876 = arith.muli %scan3A_874, %mul3A_875 : i32
        %swap3A_877 = arith.index_cast %mul3A_876 : i32 to index
        %swap3A_878 = tpu.vector_load %arg6[%swap3A_877] {strides = array<i32>} : memref<4096xi32, #tpu.memory_space<vmem>>, vector<16xi32>,
        tpu.vector_store %arg6[%swap3A_877], %broadcast_in_dim3A_4 {strides = array<i32>} : memref<4096xi32, #tpu.memory_space<vmem>>, vector<16xi32>,
        %scan3A_879 = arith.constant 4 : i32
        %scan3A_880 = arith.addi %scan3A_856, %scan3A_879 : i32
        %mul3A_881 = arith.constant 16 : i32
        %mul3A_882 = arith.muli %scan3A_880, %mul3A_881 : i32
        %swap3A_883 = arith.index_cast %mul3A_882 : i32 to index
        %swap3A_884 = tpu.vector_load %arg6[%swap3A_883] {strides = array<i32>} : memref<4096xi32, #tpu.memory_space<vmem>>, vector<16xi32>,
        tpu.vector_store %arg6[%swap3A_883], %broadcast_in_dim3A_4 {strides = array<i32>} : memref<4096xi32, #tpu.memory_space<vmem>>, vector<16xi32>,
        %scan3A_885 = arith.constant 5 : i32
        %scan3A_886 = arith.addi %scan3A_856, %scan3A_885 : i32
        %mul3A_887 = arith.constant 16 : i32
        %mul3A_888 = arith.muli %scan3A_886, %mul3A_887 : i32
        %swap3A_889 = arith.index_cast %mul3A_888 : i32 to index
        %swap3A_890 = tpu.vector_load %arg6[%swap3A_889] {strides = array<i32>} : memref<4096xi32, #tpu.memory_space<vmem>>, vector<16xi32>,
        tpu.vector_store %arg6[%swap3A_889], %broadcast_in_dim3A_4 {strides = array<i32>} : memref<4096xi32, #tpu.memory_space<vmem>>, vector<16xi32>,
        %scan3A_891 = arith.constant 6 : i32
        %scan3A_892 = arith.addi %scan3A_856, %scan3A_891 : i32
        %mul3A_893 = arith.constant 16 : i32
        %mul3A_894 = arith.muli %scan3A_892, %mul3A_893 : i32
        %swap3A_895 = arith.index_cast %mul3A_894 : i32 to index
        %swap3A_896 = tpu.vector_load %arg6[%swap3A_895] {strides = array<i32>} : memref<4096xi32, #tpu.memory_space<vmem>>, vector<16xi32>,
        tpu.vector_store %arg6[%swap3A_895], %broadcast_in_dim3A_4 {strides = array<i32>} : memref<4096xi32, #tpu.memory_space<vmem>>, vector<16xi32>,
        %scan3A_897 = arith.constant 7 : i32
        %scan3A_898 = arith.addi %scan3A_856, %scan3A_897 : i32
        %mul3A_899 = arith.constant 16 : i32
        %mul3A_900 = arith.muli %scan3A_898, %mul3A_899 : i32
        %swap3A_901 = arith.index_cast %mul3A_900 : i32 to index
        %swap3A_902 = tpu.vector_load %arg6[%swap3A_901] {strides = array<i32>} : memref<4096xi32, #tpu.memory_space<vmem>>, vector<16xi32>,
        tpu.vector_store %arg6[%swap3A_901], %broadcast_in_dim3A_4 {strides = array<i32>} : memref<4096xi32, #tpu.memory_space<vmem>>, vector<16xi32>,
      }
      %scan3A_391 = arith.constant 256 : i32
      %broadcast_in_dim3A_392 = arith.constant 0 : i32
      %broadcast_in_dim3A_393 = vector.broadcast %broadcast_in_dim3A_392 : i32 to vector<16xi32>
      %add3A_394 = vector.broadcast %shift_left3A_385 : i32 to vector<16xi32>
      %add3A_395 = arith.addi %broadcast_in_dim3A_393, %add3A_394 : vector<16xi32>
      %scan3A_396 = arith.constant 0 : i32
      %scan3A_397 = arith.constant 0 : i32
      %scan3A_398 = arith.constant 64 : i32
      %scan3A_399 = arith.addi %scan3A_397, %scan3A_398 : i32
      %scan3A_400 = arith.constant 1 : i32
      scf.for %scan3A_856 = %scan3A_397 to %scan3A_399 step %scan3A_400  : i32 {
        %mul3A_857 = arith.constant 16 : i32
        %mul3A_858 = arith.muli %scan3A_856, %mul3A_857 : i32
        %get3A_859 = arith.index_cast %mul3A_858 : i32 to index
        %get3A_860 = tpu.vector_load %arg5[%get3A_859] {strides = array<i32>} : memref<1024xi32, #tpu.memory_space<vmem>>, vector<16xi32>,
        %xor3A_861 = arith.xori %get3A_860, %add3A_395 : vector<16xi32>
        %and3A_862 = arith.constant -16777216 : i32
        %and3A_863 = vector.broadcast %and3A_862 : i32 to vector<16xi32>
        %and3A_864 = arith.andi %xor3A_861, %and3A_863 : vector<16xi32>
        %eq3A_865 = arith.constant 0 : i32
        %eq3A_866 = vector.broadcast %eq3A_865 : i32 to vector<16xi32>
        %eq3A_867 = arith.cmpi eq, %and3A_864, %eq3A_866 : vector<16xi32>
        %broadcast_in_dim3A_868 = arith.constant 0 : i32
        %broadcast_in_dim3A_869 = vector.broadcast %broadcast_in_dim3A_868 : i32 to vector<16xi32>
        %add3A_870 = arith.constant 16 : i32
        %add3A_871 = vector.broadcast %add3A_870 : i32 to vector<16xi32>
        %add3A_872 = arith.addi %broadcast_in_dim3A_869, %add3A_871 : vector<16xi32>
        %shift_right_arithmetic3A = arith.shrsi %get3A_860, %add3A_872 : vector<16xi32>
        %and3A_873 = arith.constant 255 : i32
        %and3A_874 = vector.broadcast %and3A_873 : i32 to vector<16xi32>
        %and3A_875 = arith.andi %shift_right_arithmetic3A, %and3A_874 : vector<16xi32>
        %add3A_876 = arith.addi %mul3A_3, %and3A_875 : vector<16xi32>
        tpu.vector_store_idx %arg6[%add3A_876], %broadcast_in_dim3A_6 masked %eq3A_867 {add = true} : memref<4096xi32, #tpu.memory_space<vmem>>[vector<16xi32>], vector<16xi32>, vector<16xi1>
      }
      %scan3A_401 = arith.constant 64 : i32
      %scan3A_402 = arith.constant 0 : i32
      %scan3A_403 = arith.constant 0 : i32
      %scan3A_404 = arith.constant 16 : i32
      %scan3A_405 = arith.addi %scan3A_403, %scan3A_404 : i32
      %scan3A_406 = arith.constant 4 : i32
      scf.for %scan3A_856 = %scan3A_403 to %scan3A_405 step %scan3A_406  : i32 {
        %mul3A_857 = arith.constant 16 : i32
        %mul3A_858 = arith.muli %scan3A_856, %mul3A_857 : i32
        %add3A_859 = arith.constant 0 : i32
        %add3A_860 = arith.addi %add3A_859, %mul3A_858 : i32
        %mul3A_861 = arith.constant 16 : i32
        %mul3A_862 = arith.muli %scan3A_856, %mul3A_861 : i32
        %add3A_863 = arith.constant 2048 : i32
        %add3A_864 = arith.addi %add3A_863, %mul3A_862 : i32
        %get3A_865 = arith.index_cast %add3A_860 : i32 to index
        %get3A_866 = tpu.vector_load %arg6[%get3A_865] {strides = array<i32>} : memref<4096xi32, #tpu.memory_space<vmem>>, vector<16xi32>,
        %get3A_867 = arith.index_cast %add3A_864 : i32 to index
        %get3A_868 = tpu.vector_load %arg6[%get3A_867] {strides = array<i32>} : memref<4096xi32, #tpu.memory_space<vmem>>, vector<16xi32>,
        %add3A_869 = arith.addi %get3A_866, %get3A_868 : vector<16xi32>
        %swap3A_870 = arith.index_cast %add3A_860 : i32 to index
        %swap3A_871 = tpu.vector_load %arg6[%swap3A_870] {strides = array<i32>} : memref<4096xi32, #tpu.memory_space<vmem>>, vector<16xi32>,
        tpu.vector_store %arg6[%swap3A_870], %add3A_869 {strides = array<i32>} : memref<4096xi32, #tpu.memory_space<vmem>>, vector<16xi32>,
        %mul3A_872 = arith.constant 16 : i32
        %mul3A_873 = arith.muli %scan3A_856, %mul3A_872 : i32
        %add3A_874 = arith.constant 256 : i32
        %add3A_875 = arith.addi %add3A_874, %mul3A_873 : i32
        %mul3A_876 = arith.constant 16 : i32
        %mul3A_877 = arith.muli %scan3A_856, %mul3A_876 : i32
        %add3A_878 = arith.constant 2304 : i32
        %add3A_879 = arith.addi %add3A_878, %mul3A_877 : i32
        %get3A_880 = arith.index_cast %add3A_875 : i32 to index
        %get3A_881 = tpu.vector_load %arg6[%get3A_880] {strides = array<i32>} : memref<4096xi32, #tpu.memory_space<vmem>>, vector<16xi32>,
        %get3A_882 = arith.index_cast %add3A_879 : i32 to index
        %get3A_883 = tpu.vector_load %arg6[%get3A_882] {strides = array<i32>} : memref<4096xi32, #tpu.memory_space<vmem>>, vector<16xi32>,
        %add3A_884 = arith.addi %get3A_881, %get3A_883 : vector<16xi32>
        %swap3A_885 = arith.index_cast %add3A_875 : i32 to index
        %swap3A_886 = tpu.vector_load %arg6[%swap3A_885] {strides = array<i32>} : memref<4096xi32, #tpu.memory_space<vmem>>, vector<16xi32>,
        tpu.vector_store %arg6[%swap3A_885], %add3A_884 {strides = array<i32>} : memref<4096xi32, #tpu.memory_space<vmem>>, vector<16xi32>,
        %mul3A_887 = arith.constant 16 : i32
        %mul3A_888 = arith.muli %scan3A_856, %mul3A_887 : i32
        %add3A_889 = arith.constant 512 : i32
        %add3A_890 = arith.addi %add3A_889, %mul3A_888 : i32
        %mul3A_891 = arith.constant 16 : i32
        %mul3A_892 = arith.muli %scan3A_856, %mul3A_891 : i32
        %add3A_893 = arith.constant 2560 : i32
        %add3A_894 = arith.addi %add3A_893, %mul3A_892 : i32
        %get3A_895 = arith.index_cast %add3A_890 : i32 to index
        %get3A_896 = tpu.vector_load %arg6[%get3A_895] {strides = array<i32>} : memref<4096xi32, #tpu.memory_space<vmem>>, vector<16xi32>,
        %get3A_897 = arith.index_cast %add3A_894 : i32 to index
        %get3A_898 = tpu.vector_load %arg6[%get3A_897] {strides = array<i32>} : memref<4096xi32, #tpu.memory_space<vmem>>, vector<16xi32>,
        %add3A_899 = arith.addi %get3A_896, %get3A_898 : vector<16xi32>
        %swap3A_900 = arith.index_cast %add3A_890 : i32 to index
        %swap3A_901 = tpu.vector_load %arg6[%swap3A_900] {strides = array<i32>} : memref<4096xi32, #tpu.memory_space<vmem>>, vector<16xi32>,
        tpu.vector_store %arg6[%swap3A_900], %add3A_899 {strides = array<i32>} : memref<4096xi32, #tpu.memory_space<vmem>>, vector<16xi32>,
        %mul3A_902 = arith.constant 16 : i32
        %mul3A_903 = arith.muli %scan3A_856, %mul3A_902 : i32
        %add3A_904 = arith.constant 768 : i32
        %add3A_905 = arith.addi %add3A_904, %mul3A_903 : i32
        %mul3A_906 = arith.constant 16 : i32
        %mul3A_907 = arith.muli %scan3A_856, %mul3A_906 : i32
        %add3A_908 = arith.constant 2816 : i32
        %add3A_909 = arith.addi %add3A_908, %mul3A_907 : i32
        %get3A_910 = arith.index_cast %add3A_905 : i32 to index
        %get3A_911 = tpu.vector_load %arg6[%get3A_910] {strides = array<i32>} : memref<4096xi32, #tpu.memory_space<vmem>>, vector<16xi32>,
        %get3A_912 = arith.index_cast %add3A_909 : i32 to index
        %get3A_913 = tpu.vector_load %arg6[%get3A_912] {strides = array<i32>} : memref<4096xi32, #tpu.memory_space<vmem>>, vector<16xi32>,
        %add3A_914 = arith.addi %get3A_911, %get3A_913 : vector<16xi32>
        %swap3A_915 = arith.index_cast %add3A_905 : i32 to index
        %swap3A_916 = tpu.vector_load %arg6[%swap3A_915] {strides = array<i32>} : memref<4096xi32, #tpu.memory_space<vmem>>, vector<16xi32>,
        tpu.vector_store %arg6[%swap3A_915], %add3A_914 {strides = array<i32>} : memref<4096xi32, #tpu.memory_space<vmem>>, vector<16xi32>,
        %mul3A_917 = arith.constant 16 : i32
        %mul3A_918 = arith.muli %scan3A_856, %mul3A_917 : i32
        %add3A_919 = arith.constant 1024 : i32
        %add3A_920 = arith.addi %add3A_919, %mul3A_918 : i32
        %mul3A_921 = arith.constant 16 : i32
        %mul3A_922 = arith.muli %scan3A_856, %mul3A_921 : i32
        %add3A_923 = arith.constant 3072 : i32
        %add3A_924 = arith.addi %add3A_923, %mul3A_922 : i32
        %get3A_925 = arith.index_cast %add3A_920 : i32 to index
        %get3A_926 = tpu.vector_load %arg6[%get3A_925] {strides = array<i32>} : memref<4096xi32, #tpu.memory_space<vmem>>, vector<16xi32>,
        %get3A_927 = arith.index_cast %add3A_924 : i32 to index
        %get3A_928 = tpu.vector_load %arg6[%get3A_927] {strides = array<i32>} : memref<4096xi32, #tpu.memory_space<vmem>>, vector<16xi32>,
        %add3A_929 = arith.addi %get3A_926, %get3A_928 : vector<16xi32>
        %swap3A_930 = arith.index_cast %add3A_920 : i32 to index
        %swap3A_931 = tpu.vector_load %arg6[%swap3A_930] {strides = array<i32>} : memref<4096xi32, #tpu.memory_space<vmem>>, vector<16xi32>,
        tpu.vector_store %arg6[%swap3A_930], %add3A_929 {strides = array<i32>} : memref<4096xi32, #tpu.memory_space<vmem>>, vector<16xi32>,
        %mul3A_932 = arith.constant 16 : i32
        %mul3A_933 = arith.muli %scan3A_856, %mul3A_932 : i32
        %add3A_934 = arith.constant 1280 : i32
        %add3A_935 = arith.addi %add3A_934, %mul3A_933 : i32
        %mul3A_936 = arith.constant 16 : i32
        %mul3A_937 = arith.muli %scan3A_856, %mul3A_936 : i32
        %add3A_938 = arith.constant 3328 : i32
        %add3A_939 = arith.addi %add3A_938, %mul3A_937 : i32
        %get3A_940 = arith.index_cast %add3A_935 : i32 to index
        %get3A_941 = tpu.vector_load %arg6[%get3A_940] {strides = array<i32>} : memref<4096xi32, #tpu.memory_space<vmem>>, vector<16xi32>,
        %get3A_942 = arith.index_cast %add3A_939 : i32 to index
        %get3A_943 = tpu.vector_load %arg6[%get3A_942] {strides = array<i32>} : memref<4096xi32, #tpu.memory_space<vmem>>, vector<16xi32>,
        %add3A_944 = arith.addi %get3A_941, %get3A_943 : vector<16xi32>
        %swap3A_945 = arith.index_cast %add3A_935 : i32 to index
        %swap3A_946 = tpu.vector_load %arg6[%swap3A_945] {strides = array<i32>} : memref<4096xi32, #tpu.memory_space<vmem>>, vector<16xi32>,
        tpu.vector_store %arg6[%swap3A_945], %add3A_944 {strides = array<i32>} : memref<4096xi32, #tpu.memory_space<vmem>>, vector<16xi32>,
        %mul3A_947 = arith.constant 16 : i32
        %mul3A_948 = arith.muli %scan3A_856, %mul3A_947 : i32
        %add3A_949 = arith.constant 1536 : i32
        %add3A_950 = arith.addi %add3A_949, %mul3A_948 : i32
        %mul3A_951 = arith.constant 16 : i32
        %mul3A_952 = arith.muli %scan3A_856, %mul3A_951 : i32
        %add3A_953 = arith.constant 3584 : i32
        %add3A_954 = arith.addi %add3A_953, %mul3A_952 : i32
        %get3A_955 = arith.index_cast %add3A_950 : i32 to index
        %get3A_956 = tpu.vector_load %arg6[%get3A_955] {strides = array<i32>} : memref<4096xi32, #tpu.memory_space<vmem>>, vector<16xi32>,
        %get3A_957 = arith.index_cast %add3A_954 : i32 to index
        %get3A_958 = tpu.vector_load %arg6[%get3A_957] {strides = array<i32>} : memref<4096xi32, #tpu.memory_space<vmem>>, vector<16xi32>,
        %add3A_959 = arith.addi %get3A_956, %get3A_958 : vector<16xi32>
        %swap3A_960 = arith.index_cast %add3A_950 : i32 to index
        %swap3A_961 = tpu.vector_load %arg6[%swap3A_960] {strides = array<i32>} : memref<4096xi32, #tpu.memory_space<vmem>>, vector<16xi32>,
        tpu.vector_store %arg6[%swap3A_960], %add3A_959 {strides = array<i32>} : memref<4096xi32, #tpu.memory_space<vmem>>, vector<16xi32>,
        %mul3A_962 = arith.constant 16 : i32
        %mul3A_963 = arith.muli %scan3A_856, %mul3A_962 : i32
        %add3A_964 = arith.constant 1792 : i32
        %add3A_965 = arith.addi %add3A_964, %mul3A_963 : i32
        %mul3A_966 = arith.constant 16 : i32
        %mul3A_967 = arith.muli %scan3A_856, %mul3A_966 : i32
        %add3A_968 = arith.constant 3840 : i32
        %add3A_969 = arith.addi %add3A_968, %mul3A_967 : i32
        %get3A_970 = arith.index_cast %add3A_965 : i32 to index
        %get3A_971 = tpu.vector_load %arg6[%get3A_970] {strides = array<i32>} : memref<4096xi32, #tpu.memory_space<vmem>>, vector<16xi32>,
        %get3A_972 = arith.index_cast %add3A_969 : i32 to index
        %get3A_973 = tpu.vector_load %arg6[%get3A_972] {strides = array<i32>} : memref<4096xi32, #tpu.memory_space<vmem>>, vector<16xi32>,
        %add3A_974 = arith.addi %get3A_971, %get3A_973 : vector<16xi32>
        %swap3A_975 = arith.index_cast %add3A_965 : i32 to index
        %swap3A_976 = tpu.vector_load %arg6[%swap3A_975] {strides = array<i32>} : memref<4096xi32, #tpu.memory_space<vmem>>, vector<16xi32>,
        tpu.vector_store %arg6[%swap3A_975], %add3A_974 {strides = array<i32>} : memref<4096xi32, #tpu.memory_space<vmem>>, vector<16xi32>,
        %mul3A_977 = arith.constant 16 : i32
        %mul3A_978 = arith.muli %scan3A_856, %mul3A_977 : i32
        %add3A_979 = arith.constant 0 : i32
        %add3A_980 = arith.addi %add3A_979, %mul3A_978 : i32
        %mul3A_981 = arith.constant 16 : i32
        %mul3A_982 = arith.muli %scan3A_856, %mul3A_981 : i32
        %add3A_983 = arith.constant 1024 : i32
        %add3A_984 = arith.addi %add3A_983, %mul3A_982 : i32
        %get3A_985 = arith.index_cast %add3A_980 : i32 to index
        %get3A_986 = tpu.vector_load %arg6[%get3A_985] {strides = array<i32>} : memref<4096xi32, #tpu.memory_space<vmem>>, vector<16xi32>,
        %get3A_987 = arith.index_cast %add3A_984 : i32 to index
        %get3A_988 = tpu.vector_load %arg6[%get3A_987] {strides = array<i32>} : memref<4096xi32, #tpu.memory_space<vmem>>, vector<16xi32>,
        %add3A_989 = arith.addi %get3A_986, %get3A_988 : vector<16xi32>
        %swap3A_990 = arith.index_cast %add3A_980 : i32 to index
        %swap3A_991 = tpu.vector_load %arg6[%swap3A_990] {strides = array<i32>} : memref<4096xi32, #tpu.memory_space<vmem>>, vector<16xi32>,
        tpu.vector_store %arg6[%swap3A_990], %add3A_989 {strides = array<i32>} : memref<4096xi32, #tpu.memory_space<vmem>>, vector<16xi32>,
        %mul3A_992 = arith.constant 16 : i32
        %mul3A_993 = arith.muli %scan3A_856, %mul3A_992 : i32
        %add3A_994 = arith.constant 256 : i32
        %add3A_995 = arith.addi %add3A_994, %mul3A_993 : i32
        %mul3A_996 = arith.constant 16 : i32
        %mul3A_997 = arith.muli %scan3A_856, %mul3A_996 : i32
        %add3A_998 = arith.constant 1280 : i32
        %add3A_999 = arith.addi %add3A_998, %mul3A_997 : i32
        %get3A_1000 = arith.index_cast %add3A_995 : i32 to index
        %get3A_1001 = tpu.vector_load %arg6[%get3A_1000] {strides = array<i32>} : memref<4096xi32, #tpu.memory_space<vmem>>, vector<16xi32>,
        %get3A_1002 = arith.index_cast %add3A_999 : i32 to index
        %get3A_1003 = tpu.vector_load %arg6[%get3A_1002] {strides = array<i32>} : memref<4096xi32, #tpu.memory_space<vmem>>, vector<16xi32>,
        %add3A_1004 = arith.addi %get3A_1001, %get3A_1003 : vector<16xi32>
        %swap3A_1005 = arith.index_cast %add3A_995 : i32 to index
        %swap3A_1006 = tpu.vector_load %arg6[%swap3A_1005] {strides = array<i32>} : memref<4096xi32, #tpu.memory_space<vmem>>, vector<16xi32>,
        tpu.vector_store %arg6[%swap3A_1005], %add3A_1004 {strides = array<i32>} : memref<4096xi32, #tpu.memory_space<vmem>>, vector<16xi32>,
        %mul3A_1007 = arith.constant 16 : i32
        %mul3A_1008 = arith.muli %scan3A_856, %mul3A_1007 : i32
        %add3A_1009 = arith.constant 512 : i32
        %add3A_1010 = arith.addi %add3A_1009, %mul3A_1008 : i32
        %mul3A_1011 = arith.constant 16 : i32
        %mul3A_1012 = arith.muli %scan3A_856, %mul3A_1011 : i32
        %add3A_1013 = arith.constant 1536 : i32
        %add3A_1014 = arith.addi %add3A_1013, %mul3A_1012 : i32
        %get3A_1015 = arith.index_cast %add3A_1010 : i32 to index
        %get3A_1016 = tpu.vector_load %arg6[%get3A_1015] {strides = array<i32>} : memref<4096xi32, #tpu.memory_space<vmem>>, vector<16xi32>,
        %get3A_1017 = arith.index_cast %add3A_1014 : i32 to index
        %get3A_1018 = tpu.vector_load %arg6[%get3A_1017] {strides = array<i32>} : memref<4096xi32, #tpu.memory_space<vmem>>, vector<16xi32>,
        %add3A_1019 = arith.addi %get3A_1016, %get3A_1018 : vector<16xi32>
        %swap3A_1020 = arith.index_cast %add3A_1010 : i32 to index
        %swap3A_1021 = tpu.vector_load %arg6[%swap3A_1020] {strides = array<i32>} : memref<4096xi32, #tpu.memory_space<vmem>>, vector<16xi32>,
        tpu.vector_store %arg6[%swap3A_1020], %add3A_1019 {strides = array<i32>} : memref<4096xi32, #tpu.memory_space<vmem>>, vector<16xi32>,
        %mul3A_1022 = arith.constant 16 : i32
        %mul3A_1023 = arith.muli %scan3A_856, %mul3A_1022 : i32
        %add3A_1024 = arith.constant 768 : i32
        %add3A_1025 = arith.addi %add3A_1024, %mul3A_1023 : i32
        %mul3A_1026 = arith.constant 16 : i32
        %mul3A_1027 = arith.muli %scan3A_856, %mul3A_1026 : i32
        %add3A_1028 = arith.constant 1792 : i32
        %add3A_1029 = arith.addi %add3A_1028, %mul3A_1027 : i32
        %get3A_1030 = arith.index_cast %add3A_1025 : i32 to index
        %get3A_1031 = tpu.vector_load %arg6[%get3A_1030] {strides = array<i32>} : memref<4096xi32, #tpu.memory_space<vmem>>, vector<16xi32>,
        %get3A_1032 = arith.index_cast %add3A_1029 : i32 to index
        %get3A_1033 = tpu.vector_load %arg6[%get3A_1032] {strides = array<i32>} : memref<4096xi32, #tpu.memory_space<vmem>>, vector<16xi32>,
        %add3A_1034 = arith.addi %get3A_1031, %get3A_1033 : vector<16xi32>
        %swap3A_1035 = arith.index_cast %add3A_1025 : i32 to index
        %swap3A_1036 = tpu.vector_load %arg6[%swap3A_1035] {strides = array<i32>} : memref<4096xi32, #tpu.memory_space<vmem>>, vector<16xi32>,
        tpu.vector_store %arg6[%swap3A_1035], %add3A_1034 {strides = array<i32>} : memref<4096xi32, #tpu.memory_space<vmem>>, vector<16xi32>,
        %mul3A_1037 = arith.constant 16 : i32
        %mul3A_1038 = arith.muli %scan3A_856, %mul3A_1037 : i32
        %add3A_1039 = arith.constant 0 : i32
        %add3A_1040 = arith.addi %add3A_1039, %mul3A_1038 : i32
        %mul3A_1041 = arith.constant 16 : i32
        %mul3A_1042 = arith.muli %scan3A_856, %mul3A_1041 : i32
        %add3A_1043 = arith.constant 512 : i32
        %add3A_1044 = arith.addi %add3A_1043, %mul3A_1042 : i32
        %get3A_1045 = arith.index_cast %add3A_1040 : i32 to index
        %get3A_1046 = tpu.vector_load %arg6[%get3A_1045] {strides = array<i32>} : memref<4096xi32, #tpu.memory_space<vmem>>, vector<16xi32>,
        %get3A_1047 = arith.index_cast %add3A_1044 : i32 to index
        %get3A_1048 = tpu.vector_load %arg6[%get3A_1047] {strides = array<i32>} : memref<4096xi32, #tpu.memory_space<vmem>>, vector<16xi32>,
        %add3A_1049 = arith.addi %get3A_1046, %get3A_1048 : vector<16xi32>
        %swap3A_1050 = arith.index_cast %add3A_1040 : i32 to index
        %swap3A_1051 = tpu.vector_load %arg6[%swap3A_1050] {strides = array<i32>} : memref<4096xi32, #tpu.memory_space<vmem>>, vector<16xi32>,
        tpu.vector_store %arg6[%swap3A_1050], %add3A_1049 {strides = array<i32>} : memref<4096xi32, #tpu.memory_space<vmem>>, vector<16xi32>,
        %mul3A_1052 = arith.constant 16 : i32
        %mul3A_1053 = arith.muli %scan3A_856, %mul3A_1052 : i32
        %add3A_1054 = arith.constant 256 : i32
        %add3A_1055 = arith.addi %add3A_1054, %mul3A_1053 : i32
        %mul3A_1056 = arith.constant 16 : i32
        %mul3A_1057 = arith.muli %scan3A_856, %mul3A_1056 : i32
        %add3A_1058 = arith.constant 768 : i32
        %add3A_1059 = arith.addi %add3A_1058, %mul3A_1057 : i32
        %get3A_1060 = arith.index_cast %add3A_1055 : i32 to index
        %get3A_1061 = tpu.vector_load %arg6[%get3A_1060] {strides = array<i32>} : memref<4096xi32, #tpu.memory_space<vmem>>, vector<16xi32>,
        %get3A_1062 = arith.index_cast %add3A_1059 : i32 to index
        %get3A_1063 = tpu.vector_load %arg6[%get3A_1062] {strides = array<i32>} : memref<4096xi32, #tpu.memory_space<vmem>>, vector<16xi32>,
        %add3A_1064 = arith.addi %get3A_1061, %get3A_1063 : vector<16xi32>
        %swap3A_1065 = arith.index_cast %add3A_1055 : i32 to index
        %swap3A_1066 = tpu.vector_load %arg6[%swap3A_1065] {strides = array<i32>} : memref<4096xi32, #tpu.memory_space<vmem>>, vector<16xi32>,
        tpu.vector_store %arg6[%swap3A_1065], %add3A_1064 {strides = array<i32>} : memref<4096xi32, #tpu.memory_space<vmem>>, vector<16xi32>,
        %mul3A_1067 = arith.constant 16 : i32
        %mul3A_1068 = arith.muli %scan3A_856, %mul3A_1067 : i32
        %add3A_1069 = arith.constant 0 : i32
        %add3A_1070 = arith.addi %add3A_1069, %mul3A_1068 : i32
        %mul3A_1071 = arith.constant 16 : i32
        %mul3A_1072 = arith.muli %scan3A_856, %mul3A_1071 : i32
        %add3A_1073 = arith.constant 256 : i32
        %add3A_1074 = arith.addi %add3A_1073, %mul3A_1072 : i32
        %get3A_1075 = arith.index_cast %add3A_1070 : i32 to index
        %get3A_1076 = tpu.vector_load %arg6[%get3A_1075] {strides = array<i32>} : memref<4096xi32, #tpu.memory_space<vmem>>, vector<16xi32>,
        %get3A_1077 = arith.index_cast %add3A_1074 : i32 to index
        %get3A_1078 = tpu.vector_load %arg6[%get3A_1077] {strides = array<i32>} : memref<4096xi32, #tpu.memory_space<vmem>>, vector<16xi32>,
        %add3A_1079 = arith.addi %get3A_1076, %get3A_1078 : vector<16xi32>
        %swap3A_1080 = arith.index_cast %add3A_1070 : i32 to index
        %swap3A_1081 = tpu.vector_load %arg6[%swap3A_1080] {strides = array<i32>} : memref<4096xi32, #tpu.memory_space<vmem>>, vector<16xi32>,
        tpu.vector_store %arg6[%swap3A_1080], %add3A_1079 {strides = array<i32>} : memref<4096xi32, #tpu.memory_space<vmem>>, vector<16xi32>,
        %scan3A_1082 = arith.constant 1 : i32
        %scan3A_1083 = arith.addi %scan3A_856, %scan3A_1082 : i32
        %mul3A_1084 = arith.constant 16 : i32
        %mul3A_1085 = arith.muli %scan3A_1083, %mul3A_1084 : i32
        %add3A_1086 = arith.constant 0 : i32
        %add3A_1087 = arith.addi %add3A_1086, %mul3A_1085 : i32
        %mul3A_1088 = arith.constant 16 : i32
        %mul3A_1089 = arith.muli %scan3A_1083, %mul3A_1088 : i32
        %add3A_1090 = arith.constant 2048 : i32
        %add3A_1091 = arith.addi %add3A_1090, %mul3A_1089 : i32
        %get3A_1092 = arith.index_cast %add3A_1087 : i32 to index
        %get3A_1093 = tpu.vector_load %arg6[%get3A_1092] {strides = array<i32>} : memref<4096xi32, #tpu.memory_space<vmem>>, vector<16xi32>,
        %get3A_1094 = arith.index_cast %add3A_1091 : i32 to index
        %get3A_1095 = tpu.vector_load %arg6[%get3A_1094] {strides = array<i32>} : memref<4096xi32, #tpu.memory_space<vmem>>, vector<16xi32>,
        %add3A_1096 = arith.addi %get3A_1093, %get3A_1095 : vector<16xi32>
        %swap3A_1097 = arith.index_cast %add3A_1087 : i32 to index
        %swap3A_1098 = tpu.vector_load %arg6[%swap3A_1097] {strides = array<i32>} : memref<4096xi32, #tpu.memory_space<vmem>>, vector<16xi32>,
        tpu.vector_store %arg6[%swap3A_1097], %add3A_1096 {strides = array<i32>} : memref<4096xi32, #tpu.memory_space<vmem>>, vector<16xi32>,
        %mul3A_1099 = arith.constant 16 : i32
        %mul3A_1100 = arith.muli %scan3A_1083, %mul3A_1099 : i32
        %add3A_1101 = arith.constant 256 : i32
        %add3A_1102 = arith.addi %add3A_1101, %mul3A_1100 : i32
        %mul3A_1103 = arith.constant 16 : i32
        %mul3A_1104 = arith.muli %scan3A_1083, %mul3A_1103 : i32
        %add3A_1105 = arith.constant 2304 : i32
        %add3A_1106 = arith.addi %add3A_1105, %mul3A_1104 : i32
        %get3A_1107 = arith.index_cast %add3A_1102 : i32 to index
        %get3A_1108 = tpu.vector_load %arg6[%get3A_1107] {strides = array<i32>} : memref<4096xi32, #tpu.memory_space<vmem>>, vector<16xi32>,
        %get3A_1109 = arith.index_cast %add3A_1106 : i32 to index
        %get3A_1110 = tpu.vector_load %arg6[%get3A_1109] {strides = array<i32>} : memref<4096xi32, #tpu.memory_space<vmem>>, vector<16xi32>,
        %add3A_1111 = arith.addi %get3A_1108, %get3A_1110 : vector<16xi32>
        %swap3A_1112 = arith.index_cast %add3A_1102 : i32 to index
        %swap3A_1113 = tpu.vector_load %arg6[%swap3A_1112] {strides = array<i32>} : memref<4096xi32, #tpu.memory_space<vmem>>, vector<16xi32>,
        tpu.vector_store %arg6[%swap3A_1112], %add3A_1111 {strides = array<i32>} : memref<4096xi32, #tpu.memory_space<vmem>>, vector<16xi32>,
        %mul3A_1114 = arith.constant 16 : i32
        %mul3A_1115 = arith.muli %scan3A_1083, %mul3A_1114 : i32
        %add3A_1116 = arith.constant 512 : i32
        %add3A_1117 = arith.addi %add3A_1116, %mul3A_1115 : i32
        %mul3A_1118 = arith.constant 16 : i32
        %mul3A_1119 = arith.muli %scan3A_1083, %mul3A_1118 : i32
        %add3A_1120 = arith.constant 2560 : i32
        %add3A_1121 = arith.addi %add3A_1120, %mul3A_1119 : i32
        %get3A_1122 = arith.index_cast %add3A_1117 : i32 to index
        %get3A_1123 = tpu.vector_load %arg6[%get3A_1122] {strides = array<i32>} : memref<4096xi32, #tpu.memory_space<vmem>>, vector<16xi32>,
        %get3A_1124 = arith.index_cast %add3A_1121 : i32 to index
        %get3A_1125 = tpu.vector_load %arg6[%get3A_1124] {strides = array<i32>} : memref<4096xi32, #tpu.memory_space<vmem>>, vector<16xi32>,
        %add3A_1126 = arith.addi %get3A_1123, %get3A_1125 : vector<16xi32>
        %swap3A_1127 = arith.index_cast %add3A_1117 : i32 to index
        %swap3A_1128 = tpu.vector_load %arg6[%swap3A_1127] {strides = array<i32>} : memref<4096xi32, #tpu.memory_space<vmem>>, vector<16xi32>,
        tpu.vector_store %arg6[%swap3A_1127], %add3A_1126 {strides = array<i32>} : memref<4096xi32, #tpu.memory_space<vmem>>, vector<16xi32>,
        %mul3A_1129 = arith.constant 16 : i32
        %mul3A_1130 = arith.muli %scan3A_1083, %mul3A_1129 : i32
        %add3A_1131 = arith.constant 768 : i32
        %add3A_1132 = arith.addi %add3A_1131, %mul3A_1130 : i32
        %mul3A_1133 = arith.constant 16 : i32
        %mul3A_1134 = arith.muli %scan3A_1083, %mul3A_1133 : i32
        %add3A_1135 = arith.constant 2816 : i32
        %add3A_1136 = arith.addi %add3A_1135, %mul3A_1134 : i32
        %get3A_1137 = arith.index_cast %add3A_1132 : i32 to index
        %get3A_1138 = tpu.vector_load %arg6[%get3A_1137] {strides = array<i32>} : memref<4096xi32, #tpu.memory_space<vmem>>, vector<16xi32>,
        %get3A_1139 = arith.index_cast %add3A_1136 : i32 to index
        %get3A_1140 = tpu.vector_load %arg6[%get3A_1139] {strides = array<i32>} : memref<4096xi32, #tpu.memory_space<vmem>>, vector<16xi32>,
        %add3A_1141 = arith.addi %get3A_1138, %get3A_1140 : vector<16xi32>
        %swap3A_1142 = arith.index_cast %add3A_1132 : i32 to index
        %swap3A_1143 = tpu.vector_load %arg6[%swap3A_1142] {strides = array<i32>} : memref<4096xi32, #tpu.memory_space<vmem>>, vector<16xi32>,
        tpu.vector_store %arg6[%swap3A_1142], %add3A_1141 {strides = array<i32>} : memref<4096xi32, #tpu.memory_space<vmem>>, vector<16xi32>,
        %mul3A_1144 = arith.constant 16 : i32
        %mul3A_1145 = arith.muli %scan3A_1083, %mul3A_1144 : i32
        %add3A_1146 = arith.constant 1024 : i32
        %add3A_1147 = arith.addi %add3A_1146, %mul3A_1145 : i32
        %mul3A_1148 = arith.constant 16 : i32
        %mul3A_1149 = arith.muli %scan3A_1083, %mul3A_1148 : i32
        %add3A_1150 = arith.constant 3072 : i32
        %add3A_1151 = arith.addi %add3A_1150, %mul3A_1149 : i32
        %get3A_1152 = arith.index_cast %add3A_1147 : i32 to index
        %get3A_1153 = tpu.vector_load %arg6[%get3A_1152] {strides = array<i32>} : memref<4096xi32, #tpu.memory_space<vmem>>, vector<16xi32>,
        %get3A_1154 = arith.index_cast %add3A_1151 : i32 to index
        %get3A_1155 = tpu.vector_load %arg6[%get3A_1154] {strides = array<i32>} : memref<4096xi32, #tpu.memory_space<vmem>>, vector<16xi32>,
        %add3A_1156 = arith.addi %get3A_1153, %get3A_1155 : vector<16xi32>
        %swap3A_1157 = arith.index_cast %add3A_1147 : i32 to index
        %swap3A_1158 = tpu.vector_load %arg6[%swap3A_1157] {strides = array<i32>} : memref<4096xi32, #tpu.memory_space<vmem>>, vector<16xi32>,
        tpu.vector_store %arg6[%swap3A_1157], %add3A_1156 {strides = array<i32>} : memref<4096xi32, #tpu.memory_space<vmem>>, vector<16xi32>,
        %mul3A_1159 = arith.constant 16 : i32
        %mul3A_1160 = arith.muli %scan3A_1083, %mul3A_1159 : i32
        %add3A_1161 = arith.constant 1280 : i32
        %add3A_1162 = arith.addi %add3A_1161, %mul3A_1160 : i32
        %mul3A_1163 = arith.constant 16 : i32
        %mul3A_1164 = arith.muli %scan3A_1083, %mul3A_1163 : i32
        %add3A_1165 = arith.constant 3328 : i32
        %add3A_1166 = arith.addi %add3A_1165, %mul3A_1164 : i32
        %get3A_1167 = arith.index_cast %add3A_1162 : i32 to index
        %get3A_1168 = tpu.vector_load %arg6[%get3A_1167] {strides = array<i32>} : memref<4096xi32, #tpu.memory_space<vmem>>, vector<16xi32>,
        %get3A_1169 = arith.index_cast %add3A_1166 : i32 to index
        %get3A_1170 = tpu.vector_load %arg6[%get3A_1169] {strides = array<i32>} : memref<4096xi32, #tpu.memory_space<vmem>>, vector<16xi32>,
        %add3A_1171 = arith.addi %get3A_1168, %get3A_1170 : vector<16xi32>
        %swap3A_1172 = arith.index_cast %add3A_1162 : i32 to index
        %swap3A_1173 = tpu.vector_load %arg6[%swap3A_1172] {strides = array<i32>} : memref<4096xi32, #tpu.memory_space<vmem>>, vector<16xi32>,
        tpu.vector_store %arg6[%swap3A_1172], %add3A_1171 {strides = array<i32>} : memref<4096xi32, #tpu.memory_space<vmem>>, vector<16xi32>,
        %mul3A_1174 = arith.constant 16 : i32
        %mul3A_1175 = arith.muli %scan3A_1083, %mul3A_1174 : i32
        %add3A_1176 = arith.constant 1536 : i32
        %add3A_1177 = arith.addi %add3A_1176, %mul3A_1175 : i32
        %mul3A_1178 = arith.constant 16 : i32
        %mul3A_1179 = arith.muli %scan3A_1083, %mul3A_1178 : i32
        %add3A_1180 = arith.constant 3584 : i32
        %add3A_1181 = arith.addi %add3A_1180, %mul3A_1179 : i32
        %get3A_1182 = arith.index_cast %add3A_1177 : i32 to index
        %get3A_1183 = tpu.vector_load %arg6[%get3A_1182] {strides = array<i32>} : memref<4096xi32, #tpu.memory_space<vmem>>, vector<16xi32>,
        %get3A_1184 = arith.index_cast %add3A_1181 : i32 to index
        %get3A_1185 = tpu.vector_load %arg6[%get3A_1184] {strides = array<i32>} : memref<4096xi32, #tpu.memory_space<vmem>>, vector<16xi32>,
        %add3A_1186 = arith.addi %get3A_1183, %get3A_1185 : vector<16xi32>
        %swap3A_1187 = arith.index_cast %add3A_1177 : i32 to index
        %swap3A_1188 = tpu.vector_load %arg6[%swap3A_1187] {strides = array<i32>} : memref<4096xi32, #tpu.memory_space<vmem>>, vector<16xi32>,
        tpu.vector_store %arg6[%swap3A_1187], %add3A_1186 {strides = array<i32>} : memref<4096xi32, #tpu.memory_space<vmem>>, vector<16xi32>,
        %mul3A_1189 = arith.constant 16 : i32
        %mul3A_1190 = arith.muli %scan3A_1083, %mul3A_1189 : i32
        %add3A_1191 = arith.constant 1792 : i32
        %add3A_1192 = arith.addi %add3A_1191, %mul3A_1190 : i32
        %mul3A_1193 = arith.constant 16 : i32
        %mul3A_1194 = arith.muli %scan3A_1083, %mul3A_1193 : i32
        %add3A_1195 = arith.constant 3840 : i32
        %add3A_1196 = arith.addi %add3A_1195, %mul3A_1194 : i32
        %get3A_1197 = arith.index_cast %add3A_1192 : i32 to index
        %get3A_1198 = tpu.vector_load %arg6[%get3A_1197] {strides = array<i32>} : memref<4096xi32, #tpu.memory_space<vmem>>, vector<16xi32>,
        %get3A_1199 = arith.index_cast %add3A_1196 : i32 to index
        %get3A_1200 = tpu.vector_load %arg6[%get3A_1199] {strides = array<i32>} : memref<4096xi32, #tpu.memory_space<vmem>>, vector<16xi32>,
        %add3A_1201 = arith.addi %get3A_1198, %get3A_1200 : vector<16xi32>
        %swap3A_1202 = arith.index_cast %add3A_1192 : i32 to index
        %swap3A_1203 = tpu.vector_load %arg6[%swap3A_1202] {strides = array<i32>} : memref<4096xi32, #tpu.memory_space<vmem>>, vector<16xi32>,
        tpu.vector_store %arg6[%swap3A_1202], %add3A_1201 {strides = array<i32>} : memref<4096xi32, #tpu.memory_space<vmem>>, vector<16xi32>,
        %mul3A_1204 = arith.constant 16 : i32
        %mul3A_1205 = arith.muli %scan3A_1083, %mul3A_1204 : i32
        %add3A_1206 = arith.constant 0 : i32
        %add3A_1207 = arith.addi %add3A_1206, %mul3A_1205 : i32
        %mul3A_1208 = arith.constant 16 : i32
        %mul3A_1209 = arith.muli %scan3A_1083, %mul3A_1208 : i32
        %add3A_1210 = arith.constant 1024 : i32
        %add3A_1211 = arith.addi %add3A_1210, %mul3A_1209 : i32
        %get3A_1212 = arith.index_cast %add3A_1207 : i32 to index
        %get3A_1213 = tpu.vector_load %arg6[%get3A_1212] {strides = array<i32>} : memref<4096xi32, #tpu.memory_space<vmem>>, vector<16xi32>,
        %get3A_1214 = arith.index_cast %add3A_1211 : i32 to index
        %get3A_1215 = tpu.vector_load %arg6[%get3A_1214] {strides = array<i32>} : memref<4096xi32, #tpu.memory_space<vmem>>, vector<16xi32>,
        %add3A_1216 = arith.addi %get3A_1213, %get3A_1215 : vector<16xi32>
        %swap3A_1217 = arith.index_cast %add3A_1207 : i32 to index
        %swap3A_1218 = tpu.vector_load %arg6[%swap3A_1217] {strides = array<i32>} : memref<4096xi32, #tpu.memory_space<vmem>>, vector<16xi32>,
        tpu.vector_store %arg6[%swap3A_1217], %add3A_1216 {strides = array<i32>} : memref<4096xi32, #tpu.memory_space<vmem>>, vector<16xi32>,
        %mul3A_1219 = arith.constant 16 : i32
        %mul3A_1220 = arith.muli %scan3A_1083, %mul3A_1219 : i32
        %add3A_1221 = arith.constant 256 : i32
        %add3A_1222 = arith.addi %add3A_1221, %mul3A_1220 : i32
        %mul3A_1223 = arith.constant 16 : i32
        %mul3A_1224 = arith.muli %scan3A_1083, %mul3A_1223 : i32
        %add3A_1225 = arith.constant 1280 : i32
        %add3A_1226 = arith.addi %add3A_1225, %mul3A_1224 : i32
        %get3A_1227 = arith.index_cast %add3A_1222 : i32 to index
        %get3A_1228 = tpu.vector_load %arg6[%get3A_1227] {strides = array<i32>} : memref<4096xi32, #tpu.memory_space<vmem>>, vector<16xi32>,
        %get3A_1229 = arith.index_cast %add3A_1226 : i32 to index
        %get3A_1230 = tpu.vector_load %arg6[%get3A_1229] {strides = array<i32>} : memref<4096xi32, #tpu.memory_space<vmem>>, vector<16xi32>,
        %add3A_1231 = arith.addi %get3A_1228, %get3A_1230 : vector<16xi32>
        %swap3A_1232 = arith.index_cast %add3A_1222 : i32 to index
        %swap3A_1233 = tpu.vector_load %arg6[%swap3A_1232] {strides = array<i32>} : memref<4096xi32, #tpu.memory_space<vmem>>, vector<16xi32>,
        tpu.vector_store %arg6[%swap3A_1232], %add3A_1231 {strides = array<i32>} : memref<4096xi32, #tpu.memory_space<vmem>>, vector<16xi32>,
        %mul3A_1234 = arith.constant 16 : i32
        %mul3A_1235 = arith.muli %scan3A_1083, %mul3A_1234 : i32
        %add3A_1236 = arith.constant 512 : i32
        %add3A_1237 = arith.addi %add3A_1236, %mul3A_1235 : i32
        %mul3A_1238 = arith.constant 16 : i32
        %mul3A_1239 = arith.muli %scan3A_1083, %mul3A_1238 : i32
        %add3A_1240 = arith.constant 1536 : i32
        %add3A_1241 = arith.addi %add3A_1240, %mul3A_1239 : i32
        %get3A_1242 = arith.index_cast %add3A_1237 : i32 to index
        %get3A_1243 = tpu.vector_load %arg6[%get3A_1242] {strides = array<i32>} : memref<4096xi32, #tpu.memory_space<vmem>>, vector<16xi32>,
        %get3A_1244 = arith.index_cast %add3A_1241 : i32 to index
        %get3A_1245 = tpu.vector_load %arg6[%get3A_1244] {strides = array<i32>} : memref<4096xi32, #tpu.memory_space<vmem>>, vector<16xi32>,
        %add3A_1246 = arith.addi %get3A_1243, %get3A_1245 : vector<16xi32>
        %swap3A_1247 = arith.index_cast %add3A_1237 : i32 to index
        %swap3A_1248 = tpu.vector_load %arg6[%swap3A_1247] {strides = array<i32>} : memref<4096xi32, #tpu.memory_space<vmem>>, vector<16xi32>,
        tpu.vector_store %arg6[%swap3A_1247], %add3A_1246 {strides = array<i32>} : memref<4096xi32, #tpu.memory_space<vmem>>, vector<16xi32>,
        %mul3A_1249 = arith.constant 16 : i32
        %mul3A_1250 = arith.muli %scan3A_1083, %mul3A_1249 : i32
        %add3A_1251 = arith.constant 768 : i32
        %add3A_1252 = arith.addi %add3A_1251, %mul3A_1250 : i32
        %mul3A_1253 = arith.constant 16 : i32
        %mul3A_1254 = arith.muli %scan3A_1083, %mul3A_1253 : i32
        %add3A_1255 = arith.constant 1792 : i32
        %add3A_1256 = arith.addi %add3A_1255, %mul3A_1254 : i32
        %get3A_1257 = arith.index_cast %add3A_1252 : i32 to index
        %get3A_1258 = tpu.vector_load %arg6[%get3A_1257] {strides = array<i32>} : memref<4096xi32, #tpu.memory_space<vmem>>, vector<16xi32>,
        %get3A_1259 = arith.index_cast %add3A_1256 : i32 to index
        %get3A_1260 = tpu.vector_load %arg6[%get3A_1259] {strides = array<i32>} : memref<4096xi32, #tpu.memory_space<vmem>>, vector<16xi32>,
        %add3A_1261 = arith.addi %get3A_1258, %get3A_1260 : vector<16xi32>
        %swap3A_1262 = arith.index_cast %add3A_1252 : i32 to index
        %swap3A_1263 = tpu.vector_load %arg6[%swap3A_1262] {strides = array<i32>} : memref<4096xi32, #tpu.memory_space<vmem>>, vector<16xi32>,
        tpu.vector_store %arg6[%swap3A_1262], %add3A_1261 {strides = array<i32>} : memref<4096xi32, #tpu.memory_space<vmem>>, vector<16xi32>,
        %mul3A_1264 = arith.constant 16 : i32
        %mul3A_1265 = arith.muli %scan3A_1083, %mul3A_1264 : i32
        %add3A_1266 = arith.constant 0 : i32
        %add3A_1267 = arith.addi %add3A_1266, %mul3A_1265 : i32
        %mul3A_1268 = arith.constant 16 : i32
        %mul3A_1269 = arith.muli %scan3A_1083, %mul3A_1268 : i32
        %add3A_1270 = arith.constant 512 : i32
        %add3A_1271 = arith.addi %add3A_1270, %mul3A_1269 : i32
        %get3A_1272 = arith.index_cast %add3A_1267 : i32 to index
        %get3A_1273 = tpu.vector_load %arg6[%get3A_1272] {strides = array<i32>} : memref<4096xi32, #tpu.memory_space<vmem>>, vector<16xi32>,
        %get3A_1274 = arith.index_cast %add3A_1271 : i32 to index
        %get3A_1275 = tpu.vector_load %arg6[%get3A_1274] {strides = array<i32>} : memref<4096xi32, #tpu.memory_space<vmem>>, vector<16xi32>,
        %add3A_1276 = arith.addi %get3A_1273, %get3A_1275 : vector<16xi32>
        %swap3A_1277 = arith.index_cast %add3A_1267 : i32 to index
        %swap3A_1278 = tpu.vector_load %arg6[%swap3A_1277] {strides = array<i32>} : memref<4096xi32, #tpu.memory_space<vmem>>, vector<16xi32>,
        tpu.vector_store %arg6[%swap3A_1277], %add3A_1276 {strides = array<i32>} : memref<4096xi32, #tpu.memory_space<vmem>>, vector<16xi32>,
        %mul3A_1279 = arith.constant 16 : i32
        %mul3A_1280 = arith.muli %scan3A_1083, %mul3A_1279 : i32
        %add3A_1281 = arith.constant 256 : i32
        %add3A_1282 = arith.addi %add3A_1281, %mul3A_1280 : i32
        %mul3A_1283 = arith.constant 16 : i32
        %mul3A_1284 = arith.muli %scan3A_1083, %mul3A_1283 : i32
        %add3A_1285 = arith.constant 768 : i32
        %add3A_1286 = arith.addi %add3A_1285, %mul3A_1284 : i32
        %get3A_1287 = arith.index_cast %add3A_1282 : i32 to index
        %get3A_1288 = tpu.vector_load %arg6[%get3A_1287] {strides = array<i32>} : memref<4096xi32, #tpu.memory_space<vmem>>, vector<16xi32>,
        %get3A_1289 = arith.index_cast %add3A_1286 : i32 to index
        %get3A_1290 = tpu.vector_load %arg6[%get3A_1289] {strides = array<i32>} : memref<4096xi32, #tpu.memory_space<vmem>>, vector<16xi32>,
        %add3A_1291 = arith.addi %get3A_1288, %get3A_1290 : vector<16xi32>
        %swap3A_1292 = arith.index_cast %add3A_1282 : i32 to index
        %swap3A_1293 = tpu.vector_load %arg6[%swap3A_1292] {strides = array<i32>} : memref<4096xi32, #tpu.memory_space<vmem>>, vector<16xi32>,
        tpu.vector_store %arg6[%swap3A_1292], %add3A_1291 {strides = array<i32>} : memref<4096xi32, #tpu.memory_space<vmem>>, vector<16xi32>,
        %mul3A_1294 = arith.constant 16 : i32
        %mul3A_1295 = arith.muli %scan3A_1083, %mul3A_1294 : i32
        %add3A_1296 = arith.constant 0 : i32
        %add3A_1297 = arith.addi %add3A_1296, %mul3A_1295 : i32
        %mul3A_1298 = arith.constant 16 : i32
        %mul3A_1299 = arith.muli %scan3A_1083, %mul3A_1298 : i32
        %add3A_1300 = arith.constant 256 : i32
        %add3A_1301 = arith.addi %add3A_1300, %mul3A_1299 : i32
        %get3A_1302 = arith.index_cast %add3A_1297 : i32 to index
        %get3A_1303 = tpu.vector_load %arg6[%get3A_1302] {strides = array<i32>} : memref<4096xi32, #tpu.memory_space<vmem>>, vector<16xi32>,
        %get3A_1304 = arith.index_cast %add3A_1301 : i32 to index
        %get3A_1305 = tpu.vector_load %arg6[%get3A_1304] {strides = array<i32>} : memref<4096xi32, #tpu.memory_space<vmem>>, vector<16xi32>,
        %add3A_1306 = arith.addi %get3A_1303, %get3A_1305 : vector<16xi32>
        %swap3A_1307 = arith.index_cast %add3A_1297 : i32 to index
        %swap3A_1308 = tpu.vector_load %arg6[%swap3A_1307] {strides = array<i32>} : memref<4096xi32, #tpu.memory_space<vmem>>, vector<16xi32>,
        tpu.vector_store %arg6[%swap3A_1307], %add3A_1306 {strides = array<i32>} : memref<4096xi32, #tpu.memory_space<vmem>>, vector<16xi32>,
        %scan3A_1309 = arith.constant 2 : i32
        %scan3A_1310 = arith.addi %scan3A_856, %scan3A_1309 : i32
        %mul3A_1311 = arith.constant 16 : i32
        %mul3A_1312 = arith.muli %scan3A_1310, %mul3A_1311 : i32
        %add3A_1313 = arith.constant 0 : i32
        %add3A_1314 = arith.addi %add3A_1313, %mul3A_1312 : i32
        %mul3A_1315 = arith.constant 16 : i32
        %mul3A_1316 = arith.muli %scan3A_1310, %mul3A_1315 : i32
        %add3A_1317 = arith.constant 2048 : i32
        %add3A_1318 = arith.addi %add3A_1317, %mul3A_1316 : i32
        %get3A_1319 = arith.index_cast %add3A_1314 : i32 to index
        %get3A_1320 = tpu.vector_load %arg6[%get3A_1319] {strides = array<i32>} : memref<4096xi32, #tpu.memory_space<vmem>>, vector<16xi32>,
        %get3A_1321 = arith.index_cast %add3A_1318 : i32 to index
        %get3A_1322 = tpu.vector_load %arg6[%get3A_1321] {strides = array<i32>} : memref<4096xi32, #tpu.memory_space<vmem>>, vector<16xi32>,
        %add3A_1323 = arith.addi %get3A_1320, %get3A_1322 : vector<16xi32>
        %swap3A_1324 = arith.index_cast %add3A_1314 : i32 to index
        %swap3A_1325 = tpu.vector_load %arg6[%swap3A_1324] {strides = array<i32>} : memref<4096xi32, #tpu.memory_space<vmem>>, vector<16xi32>,
        tpu.vector_store %arg6[%swap3A_1324], %add3A_1323 {strides = array<i32>} : memref<4096xi32, #tpu.memory_space<vmem>>, vector<16xi32>,
        %mul3A_1326 = arith.constant 16 : i32
        %mul3A_1327 = arith.muli %scan3A_1310, %mul3A_1326 : i32
        %add3A_1328 = arith.constant 256 : i32
        %add3A_1329 = arith.addi %add3A_1328, %mul3A_1327 : i32
        %mul3A_1330 = arith.constant 16 : i32
        %mul3A_1331 = arith.muli %scan3A_1310, %mul3A_1330 : i32
        %add3A_1332 = arith.constant 2304 : i32
        %add3A_1333 = arith.addi %add3A_1332, %mul3A_1331 : i32
        %get3A_1334 = arith.index_cast %add3A_1329 : i32 to index
        %get3A_1335 = tpu.vector_load %arg6[%get3A_1334] {strides = array<i32>} : memref<4096xi32, #tpu.memory_space<vmem>>, vector<16xi32>,
        %get3A_1336 = arith.index_cast %add3A_1333 : i32 to index
        %get3A_1337 = tpu.vector_load %arg6[%get3A_1336] {strides = array<i32>} : memref<4096xi32, #tpu.memory_space<vmem>>, vector<16xi32>,
        %add3A_1338 = arith.addi %get3A_1335, %get3A_1337 : vector<16xi32>
        %swap3A_1339 = arith.index_cast %add3A_1329 : i32 to index
        %swap3A_1340 = tpu.vector_load %arg6[%swap3A_1339] {strides = array<i32>} : memref<4096xi32, #tpu.memory_space<vmem>>, vector<16xi32>,
        tpu.vector_store %arg6[%swap3A_1339], %add3A_1338 {strides = array<i32>} : memref<4096xi32, #tpu.memory_space<vmem>>, vector<16xi32>,
        %mul3A_1341 = arith.constant 16 : i32
        %mul3A_1342 = arith.muli %scan3A_1310, %mul3A_1341 : i32
        %add3A_1343 = arith.constant 512 : i32
        %add3A_1344 = arith.addi %add3A_1343, %mul3A_1342 : i32
        %mul3A_1345 = arith.constant 16 : i32
        %mul3A_1346 = arith.muli %scan3A_1310, %mul3A_1345 : i32
        %add3A_1347 = arith.constant 2560 : i32
        %add3A_1348 = arith.addi %add3A_1347, %mul3A_1346 : i32
        %get3A_1349 = arith.index_cast %add3A_1344 : i32 to index
        %get3A_1350 = tpu.vector_load %arg6[%get3A_1349] {strides = array<i32>} : memref<4096xi32, #tpu.memory_space<vmem>>, vector<16xi32>,
        %get3A_1351 = arith.index_cast %add3A_1348 : i32 to index
        %get3A_1352 = tpu.vector_load %arg6[%get3A_1351] {strides = array<i32>} : memref<4096xi32, #tpu.memory_space<vmem>>, vector<16xi32>,
        %add3A_1353 = arith.addi %get3A_1350, %get3A_1352 : vector<16xi32>
        %swap3A_1354 = arith.index_cast %add3A_1344 : i32 to index
        %swap3A_1355 = tpu.vector_load %arg6[%swap3A_1354] {strides = array<i32>} : memref<4096xi32, #tpu.memory_space<vmem>>, vector<16xi32>,
        tpu.vector_store %arg6[%swap3A_1354], %add3A_1353 {strides = array<i32>} : memref<4096xi32, #tpu.memory_space<vmem>>, vector<16xi32>,
        %mul3A_1356 = arith.constant 16 : i32
        %mul3A_1357 = arith.muli %scan3A_1310, %mul3A_1356 : i32
        %add3A_1358 = arith.constant 768 : i32
        %add3A_1359 = arith.addi %add3A_1358, %mul3A_1357 : i32
        %mul3A_1360 = arith.constant 16 : i32
        %mul3A_1361 = arith.muli %scan3A_1310, %mul3A_1360 : i32
        %add3A_1362 = arith.constant 2816 : i32
        %add3A_1363 = arith.addi %add3A_1362, %mul3A_1361 : i32
        %get3A_1364 = arith.index_cast %add3A_1359 : i32 to index
        %get3A_1365 = tpu.vector_load %arg6[%get3A_1364] {strides = array<i32>} : memref<4096xi32, #tpu.memory_space<vmem>>, vector<16xi32>,
        %get3A_1366 = arith.index_cast %add3A_1363 : i32 to index
        %get3A_1367 = tpu.vector_load %arg6[%get3A_1366] {strides = array<i32>} : memref<4096xi32, #tpu.memory_space<vmem>>, vector<16xi32>,
        %add3A_1368 = arith.addi %get3A_1365, %get3A_1367 : vector<16xi32>
        %swap3A_1369 = arith.index_cast %add3A_1359 : i32 to index
        %swap3A_1370 = tpu.vector_load %arg6[%swap3A_1369] {strides = array<i32>} : memref<4096xi32, #tpu.memory_space<vmem>>, vector<16xi32>,
        tpu.vector_store %arg6[%swap3A_1369], %add3A_1368 {strides = array<i32>} : memref<4096xi32, #tpu.memory_space<vmem>>, vector<16xi32>,
        %mul3A_1371 = arith.constant 16 : i32
        %mul3A_1372 = arith.muli %scan3A_1310, %mul3A_1371 : i32
        %add3A_1373 = arith.constant 1024 : i32
        %add3A_1374 = arith.addi %add3A_1373, %mul3A_1372 : i32
        %mul3A_1375 = arith.constant 16 : i32
        %mul3A_1376 = arith.muli %scan3A_1310, %mul3A_1375 : i32
        %add3A_1377 = arith.constant 3072 : i32
        %add3A_1378 = arith.addi %add3A_1377, %mul3A_1376 : i32
        %get3A_1379 = arith.index_cast %add3A_1374 : i32 to index
        %get3A_1380 = tpu.vector_load %arg6[%get3A_1379] {strides = array<i32>} : memref<4096xi32, #tpu.memory_space<vmem>>, vector<16xi32>,
        %get3A_1381 = arith.index_cast %add3A_1378 : i32 to index
        %get3A_1382 = tpu.vector_load %arg6[%get3A_1381] {strides = array<i32>} : memref<4096xi32, #tpu.memory_space<vmem>>, vector<16xi32>,
        %add3A_1383 = arith.addi %get3A_1380, %get3A_1382 : vector<16xi32>
        %swap3A_1384 = arith.index_cast %add3A_1374 : i32 to index
        %swap3A_1385 = tpu.vector_load %arg6[%swap3A_1384] {strides = array<i32>} : memref<4096xi32, #tpu.memory_space<vmem>>, vector<16xi32>,
        tpu.vector_store %arg6[%swap3A_1384], %add3A_1383 {strides = array<i32>} : memref<4096xi32, #tpu.memory_space<vmem>>, vector<16xi32>,
        %mul3A_1386 = arith.constant 16 : i32
        %mul3A_1387 = arith.muli %scan3A_1310, %mul3A_1386 : i32
        %add3A_1388 = arith.constant 1280 : i32
        %add3A_1389 = arith.addi %add3A_1388, %mul3A_1387 : i32
        %mul3A_1390 = arith.constant 16 : i32
        %mul3A_1391 = arith.muli %scan3A_1310, %mul3A_1390 : i32
        %add3A_1392 = arith.constant 3328 : i32
        %add3A_1393 = arith.addi %add3A_1392, %mul3A_1391 : i32
        %get3A_1394 = arith.index_cast %add3A_1389 : i32 to index
        %get3A_1395 = tpu.vector_load %arg6[%get3A_1394] {strides = array<i32>} : memref<4096xi32, #tpu.memory_space<vmem>>, vector<16xi32>,
        %get3A_1396 = arith.index_cast %add3A_1393 : i32 to index
        %get3A_1397 = tpu.vector_load %arg6[%get3A_1396] {strides = array<i32>} : memref<4096xi32, #tpu.memory_space<vmem>>, vector<16xi32>,
        %add3A_1398 = arith.addi %get3A_1395, %get3A_1397 : vector<16xi32>
        %swap3A_1399 = arith.index_cast %add3A_1389 : i32 to index
        %swap3A_1400 = tpu.vector_load %arg6[%swap3A_1399] {strides = array<i32>} : memref<4096xi32, #tpu.memory_space<vmem>>, vector<16xi32>,
        tpu.vector_store %arg6[%swap3A_1399], %add3A_1398 {strides = array<i32>} : memref<4096xi32, #tpu.memory_space<vmem>>, vector<16xi32>,
        %mul3A_1401 = arith.constant 16 : i32
        %mul3A_1402 = arith.muli %scan3A_1310, %mul3A_1401 : i32
        %add3A_1403 = arith.constant 1536 : i32
        %add3A_1404 = arith.addi %add3A_1403, %mul3A_1402 : i32
        %mul3A_1405 = arith.constant 16 : i32
        %mul3A_1406 = arith.muli %scan3A_1310, %mul3A_1405 : i32
        %add3A_1407 = arith.constant 3584 : i32
        %add3A_1408 = arith.addi %add3A_1407, %mul3A_1406 : i32
        %get3A_1409 = arith.index_cast %add3A_1404 : i32 to index
        %get3A_1410 = tpu.vector_load %arg6[%get3A_1409] {strides = array<i32>} : memref<4096xi32, #tpu.memory_space<vmem>>, vector<16xi32>,
        %get3A_1411 = arith.index_cast %add3A_1408 : i32 to index
        %get3A_1412 = tpu.vector_load %arg6[%get3A_1411] {strides = array<i32>} : memref<4096xi32, #tpu.memory_space<vmem>>, vector<16xi32>,
        %add3A_1413 = arith.addi %get3A_1410, %get3A_1412 : vector<16xi32>
        %swap3A_1414 = arith.index_cast %add3A_1404 : i32 to index
        %swap3A_1415 = tpu.vector_load %arg6[%swap3A_1414] {strides = array<i32>} : memref<4096xi32, #tpu.memory_space<vmem>>, vector<16xi32>,
        tpu.vector_store %arg6[%swap3A_1414], %add3A_1413 {strides = array<i32>} : memref<4096xi32, #tpu.memory_space<vmem>>, vector<16xi32>,
        %mul3A_1416 = arith.constant 16 : i32
        %mul3A_1417 = arith.muli %scan3A_1310, %mul3A_1416 : i32
        %add3A_1418 = arith.constant 1792 : i32
        %add3A_1419 = arith.addi %add3A_1418, %mul3A_1417 : i32
        %mul3A_1420 = arith.constant 16 : i32
        %mul3A_1421 = arith.muli %scan3A_1310, %mul3A_1420 : i32
        %add3A_1422 = arith.constant 3840 : i32
        %add3A_1423 = arith.addi %add3A_1422, %mul3A_1421 : i32
        %get3A_1424 = arith.index_cast %add3A_1419 : i32 to index
        %get3A_1425 = tpu.vector_load %arg6[%get3A_1424] {strides = array<i32>} : memref<4096xi32, #tpu.memory_space<vmem>>, vector<16xi32>,
        %get3A_1426 = arith.index_cast %add3A_1423 : i32 to index
        %get3A_1427 = tpu.vector_load %arg6[%get3A_1426] {strides = array<i32>} : memref<4096xi32, #tpu.memory_space<vmem>>, vector<16xi32>,
        %add3A_1428 = arith.addi %get3A_1425, %get3A_1427 : vector<16xi32>
        %swap3A_1429 = arith.index_cast %add3A_1419 : i32 to index
        %swap3A_1430 = tpu.vector_load %arg6[%swap3A_1429] {strides = array<i32>} : memref<4096xi32, #tpu.memory_space<vmem>>, vector<16xi32>,
        tpu.vector_store %arg6[%swap3A_1429], %add3A_1428 {strides = array<i32>} : memref<4096xi32, #tpu.memory_space<vmem>>, vector<16xi32>,
        %mul3A_1431 = arith.constant 16 : i32
        %mul3A_1432 = arith.muli %scan3A_1310, %mul3A_1431 : i32
        %add3A_1433 = arith.constant 0 : i32
        %add3A_1434 = arith.addi %add3A_1433, %mul3A_1432 : i32
        %mul3A_1435 = arith.constant 16 : i32
        %mul3A_1436 = arith.muli %scan3A_1310, %mul3A_1435 : i32
        %add3A_1437 = arith.constant 1024 : i32
        %add3A_1438 = arith.addi %add3A_1437, %mul3A_1436 : i32
        %get3A_1439 = arith.index_cast %add3A_1434 : i32 to index
        %get3A_1440 = tpu.vector_load %arg6[%get3A_1439] {strides = array<i32>} : memref<4096xi32, #tpu.memory_space<vmem>>, vector<16xi32>,
        %get3A_1441 = arith.index_cast %add3A_1438 : i32 to index
        %get3A_1442 = tpu.vector_load %arg6[%get3A_1441] {strides = array<i32>} : memref<4096xi32, #tpu.memory_space<vmem>>, vector<16xi32>,
        %add3A_1443 = arith.addi %get3A_1440, %get3A_1442 : vector<16xi32>
        %swap3A_1444 = arith.index_cast %add3A_1434 : i32 to index
        %swap3A_1445 = tpu.vector_load %arg6[%swap3A_1444] {strides = array<i32>} : memref<4096xi32, #tpu.memory_space<vmem>>, vector<16xi32>,
        tpu.vector_store %arg6[%swap3A_1444], %add3A_1443 {strides = array<i32>} : memref<4096xi32, #tpu.memory_space<vmem>>, vector<16xi32>,
        %mul3A_1446 = arith.constant 16 : i32
        %mul3A_1447 = arith.muli %scan3A_1310, %mul3A_1446 : i32
        %add3A_1448 = arith.constant 256 : i32
        %add3A_1449 = arith.addi %add3A_1448, %mul3A_1447 : i32
        %mul3A_1450 = arith.constant 16 : i32
        %mul3A_1451 = arith.muli %scan3A_1310, %mul3A_1450 : i32
        %add3A_1452 = arith.constant 1280 : i32
        %add3A_1453 = arith.addi %add3A_1452, %mul3A_1451 : i32
        %get3A_1454 = arith.index_cast %add3A_1449 : i32 to index
        %get3A_1455 = tpu.vector_load %arg6[%get3A_1454] {strides = array<i32>} : memref<4096xi32, #tpu.memory_space<vmem>>, vector<16xi32>,
        %get3A_1456 = arith.index_cast %add3A_1453 : i32 to index
        %get3A_1457 = tpu.vector_load %arg6[%get3A_1456] {strides = array<i32>} : memref<4096xi32, #tpu.memory_space<vmem>>, vector<16xi32>,
        %add3A_1458 = arith.addi %get3A_1455, %get3A_1457 : vector<16xi32>
        %swap3A_1459 = arith.index_cast %add3A_1449 : i32 to index
        %swap3A_1460 = tpu.vector_load %arg6[%swap3A_1459] {strides = array<i32>} : memref<4096xi32, #tpu.memory_space<vmem>>, vector<16xi32>,
        tpu.vector_store %arg6[%swap3A_1459], %add3A_1458 {strides = array<i32>} : memref<4096xi32, #tpu.memory_space<vmem>>, vector<16xi32>,
        %mul3A_1461 = arith.constant 16 : i32
        %mul3A_1462 = arith.muli %scan3A_1310, %mul3A_1461 : i32
        %add3A_1463 = arith.constant 512 : i32
        %add3A_1464 = arith.addi %add3A_1463, %mul3A_1462 : i32
        %mul3A_1465 = arith.constant 16 : i32
        %mul3A_1466 = arith.muli %scan3A_1310, %mul3A_1465 : i32
        %add3A_1467 = arith.constant 1536 : i32
        %add3A_1468 = arith.addi %add3A_1467, %mul3A_1466 : i32
        %get3A_1469 = arith.index_cast %add3A_1464 : i32 to index
        %get3A_1470 = tpu.vector_load %arg6[%get3A_1469] {strides = array<i32>} : memref<4096xi32, #tpu.memory_space<vmem>>, vector<16xi32>,
        %get3A_1471 = arith.index_cast %add3A_1468 : i32 to index
        %get3A_1472 = tpu.vector_load %arg6[%get3A_1471] {strides = array<i32>} : memref<4096xi32, #tpu.memory_space<vmem>>, vector<16xi32>,
        %add3A_1473 = arith.addi %get3A_1470, %get3A_1472 : vector<16xi32>
        %swap3A_1474 = arith.index_cast %add3A_1464 : i32 to index
        %swap3A_1475 = tpu.vector_load %arg6[%swap3A_1474] {strides = array<i32>} : memref<4096xi32, #tpu.memory_space<vmem>>, vector<16xi32>,
        tpu.vector_store %arg6[%swap3A_1474], %add3A_1473 {strides = array<i32>} : memref<4096xi32, #tpu.memory_space<vmem>>, vector<16xi32>,
        %mul3A_1476 = arith.constant 16 : i32
        %mul3A_1477 = arith.muli %scan3A_1310, %mul3A_1476 : i32
        %add3A_1478 = arith.constant 768 : i32
        %add3A_1479 = arith.addi %add3A_1478, %mul3A_1477 : i32
        %mul3A_1480 = arith.constant 16 : i32
        %mul3A_1481 = arith.muli %scan3A_1310, %mul3A_1480 : i32
        %add3A_1482 = arith.constant 1792 : i32
        %add3A_1483 = arith.addi %add3A_1482, %mul3A_1481 : i32
        %get3A_1484 = arith.index_cast %add3A_1479 : i32 to index
        %get3A_1485 = tpu.vector_load %arg6[%get3A_1484] {strides = array<i32>} : memref<4096xi32, #tpu.memory_space<vmem>>, vector<16xi32>,
        %get3A_1486 = arith.index_cast %add3A_1483 : i32 to index
        %get3A_1487 = tpu.vector_load %arg6[%get3A_1486] {strides = array<i32>} : memref<4096xi32, #tpu.memory_space<vmem>>, vector<16xi32>,
        %add3A_1488 = arith.addi %get3A_1485, %get3A_1487 : vector<16xi32>
        %swap3A_1489 = arith.index_cast %add3A_1479 : i32 to index
        %swap3A_1490 = tpu.vector_load %arg6[%swap3A_1489] {strides = array<i32>} : memref<4096xi32, #tpu.memory_space<vmem>>, vector<16xi32>,
        tpu.vector_store %arg6[%swap3A_1489], %add3A_1488 {strides = array<i32>} : memref<4096xi32, #tpu.memory_space<vmem>>, vector<16xi32>,
        %mul3A_1491 = arith.constant 16 : i32
        %mul3A_1492 = arith.muli %scan3A_1310, %mul3A_1491 : i32
        %add3A_1493 = arith.constant 0 : i32
        %add3A_1494 = arith.addi %add3A_1493, %mul3A_1492 : i32
        %mul3A_1495 = arith.constant 16 : i32
        %mul3A_1496 = arith.muli %scan3A_1310, %mul3A_1495 : i32
        %add3A_1497 = arith.constant 512 : i32
        %add3A_1498 = arith.addi %add3A_1497, %mul3A_1496 : i32
        %get3A_1499 = arith.index_cast %add3A_1494 : i32 to index
        %get3A_1500 = tpu.vector_load %arg6[%get3A_1499] {strides = array<i32>} : memref<4096xi32, #tpu.memory_space<vmem>>, vector<16xi32>,
        %get3A_1501 = arith.index_cast %add3A_1498 : i32 to index
        %get3A_1502 = tpu.vector_load %arg6[%get3A_1501] {strides = array<i32>} : memref<4096xi32, #tpu.memory_space<vmem>>, vector<16xi32>,
        %add3A_1503 = arith.addi %get3A_1500, %get3A_1502 : vector<16xi32>
        %swap3A_1504 = arith.index_cast %add3A_1494 : i32 to index
        %swap3A_1505 = tpu.vector_load %arg6[%swap3A_1504] {strides = array<i32>} : memref<4096xi32, #tpu.memory_space<vmem>>, vector<16xi32>,
        tpu.vector_store %arg6[%swap3A_1504], %add3A_1503 {strides = array<i32>} : memref<4096xi32, #tpu.memory_space<vmem>>, vector<16xi32>,
        %mul3A_1506 = arith.constant 16 : i32
        %mul3A_1507 = arith.muli %scan3A_1310, %mul3A_1506 : i32
        %add3A_1508 = arith.constant 256 : i32
        %add3A_1509 = arith.addi %add3A_1508, %mul3A_1507 : i32
        %mul3A_1510 = arith.constant 16 : i32
        %mul3A_1511 = arith.muli %scan3A_1310, %mul3A_1510 : i32
        %add3A_1512 = arith.constant 768 : i32
        %add3A_1513 = arith.addi %add3A_1512, %mul3A_1511 : i32
        %get3A_1514 = arith.index_cast %add3A_1509 : i32 to index
        %get3A_1515 = tpu.vector_load %arg6[%get3A_1514] {strides = array<i32>} : memref<4096xi32, #tpu.memory_space<vmem>>, vector<16xi32>,
        %get3A_1516 = arith.index_cast %add3A_1513 : i32 to index
        %get3A_1517 = tpu.vector_load %arg6[%get3A_1516] {strides = array<i32>} : memref<4096xi32, #tpu.memory_space<vmem>>, vector<16xi32>,
        %add3A_1518 = arith.addi %get3A_1515, %get3A_1517 : vector<16xi32>
        %swap3A_1519 = arith.index_cast %add3A_1509 : i32 to index
        %swap3A_1520 = tpu.vector_load %arg6[%swap3A_1519] {strides = array<i32>} : memref<4096xi32, #tpu.memory_space<vmem>>, vector<16xi32>,
        tpu.vector_store %arg6[%swap3A_1519], %add3A_1518 {strides = array<i32>} : memref<4096xi32, #tpu.memory_space<vmem>>, vector<16xi32>,
        %mul3A_1521 = arith.constant 16 : i32
        %mul3A_1522 = arith.muli %scan3A_1310, %mul3A_1521 : i32
        %add3A_1523 = arith.constant 0 : i32
        %add3A_1524 = arith.addi %add3A_1523, %mul3A_1522 : i32
        %mul3A_1525 = arith.constant 16 : i32
        %mul3A_1526 = arith.muli %scan3A_1310, %mul3A_1525 : i32
        %add3A_1527 = arith.constant 256 : i32
        %add3A_1528 = arith.addi %add3A_1527, %mul3A_1526 : i32
        %get3A_1529 = arith.index_cast %add3A_1524 : i32 to index
        %get3A_1530 = tpu.vector_load %arg6[%get3A_1529] {strides = array<i32>} : memref<4096xi32, #tpu.memory_space<vmem>>, vector<16xi32>,
        %get3A_1531 = arith.index_cast %add3A_1528 : i32 to index
        %get3A_1532 = tpu.vector_load %arg6[%get3A_1531] {strides = array<i32>} : memref<4096xi32, #tpu.memory_space<vmem>>, vector<16xi32>,
        %add3A_1533 = arith.addi %get3A_1530, %get3A_1532 : vector<16xi32>
        %swap3A_1534 = arith.index_cast %add3A_1524 : i32 to index
        %swap3A_1535 = tpu.vector_load %arg6[%swap3A_1534] {strides = array<i32>} : memref<4096xi32, #tpu.memory_space<vmem>>, vector<16xi32>,
        tpu.vector_store %arg6[%swap3A_1534], %add3A_1533 {strides = array<i32>} : memref<4096xi32, #tpu.memory_space<vmem>>, vector<16xi32>,
        %scan3A_1536 = arith.constant 3 : i32
        %scan3A_1537 = arith.addi %scan3A_856, %scan3A_1536 : i32
        %mul3A_1538 = arith.constant 16 : i32
        %mul3A_1539 = arith.muli %scan3A_1537, %mul3A_1538 : i32
        %add3A_1540 = arith.constant 0 : i32
        %add3A_1541 = arith.addi %add3A_1540, %mul3A_1539 : i32
        %mul3A_1542 = arith.constant 16 : i32
        %mul3A_1543 = arith.muli %scan3A_1537, %mul3A_1542 : i32
        %add3A_1544 = arith.constant 2048 : i32
        %add3A_1545 = arith.addi %add3A_1544, %mul3A_1543 : i32
        %get3A_1546 = arith.index_cast %add3A_1541 : i32 to index
        %get3A_1547 = tpu.vector_load %arg6[%get3A_1546] {strides = array<i32>} : memref<4096xi32, #tpu.memory_space<vmem>>, vector<16xi32>,
        %get3A_1548 = arith.index_cast %add3A_1545 : i32 to index
        %get3A_1549 = tpu.vector_load %arg6[%get3A_1548] {strides = array<i32>} : memref<4096xi32, #tpu.memory_space<vmem>>, vector<16xi32>,
        %add3A_1550 = arith.addi %get3A_1547, %get3A_1549 : vector<16xi32>
        %swap3A_1551 = arith.index_cast %add3A_1541 : i32 to index
        %swap3A_1552 = tpu.vector_load %arg6[%swap3A_1551] {strides = array<i32>} : memref<4096xi32, #tpu.memory_space<vmem>>, vector<16xi32>,
        tpu.vector_store %arg6[%swap3A_1551], %add3A_1550 {strides = array<i32>} : memref<4096xi32, #tpu.memory_space<vmem>>, vector<16xi32>,
        %mul3A_1553 = arith.constant 16 : i32
        %mul3A_1554 = arith.muli %scan3A_1537, %mul3A_1553 : i32
        %add3A_1555 = arith.constant 256 : i32
        %add3A_1556 = arith.addi %add3A_1555, %mul3A_1554 : i32
        %mul3A_1557 = arith.constant 16 : i32
        %mul3A_1558 = arith.muli %scan3A_1537, %mul3A_1557 : i32
        %add3A_1559 = arith.constant 2304 : i32
        %add3A_1560 = arith.addi %add3A_1559, %mul3A_1558 : i32
        %get3A_1561 = arith.index_cast %add3A_1556 : i32 to index
        %get3A_1562 = tpu.vector_load %arg6[%get3A_1561] {strides = array<i32>} : memref<4096xi32, #tpu.memory_space<vmem>>, vector<16xi32>,
        %get3A_1563 = arith.index_cast %add3A_1560 : i32 to index
        %get3A_1564 = tpu.vector_load %arg6[%get3A_1563] {strides = array<i32>} : memref<4096xi32, #tpu.memory_space<vmem>>, vector<16xi32>,
        %add3A_1565 = arith.addi %get3A_1562, %get3A_1564 : vector<16xi32>
        %swap3A_1566 = arith.index_cast %add3A_1556 : i32 to index
        %swap3A_1567 = tpu.vector_load %arg6[%swap3A_1566] {strides = array<i32>} : memref<4096xi32, #tpu.memory_space<vmem>>, vector<16xi32>,
        tpu.vector_store %arg6[%swap3A_1566], %add3A_1565 {strides = array<i32>} : memref<4096xi32, #tpu.memory_space<vmem>>, vector<16xi32>,
        %mul3A_1568 = arith.constant 16 : i32
        %mul3A_1569 = arith.muli %scan3A_1537, %mul3A_1568 : i32
        %add3A_1570 = arith.constant 512 : i32
        %add3A_1571 = arith.addi %add3A_1570, %mul3A_1569 : i32
        %mul3A_1572 = arith.constant 16 : i32
        %mul3A_1573 = arith.muli %scan3A_1537, %mul3A_1572 : i32
        %add3A_1574 = arith.constant 2560 : i32
        %add3A_1575 = arith.addi %add3A_1574, %mul3A_1573 : i32
        %get3A_1576 = arith.index_cast %add3A_1571 : i32 to index
        %get3A_1577 = tpu.vector_load %arg6[%get3A_1576] {strides = array<i32>} : memref<4096xi32, #tpu.memory_space<vmem>>, vector<16xi32>,
        %get3A_1578 = arith.index_cast %add3A_1575 : i32 to index
        %get3A_1579 = tpu.vector_load %arg6[%get3A_1578] {strides = array<i32>} : memref<4096xi32, #tpu.memory_space<vmem>>, vector<16xi32>,
        %add3A_1580 = arith.addi %get3A_1577, %get3A_1579 : vector<16xi32>
        %swap3A_1581 = arith.index_cast %add3A_1571 : i32 to index
        %swap3A_1582 = tpu.vector_load %arg6[%swap3A_1581] {strides = array<i32>} : memref<4096xi32, #tpu.memory_space<vmem>>, vector<16xi32>,
        tpu.vector_store %arg6[%swap3A_1581], %add3A_1580 {strides = array<i32>} : memref<4096xi32, #tpu.memory_space<vmem>>, vector<16xi32>,
        %mul3A_1583 = arith.constant 16 : i32
        %mul3A_1584 = arith.muli %scan3A_1537, %mul3A_1583 : i32
        %add3A_1585 = arith.constant 768 : i32
        %add3A_1586 = arith.addi %add3A_1585, %mul3A_1584 : i32
        %mul3A_1587 = arith.constant 16 : i32
        %mul3A_1588 = arith.muli %scan3A_1537, %mul3A_1587 : i32
        %add3A_1589 = arith.constant 2816 : i32
        %add3A_1590 = arith.addi %add3A_1589, %mul3A_1588 : i32
        %get3A_1591 = arith.index_cast %add3A_1586 : i32 to index
        %get3A_1592 = tpu.vector_load %arg6[%get3A_1591] {strides = array<i32>} : memref<4096xi32, #tpu.memory_space<vmem>>, vector<16xi32>,
        %get3A_1593 = arith.index_cast %add3A_1590 : i32 to index
        %get3A_1594 = tpu.vector_load %arg6[%get3A_1593] {strides = array<i32>} : memref<4096xi32, #tpu.memory_space<vmem>>, vector<16xi32>,
        %add3A_1595 = arith.addi %get3A_1592, %get3A_1594 : vector<16xi32>
        %swap3A_1596 = arith.index_cast %add3A_1586 : i32 to index
        %swap3A_1597 = tpu.vector_load %arg6[%swap3A_1596] {strides = array<i32>} : memref<4096xi32, #tpu.memory_space<vmem>>, vector<16xi32>,
        tpu.vector_store %arg6[%swap3A_1596], %add3A_1595 {strides = array<i32>} : memref<4096xi32, #tpu.memory_space<vmem>>, vector<16xi32>,
        %mul3A_1598 = arith.constant 16 : i32
        %mul3A_1599 = arith.muli %scan3A_1537, %mul3A_1598 : i32
        %add3A_1600 = arith.constant 1024 : i32
        %add3A_1601 = arith.addi %add3A_1600, %mul3A_1599 : i32
        %mul3A_1602 = arith.constant 16 : i32
        %mul3A_1603 = arith.muli %scan3A_1537, %mul3A_1602 : i32
        %add3A_1604 = arith.constant 3072 : i32
        %add3A_1605 = arith.addi %add3A_1604, %mul3A_1603 : i32
        %get3A_1606 = arith.index_cast %add3A_1601 : i32 to index
        %get3A_1607 = tpu.vector_load %arg6[%get3A_1606] {strides = array<i32>} : memref<4096xi32, #tpu.memory_space<vmem>>, vector<16xi32>,
        %get3A_1608 = arith.index_cast %add3A_1605 : i32 to index
        %get3A_1609 = tpu.vector_load %arg6[%get3A_1608] {strides = array<i32>} : memref<4096xi32, #tpu.memory_space<vmem>>, vector<16xi32>,
        %add3A_1610 = arith.addi %get3A_1607, %get3A_1609 : vector<16xi32>
        %swap3A_1611 = arith.index_cast %add3A_1601 : i32 to index
        %swap3A_1612 = tpu.vector_load %arg6[%swap3A_1611] {strides = array<i32>} : memref<4096xi32, #tpu.memory_space<vmem>>, vector<16xi32>,
        tpu.vector_store %arg6[%swap3A_1611], %add3A_1610 {strides = array<i32>} : memref<4096xi32, #tpu.memory_space<vmem>>, vector<16xi32>,
        %mul3A_1613 = arith.constant 16 : i32
        %mul3A_1614 = arith.muli %scan3A_1537, %mul3A_1613 : i32
        %add3A_1615 = arith.constant 1280 : i32
        %add3A_1616 = arith.addi %add3A_1615, %mul3A_1614 : i32
        %mul3A_1617 = arith.constant 16 : i32
        %mul3A_1618 = arith.muli %scan3A_1537, %mul3A_1617 : i32
        %add3A_1619 = arith.constant 3328 : i32
        %add3A_1620 = arith.addi %add3A_1619, %mul3A_1618 : i32
        %get3A_1621 = arith.index_cast %add3A_1616 : i32 to index
        %get3A_1622 = tpu.vector_load %arg6[%get3A_1621] {strides = array<i32>} : memref<4096xi32, #tpu.memory_space<vmem>>, vector<16xi32>,
        %get3A_1623 = arith.index_cast %add3A_1620 : i32 to index
        %get3A_1624 = tpu.vector_load %arg6[%get3A_1623] {strides = array<i32>} : memref<4096xi32, #tpu.memory_space<vmem>>, vector<16xi32>,
        %add3A_1625 = arith.addi %get3A_1622, %get3A_1624 : vector<16xi32>
        %swap3A_1626 = arith.index_cast %add3A_1616 : i32 to index
        %swap3A_1627 = tpu.vector_load %arg6[%swap3A_1626] {strides = array<i32>} : memref<4096xi32, #tpu.memory_space<vmem>>, vector<16xi32>,
        tpu.vector_store %arg6[%swap3A_1626], %add3A_1625 {strides = array<i32>} : memref<4096xi32, #tpu.memory_space<vmem>>, vector<16xi32>,
        %mul3A_1628 = arith.constant 16 : i32
        %mul3A_1629 = arith.muli %scan3A_1537, %mul3A_1628 : i32
        %add3A_1630 = arith.constant 1536 : i32
        %add3A_1631 = arith.addi %add3A_1630, %mul3A_1629 : i32
        %mul3A_1632 = arith.constant 16 : i32
        %mul3A_1633 = arith.muli %scan3A_1537, %mul3A_1632 : i32
        %add3A_1634 = arith.constant 3584 : i32
        %add3A_1635 = arith.addi %add3A_1634, %mul3A_1633 : i32
        %get3A_1636 = arith.index_cast %add3A_1631 : i32 to index
        %get3A_1637 = tpu.vector_load %arg6[%get3A_1636] {strides = array<i32>} : memref<4096xi32, #tpu.memory_space<vmem>>, vector<16xi32>,
        %get3A_1638 = arith.index_cast %add3A_1635 : i32 to index
        %get3A_1639 = tpu.vector_load %arg6[%get3A_1638] {strides = array<i32>} : memref<4096xi32, #tpu.memory_space<vmem>>, vector<16xi32>,
        %add3A_1640 = arith.addi %get3A_1637, %get3A_1639 : vector<16xi32>
        %swap3A_1641 = arith.index_cast %add3A_1631 : i32 to index
        %swap3A_1642 = tpu.vector_load %arg6[%swap3A_1641] {strides = array<i32>} : memref<4096xi32, #tpu.memory_space<vmem>>, vector<16xi32>,
        tpu.vector_store %arg6[%swap3A_1641], %add3A_1640 {strides = array<i32>} : memref<4096xi32, #tpu.memory_space<vmem>>, vector<16xi32>,
        %mul3A_1643 = arith.constant 16 : i32
        %mul3A_1644 = arith.muli %scan3A_1537, %mul3A_1643 : i32
        %add3A_1645 = arith.constant 1792 : i32
        %add3A_1646 = arith.addi %add3A_1645, %mul3A_1644 : i32
        %mul3A_1647 = arith.constant 16 : i32
        %mul3A_1648 = arith.muli %scan3A_1537, %mul3A_1647 : i32
        %add3A_1649 = arith.constant 3840 : i32
        %add3A_1650 = arith.addi %add3A_1649, %mul3A_1648 : i32
        %get3A_1651 = arith.index_cast %add3A_1646 : i32 to index
        %get3A_1652 = tpu.vector_load %arg6[%get3A_1651] {strides = array<i32>} : memref<4096xi32, #tpu.memory_space<vmem>>, vector<16xi32>,
        %get3A_1653 = arith.index_cast %add3A_1650 : i32 to index
        %get3A_1654 = tpu.vector_load %arg6[%get3A_1653] {strides = array<i32>} : memref<4096xi32, #tpu.memory_space<vmem>>, vector<16xi32>,
        %add3A_1655 = arith.addi %get3A_1652, %get3A_1654 : vector<16xi32>
        %swap3A_1656 = arith.index_cast %add3A_1646 : i32 to index
        %swap3A_1657 = tpu.vector_load %arg6[%swap3A_1656] {strides = array<i32>} : memref<4096xi32, #tpu.memory_space<vmem>>, vector<16xi32>,
        tpu.vector_store %arg6[%swap3A_1656], %add3A_1655 {strides = array<i32>} : memref<4096xi32, #tpu.memory_space<vmem>>, vector<16xi32>,
        %mul3A_1658 = arith.constant 16 : i32
        %mul3A_1659 = arith.muli %scan3A_1537, %mul3A_1658 : i32
        %add3A_1660 = arith.constant 0 : i32
        %add3A_1661 = arith.addi %add3A_1660, %mul3A_1659 : i32
        %mul3A_1662 = arith.constant 16 : i32
        %mul3A_1663 = arith.muli %scan3A_1537, %mul3A_1662 : i32
        %add3A_1664 = arith.constant 1024 : i32
        %add3A_1665 = arith.addi %add3A_1664, %mul3A_1663 : i32
        %get3A_1666 = arith.index_cast %add3A_1661 : i32 to index
        %get3A_1667 = tpu.vector_load %arg6[%get3A_1666] {strides = array<i32>} : memref<4096xi32, #tpu.memory_space<vmem>>, vector<16xi32>,
        %get3A_1668 = arith.index_cast %add3A_1665 : i32 to index
        %get3A_1669 = tpu.vector_load %arg6[%get3A_1668] {strides = array<i32>} : memref<4096xi32, #tpu.memory_space<vmem>>, vector<16xi32>,
        %add3A_1670 = arith.addi %get3A_1667, %get3A_1669 : vector<16xi32>
        %swap3A_1671 = arith.index_cast %add3A_1661 : i32 to index
        %swap3A_1672 = tpu.vector_load %arg6[%swap3A_1671] {strides = array<i32>} : memref<4096xi32, #tpu.memory_space<vmem>>, vector<16xi32>,
        tpu.vector_store %arg6[%swap3A_1671], %add3A_1670 {strides = array<i32>} : memref<4096xi32, #tpu.memory_space<vmem>>, vector<16xi32>,
        %mul3A_1673 = arith.constant 16 : i32
        %mul3A_1674 = arith.muli %scan3A_1537, %mul3A_1673 : i32
        %add3A_1675 = arith.constant 256 : i32
        %add3A_1676 = arith.addi %add3A_1675, %mul3A_1674 : i32
        %mul3A_1677 = arith.constant 16 : i32
        %mul3A_1678 = arith.muli %scan3A_1537, %mul3A_1677 : i32
        %add3A_1679 = arith.constant 1280 : i32
        %add3A_1680 = arith.addi %add3A_1679, %mul3A_1678 : i32
        %get3A_1681 = arith.index_cast %add3A_1676 : i32 to index
        %get3A_1682 = tpu.vector_load %arg6[%get3A_1681] {strides = array<i32>} : memref<4096xi32, #tpu.memory_space<vmem>>, vector<16xi32>,
        %get3A_1683 = arith.index_cast %add3A_1680 : i32 to index
        %get3A_1684 = tpu.vector_load %arg6[%get3A_1683] {strides = array<i32>} : memref<4096xi32, #tpu.memory_space<vmem>>, vector<16xi32>,
        %add3A_1685 = arith.addi %get3A_1682, %get3A_1684 : vector<16xi32>
        %swap3A_1686 = arith.index_cast %add3A_1676 : i32 to index
        %swap3A_1687 = tpu.vector_load %arg6[%swap3A_1686] {strides = array<i32>} : memref<4096xi32, #tpu.memory_space<vmem>>, vector<16xi32>,
        tpu.vector_store %arg6[%swap3A_1686], %add3A_1685 {strides = array<i32>} : memref<4096xi32, #tpu.memory_space<vmem>>, vector<16xi32>,
        %mul3A_1688 = arith.constant 16 : i32
        %mul3A_1689 = arith.muli %scan3A_1537, %mul3A_1688 : i32
        %add3A_1690 = arith.constant 512 : i32
        %add3A_1691 = arith.addi %add3A_1690, %mul3A_1689 : i32
        %mul3A_1692 = arith.constant 16 : i32
        %mul3A_1693 = arith.muli %scan3A_1537, %mul3A_1692 : i32
        %add3A_1694 = arith.constant 1536 : i32
        %add3A_1695 = arith.addi %add3A_1694, %mul3A_1693 : i32
        %get3A_1696 = arith.index_cast %add3A_1691 : i32 to index
        %get3A_1697 = tpu.vector_load %arg6[%get3A_1696] {strides = array<i32>} : memref<4096xi32, #tpu.memory_space<vmem>>, vector<16xi32>,
        %get3A_1698 = arith.index_cast %add3A_1695 : i32 to index
        %get3A_1699 = tpu.vector_load %arg6[%get3A_1698] {strides = array<i32>} : memref<4096xi32, #tpu.memory_space<vmem>>, vector<16xi32>,
        %add3A_1700 = arith.addi %get3A_1697, %get3A_1699 : vector<16xi32>
        %swap3A_1701 = arith.index_cast %add3A_1691 : i32 to index
        %swap3A_1702 = tpu.vector_load %arg6[%swap3A_1701] {strides = array<i32>} : memref<4096xi32, #tpu.memory_space<vmem>>, vector<16xi32>,
        tpu.vector_store %arg6[%swap3A_1701], %add3A_1700 {strides = array<i32>} : memref<4096xi32, #tpu.memory_space<vmem>>, vector<16xi32>,
        %mul3A_1703 = arith.constant 16 : i32
        %mul3A_1704 = arith.muli %scan3A_1537, %mul3A_1703 : i32
        %add3A_1705 = arith.constant 768 : i32
        %add3A_1706 = arith.addi %add3A_1705, %mul3A_1704 : i32
        %mul3A_1707 = arith.constant 16 : i32
        %mul3A_1708 = arith.muli %scan3A_1537, %mul3A_1707 : i32
        %add3A_1709 = arith.constant 1792 : i32
        %add3A_1710 = arith.addi %add3A_1709, %mul3A_1708 : i32
        %get3A_1711 = arith.index_cast %add3A_1706 : i32 to index
        %get3A_1712 = tpu.vector_load %arg6[%get3A_1711] {strides = array<i32>} : memref<4096xi32, #tpu.memory_space<vmem>>, vector<16xi32>,
        %get3A_1713 = arith.index_cast %add3A_1710 : i32 to index
        %get3A_1714 = tpu.vector_load %arg6[%get3A_1713] {strides = array<i32>} : memref<4096xi32, #tpu.memory_space<vmem>>, vector<16xi32>,
        %add3A_1715 = arith.addi %get3A_1712, %get3A_1714 : vector<16xi32>
        %swap3A_1716 = arith.index_cast %add3A_1706 : i32 to index
        %swap3A_1717 = tpu.vector_load %arg6[%swap3A_1716] {strides = array<i32>} : memref<4096xi32, #tpu.memory_space<vmem>>, vector<16xi32>,
        tpu.vector_store %arg6[%swap3A_1716], %add3A_1715 {strides = array<i32>} : memref<4096xi32, #tpu.memory_space<vmem>>, vector<16xi32>,
        %mul3A_1718 = arith.constant 16 : i32
        %mul3A_1719 = arith.muli %scan3A_1537, %mul3A_1718 : i32
        %add3A_1720 = arith.constant 0 : i32
        %add3A_1721 = arith.addi %add3A_1720, %mul3A_1719 : i32
        %mul3A_1722 = arith.constant 16 : i32
        %mul3A_1723 = arith.muli %scan3A_1537, %mul3A_1722 : i32
        %add3A_1724 = arith.constant 512 : i32
        %add3A_1725 = arith.addi %add3A_1724, %mul3A_1723 : i32
        %get3A_1726 = arith.index_cast %add3A_1721 : i32 to index
        %get3A_1727 = tpu.vector_load %arg6[%get3A_1726] {strides = array<i32>} : memref<4096xi32, #tpu.memory_space<vmem>>, vector<16xi32>,
        %get3A_1728 = arith.index_cast %add3A_1725 : i32 to index
        %get3A_1729 = tpu.vector_load %arg6[%get3A_1728] {strides = array<i32>} : memref<4096xi32, #tpu.memory_space<vmem>>, vector<16xi32>,
        %add3A_1730 = arith.addi %get3A_1727, %get3A_1729 : vector<16xi32>
        %swap3A_1731 = arith.index_cast %add3A_1721 : i32 to index
        %swap3A_1732 = tpu.vector_load %arg6[%swap3A_1731] {strides = array<i32>} : memref<4096xi32, #tpu.memory_space<vmem>>, vector<16xi32>,
        tpu.vector_store %arg6[%swap3A_1731], %add3A_1730 {strides = array<i32>} : memref<4096xi32, #tpu.memory_space<vmem>>, vector<16xi32>,
        %mul3A_1733 = arith.constant 16 : i32
        %mul3A_1734 = arith.muli %scan3A_1537, %mul3A_1733 : i32
        %add3A_1735 = arith.constant 256 : i32
        %add3A_1736 = arith.addi %add3A_1735, %mul3A_1734 : i32
        %mul3A_1737 = arith.constant 16 : i32
        %mul3A_1738 = arith.muli %scan3A_1537, %mul3A_1737 : i32
        %add3A_1739 = arith.constant 768 : i32
        %add3A_1740 = arith.addi %add3A_1739, %mul3A_1738 : i32
        %get3A_1741 = arith.index_cast %add3A_1736 : i32 to index
        %get3A_1742 = tpu.vector_load %arg6[%get3A_1741] {strides = array<i32>} : memref<4096xi32, #tpu.memory_space<vmem>>, vector<16xi32>,
        %get3A_1743 = arith.index_cast %add3A_1740 : i32 to index
        %get3A_1744 = tpu.vector_load %arg6[%get3A_1743] {strides = array<i32>} : memref<4096xi32, #tpu.memory_space<vmem>>, vector<16xi32>,
        %add3A_1745 = arith.addi %get3A_1742, %get3A_1744 : vector<16xi32>
        %swap3A_1746 = arith.index_cast %add3A_1736 : i32 to index
        %swap3A_1747 = tpu.vector_load %arg6[%swap3A_1746] {strides = array<i32>} : memref<4096xi32, #tpu.memory_space<vmem>>, vector<16xi32>,
        tpu.vector_store %arg6[%swap3A_1746], %add3A_1745 {strides = array<i32>} : memref<4096xi32, #tpu.memory_space<vmem>>, vector<16xi32>,
        %mul3A_1748 = arith.constant 16 : i32
        %mul3A_1749 = arith.muli %scan3A_1537, %mul3A_1748 : i32
        %add3A_1750 = arith.constant 0 : i32
        %add3A_1751 = arith.addi %add3A_1750, %mul3A_1749 : i32
        %mul3A_1752 = arith.constant 16 : i32
        %mul3A_1753 = arith.muli %scan3A_1537, %mul3A_1752 : i32
        %add3A_1754 = arith.constant 256 : i32
        %add3A_1755 = arith.addi %add3A_1754, %mul3A_1753 : i32
        %get3A_1756 = arith.index_cast %add3A_1751 : i32 to index
        %get3A_1757 = tpu.vector_load %arg6[%get3A_1756] {strides = array<i32>} : memref<4096xi32, #tpu.memory_space<vmem>>, vector<16xi32>,
        %get3A_1758 = arith.index_cast %add3A_1755 : i32 to index
        %get3A_1759 = tpu.vector_load %arg6[%get3A_1758] {strides = array<i32>} : memref<4096xi32, #tpu.memory_space<vmem>>, vector<16xi32>,
        %add3A_1760 = arith.addi %get3A_1757, %get3A_1759 : vector<16xi32>
        %swap3A_1761 = arith.index_cast %add3A_1751 : i32 to index
        %swap3A_1762 = tpu.vector_load %arg6[%swap3A_1761] {strides = array<i32>} : memref<4096xi32, #tpu.memory_space<vmem>>, vector<16xi32>,
        tpu.vector_store %arg6[%swap3A_1761], %add3A_1760 {strides = array<i32>} : memref<4096xi32, #tpu.memory_space<vmem>>, vector<16xi32>,
      }
      %scan3A_407 = arith.constant 16 : i32
      "tpu.region"() ({
        %run_scoped3A = tpu.sem_alloc : memref<!tpu.dma_semaphore, #tpu.memory_space<semaphore_mem>>
        %dma_start3A = arith.constant 0 : i32
        %dma_start3A_856 = tpu.memref_slice %arg6[%dma_start3A] : memref<4096xi32, #tpu.memory_space<vmem>> -> memref<256xi32, #tpu.memory_space<vmem>>
        %dma_start3A_857 = arith.constant 0 : i32
        %dma_start3A_858 = tpu.memref_slice %arg12[%arg1, %dma_start3A_857] : memref<16x256xi32, #tpu.memory_space<vmem_shared>> -> memref<1x256xi32, #tpu.memory_space<vmem_shared>>
        %dma_start3A_859 = tpu.memref_squeeze %dma_start3A_858 : memref<1x256xi32, #tpu.memory_space<vmem_shared>> -> memref<256xi32, #tpu.memory_space<vmem_shared>>
        %dma_start3A_860 = arith.constant 0 : i32
        %dma_start3A_861 = tpu.memref_slice %arg12[%arg1, %dma_start3A_860] : memref<16x256xi32, #tpu.memory_space<vmem_shared>> -> memref<1x256xi32, #tpu.memory_space<vmem_shared>>
        %dma_start3A_862 = tpu.memref_squeeze %dma_start3A_861 : memref<1x256xi32, #tpu.memory_space<vmem_shared>> -> memref<256xi32, #tpu.memory_space<vmem_shared>>
        %dma_start3A_863 = arith.constant 0 : i32
        %dma_start3A_864 = tpu.memref_slice %arg6[%dma_start3A_863] : memref<4096xi32, #tpu.memory_space<vmem>> -> memref<256xi32, #tpu.memory_space<vmem>>
        tpu.enqueue_dma source(%dma_start3A_864 : memref<256xi32, #tpu.memory_space<vmem>>) target(%dma_start3A_862 : memref<256xi32, #tpu.memory_space<vmem_shared>>) target_semaphore(%run_scoped3A : memref<!tpu.dma_semaphore, #tpu.memory_space<semaphore_mem>>)
        %dma_wait3A = arith.constant 0 : i32
        %dma_wait3A_865 = tpu.memref_slice %arg6[%dma_wait3A] : memref<4096xi32, #tpu.memory_space<vmem>> -> memref<256xi32, #tpu.memory_space<vmem>>
        %dma_wait3A_866 = arith.constant 0 : i32
        %dma_wait3A_867 = tpu.memref_slice %arg12[%arg1, %dma_wait3A_866] : memref<16x256xi32, #tpu.memory_space<vmem_shared>> -> memref<1x256xi32, #tpu.memory_space<vmem_shared>>
        %dma_wait3A_868 = tpu.memref_squeeze %dma_wait3A_867 : memref<1x256xi32, #tpu.memory_space<vmem_shared>> -> memref<256xi32, #tpu.memory_space<vmem_shared>>
        %dma_wait3A_869 = arith.constant 0 : i32
        %dma_wait3A_870 = tpu.memref_slice %arg12[%arg1, %dma_wait3A_869] : memref<16x256xi32, #tpu.memory_space<vmem_shared>> -> memref<1x256xi32, #tpu.memory_space<vmem_shared>>
        %dma_wait3A_871 = tpu.memref_squeeze %dma_wait3A_870 : memref<1x256xi32, #tpu.memory_space<vmem_shared>> -> memref<256xi32, #tpu.memory_space<vmem_shared>>
        %dma_wait3A_872 = arith.constant 0 : i32
        %dma_wait3A_873 = tpu.memref_slice %arg6[%dma_wait3A_872] : memref<4096xi32, #tpu.memory_space<vmem>> -> memref<256xi32, #tpu.memory_space<vmem>>
        tpu.wait_dma2 semaphore(%run_scoped3A : memref<!tpu.dma_semaphore, #tpu.memory_space<semaphore_mem>>) src(%dma_wait3A_873 : memref<256xi32, #tpu.memory_space<vmem>>) dst(%dma_wait3A_871 : memref<256xi32, #tpu.memory_space<vmem_shared>>)
        tpu.yield
      }) : () -> ()
      %barrier3A_408 = arith.constant 0 : index
      tpu.barrier barrier_id(%barrier3A_408)
      "tpu.region"() ({
        %run_scoped3A = tpu.sem_alloc : memref<!tpu.dma_semaphore, #tpu.memory_space<semaphore_mem>>
        tpu.enqueue_dma source(%arg12 : memref<16x256xi32, #tpu.memory_space<vmem_shared>>) target(%arg8 : memref<16x256xi32, #tpu.memory_space<vmem>>) target_semaphore(%run_scoped3A : memref<!tpu.dma_semaphore, #tpu.memory_space<semaphore_mem>>)
        tpu.wait_dma2 semaphore(%run_scoped3A : memref<!tpu.dma_semaphore, #tpu.memory_space<semaphore_mem>>) src(%arg12 : memref<16x256xi32, #tpu.memory_space<vmem_shared>>) dst(%arg8 : memref<16x256xi32, #tpu.memory_space<vmem>>)
        tpu.yield
      }) : () -> ()
      %barrier3A_409 = arith.constant 0 : index
      tpu.barrier barrier_id(%barrier3A_409)
      %scan3A_410 = arith.constant 0 : i32
      %scan3A_411 = arith.constant 0 : i32
      %scan3A_412 = arith.constant 16 : i32
      %scan3A_413 = arith.addi %scan3A_411, %scan3A_412 : i32
      %scan3A_414 = arith.constant 4 : i32
      scf.for %scan3A_856 = %scan3A_411 to %scan3A_413 step %scan3A_414  : i32 {
        %mul3A_857 = arith.constant 16 : i32
        %mul3A_858 = arith.muli %scan3A_856, %mul3A_857 : i32
        %get3A_859 = arith.constant 0 : i32
        %get3A_860 = arith.index_cast %get3A_859 : i32 to index
        %get3A_861 = arith.index_cast %mul3A_858 : i32 to index
        %get3A_862 = tpu.vector_load %arg8[%get3A_860, %get3A_861] {strides = array<i32>} : memref<16x256xi32, #tpu.memory_space<vmem>>, vector<16xi32>,
        %get3A_863 = arith.constant 8 : i32
        %get3A_864 = arith.index_cast %get3A_863 : i32 to index
        %get3A_865 = arith.index_cast %mul3A_858 : i32 to index
        %get3A_866 = tpu.vector_load %arg8[%get3A_864, %get3A_865] {strides = array<i32>} : memref<16x256xi32, #tpu.memory_space<vmem>>, vector<16xi32>,
        %add3A_867 = arith.addi %get3A_862, %get3A_866 : vector<16xi32>
        %swap3A_868 = arith.constant 0 : i32
        %swap3A_869 = arith.index_cast %swap3A_868 : i32 to index
        %swap3A_870 = arith.index_cast %mul3A_858 : i32 to index
        %swap3A_871 = tpu.vector_load %arg8[%swap3A_869, %swap3A_870] {strides = array<i32>} : memref<16x256xi32, #tpu.memory_space<vmem>>, vector<16xi32>,
        tpu.vector_store %arg8[%swap3A_869, %swap3A_870], %add3A_867 {strides = array<i32>} : memref<16x256xi32, #tpu.memory_space<vmem>>, vector<16xi32>,
        %mul3A_872 = arith.constant 16 : i32
        %mul3A_873 = arith.muli %scan3A_856, %mul3A_872 : i32
        %get3A_874 = arith.constant 1 : i32
        %get3A_875 = arith.index_cast %get3A_874 : i32 to index
        %get3A_876 = arith.index_cast %mul3A_873 : i32 to index
        %get3A_877 = tpu.vector_load %arg8[%get3A_875, %get3A_876] {strides = array<i32>} : memref<16x256xi32, #tpu.memory_space<vmem>>, vector<16xi32>,
        %get3A_878 = arith.constant 9 : i32
        %get3A_879 = arith.index_cast %get3A_878 : i32 to index
        %get3A_880 = arith.index_cast %mul3A_873 : i32 to index
        %get3A_881 = tpu.vector_load %arg8[%get3A_879, %get3A_880] {strides = array<i32>} : memref<16x256xi32, #tpu.memory_space<vmem>>, vector<16xi32>,
        %add3A_882 = arith.addi %get3A_877, %get3A_881 : vector<16xi32>
        %swap3A_883 = arith.constant 1 : i32
        %swap3A_884 = arith.index_cast %swap3A_883 : i32 to index
        %swap3A_885 = arith.index_cast %mul3A_873 : i32 to index
        %swap3A_886 = tpu.vector_load %arg8[%swap3A_884, %swap3A_885] {strides = array<i32>} : memref<16x256xi32, #tpu.memory_space<vmem>>, vector<16xi32>,
        tpu.vector_store %arg8[%swap3A_884, %swap3A_885], %add3A_882 {strides = array<i32>} : memref<16x256xi32, #tpu.memory_space<vmem>>, vector<16xi32>,
        %mul3A_887 = arith.constant 16 : i32
        %mul3A_888 = arith.muli %scan3A_856, %mul3A_887 : i32
        %get3A_889 = arith.constant 2 : i32
        %get3A_890 = arith.index_cast %get3A_889 : i32 to index
        %get3A_891 = arith.index_cast %mul3A_888 : i32 to index
        %get3A_892 = tpu.vector_load %arg8[%get3A_890, %get3A_891] {strides = array<i32>} : memref<16x256xi32, #tpu.memory_space<vmem>>, vector<16xi32>,
        %get3A_893 = arith.constant 10 : i32
        %get3A_894 = arith.index_cast %get3A_893 : i32 to index
        %get3A_895 = arith.index_cast %mul3A_888 : i32 to index
        %get3A_896 = tpu.vector_load %arg8[%get3A_894, %get3A_895] {strides = array<i32>} : memref<16x256xi32, #tpu.memory_space<vmem>>, vector<16xi32>,
        %add3A_897 = arith.addi %get3A_892, %get3A_896 : vector<16xi32>
        %swap3A_898 = arith.constant 2 : i32
        %swap3A_899 = arith.index_cast %swap3A_898 : i32 to index
        %swap3A_900 = arith.index_cast %mul3A_888 : i32 to index
        %swap3A_901 = tpu.vector_load %arg8[%swap3A_899, %swap3A_900] {strides = array<i32>} : memref<16x256xi32, #tpu.memory_space<vmem>>, vector<16xi32>,
        tpu.vector_store %arg8[%swap3A_899, %swap3A_900], %add3A_897 {strides = array<i32>} : memref<16x256xi32, #tpu.memory_space<vmem>>, vector<16xi32>,
        %mul3A_902 = arith.constant 16 : i32
        %mul3A_903 = arith.muli %scan3A_856, %mul3A_902 : i32
        %get3A_904 = arith.constant 3 : i32
        %get3A_905 = arith.index_cast %get3A_904 : i32 to index
        %get3A_906 = arith.index_cast %mul3A_903 : i32 to index
        %get3A_907 = tpu.vector_load %arg8[%get3A_905, %get3A_906] {strides = array<i32>} : memref<16x256xi32, #tpu.memory_space<vmem>>, vector<16xi32>,
        %get3A_908 = arith.constant 11 : i32
        %get3A_909 = arith.index_cast %get3A_908 : i32 to index
        %get3A_910 = arith.index_cast %mul3A_903 : i32 to index
        %get3A_911 = tpu.vector_load %arg8[%get3A_909, %get3A_910] {strides = array<i32>} : memref<16x256xi32, #tpu.memory_space<vmem>>, vector<16xi32>,
        %add3A_912 = arith.addi %get3A_907, %get3A_911 : vector<16xi32>
        %swap3A_913 = arith.constant 3 : i32
        %swap3A_914 = arith.index_cast %swap3A_913 : i32 to index
        %swap3A_915 = arith.index_cast %mul3A_903 : i32 to index
        %swap3A_916 = tpu.vector_load %arg8[%swap3A_914, %swap3A_915] {strides = array<i32>} : memref<16x256xi32, #tpu.memory_space<vmem>>, vector<16xi32>,
        tpu.vector_store %arg8[%swap3A_914, %swap3A_915], %add3A_912 {strides = array<i32>} : memref<16x256xi32, #tpu.memory_space<vmem>>, vector<16xi32>,
        %mul3A_917 = arith.constant 16 : i32
        %mul3A_918 = arith.muli %scan3A_856, %mul3A_917 : i32
        %get3A_919 = arith.constant 4 : i32
        %get3A_920 = arith.index_cast %get3A_919 : i32 to index
        %get3A_921 = arith.index_cast %mul3A_918 : i32 to index
        %get3A_922 = tpu.vector_load %arg8[%get3A_920, %get3A_921] {strides = array<i32>} : memref<16x256xi32, #tpu.memory_space<vmem>>, vector<16xi32>,
        %get3A_923 = arith.constant 12 : i32
        %get3A_924 = arith.index_cast %get3A_923 : i32 to index
        %get3A_925 = arith.index_cast %mul3A_918 : i32 to index
        %get3A_926 = tpu.vector_load %arg8[%get3A_924, %get3A_925] {strides = array<i32>} : memref<16x256xi32, #tpu.memory_space<vmem>>, vector<16xi32>,
        %add3A_927 = arith.addi %get3A_922, %get3A_926 : vector<16xi32>
        %swap3A_928 = arith.constant 4 : i32
        %swap3A_929 = arith.index_cast %swap3A_928 : i32 to index
        %swap3A_930 = arith.index_cast %mul3A_918 : i32 to index
        %swap3A_931 = tpu.vector_load %arg8[%swap3A_929, %swap3A_930] {strides = array<i32>} : memref<16x256xi32, #tpu.memory_space<vmem>>, vector<16xi32>,
        tpu.vector_store %arg8[%swap3A_929, %swap3A_930], %add3A_927 {strides = array<i32>} : memref<16x256xi32, #tpu.memory_space<vmem>>, vector<16xi32>,
        %mul3A_932 = arith.constant 16 : i32
        %mul3A_933 = arith.muli %scan3A_856, %mul3A_932 : i32
        %get3A_934 = arith.constant 5 : i32
        %get3A_935 = arith.index_cast %get3A_934 : i32 to index
        %get3A_936 = arith.index_cast %mul3A_933 : i32 to index
        %get3A_937 = tpu.vector_load %arg8[%get3A_935, %get3A_936] {strides = array<i32>} : memref<16x256xi32, #tpu.memory_space<vmem>>, vector<16xi32>,
        %get3A_938 = arith.constant 13 : i32
        %get3A_939 = arith.index_cast %get3A_938 : i32 to index
        %get3A_940 = arith.index_cast %mul3A_933 : i32 to index
        %get3A_941 = tpu.vector_load %arg8[%get3A_939, %get3A_940] {strides = array<i32>} : memref<16x256xi32, #tpu.memory_space<vmem>>, vector<16xi32>,
        %add3A_942 = arith.addi %get3A_937, %get3A_941 : vector<16xi32>
        %swap3A_943 = arith.constant 5 : i32
        %swap3A_944 = arith.index_cast %swap3A_943 : i32 to index
        %swap3A_945 = arith.index_cast %mul3A_933 : i32 to index
        %swap3A_946 = tpu.vector_load %arg8[%swap3A_944, %swap3A_945] {strides = array<i32>} : memref<16x256xi32, #tpu.memory_space<vmem>>, vector<16xi32>,
        tpu.vector_store %arg8[%swap3A_944, %swap3A_945], %add3A_942 {strides = array<i32>} : memref<16x256xi32, #tpu.memory_space<vmem>>, vector<16xi32>,
        %mul3A_947 = arith.constant 16 : i32
        %mul3A_948 = arith.muli %scan3A_856, %mul3A_947 : i32
        %get3A_949 = arith.constant 6 : i32
        %get3A_950 = arith.index_cast %get3A_949 : i32 to index
        %get3A_951 = arith.index_cast %mul3A_948 : i32 to index
        %get3A_952 = tpu.vector_load %arg8[%get3A_950, %get3A_951] {strides = array<i32>} : memref<16x256xi32, #tpu.memory_space<vmem>>, vector<16xi32>,
        %get3A_953 = arith.constant 14 : i32
        %get3A_954 = arith.index_cast %get3A_953 : i32 to index
        %get3A_955 = arith.index_cast %mul3A_948 : i32 to index
        %get3A_956 = tpu.vector_load %arg8[%get3A_954, %get3A_955] {strides = array<i32>} : memref<16x256xi32, #tpu.memory_space<vmem>>, vector<16xi32>,
        %add3A_957 = arith.addi %get3A_952, %get3A_956 : vector<16xi32>
        %swap3A_958 = arith.constant 6 : i32
        %swap3A_959 = arith.index_cast %swap3A_958 : i32 to index
        %swap3A_960 = arith.index_cast %mul3A_948 : i32 to index
        %swap3A_961 = tpu.vector_load %arg8[%swap3A_959, %swap3A_960] {strides = array<i32>} : memref<16x256xi32, #tpu.memory_space<vmem>>, vector<16xi32>,
        tpu.vector_store %arg8[%swap3A_959, %swap3A_960], %add3A_957 {strides = array<i32>} : memref<16x256xi32, #tpu.memory_space<vmem>>, vector<16xi32>,
        %mul3A_962 = arith.constant 16 : i32
        %mul3A_963 = arith.muli %scan3A_856, %mul3A_962 : i32
        %get3A_964 = arith.constant 7 : i32
        %get3A_965 = arith.index_cast %get3A_964 : i32 to index
        %get3A_966 = arith.index_cast %mul3A_963 : i32 to index
        %get3A_967 = tpu.vector_load %arg8[%get3A_965, %get3A_966] {strides = array<i32>} : memref<16x256xi32, #tpu.memory_space<vmem>>, vector<16xi32>,
        %get3A_968 = arith.constant 15 : i32
        %get3A_969 = arith.index_cast %get3A_968 : i32 to index
        %get3A_970 = arith.index_cast %mul3A_963 : i32 to index
        %get3A_971 = tpu.vector_load %arg8[%get3A_969, %get3A_970] {strides = array<i32>} : memref<16x256xi32, #tpu.memory_space<vmem>>, vector<16xi32>,
        %add3A_972 = arith.addi %get3A_967, %get3A_971 : vector<16xi32>
        %swap3A_973 = arith.constant 7 : i32
        %swap3A_974 = arith.index_cast %swap3A_973 : i32 to index
        %swap3A_975 = arith.index_cast %mul3A_963 : i32 to index
        %swap3A_976 = tpu.vector_load %arg8[%swap3A_974, %swap3A_975] {strides = array<i32>} : memref<16x256xi32, #tpu.memory_space<vmem>>, vector<16xi32>,
        tpu.vector_store %arg8[%swap3A_974, %swap3A_975], %add3A_972 {strides = array<i32>} : memref<16x256xi32, #tpu.memory_space<vmem>>, vector<16xi32>,
        %mul3A_977 = arith.constant 16 : i32
        %mul3A_978 = arith.muli %scan3A_856, %mul3A_977 : i32
        %get3A_979 = arith.constant 0 : i32
        %get3A_980 = arith.index_cast %get3A_979 : i32 to index
        %get3A_981 = arith.index_cast %mul3A_978 : i32 to index
        %get3A_982 = tpu.vector_load %arg8[%get3A_980, %get3A_981] {strides = array<i32>} : memref<16x256xi32, #tpu.memory_space<vmem>>, vector<16xi32>,
        %get3A_983 = arith.constant 4 : i32
        %get3A_984 = arith.index_cast %get3A_983 : i32 to index
        %get3A_985 = arith.index_cast %mul3A_978 : i32 to index
        %get3A_986 = tpu.vector_load %arg8[%get3A_984, %get3A_985] {strides = array<i32>} : memref<16x256xi32, #tpu.memory_space<vmem>>, vector<16xi32>,
        %add3A_987 = arith.addi %get3A_982, %get3A_986 : vector<16xi32>
        %swap3A_988 = arith.constant 0 : i32
        %swap3A_989 = arith.index_cast %swap3A_988 : i32 to index
        %swap3A_990 = arith.index_cast %mul3A_978 : i32 to index
        %swap3A_991 = tpu.vector_load %arg8[%swap3A_989, %swap3A_990] {strides = array<i32>} : memref<16x256xi32, #tpu.memory_space<vmem>>, vector<16xi32>,
        tpu.vector_store %arg8[%swap3A_989, %swap3A_990], %add3A_987 {strides = array<i32>} : memref<16x256xi32, #tpu.memory_space<vmem>>, vector<16xi32>,
        %mul3A_992 = arith.constant 16 : i32
        %mul3A_993 = arith.muli %scan3A_856, %mul3A_992 : i32
        %get3A_994 = arith.constant 1 : i32
        %get3A_995 = arith.index_cast %get3A_994 : i32 to index
        %get3A_996 = arith.index_cast %mul3A_993 : i32 to index
        %get3A_997 = tpu.vector_load %arg8[%get3A_995, %get3A_996] {strides = array<i32>} : memref<16x256xi32, #tpu.memory_space<vmem>>, vector<16xi32>,
        %get3A_998 = arith.constant 5 : i32
        %get3A_999 = arith.index_cast %get3A_998 : i32 to index
        %get3A_1000 = arith.index_cast %mul3A_993 : i32 to index
        %get3A_1001 = tpu.vector_load %arg8[%get3A_999, %get3A_1000] {strides = array<i32>} : memref<16x256xi32, #tpu.memory_space<vmem>>, vector<16xi32>,
        %add3A_1002 = arith.addi %get3A_997, %get3A_1001 : vector<16xi32>
        %swap3A_1003 = arith.constant 1 : i32
        %swap3A_1004 = arith.index_cast %swap3A_1003 : i32 to index
        %swap3A_1005 = arith.index_cast %mul3A_993 : i32 to index
        %swap3A_1006 = tpu.vector_load %arg8[%swap3A_1004, %swap3A_1005] {strides = array<i32>} : memref<16x256xi32, #tpu.memory_space<vmem>>, vector<16xi32>,
        tpu.vector_store %arg8[%swap3A_1004, %swap3A_1005], %add3A_1002 {strides = array<i32>} : memref<16x256xi32, #tpu.memory_space<vmem>>, vector<16xi32>,
        %mul3A_1007 = arith.constant 16 : i32
        %mul3A_1008 = arith.muli %scan3A_856, %mul3A_1007 : i32
        %get3A_1009 = arith.constant 2 : i32
        %get3A_1010 = arith.index_cast %get3A_1009 : i32 to index
        %get3A_1011 = arith.index_cast %mul3A_1008 : i32 to index
        %get3A_1012 = tpu.vector_load %arg8[%get3A_1010, %get3A_1011] {strides = array<i32>} : memref<16x256xi32, #tpu.memory_space<vmem>>, vector<16xi32>,
        %get3A_1013 = arith.constant 6 : i32
        %get3A_1014 = arith.index_cast %get3A_1013 : i32 to index
        %get3A_1015 = arith.index_cast %mul3A_1008 : i32 to index
        %get3A_1016 = tpu.vector_load %arg8[%get3A_1014, %get3A_1015] {strides = array<i32>} : memref<16x256xi32, #tpu.memory_space<vmem>>, vector<16xi32>,
        %add3A_1017 = arith.addi %get3A_1012, %get3A_1016 : vector<16xi32>
        %swap3A_1018 = arith.constant 2 : i32
        %swap3A_1019 = arith.index_cast %swap3A_1018 : i32 to index
        %swap3A_1020 = arith.index_cast %mul3A_1008 : i32 to index
        %swap3A_1021 = tpu.vector_load %arg8[%swap3A_1019, %swap3A_1020] {strides = array<i32>} : memref<16x256xi32, #tpu.memory_space<vmem>>, vector<16xi32>,
        tpu.vector_store %arg8[%swap3A_1019, %swap3A_1020], %add3A_1017 {strides = array<i32>} : memref<16x256xi32, #tpu.memory_space<vmem>>, vector<16xi32>,
        %mul3A_1022 = arith.constant 16 : i32
        %mul3A_1023 = arith.muli %scan3A_856, %mul3A_1022 : i32
        %get3A_1024 = arith.constant 3 : i32
        %get3A_1025 = arith.index_cast %get3A_1024 : i32 to index
        %get3A_1026 = arith.index_cast %mul3A_1023 : i32 to index
        %get3A_1027 = tpu.vector_load %arg8[%get3A_1025, %get3A_1026] {strides = array<i32>} : memref<16x256xi32, #tpu.memory_space<vmem>>, vector<16xi32>,
        %get3A_1028 = arith.constant 7 : i32
        %get3A_1029 = arith.index_cast %get3A_1028 : i32 to index
        %get3A_1030 = arith.index_cast %mul3A_1023 : i32 to index
        %get3A_1031 = tpu.vector_load %arg8[%get3A_1029, %get3A_1030] {strides = array<i32>} : memref<16x256xi32, #tpu.memory_space<vmem>>, vector<16xi32>,
        %add3A_1032 = arith.addi %get3A_1027, %get3A_1031 : vector<16xi32>
        %swap3A_1033 = arith.constant 3 : i32
        %swap3A_1034 = arith.index_cast %swap3A_1033 : i32 to index
        %swap3A_1035 = arith.index_cast %mul3A_1023 : i32 to index
        %swap3A_1036 = tpu.vector_load %arg8[%swap3A_1034, %swap3A_1035] {strides = array<i32>} : memref<16x256xi32, #tpu.memory_space<vmem>>, vector<16xi32>,
        tpu.vector_store %arg8[%swap3A_1034, %swap3A_1035], %add3A_1032 {strides = array<i32>} : memref<16x256xi32, #tpu.memory_space<vmem>>, vector<16xi32>,
        %mul3A_1037 = arith.constant 16 : i32
        %mul3A_1038 = arith.muli %scan3A_856, %mul3A_1037 : i32
        %get3A_1039 = arith.constant 0 : i32
        %get3A_1040 = arith.index_cast %get3A_1039 : i32 to index
        %get3A_1041 = arith.index_cast %mul3A_1038 : i32 to index
        %get3A_1042 = tpu.vector_load %arg8[%get3A_1040, %get3A_1041] {strides = array<i32>} : memref<16x256xi32, #tpu.memory_space<vmem>>, vector<16xi32>,
        %get3A_1043 = arith.constant 2 : i32
        %get3A_1044 = arith.index_cast %get3A_1043 : i32 to index
        %get3A_1045 = arith.index_cast %mul3A_1038 : i32 to index
        %get3A_1046 = tpu.vector_load %arg8[%get3A_1044, %get3A_1045] {strides = array<i32>} : memref<16x256xi32, #tpu.memory_space<vmem>>, vector<16xi32>,
        %add3A_1047 = arith.addi %get3A_1042, %get3A_1046 : vector<16xi32>
        %swap3A_1048 = arith.constant 0 : i32
        %swap3A_1049 = arith.index_cast %swap3A_1048 : i32 to index
        %swap3A_1050 = arith.index_cast %mul3A_1038 : i32 to index
        %swap3A_1051 = tpu.vector_load %arg8[%swap3A_1049, %swap3A_1050] {strides = array<i32>} : memref<16x256xi32, #tpu.memory_space<vmem>>, vector<16xi32>,
        tpu.vector_store %arg8[%swap3A_1049, %swap3A_1050], %add3A_1047 {strides = array<i32>} : memref<16x256xi32, #tpu.memory_space<vmem>>, vector<16xi32>,
        %mul3A_1052 = arith.constant 16 : i32
        %mul3A_1053 = arith.muli %scan3A_856, %mul3A_1052 : i32
        %get3A_1054 = arith.constant 1 : i32
        %get3A_1055 = arith.index_cast %get3A_1054 : i32 to index
        %get3A_1056 = arith.index_cast %mul3A_1053 : i32 to index
        %get3A_1057 = tpu.vector_load %arg8[%get3A_1055, %get3A_1056] {strides = array<i32>} : memref<16x256xi32, #tpu.memory_space<vmem>>, vector<16xi32>,
        %get3A_1058 = arith.constant 3 : i32
        %get3A_1059 = arith.index_cast %get3A_1058 : i32 to index
        %get3A_1060 = arith.index_cast %mul3A_1053 : i32 to index
        %get3A_1061 = tpu.vector_load %arg8[%get3A_1059, %get3A_1060] {strides = array<i32>} : memref<16x256xi32, #tpu.memory_space<vmem>>, vector<16xi32>,
        %add3A_1062 = arith.addi %get3A_1057, %get3A_1061 : vector<16xi32>
        %swap3A_1063 = arith.constant 1 : i32
        %swap3A_1064 = arith.index_cast %swap3A_1063 : i32 to index
        %swap3A_1065 = arith.index_cast %mul3A_1053 : i32 to index
        %swap3A_1066 = tpu.vector_load %arg8[%swap3A_1064, %swap3A_1065] {strides = array<i32>} : memref<16x256xi32, #tpu.memory_space<vmem>>, vector<16xi32>,
        tpu.vector_store %arg8[%swap3A_1064, %swap3A_1065], %add3A_1062 {strides = array<i32>} : memref<16x256xi32, #tpu.memory_space<vmem>>, vector<16xi32>,
        %mul3A_1067 = arith.constant 16 : i32
        %mul3A_1068 = arith.muli %scan3A_856, %mul3A_1067 : i32
        %get3A_1069 = arith.constant 0 : i32
        %get3A_1070 = arith.index_cast %get3A_1069 : i32 to index
        %get3A_1071 = arith.index_cast %mul3A_1068 : i32 to index
        %get3A_1072 = tpu.vector_load %arg8[%get3A_1070, %get3A_1071] {strides = array<i32>} : memref<16x256xi32, #tpu.memory_space<vmem>>, vector<16xi32>,
        %get3A_1073 = arith.constant 1 : i32
        %get3A_1074 = arith.index_cast %get3A_1073 : i32 to index
        %get3A_1075 = arith.index_cast %mul3A_1068 : i32 to index
        %get3A_1076 = tpu.vector_load %arg8[%get3A_1074, %get3A_1075] {strides = array<i32>} : memref<16x256xi32, #tpu.memory_space<vmem>>, vector<16xi32>,
        %add3A_1077 = arith.addi %get3A_1072, %get3A_1076 : vector<16xi32>
        %swap3A_1078 = arith.constant 0 : i32
        %swap3A_1079 = arith.index_cast %swap3A_1078 : i32 to index
        %swap3A_1080 = arith.index_cast %mul3A_1068 : i32 to index
        %swap3A_1081 = tpu.vector_load %arg8[%swap3A_1079, %swap3A_1080] {strides = array<i32>} : memref<16x256xi32, #tpu.memory_space<vmem>>, vector<16xi32>,
        tpu.vector_store %arg8[%swap3A_1079, %swap3A_1080], %add3A_1077 {strides = array<i32>} : memref<16x256xi32, #tpu.memory_space<vmem>>, vector<16xi32>,
        %scan3A_1082 = arith.constant 1 : i32
        %scan3A_1083 = arith.addi %scan3A_856, %scan3A_1082 : i32
        %mul3A_1084 = arith.constant 16 : i32
        %mul3A_1085 = arith.muli %scan3A_1083, %mul3A_1084 : i32
        %get3A_1086 = arith.constant 0 : i32
        %get3A_1087 = arith.index_cast %get3A_1086 : i32 to index
        %get3A_1088 = arith.index_cast %mul3A_1085 : i32 to index
        %get3A_1089 = tpu.vector_load %arg8[%get3A_1087, %get3A_1088] {strides = array<i32>} : memref<16x256xi32, #tpu.memory_space<vmem>>, vector<16xi32>,
        %get3A_1090 = arith.constant 8 : i32
        %get3A_1091 = arith.index_cast %get3A_1090 : i32 to index
        %get3A_1092 = arith.index_cast %mul3A_1085 : i32 to index
        %get3A_1093 = tpu.vector_load %arg8[%get3A_1091, %get3A_1092] {strides = array<i32>} : memref<16x256xi32, #tpu.memory_space<vmem>>, vector<16xi32>,
        %add3A_1094 = arith.addi %get3A_1089, %get3A_1093 : vector<16xi32>
        %swap3A_1095 = arith.constant 0 : i32
        %swap3A_1096 = arith.index_cast %swap3A_1095 : i32 to index
        %swap3A_1097 = arith.index_cast %mul3A_1085 : i32 to index
        %swap3A_1098 = tpu.vector_load %arg8[%swap3A_1096, %swap3A_1097] {strides = array<i32>} : memref<16x256xi32, #tpu.memory_space<vmem>>, vector<16xi32>,
        tpu.vector_store %arg8[%swap3A_1096, %swap3A_1097], %add3A_1094 {strides = array<i32>} : memref<16x256xi32, #tpu.memory_space<vmem>>, vector<16xi32>,
        %mul3A_1099 = arith.constant 16 : i32
        %mul3A_1100 = arith.muli %scan3A_1083, %mul3A_1099 : i32
        %get3A_1101 = arith.constant 1 : i32
        %get3A_1102 = arith.index_cast %get3A_1101 : i32 to index
        %get3A_1103 = arith.index_cast %mul3A_1100 : i32 to index
        %get3A_1104 = tpu.vector_load %arg8[%get3A_1102, %get3A_1103] {strides = array<i32>} : memref<16x256xi32, #tpu.memory_space<vmem>>, vector<16xi32>,
        %get3A_1105 = arith.constant 9 : i32
        %get3A_1106 = arith.index_cast %get3A_1105 : i32 to index
        %get3A_1107 = arith.index_cast %mul3A_1100 : i32 to index
        %get3A_1108 = tpu.vector_load %arg8[%get3A_1106, %get3A_1107] {strides = array<i32>} : memref<16x256xi32, #tpu.memory_space<vmem>>, vector<16xi32>,
        %add3A_1109 = arith.addi %get3A_1104, %get3A_1108 : vector<16xi32>
        %swap3A_1110 = arith.constant 1 : i32
        %swap3A_1111 = arith.index_cast %swap3A_1110 : i32 to index
        %swap3A_1112 = arith.index_cast %mul3A_1100 : i32 to index
        %swap3A_1113 = tpu.vector_load %arg8[%swap3A_1111, %swap3A_1112] {strides = array<i32>} : memref<16x256xi32, #tpu.memory_space<vmem>>, vector<16xi32>,
        tpu.vector_store %arg8[%swap3A_1111, %swap3A_1112], %add3A_1109 {strides = array<i32>} : memref<16x256xi32, #tpu.memory_space<vmem>>, vector<16xi32>,
        %mul3A_1114 = arith.constant 16 : i32
        %mul3A_1115 = arith.muli %scan3A_1083, %mul3A_1114 : i32
        %get3A_1116 = arith.constant 2 : i32
        %get3A_1117 = arith.index_cast %get3A_1116 : i32 to index
        %get3A_1118 = arith.index_cast %mul3A_1115 : i32 to index
        %get3A_1119 = tpu.vector_load %arg8[%get3A_1117, %get3A_1118] {strides = array<i32>} : memref<16x256xi32, #tpu.memory_space<vmem>>, vector<16xi32>,
        %get3A_1120 = arith.constant 10 : i32
        %get3A_1121 = arith.index_cast %get3A_1120 : i32 to index
        %get3A_1122 = arith.index_cast %mul3A_1115 : i32 to index
        %get3A_1123 = tpu.vector_load %arg8[%get3A_1121, %get3A_1122] {strides = array<i32>} : memref<16x256xi32, #tpu.memory_space<vmem>>, vector<16xi32>,
        %add3A_1124 = arith.addi %get3A_1119, %get3A_1123 : vector<16xi32>
        %swap3A_1125 = arith.constant 2 : i32
        %swap3A_1126 = arith.index_cast %swap3A_1125 : i32 to index
        %swap3A_1127 = arith.index_cast %mul3A_1115 : i32 to index
        %swap3A_1128 = tpu.vector_load %arg8[%swap3A_1126, %swap3A_1127] {strides = array<i32>} : memref<16x256xi32, #tpu.memory_space<vmem>>, vector<16xi32>,
        tpu.vector_store %arg8[%swap3A_1126, %swap3A_1127], %add3A_1124 {strides = array<i32>} : memref<16x256xi32, #tpu.memory_space<vmem>>, vector<16xi32>,
        %mul3A_1129 = arith.constant 16 : i32
        %mul3A_1130 = arith.muli %scan3A_1083, %mul3A_1129 : i32
        %get3A_1131 = arith.constant 3 : i32
        %get3A_1132 = arith.index_cast %get3A_1131 : i32 to index
        %get3A_1133 = arith.index_cast %mul3A_1130 : i32 to index
        %get3A_1134 = tpu.vector_load %arg8[%get3A_1132, %get3A_1133] {strides = array<i32>} : memref<16x256xi32, #tpu.memory_space<vmem>>, vector<16xi32>,
        %get3A_1135 = arith.constant 11 : i32
        %get3A_1136 = arith.index_cast %get3A_1135 : i32 to index
        %get3A_1137 = arith.index_cast %mul3A_1130 : i32 to index
        %get3A_1138 = tpu.vector_load %arg8[%get3A_1136, %get3A_1137] {strides = array<i32>} : memref<16x256xi32, #tpu.memory_space<vmem>>, vector<16xi32>,
        %add3A_1139 = arith.addi %get3A_1134, %get3A_1138 : vector<16xi32>
        %swap3A_1140 = arith.constant 3 : i32
        %swap3A_1141 = arith.index_cast %swap3A_1140 : i32 to index
        %swap3A_1142 = arith.index_cast %mul3A_1130 : i32 to index
        %swap3A_1143 = tpu.vector_load %arg8[%swap3A_1141, %swap3A_1142] {strides = array<i32>} : memref<16x256xi32, #tpu.memory_space<vmem>>, vector<16xi32>,
        tpu.vector_store %arg8[%swap3A_1141, %swap3A_1142], %add3A_1139 {strides = array<i32>} : memref<16x256xi32, #tpu.memory_space<vmem>>, vector<16xi32>,
        %mul3A_1144 = arith.constant 16 : i32
        %mul3A_1145 = arith.muli %scan3A_1083, %mul3A_1144 : i32
        %get3A_1146 = arith.constant 4 : i32
        %get3A_1147 = arith.index_cast %get3A_1146 : i32 to index
        %get3A_1148 = arith.index_cast %mul3A_1145 : i32 to index
        %get3A_1149 = tpu.vector_load %arg8[%get3A_1147, %get3A_1148] {strides = array<i32>} : memref<16x256xi32, #tpu.memory_space<vmem>>, vector<16xi32>,
        %get3A_1150 = arith.constant 12 : i32
        %get3A_1151 = arith.index_cast %get3A_1150 : i32 to index
        %get3A_1152 = arith.index_cast %mul3A_1145 : i32 to index
        %get3A_1153 = tpu.vector_load %arg8[%get3A_1151, %get3A_1152] {strides = array<i32>} : memref<16x256xi32, #tpu.memory_space<vmem>>, vector<16xi32>,
        %add3A_1154 = arith.addi %get3A_1149, %get3A_1153 : vector<16xi32>
        %swap3A_1155 = arith.constant 4 : i32
        %swap3A_1156 = arith.index_cast %swap3A_1155 : i32 to index
        %swap3A_1157 = arith.index_cast %mul3A_1145 : i32 to index
        %swap3A_1158 = tpu.vector_load %arg8[%swap3A_1156, %swap3A_1157] {strides = array<i32>} : memref<16x256xi32, #tpu.memory_space<vmem>>, vector<16xi32>,
        tpu.vector_store %arg8[%swap3A_1156, %swap3A_1157], %add3A_1154 {strides = array<i32>} : memref<16x256xi32, #tpu.memory_space<vmem>>, vector<16xi32>,
        %mul3A_1159 = arith.constant 16 : i32
        %mul3A_1160 = arith.muli %scan3A_1083, %mul3A_1159 : i32
        %get3A_1161 = arith.constant 5 : i32
        %get3A_1162 = arith.index_cast %get3A_1161 : i32 to index
        %get3A_1163 = arith.index_cast %mul3A_1160 : i32 to index
        %get3A_1164 = tpu.vector_load %arg8[%get3A_1162, %get3A_1163] {strides = array<i32>} : memref<16x256xi32, #tpu.memory_space<vmem>>, vector<16xi32>,
        %get3A_1165 = arith.constant 13 : i32
        %get3A_1166 = arith.index_cast %get3A_1165 : i32 to index
        %get3A_1167 = arith.index_cast %mul3A_1160 : i32 to index
        %get3A_1168 = tpu.vector_load %arg8[%get3A_1166, %get3A_1167] {strides = array<i32>} : memref<16x256xi32, #tpu.memory_space<vmem>>, vector<16xi32>,
        %add3A_1169 = arith.addi %get3A_1164, %get3A_1168 : vector<16xi32>
        %swap3A_1170 = arith.constant 5 : i32
        %swap3A_1171 = arith.index_cast %swap3A_1170 : i32 to index
        %swap3A_1172 = arith.index_cast %mul3A_1160 : i32 to index
        %swap3A_1173 = tpu.vector_load %arg8[%swap3A_1171, %swap3A_1172] {strides = array<i32>} : memref<16x256xi32, #tpu.memory_space<vmem>>, vector<16xi32>,
        tpu.vector_store %arg8[%swap3A_1171, %swap3A_1172], %add3A_1169 {strides = array<i32>} : memref<16x256xi32, #tpu.memory_space<vmem>>, vector<16xi32>,
        %mul3A_1174 = arith.constant 16 : i32
        %mul3A_1175 = arith.muli %scan3A_1083, %mul3A_1174 : i32
        %get3A_1176 = arith.constant 6 : i32
        %get3A_1177 = arith.index_cast %get3A_1176 : i32 to index
        %get3A_1178 = arith.index_cast %mul3A_1175 : i32 to index
        %get3A_1179 = tpu.vector_load %arg8[%get3A_1177, %get3A_1178] {strides = array<i32>} : memref<16x256xi32, #tpu.memory_space<vmem>>, vector<16xi32>,
        %get3A_1180 = arith.constant 14 : i32
        %get3A_1181 = arith.index_cast %get3A_1180 : i32 to index
        %get3A_1182 = arith.index_cast %mul3A_1175 : i32 to index
        %get3A_1183 = tpu.vector_load %arg8[%get3A_1181, %get3A_1182] {strides = array<i32>} : memref<16x256xi32, #tpu.memory_space<vmem>>, vector<16xi32>,
        %add3A_1184 = arith.addi %get3A_1179, %get3A_1183 : vector<16xi32>
        %swap3A_1185 = arith.constant 6 : i32
        %swap3A_1186 = arith.index_cast %swap3A_1185 : i32 to index
        %swap3A_1187 = arith.index_cast %mul3A_1175 : i32 to index
        %swap3A_1188 = tpu.vector_load %arg8[%swap3A_1186, %swap3A_1187] {strides = array<i32>} : memref<16x256xi32, #tpu.memory_space<vmem>>, vector<16xi32>,
        tpu.vector_store %arg8[%swap3A_1186, %swap3A_1187], %add3A_1184 {strides = array<i32>} : memref<16x256xi32, #tpu.memory_space<vmem>>, vector<16xi32>,
        %mul3A_1189 = arith.constant 16 : i32
        %mul3A_1190 = arith.muli %scan3A_1083, %mul3A_1189 : i32
        %get3A_1191 = arith.constant 7 : i32
        %get3A_1192 = arith.index_cast %get3A_1191 : i32 to index
        %get3A_1193 = arith.index_cast %mul3A_1190 : i32 to index
        %get3A_1194 = tpu.vector_load %arg8[%get3A_1192, %get3A_1193] {strides = array<i32>} : memref<16x256xi32, #tpu.memory_space<vmem>>, vector<16xi32>,
        %get3A_1195 = arith.constant 15 : i32
        %get3A_1196 = arith.index_cast %get3A_1195 : i32 to index
        %get3A_1197 = arith.index_cast %mul3A_1190 : i32 to index
        %get3A_1198 = tpu.vector_load %arg8[%get3A_1196, %get3A_1197] {strides = array<i32>} : memref<16x256xi32, #tpu.memory_space<vmem>>, vector<16xi32>,
        %add3A_1199 = arith.addi %get3A_1194, %get3A_1198 : vector<16xi32>
        %swap3A_1200 = arith.constant 7 : i32
        %swap3A_1201 = arith.index_cast %swap3A_1200 : i32 to index
        %swap3A_1202 = arith.index_cast %mul3A_1190 : i32 to index
        %swap3A_1203 = tpu.vector_load %arg8[%swap3A_1201, %swap3A_1202] {strides = array<i32>} : memref<16x256xi32, #tpu.memory_space<vmem>>, vector<16xi32>,
        tpu.vector_store %arg8[%swap3A_1201, %swap3A_1202], %add3A_1199 {strides = array<i32>} : memref<16x256xi32, #tpu.memory_space<vmem>>, vector<16xi32>,
        %mul3A_1204 = arith.constant 16 : i32
        %mul3A_1205 = arith.muli %scan3A_1083, %mul3A_1204 : i32
        %get3A_1206 = arith.constant 0 : i32
        %get3A_1207 = arith.index_cast %get3A_1206 : i32 to index
        %get3A_1208 = arith.index_cast %mul3A_1205 : i32 to index
        %get3A_1209 = tpu.vector_load %arg8[%get3A_1207, %get3A_1208] {strides = array<i32>} : memref<16x256xi32, #tpu.memory_space<vmem>>, vector<16xi32>,
        %get3A_1210 = arith.constant 4 : i32
        %get3A_1211 = arith.index_cast %get3A_1210 : i32 to index
        %get3A_1212 = arith.index_cast %mul3A_1205 : i32 to index
        %get3A_1213 = tpu.vector_load %arg8[%get3A_1211, %get3A_1212] {strides = array<i32>} : memref<16x256xi32, #tpu.memory_space<vmem>>, vector<16xi32>,
        %add3A_1214 = arith.addi %get3A_1209, %get3A_1213 : vector<16xi32>
        %swap3A_1215 = arith.constant 0 : i32
        %swap3A_1216 = arith.index_cast %swap3A_1215 : i32 to index
        %swap3A_1217 = arith.index_cast %mul3A_1205 : i32 to index
        %swap3A_1218 = tpu.vector_load %arg8[%swap3A_1216, %swap3A_1217] {strides = array<i32>} : memref<16x256xi32, #tpu.memory_space<vmem>>, vector<16xi32>,
        tpu.vector_store %arg8[%swap3A_1216, %swap3A_1217], %add3A_1214 {strides = array<i32>} : memref<16x256xi32, #tpu.memory_space<vmem>>, vector<16xi32>,
        %mul3A_1219 = arith.constant 16 : i32
        %mul3A_1220 = arith.muli %scan3A_1083, %mul3A_1219 : i32
        %get3A_1221 = arith.constant 1 : i32
        %get3A_1222 = arith.index_cast %get3A_1221 : i32 to index
        %get3A_1223 = arith.index_cast %mul3A_1220 : i32 to index
        %get3A_1224 = tpu.vector_load %arg8[%get3A_1222, %get3A_1223] {strides = array<i32>} : memref<16x256xi32, #tpu.memory_space<vmem>>, vector<16xi32>,
        %get3A_1225 = arith.constant 5 : i32
        %get3A_1226 = arith.index_cast %get3A_1225 : i32 to index
        %get3A_1227 = arith.index_cast %mul3A_1220 : i32 to index
        %get3A_1228 = tpu.vector_load %arg8[%get3A_1226, %get3A_1227] {strides = array<i32>} : memref<16x256xi32, #tpu.memory_space<vmem>>, vector<16xi32>,
        %add3A_1229 = arith.addi %get3A_1224, %get3A_1228 : vector<16xi32>
        %swap3A_1230 = arith.constant 1 : i32
        %swap3A_1231 = arith.index_cast %swap3A_1230 : i32 to index
        %swap3A_1232 = arith.index_cast %mul3A_1220 : i32 to index
        %swap3A_1233 = tpu.vector_load %arg8[%swap3A_1231, %swap3A_1232] {strides = array<i32>} : memref<16x256xi32, #tpu.memory_space<vmem>>, vector<16xi32>,
        tpu.vector_store %arg8[%swap3A_1231, %swap3A_1232], %add3A_1229 {strides = array<i32>} : memref<16x256xi32, #tpu.memory_space<vmem>>, vector<16xi32>,
        %mul3A_1234 = arith.constant 16 : i32
        %mul3A_1235 = arith.muli %scan3A_1083, %mul3A_1234 : i32
        %get3A_1236 = arith.constant 2 : i32
        %get3A_1237 = arith.index_cast %get3A_1236 : i32 to index
        %get3A_1238 = arith.index_cast %mul3A_1235 : i32 to index
        %get3A_1239 = tpu.vector_load %arg8[%get3A_1237, %get3A_1238] {strides = array<i32>} : memref<16x256xi32, #tpu.memory_space<vmem>>, vector<16xi32>,
        %get3A_1240 = arith.constant 6 : i32
        %get3A_1241 = arith.index_cast %get3A_1240 : i32 to index
        %get3A_1242 = arith.index_cast %mul3A_1235 : i32 to index
        %get3A_1243 = tpu.vector_load %arg8[%get3A_1241, %get3A_1242] {strides = array<i32>} : memref<16x256xi32, #tpu.memory_space<vmem>>, vector<16xi32>,
        %add3A_1244 = arith.addi %get3A_1239, %get3A_1243 : vector<16xi32>
        %swap3A_1245 = arith.constant 2 : i32
        %swap3A_1246 = arith.index_cast %swap3A_1245 : i32 to index
        %swap3A_1247 = arith.index_cast %mul3A_1235 : i32 to index
        %swap3A_1248 = tpu.vector_load %arg8[%swap3A_1246, %swap3A_1247] {strides = array<i32>} : memref<16x256xi32, #tpu.memory_space<vmem>>, vector<16xi32>,
        tpu.vector_store %arg8[%swap3A_1246, %swap3A_1247], %add3A_1244 {strides = array<i32>} : memref<16x256xi32, #tpu.memory_space<vmem>>, vector<16xi32>,
        %mul3A_1249 = arith.constant 16 : i32
        %mul3A_1250 = arith.muli %scan3A_1083, %mul3A_1249 : i32
        %get3A_1251 = arith.constant 3 : i32
        %get3A_1252 = arith.index_cast %get3A_1251 : i32 to index
        %get3A_1253 = arith.index_cast %mul3A_1250 : i32 to index
        %get3A_1254 = tpu.vector_load %arg8[%get3A_1252, %get3A_1253] {strides = array<i32>} : memref<16x256xi32, #tpu.memory_space<vmem>>, vector<16xi32>,
        %get3A_1255 = arith.constant 7 : i32
        %get3A_1256 = arith.index_cast %get3A_1255 : i32 to index
        %get3A_1257 = arith.index_cast %mul3A_1250 : i32 to index
        %get3A_1258 = tpu.vector_load %arg8[%get3A_1256, %get3A_1257] {strides = array<i32>} : memref<16x256xi32, #tpu.memory_space<vmem>>, vector<16xi32>,
        %add3A_1259 = arith.addi %get3A_1254, %get3A_1258 : vector<16xi32>
        %swap3A_1260 = arith.constant 3 : i32
        %swap3A_1261 = arith.index_cast %swap3A_1260 : i32 to index
        %swap3A_1262 = arith.index_cast %mul3A_1250 : i32 to index
        %swap3A_1263 = tpu.vector_load %arg8[%swap3A_1261, %swap3A_1262] {strides = array<i32>} : memref<16x256xi32, #tpu.memory_space<vmem>>, vector<16xi32>,
        tpu.vector_store %arg8[%swap3A_1261, %swap3A_1262], %add3A_1259 {strides = array<i32>} : memref<16x256xi32, #tpu.memory_space<vmem>>, vector<16xi32>,
        %mul3A_1264 = arith.constant 16 : i32
        %mul3A_1265 = arith.muli %scan3A_1083, %mul3A_1264 : i32
        %get3A_1266 = arith.constant 0 : i32
        %get3A_1267 = arith.index_cast %get3A_1266 : i32 to index
        %get3A_1268 = arith.index_cast %mul3A_1265 : i32 to index
        %get3A_1269 = tpu.vector_load %arg8[%get3A_1267, %get3A_1268] {strides = array<i32>} : memref<16x256xi32, #tpu.memory_space<vmem>>, vector<16xi32>,
        %get3A_1270 = arith.constant 2 : i32
        %get3A_1271 = arith.index_cast %get3A_1270 : i32 to index
        %get3A_1272 = arith.index_cast %mul3A_1265 : i32 to index
        %get3A_1273 = tpu.vector_load %arg8[%get3A_1271, %get3A_1272] {strides = array<i32>} : memref<16x256xi32, #tpu.memory_space<vmem>>, vector<16xi32>,
        %add3A_1274 = arith.addi %get3A_1269, %get3A_1273 : vector<16xi32>
        %swap3A_1275 = arith.constant 0 : i32
        %swap3A_1276 = arith.index_cast %swap3A_1275 : i32 to index
        %swap3A_1277 = arith.index_cast %mul3A_1265 : i32 to index
        %swap3A_1278 = tpu.vector_load %arg8[%swap3A_1276, %swap3A_1277] {strides = array<i32>} : memref<16x256xi32, #tpu.memory_space<vmem>>, vector<16xi32>,
        tpu.vector_store %arg8[%swap3A_1276, %swap3A_1277], %add3A_1274 {strides = array<i32>} : memref<16x256xi32, #tpu.memory_space<vmem>>, vector<16xi32>,
        %mul3A_1279 = arith.constant 16 : i32
        %mul3A_1280 = arith.muli %scan3A_1083, %mul3A_1279 : i32
        %get3A_1281 = arith.constant 1 : i32
        %get3A_1282 = arith.index_cast %get3A_1281 : i32 to index
        %get3A_1283 = arith.index_cast %mul3A_1280 : i32 to index
        %get3A_1284 = tpu.vector_load %arg8[%get3A_1282, %get3A_1283] {strides = array<i32>} : memref<16x256xi32, #tpu.memory_space<vmem>>, vector<16xi32>,
        %get3A_1285 = arith.constant 3 : i32
        %get3A_1286 = arith.index_cast %get3A_1285 : i32 to index
        %get3A_1287 = arith.index_cast %mul3A_1280 : i32 to index
        %get3A_1288 = tpu.vector_load %arg8[%get3A_1286, %get3A_1287] {strides = array<i32>} : memref<16x256xi32, #tpu.memory_space<vmem>>, vector<16xi32>,
        %add3A_1289 = arith.addi %get3A_1284, %get3A_1288 : vector<16xi32>
        %swap3A_1290 = arith.constant 1 : i32
        %swap3A_1291 = arith.index_cast %swap3A_1290 : i32 to index
        %swap3A_1292 = arith.index_cast %mul3A_1280 : i32 to index
        %swap3A_1293 = tpu.vector_load %arg8[%swap3A_1291, %swap3A_1292] {strides = array<i32>} : memref<16x256xi32, #tpu.memory_space<vmem>>, vector<16xi32>,
        tpu.vector_store %arg8[%swap3A_1291, %swap3A_1292], %add3A_1289 {strides = array<i32>} : memref<16x256xi32, #tpu.memory_space<vmem>>, vector<16xi32>,
        %mul3A_1294 = arith.constant 16 : i32
        %mul3A_1295 = arith.muli %scan3A_1083, %mul3A_1294 : i32
        %get3A_1296 = arith.constant 0 : i32
        %get3A_1297 = arith.index_cast %get3A_1296 : i32 to index
        %get3A_1298 = arith.index_cast %mul3A_1295 : i32 to index
        %get3A_1299 = tpu.vector_load %arg8[%get3A_1297, %get3A_1298] {strides = array<i32>} : memref<16x256xi32, #tpu.memory_space<vmem>>, vector<16xi32>,
        %get3A_1300 = arith.constant 1 : i32
        %get3A_1301 = arith.index_cast %get3A_1300 : i32 to index
        %get3A_1302 = arith.index_cast %mul3A_1295 : i32 to index
        %get3A_1303 = tpu.vector_load %arg8[%get3A_1301, %get3A_1302] {strides = array<i32>} : memref<16x256xi32, #tpu.memory_space<vmem>>, vector<16xi32>,
        %add3A_1304 = arith.addi %get3A_1299, %get3A_1303 : vector<16xi32>
        %swap3A_1305 = arith.constant 0 : i32
        %swap3A_1306 = arith.index_cast %swap3A_1305 : i32 to index
        %swap3A_1307 = arith.index_cast %mul3A_1295 : i32 to index
        %swap3A_1308 = tpu.vector_load %arg8[%swap3A_1306, %swap3A_1307] {strides = array<i32>} : memref<16x256xi32, #tpu.memory_space<vmem>>, vector<16xi32>,
        tpu.vector_store %arg8[%swap3A_1306, %swap3A_1307], %add3A_1304 {strides = array<i32>} : memref<16x256xi32, #tpu.memory_space<vmem>>, vector<16xi32>,
        %scan3A_1309 = arith.constant 2 : i32
        %scan3A_1310 = arith.addi %scan3A_856, %scan3A_1309 : i32
        %mul3A_1311 = arith.constant 16 : i32
        %mul3A_1312 = arith.muli %scan3A_1310, %mul3A_1311 : i32
        %get3A_1313 = arith.constant 0 : i32
        %get3A_1314 = arith.index_cast %get3A_1313 : i32 to index
        %get3A_1315 = arith.index_cast %mul3A_1312 : i32 to index
        %get3A_1316 = tpu.vector_load %arg8[%get3A_1314, %get3A_1315] {strides = array<i32>} : memref<16x256xi32, #tpu.memory_space<vmem>>, vector<16xi32>,
        %get3A_1317 = arith.constant 8 : i32
        %get3A_1318 = arith.index_cast %get3A_1317 : i32 to index
        %get3A_1319 = arith.index_cast %mul3A_1312 : i32 to index
        %get3A_1320 = tpu.vector_load %arg8[%get3A_1318, %get3A_1319] {strides = array<i32>} : memref<16x256xi32, #tpu.memory_space<vmem>>, vector<16xi32>,
        %add3A_1321 = arith.addi %get3A_1316, %get3A_1320 : vector<16xi32>
        %swap3A_1322 = arith.constant 0 : i32
        %swap3A_1323 = arith.index_cast %swap3A_1322 : i32 to index
        %swap3A_1324 = arith.index_cast %mul3A_1312 : i32 to index
        %swap3A_1325 = tpu.vector_load %arg8[%swap3A_1323, %swap3A_1324] {strides = array<i32>} : memref<16x256xi32, #tpu.memory_space<vmem>>, vector<16xi32>,
        tpu.vector_store %arg8[%swap3A_1323, %swap3A_1324], %add3A_1321 {strides = array<i32>} : memref<16x256xi32, #tpu.memory_space<vmem>>, vector<16xi32>,
        %mul3A_1326 = arith.constant 16 : i32
        %mul3A_1327 = arith.muli %scan3A_1310, %mul3A_1326 : i32
        %get3A_1328 = arith.constant 1 : i32
        %get3A_1329 = arith.index_cast %get3A_1328 : i32 to index
        %get3A_1330 = arith.index_cast %mul3A_1327 : i32 to index
        %get3A_1331 = tpu.vector_load %arg8[%get3A_1329, %get3A_1330] {strides = array<i32>} : memref<16x256xi32, #tpu.memory_space<vmem>>, vector<16xi32>,
        %get3A_1332 = arith.constant 9 : i32
        %get3A_1333 = arith.index_cast %get3A_1332 : i32 to index
        %get3A_1334 = arith.index_cast %mul3A_1327 : i32 to index
        %get3A_1335 = tpu.vector_load %arg8[%get3A_1333, %get3A_1334] {strides = array<i32>} : memref<16x256xi32, #tpu.memory_space<vmem>>, vector<16xi32>,
        %add3A_1336 = arith.addi %get3A_1331, %get3A_1335 : vector<16xi32>
        %swap3A_1337 = arith.constant 1 : i32
        %swap3A_1338 = arith.index_cast %swap3A_1337 : i32 to index
        %swap3A_1339 = arith.index_cast %mul3A_1327 : i32 to index
        %swap3A_1340 = tpu.vector_load %arg8[%swap3A_1338, %swap3A_1339] {strides = array<i32>} : memref<16x256xi32, #tpu.memory_space<vmem>>, vector<16xi32>,
        tpu.vector_store %arg8[%swap3A_1338, %swap3A_1339], %add3A_1336 {strides = array<i32>} : memref<16x256xi32, #tpu.memory_space<vmem>>, vector<16xi32>,
        %mul3A_1341 = arith.constant 16 : i32
        %mul3A_1342 = arith.muli %scan3A_1310, %mul3A_1341 : i32
        %get3A_1343 = arith.constant 2 : i32
        %get3A_1344 = arith.index_cast %get3A_1343 : i32 to index
        %get3A_1345 = arith.index_cast %mul3A_1342 : i32 to index
        %get3A_1346 = tpu.vector_load %arg8[%get3A_1344, %get3A_1345] {strides = array<i32>} : memref<16x256xi32, #tpu.memory_space<vmem>>, vector<16xi32>,
        %get3A_1347 = arith.constant 10 : i32
        %get3A_1348 = arith.index_cast %get3A_1347 : i32 to index
        %get3A_1349 = arith.index_cast %mul3A_1342 : i32 to index
        %get3A_1350 = tpu.vector_load %arg8[%get3A_1348, %get3A_1349] {strides = array<i32>} : memref<16x256xi32, #tpu.memory_space<vmem>>, vector<16xi32>,
        %add3A_1351 = arith.addi %get3A_1346, %get3A_1350 : vector<16xi32>
        %swap3A_1352 = arith.constant 2 : i32
        %swap3A_1353 = arith.index_cast %swap3A_1352 : i32 to index
        %swap3A_1354 = arith.index_cast %mul3A_1342 : i32 to index
        %swap3A_1355 = tpu.vector_load %arg8[%swap3A_1353, %swap3A_1354] {strides = array<i32>} : memref<16x256xi32, #tpu.memory_space<vmem>>, vector<16xi32>,
        tpu.vector_store %arg8[%swap3A_1353, %swap3A_1354], %add3A_1351 {strides = array<i32>} : memref<16x256xi32, #tpu.memory_space<vmem>>, vector<16xi32>,
        %mul3A_1356 = arith.constant 16 : i32
        %mul3A_1357 = arith.muli %scan3A_1310, %mul3A_1356 : i32
        %get3A_1358 = arith.constant 3 : i32
        %get3A_1359 = arith.index_cast %get3A_1358 : i32 to index
        %get3A_1360 = arith.index_cast %mul3A_1357 : i32 to index
        %get3A_1361 = tpu.vector_load %arg8[%get3A_1359, %get3A_1360] {strides = array<i32>} : memref<16x256xi32, #tpu.memory_space<vmem>>, vector<16xi32>,
        %get3A_1362 = arith.constant 11 : i32
        %get3A_1363 = arith.index_cast %get3A_1362 : i32 to index
        %get3A_1364 = arith.index_cast %mul3A_1357 : i32 to index
        %get3A_1365 = tpu.vector_load %arg8[%get3A_1363, %get3A_1364] {strides = array<i32>} : memref<16x256xi32, #tpu.memory_space<vmem>>, vector<16xi32>,
        %add3A_1366 = arith.addi %get3A_1361, %get3A_1365 : vector<16xi32>
        %swap3A_1367 = arith.constant 3 : i32
        %swap3A_1368 = arith.index_cast %swap3A_1367 : i32 to index
        %swap3A_1369 = arith.index_cast %mul3A_1357 : i32 to index
        %swap3A_1370 = tpu.vector_load %arg8[%swap3A_1368, %swap3A_1369] {strides = array<i32>} : memref<16x256xi32, #tpu.memory_space<vmem>>, vector<16xi32>,
        tpu.vector_store %arg8[%swap3A_1368, %swap3A_1369], %add3A_1366 {strides = array<i32>} : memref<16x256xi32, #tpu.memory_space<vmem>>, vector<16xi32>,
        %mul3A_1371 = arith.constant 16 : i32
        %mul3A_1372 = arith.muli %scan3A_1310, %mul3A_1371 : i32
        %get3A_1373 = arith.constant 4 : i32
        %get3A_1374 = arith.index_cast %get3A_1373 : i32 to index
        %get3A_1375 = arith.index_cast %mul3A_1372 : i32 to index
        %get3A_1376 = tpu.vector_load %arg8[%get3A_1374, %get3A_1375] {strides = array<i32>} : memref<16x256xi32, #tpu.memory_space<vmem>>, vector<16xi32>,
        %get3A_1377 = arith.constant 12 : i32
        %get3A_1378 = arith.index_cast %get3A_1377 : i32 to index
        %get3A_1379 = arith.index_cast %mul3A_1372 : i32 to index
        %get3A_1380 = tpu.vector_load %arg8[%get3A_1378, %get3A_1379] {strides = array<i32>} : memref<16x256xi32, #tpu.memory_space<vmem>>, vector<16xi32>,
        %add3A_1381 = arith.addi %get3A_1376, %get3A_1380 : vector<16xi32>
        %swap3A_1382 = arith.constant 4 : i32
        %swap3A_1383 = arith.index_cast %swap3A_1382 : i32 to index
        %swap3A_1384 = arith.index_cast %mul3A_1372 : i32 to index
        %swap3A_1385 = tpu.vector_load %arg8[%swap3A_1383, %swap3A_1384] {strides = array<i32>} : memref<16x256xi32, #tpu.memory_space<vmem>>, vector<16xi32>,
        tpu.vector_store %arg8[%swap3A_1383, %swap3A_1384], %add3A_1381 {strides = array<i32>} : memref<16x256xi32, #tpu.memory_space<vmem>>, vector<16xi32>,
        %mul3A_1386 = arith.constant 16 : i32
        %mul3A_1387 = arith.muli %scan3A_1310, %mul3A_1386 : i32
        %get3A_1388 = arith.constant 5 : i32
        %get3A_1389 = arith.index_cast %get3A_1388 : i32 to index
        %get3A_1390 = arith.index_cast %mul3A_1387 : i32 to index
        %get3A_1391 = tpu.vector_load %arg8[%get3A_1389, %get3A_1390] {strides = array<i32>} : memref<16x256xi32, #tpu.memory_space<vmem>>, vector<16xi32>,
        %get3A_1392 = arith.constant 13 : i32
        %get3A_1393 = arith.index_cast %get3A_1392 : i32 to index
        %get3A_1394 = arith.index_cast %mul3A_1387 : i32 to index
        %get3A_1395 = tpu.vector_load %arg8[%get3A_1393, %get3A_1394] {strides = array<i32>} : memref<16x256xi32, #tpu.memory_space<vmem>>, vector<16xi32>,
        %add3A_1396 = arith.addi %get3A_1391, %get3A_1395 : vector<16xi32>
        %swap3A_1397 = arith.constant 5 : i32
        %swap3A_1398 = arith.index_cast %swap3A_1397 : i32 to index
        %swap3A_1399 = arith.index_cast %mul3A_1387 : i32 to index
        %swap3A_1400 = tpu.vector_load %arg8[%swap3A_1398, %swap3A_1399] {strides = array<i32>} : memref<16x256xi32, #tpu.memory_space<vmem>>, vector<16xi32>,
        tpu.vector_store %arg8[%swap3A_1398, %swap3A_1399], %add3A_1396 {strides = array<i32>} : memref<16x256xi32, #tpu.memory_space<vmem>>, vector<16xi32>,
        %mul3A_1401 = arith.constant 16 : i32
        %mul3A_1402 = arith.muli %scan3A_1310, %mul3A_1401 : i32
        %get3A_1403 = arith.constant 6 : i32
        %get3A_1404 = arith.index_cast %get3A_1403 : i32 to index
        %get3A_1405 = arith.index_cast %mul3A_1402 : i32 to index
        %get3A_1406 = tpu.vector_load %arg8[%get3A_1404, %get3A_1405] {strides = array<i32>} : memref<16x256xi32, #tpu.memory_space<vmem>>, vector<16xi32>,
        %get3A_1407 = arith.constant 14 : i32
        %get3A_1408 = arith.index_cast %get3A_1407 : i32 to index
        %get3A_1409 = arith.index_cast %mul3A_1402 : i32 to index
        %get3A_1410 = tpu.vector_load %arg8[%get3A_1408, %get3A_1409] {strides = array<i32>} : memref<16x256xi32, #tpu.memory_space<vmem>>, vector<16xi32>,
        %add3A_1411 = arith.addi %get3A_1406, %get3A_1410 : vector<16xi32>
        %swap3A_1412 = arith.constant 6 : i32
        %swap3A_1413 = arith.index_cast %swap3A_1412 : i32 to index
        %swap3A_1414 = arith.index_cast %mul3A_1402 : i32 to index
        %swap3A_1415 = tpu.vector_load %arg8[%swap3A_1413, %swap3A_1414] {strides = array<i32>} : memref<16x256xi32, #tpu.memory_space<vmem>>, vector<16xi32>,
        tpu.vector_store %arg8[%swap3A_1413, %swap3A_1414], %add3A_1411 {strides = array<i32>} : memref<16x256xi32, #tpu.memory_space<vmem>>, vector<16xi32>,
        %mul3A_1416 = arith.constant 16 : i32
        %mul3A_1417 = arith.muli %scan3A_1310, %mul3A_1416 : i32
        %get3A_1418 = arith.constant 7 : i32
        %get3A_1419 = arith.index_cast %get3A_1418 : i32 to index
        %get3A_1420 = arith.index_cast %mul3A_1417 : i32 to index
        %get3A_1421 = tpu.vector_load %arg8[%get3A_1419, %get3A_1420] {strides = array<i32>} : memref<16x256xi32, #tpu.memory_space<vmem>>, vector<16xi32>,
        %get3A_1422 = arith.constant 15 : i32
        %get3A_1423 = arith.index_cast %get3A_1422 : i32 to index
        %get3A_1424 = arith.index_cast %mul3A_1417 : i32 to index
        %get3A_1425 = tpu.vector_load %arg8[%get3A_1423, %get3A_1424] {strides = array<i32>} : memref<16x256xi32, #tpu.memory_space<vmem>>, vector<16xi32>,
        %add3A_1426 = arith.addi %get3A_1421, %get3A_1425 : vector<16xi32>
        %swap3A_1427 = arith.constant 7 : i32
        %swap3A_1428 = arith.index_cast %swap3A_1427 : i32 to index
        %swap3A_1429 = arith.index_cast %mul3A_1417 : i32 to index
        %swap3A_1430 = tpu.vector_load %arg8[%swap3A_1428, %swap3A_1429] {strides = array<i32>} : memref<16x256xi32, #tpu.memory_space<vmem>>, vector<16xi32>,
        tpu.vector_store %arg8[%swap3A_1428, %swap3A_1429], %add3A_1426 {strides = array<i32>} : memref<16x256xi32, #tpu.memory_space<vmem>>, vector<16xi32>,
        %mul3A_1431 = arith.constant 16 : i32
        %mul3A_1432 = arith.muli %scan3A_1310, %mul3A_1431 : i32
        %get3A_1433 = arith.constant 0 : i32
        %get3A_1434 = arith.index_cast %get3A_1433 : i32 to index
        %get3A_1435 = arith.index_cast %mul3A_1432 : i32 to index
        %get3A_1436 = tpu.vector_load %arg8[%get3A_1434, %get3A_1435] {strides = array<i32>} : memref<16x256xi32, #tpu.memory_space<vmem>>, vector<16xi32>,
        %get3A_1437 = arith.constant 4 : i32
        %get3A_1438 = arith.index_cast %get3A_1437 : i32 to index
        %get3A_1439 = arith.index_cast %mul3A_1432 : i32 to index
        %get3A_1440 = tpu.vector_load %arg8[%get3A_1438, %get3A_1439] {strides = array<i32>} : memref<16x256xi32, #tpu.memory_space<vmem>>, vector<16xi32>,
        %add3A_1441 = arith.addi %get3A_1436, %get3A_1440 : vector<16xi32>
        %swap3A_1442 = arith.constant 0 : i32
        %swap3A_1443 = arith.index_cast %swap3A_1442 : i32 to index
        %swap3A_1444 = arith.index_cast %mul3A_1432 : i32 to index
        %swap3A_1445 = tpu.vector_load %arg8[%swap3A_1443, %swap3A_1444] {strides = array<i32>} : memref<16x256xi32, #tpu.memory_space<vmem>>, vector<16xi32>,
        tpu.vector_store %arg8[%swap3A_1443, %swap3A_1444], %add3A_1441 {strides = array<i32>} : memref<16x256xi32, #tpu.memory_space<vmem>>, vector<16xi32>,
        %mul3A_1446 = arith.constant 16 : i32
        %mul3A_1447 = arith.muli %scan3A_1310, %mul3A_1446 : i32
        %get3A_1448 = arith.constant 1 : i32
        %get3A_1449 = arith.index_cast %get3A_1448 : i32 to index
        %get3A_1450 = arith.index_cast %mul3A_1447 : i32 to index
        %get3A_1451 = tpu.vector_load %arg8[%get3A_1449, %get3A_1450] {strides = array<i32>} : memref<16x256xi32, #tpu.memory_space<vmem>>, vector<16xi32>,
        %get3A_1452 = arith.constant 5 : i32
        %get3A_1453 = arith.index_cast %get3A_1452 : i32 to index
        %get3A_1454 = arith.index_cast %mul3A_1447 : i32 to index
        %get3A_1455 = tpu.vector_load %arg8[%get3A_1453, %get3A_1454] {strides = array<i32>} : memref<16x256xi32, #tpu.memory_space<vmem>>, vector<16xi32>,
        %add3A_1456 = arith.addi %get3A_1451, %get3A_1455 : vector<16xi32>
        %swap3A_1457 = arith.constant 1 : i32
        %swap3A_1458 = arith.index_cast %swap3A_1457 : i32 to index
        %swap3A_1459 = arith.index_cast %mul3A_1447 : i32 to index
        %swap3A_1460 = tpu.vector_load %arg8[%swap3A_1458, %swap3A_1459] {strides = array<i32>} : memref<16x256xi32, #tpu.memory_space<vmem>>, vector<16xi32>,
        tpu.vector_store %arg8[%swap3A_1458, %swap3A_1459], %add3A_1456 {strides = array<i32>} : memref<16x256xi32, #tpu.memory_space<vmem>>, vector<16xi32>,
        %mul3A_1461 = arith.constant 16 : i32
        %mul3A_1462 = arith.muli %scan3A_1310, %mul3A_1461 : i32
        %get3A_1463 = arith.constant 2 : i32
        %get3A_1464 = arith.index_cast %get3A_1463 : i32 to index
        %get3A_1465 = arith.index_cast %mul3A_1462 : i32 to index
        %get3A_1466 = tpu.vector_load %arg8[%get3A_1464, %get3A_1465] {strides = array<i32>} : memref<16x256xi32, #tpu.memory_space<vmem>>, vector<16xi32>,
        %get3A_1467 = arith.constant 6 : i32
        %get3A_1468 = arith.index_cast %get3A_1467 : i32 to index
        %get3A_1469 = arith.index_cast %mul3A_1462 : i32 to index
        %get3A_1470 = tpu.vector_load %arg8[%get3A_1468, %get3A_1469] {strides = array<i32>} : memref<16x256xi32, #tpu.memory_space<vmem>>, vector<16xi32>,
        %add3A_1471 = arith.addi %get3A_1466, %get3A_1470 : vector<16xi32>
        %swap3A_1472 = arith.constant 2 : i32
        %swap3A_1473 = arith.index_cast %swap3A_1472 : i32 to index
        %swap3A_1474 = arith.index_cast %mul3A_1462 : i32 to index
        %swap3A_1475 = tpu.vector_load %arg8[%swap3A_1473, %swap3A_1474] {strides = array<i32>} : memref<16x256xi32, #tpu.memory_space<vmem>>, vector<16xi32>,
        tpu.vector_store %arg8[%swap3A_1473, %swap3A_1474], %add3A_1471 {strides = array<i32>} : memref<16x256xi32, #tpu.memory_space<vmem>>, vector<16xi32>,
        %mul3A_1476 = arith.constant 16 : i32
        %mul3A_1477 = arith.muli %scan3A_1310, %mul3A_1476 : i32
        %get3A_1478 = arith.constant 3 : i32
        %get3A_1479 = arith.index_cast %get3A_1478 : i32 to index
        %get3A_1480 = arith.index_cast %mul3A_1477 : i32 to index
        %get3A_1481 = tpu.vector_load %arg8[%get3A_1479, %get3A_1480] {strides = array<i32>} : memref<16x256xi32, #tpu.memory_space<vmem>>, vector<16xi32>,
        %get3A_1482 = arith.constant 7 : i32
        %get3A_1483 = arith.index_cast %get3A_1482 : i32 to index
        %get3A_1484 = arith.index_cast %mul3A_1477 : i32 to index
        %get3A_1485 = tpu.vector_load %arg8[%get3A_1483, %get3A_1484] {strides = array<i32>} : memref<16x256xi32, #tpu.memory_space<vmem>>, vector<16xi32>,
        %add3A_1486 = arith.addi %get3A_1481, %get3A_1485 : vector<16xi32>
        %swap3A_1487 = arith.constant 3 : i32
        %swap3A_1488 = arith.index_cast %swap3A_1487 : i32 to index
        %swap3A_1489 = arith.index_cast %mul3A_1477 : i32 to index
        %swap3A_1490 = tpu.vector_load %arg8[%swap3A_1488, %swap3A_1489] {strides = array<i32>} : memref<16x256xi32, #tpu.memory_space<vmem>>, vector<16xi32>,
        tpu.vector_store %arg8[%swap3A_1488, %swap3A_1489], %add3A_1486 {strides = array<i32>} : memref<16x256xi32, #tpu.memory_space<vmem>>, vector<16xi32>,
        %mul3A_1491 = arith.constant 16 : i32
        %mul3A_1492 = arith.muli %scan3A_1310, %mul3A_1491 : i32
        %get3A_1493 = arith.constant 0 : i32
        %get3A_1494 = arith.index_cast %get3A_1493 : i32 to index
        %get3A_1495 = arith.index_cast %mul3A_1492 : i32 to index
        %get3A_1496 = tpu.vector_load %arg8[%get3A_1494, %get3A_1495] {strides = array<i32>} : memref<16x256xi32, #tpu.memory_space<vmem>>, vector<16xi32>,
        %get3A_1497 = arith.constant 2 : i32
        %get3A_1498 = arith.index_cast %get3A_1497 : i32 to index
        %get3A_1499 = arith.index_cast %mul3A_1492 : i32 to index
        %get3A_1500 = tpu.vector_load %arg8[%get3A_1498, %get3A_1499] {strides = array<i32>} : memref<16x256xi32, #tpu.memory_space<vmem>>, vector<16xi32>,
        %add3A_1501 = arith.addi %get3A_1496, %get3A_1500 : vector<16xi32>
        %swap3A_1502 = arith.constant 0 : i32
        %swap3A_1503 = arith.index_cast %swap3A_1502 : i32 to index
        %swap3A_1504 = arith.index_cast %mul3A_1492 : i32 to index
        %swap3A_1505 = tpu.vector_load %arg8[%swap3A_1503, %swap3A_1504] {strides = array<i32>} : memref<16x256xi32, #tpu.memory_space<vmem>>, vector<16xi32>,
        tpu.vector_store %arg8[%swap3A_1503, %swap3A_1504], %add3A_1501 {strides = array<i32>} : memref<16x256xi32, #tpu.memory_space<vmem>>, vector<16xi32>,
        %mul3A_1506 = arith.constant 16 : i32
        %mul3A_1507 = arith.muli %scan3A_1310, %mul3A_1506 : i32
        %get3A_1508 = arith.constant 1 : i32
        %get3A_1509 = arith.index_cast %get3A_1508 : i32 to index
        %get3A_1510 = arith.index_cast %mul3A_1507 : i32 to index
        %get3A_1511 = tpu.vector_load %arg8[%get3A_1509, %get3A_1510] {strides = array<i32>} : memref<16x256xi32, #tpu.memory_space<vmem>>, vector<16xi32>,
        %get3A_1512 = arith.constant 3 : i32
        %get3A_1513 = arith.index_cast %get3A_1512 : i32 to index
        %get3A_1514 = arith.index_cast %mul3A_1507 : i32 to index
        %get3A_1515 = tpu.vector_load %arg8[%get3A_1513, %get3A_1514] {strides = array<i32>} : memref<16x256xi32, #tpu.memory_space<vmem>>, vector<16xi32>,
        %add3A_1516 = arith.addi %get3A_1511, %get3A_1515 : vector<16xi32>
        %swap3A_1517 = arith.constant 1 : i32
        %swap3A_1518 = arith.index_cast %swap3A_1517 : i32 to index
        %swap3A_1519 = arith.index_cast %mul3A_1507 : i32 to index
        %swap3A_1520 = tpu.vector_load %arg8[%swap3A_1518, %swap3A_1519] {strides = array<i32>} : memref<16x256xi32, #tpu.memory_space<vmem>>, vector<16xi32>,
        tpu.vector_store %arg8[%swap3A_1518, %swap3A_1519], %add3A_1516 {strides = array<i32>} : memref<16x256xi32, #tpu.memory_space<vmem>>, vector<16xi32>,
        %mul3A_1521 = arith.constant 16 : i32
        %mul3A_1522 = arith.muli %scan3A_1310, %mul3A_1521 : i32
        %get3A_1523 = arith.constant 0 : i32
        %get3A_1524 = arith.index_cast %get3A_1523 : i32 to index
        %get3A_1525 = arith.index_cast %mul3A_1522 : i32 to index
        %get3A_1526 = tpu.vector_load %arg8[%get3A_1524, %get3A_1525] {strides = array<i32>} : memref<16x256xi32, #tpu.memory_space<vmem>>, vector<16xi32>,
        %get3A_1527 = arith.constant 1 : i32
        %get3A_1528 = arith.index_cast %get3A_1527 : i32 to index
        %get3A_1529 = arith.index_cast %mul3A_1522 : i32 to index
        %get3A_1530 = tpu.vector_load %arg8[%get3A_1528, %get3A_1529] {strides = array<i32>} : memref<16x256xi32, #tpu.memory_space<vmem>>, vector<16xi32>,
        %add3A_1531 = arith.addi %get3A_1526, %get3A_1530 : vector<16xi32>
        %swap3A_1532 = arith.constant 0 : i32
        %swap3A_1533 = arith.index_cast %swap3A_1532 : i32 to index
        %swap3A_1534 = arith.index_cast %mul3A_1522 : i32 to index
        %swap3A_1535 = tpu.vector_load %arg8[%swap3A_1533, %swap3A_1534] {strides = array<i32>} : memref<16x256xi32, #tpu.memory_space<vmem>>, vector<16xi32>,
        tpu.vector_store %arg8[%swap3A_1533, %swap3A_1534], %add3A_1531 {strides = array<i32>} : memref<16x256xi32, #tpu.memory_space<vmem>>, vector<16xi32>,
        %scan3A_1536 = arith.constant 3 : i32
        %scan3A_1537 = arith.addi %scan3A_856, %scan3A_1536 : i32
        %mul3A_1538 = arith.constant 16 : i32
        %mul3A_1539 = arith.muli %scan3A_1537, %mul3A_1538 : i32
        %get3A_1540 = arith.constant 0 : i32
        %get3A_1541 = arith.index_cast %get3A_1540 : i32 to index
        %get3A_1542 = arith.index_cast %mul3A_1539 : i32 to index
        %get3A_1543 = tpu.vector_load %arg8[%get3A_1541, %get3A_1542] {strides = array<i32>} : memref<16x256xi32, #tpu.memory_space<vmem>>, vector<16xi32>,
        %get3A_1544 = arith.constant 8 : i32
        %get3A_1545 = arith.index_cast %get3A_1544 : i32 to index
        %get3A_1546 = arith.index_cast %mul3A_1539 : i32 to index
        %get3A_1547 = tpu.vector_load %arg8[%get3A_1545, %get3A_1546] {strides = array<i32>} : memref<16x256xi32, #tpu.memory_space<vmem>>, vector<16xi32>,
        %add3A_1548 = arith.addi %get3A_1543, %get3A_1547 : vector<16xi32>
        %swap3A_1549 = arith.constant 0 : i32
        %swap3A_1550 = arith.index_cast %swap3A_1549 : i32 to index
        %swap3A_1551 = arith.index_cast %mul3A_1539 : i32 to index
        %swap3A_1552 = tpu.vector_load %arg8[%swap3A_1550, %swap3A_1551] {strides = array<i32>} : memref<16x256xi32, #tpu.memory_space<vmem>>, vector<16xi32>,
        tpu.vector_store %arg8[%swap3A_1550, %swap3A_1551], %add3A_1548 {strides = array<i32>} : memref<16x256xi32, #tpu.memory_space<vmem>>, vector<16xi32>,
        %mul3A_1553 = arith.constant 16 : i32
        %mul3A_1554 = arith.muli %scan3A_1537, %mul3A_1553 : i32
        %get3A_1555 = arith.constant 1 : i32
        %get3A_1556 = arith.index_cast %get3A_1555 : i32 to index
        %get3A_1557 = arith.index_cast %mul3A_1554 : i32 to index
        %get3A_1558 = tpu.vector_load %arg8[%get3A_1556, %get3A_1557] {strides = array<i32>} : memref<16x256xi32, #tpu.memory_space<vmem>>, vector<16xi32>,
        %get3A_1559 = arith.constant 9 : i32
        %get3A_1560 = arith.index_cast %get3A_1559 : i32 to index
        %get3A_1561 = arith.index_cast %mul3A_1554 : i32 to index
        %get3A_1562 = tpu.vector_load %arg8[%get3A_1560, %get3A_1561] {strides = array<i32>} : memref<16x256xi32, #tpu.memory_space<vmem>>, vector<16xi32>,
        %add3A_1563 = arith.addi %get3A_1558, %get3A_1562 : vector<16xi32>
        %swap3A_1564 = arith.constant 1 : i32
        %swap3A_1565 = arith.index_cast %swap3A_1564 : i32 to index
        %swap3A_1566 = arith.index_cast %mul3A_1554 : i32 to index
        %swap3A_1567 = tpu.vector_load %arg8[%swap3A_1565, %swap3A_1566] {strides = array<i32>} : memref<16x256xi32, #tpu.memory_space<vmem>>, vector<16xi32>,
        tpu.vector_store %arg8[%swap3A_1565, %swap3A_1566], %add3A_1563 {strides = array<i32>} : memref<16x256xi32, #tpu.memory_space<vmem>>, vector<16xi32>,
        %mul3A_1568 = arith.constant 16 : i32
        %mul3A_1569 = arith.muli %scan3A_1537, %mul3A_1568 : i32
        %get3A_1570 = arith.constant 2 : i32
        %get3A_1571 = arith.index_cast %get3A_1570 : i32 to index
        %get3A_1572 = arith.index_cast %mul3A_1569 : i32 to index
        %get3A_1573 = tpu.vector_load %arg8[%get3A_1571, %get3A_1572] {strides = array<i32>} : memref<16x256xi32, #tpu.memory_space<vmem>>, vector<16xi32>,
        %get3A_1574 = arith.constant 10 : i32
        %get3A_1575 = arith.index_cast %get3A_1574 : i32 to index
        %get3A_1576 = arith.index_cast %mul3A_1569 : i32 to index
        %get3A_1577 = tpu.vector_load %arg8[%get3A_1575, %get3A_1576] {strides = array<i32>} : memref<16x256xi32, #tpu.memory_space<vmem>>, vector<16xi32>,
        %add3A_1578 = arith.addi %get3A_1573, %get3A_1577 : vector<16xi32>
        %swap3A_1579 = arith.constant 2 : i32
        %swap3A_1580 = arith.index_cast %swap3A_1579 : i32 to index
        %swap3A_1581 = arith.index_cast %mul3A_1569 : i32 to index
        %swap3A_1582 = tpu.vector_load %arg8[%swap3A_1580, %swap3A_1581] {strides = array<i32>} : memref<16x256xi32, #tpu.memory_space<vmem>>, vector<16xi32>,
        tpu.vector_store %arg8[%swap3A_1580, %swap3A_1581], %add3A_1578 {strides = array<i32>} : memref<16x256xi32, #tpu.memory_space<vmem>>, vector<16xi32>,
        %mul3A_1583 = arith.constant 16 : i32
        %mul3A_1584 = arith.muli %scan3A_1537, %mul3A_1583 : i32
        %get3A_1585 = arith.constant 3 : i32
        %get3A_1586 = arith.index_cast %get3A_1585 : i32 to index
        %get3A_1587 = arith.index_cast %mul3A_1584 : i32 to index
        %get3A_1588 = tpu.vector_load %arg8[%get3A_1586, %get3A_1587] {strides = array<i32>} : memref<16x256xi32, #tpu.memory_space<vmem>>, vector<16xi32>,
        %get3A_1589 = arith.constant 11 : i32
        %get3A_1590 = arith.index_cast %get3A_1589 : i32 to index
        %get3A_1591 = arith.index_cast %mul3A_1584 : i32 to index
        %get3A_1592 = tpu.vector_load %arg8[%get3A_1590, %get3A_1591] {strides = array<i32>} : memref<16x256xi32, #tpu.memory_space<vmem>>, vector<16xi32>,
        %add3A_1593 = arith.addi %get3A_1588, %get3A_1592 : vector<16xi32>
        %swap3A_1594 = arith.constant 3 : i32
        %swap3A_1595 = arith.index_cast %swap3A_1594 : i32 to index
        %swap3A_1596 = arith.index_cast %mul3A_1584 : i32 to index
        %swap3A_1597 = tpu.vector_load %arg8[%swap3A_1595, %swap3A_1596] {strides = array<i32>} : memref<16x256xi32, #tpu.memory_space<vmem>>, vector<16xi32>,
        tpu.vector_store %arg8[%swap3A_1595, %swap3A_1596], %add3A_1593 {strides = array<i32>} : memref<16x256xi32, #tpu.memory_space<vmem>>, vector<16xi32>,
        %mul3A_1598 = arith.constant 16 : i32
        %mul3A_1599 = arith.muli %scan3A_1537, %mul3A_1598 : i32
        %get3A_1600 = arith.constant 4 : i32
        %get3A_1601 = arith.index_cast %get3A_1600 : i32 to index
        %get3A_1602 = arith.index_cast %mul3A_1599 : i32 to index
        %get3A_1603 = tpu.vector_load %arg8[%get3A_1601, %get3A_1602] {strides = array<i32>} : memref<16x256xi32, #tpu.memory_space<vmem>>, vector<16xi32>,
        %get3A_1604 = arith.constant 12 : i32
        %get3A_1605 = arith.index_cast %get3A_1604 : i32 to index
        %get3A_1606 = arith.index_cast %mul3A_1599 : i32 to index
        %get3A_1607 = tpu.vector_load %arg8[%get3A_1605, %get3A_1606] {strides = array<i32>} : memref<16x256xi32, #tpu.memory_space<vmem>>, vector<16xi32>,
        %add3A_1608 = arith.addi %get3A_1603, %get3A_1607 : vector<16xi32>
        %swap3A_1609 = arith.constant 4 : i32
        %swap3A_1610 = arith.index_cast %swap3A_1609 : i32 to index
        %swap3A_1611 = arith.index_cast %mul3A_1599 : i32 to index
        %swap3A_1612 = tpu.vector_load %arg8[%swap3A_1610, %swap3A_1611] {strides = array<i32>} : memref<16x256xi32, #tpu.memory_space<vmem>>, vector<16xi32>,
        tpu.vector_store %arg8[%swap3A_1610, %swap3A_1611], %add3A_1608 {strides = array<i32>} : memref<16x256xi32, #tpu.memory_space<vmem>>, vector<16xi32>,
        %mul3A_1613 = arith.constant 16 : i32
        %mul3A_1614 = arith.muli %scan3A_1537, %mul3A_1613 : i32
        %get3A_1615 = arith.constant 5 : i32
        %get3A_1616 = arith.index_cast %get3A_1615 : i32 to index
        %get3A_1617 = arith.index_cast %mul3A_1614 : i32 to index
        %get3A_1618 = tpu.vector_load %arg8[%get3A_1616, %get3A_1617] {strides = array<i32>} : memref<16x256xi32, #tpu.memory_space<vmem>>, vector<16xi32>,
        %get3A_1619 = arith.constant 13 : i32
        %get3A_1620 = arith.index_cast %get3A_1619 : i32 to index
        %get3A_1621 = arith.index_cast %mul3A_1614 : i32 to index
        %get3A_1622 = tpu.vector_load %arg8[%get3A_1620, %get3A_1621] {strides = array<i32>} : memref<16x256xi32, #tpu.memory_space<vmem>>, vector<16xi32>,
        %add3A_1623 = arith.addi %get3A_1618, %get3A_1622 : vector<16xi32>
        %swap3A_1624 = arith.constant 5 : i32
        %swap3A_1625 = arith.index_cast %swap3A_1624 : i32 to index
        %swap3A_1626 = arith.index_cast %mul3A_1614 : i32 to index
        %swap3A_1627 = tpu.vector_load %arg8[%swap3A_1625, %swap3A_1626] {strides = array<i32>} : memref<16x256xi32, #tpu.memory_space<vmem>>, vector<16xi32>,
        tpu.vector_store %arg8[%swap3A_1625, %swap3A_1626], %add3A_1623 {strides = array<i32>} : memref<16x256xi32, #tpu.memory_space<vmem>>, vector<16xi32>,
        %mul3A_1628 = arith.constant 16 : i32
        %mul3A_1629 = arith.muli %scan3A_1537, %mul3A_1628 : i32
        %get3A_1630 = arith.constant 6 : i32
        %get3A_1631 = arith.index_cast %get3A_1630 : i32 to index
        %get3A_1632 = arith.index_cast %mul3A_1629 : i32 to index
        %get3A_1633 = tpu.vector_load %arg8[%get3A_1631, %get3A_1632] {strides = array<i32>} : memref<16x256xi32, #tpu.memory_space<vmem>>, vector<16xi32>,
        %get3A_1634 = arith.constant 14 : i32
        %get3A_1635 = arith.index_cast %get3A_1634 : i32 to index
        %get3A_1636 = arith.index_cast %mul3A_1629 : i32 to index
        %get3A_1637 = tpu.vector_load %arg8[%get3A_1635, %get3A_1636] {strides = array<i32>} : memref<16x256xi32, #tpu.memory_space<vmem>>, vector<16xi32>,
        %add3A_1638 = arith.addi %get3A_1633, %get3A_1637 : vector<16xi32>
        %swap3A_1639 = arith.constant 6 : i32
        %swap3A_1640 = arith.index_cast %swap3A_1639 : i32 to index
        %swap3A_1641 = arith.index_cast %mul3A_1629 : i32 to index
        %swap3A_1642 = tpu.vector_load %arg8[%swap3A_1640, %swap3A_1641] {strides = array<i32>} : memref<16x256xi32, #tpu.memory_space<vmem>>, vector<16xi32>,
        tpu.vector_store %arg8[%swap3A_1640, %swap3A_1641], %add3A_1638 {strides = array<i32>} : memref<16x256xi32, #tpu.memory_space<vmem>>, vector<16xi32>,
        %mul3A_1643 = arith.constant 16 : i32
        %mul3A_1644 = arith.muli %scan3A_1537, %mul3A_1643 : i32
        %get3A_1645 = arith.constant 7 : i32
        %get3A_1646 = arith.index_cast %get3A_1645 : i32 to index
        %get3A_1647 = arith.index_cast %mul3A_1644 : i32 to index
        %get3A_1648 = tpu.vector_load %arg8[%get3A_1646, %get3A_1647] {strides = array<i32>} : memref<16x256xi32, #tpu.memory_space<vmem>>, vector<16xi32>,
        %get3A_1649 = arith.constant 15 : i32
        %get3A_1650 = arith.index_cast %get3A_1649 : i32 to index
        %get3A_1651 = arith.index_cast %mul3A_1644 : i32 to index
        %get3A_1652 = tpu.vector_load %arg8[%get3A_1650, %get3A_1651] {strides = array<i32>} : memref<16x256xi32, #tpu.memory_space<vmem>>, vector<16xi32>,
        %add3A_1653 = arith.addi %get3A_1648, %get3A_1652 : vector<16xi32>
        %swap3A_1654 = arith.constant 7 : i32
        %swap3A_1655 = arith.index_cast %swap3A_1654 : i32 to index
        %swap3A_1656 = arith.index_cast %mul3A_1644 : i32 to index
        %swap3A_1657 = tpu.vector_load %arg8[%swap3A_1655, %swap3A_1656] {strides = array<i32>} : memref<16x256xi32, #tpu.memory_space<vmem>>, vector<16xi32>,
        tpu.vector_store %arg8[%swap3A_1655, %swap3A_1656], %add3A_1653 {strides = array<i32>} : memref<16x256xi32, #tpu.memory_space<vmem>>, vector<16xi32>,
        %mul3A_1658 = arith.constant 16 : i32
        %mul3A_1659 = arith.muli %scan3A_1537, %mul3A_1658 : i32
        %get3A_1660 = arith.constant 0 : i32
        %get3A_1661 = arith.index_cast %get3A_1660 : i32 to index
        %get3A_1662 = arith.index_cast %mul3A_1659 : i32 to index
        %get3A_1663 = tpu.vector_load %arg8[%get3A_1661, %get3A_1662] {strides = array<i32>} : memref<16x256xi32, #tpu.memory_space<vmem>>, vector<16xi32>,
        %get3A_1664 = arith.constant 4 : i32
        %get3A_1665 = arith.index_cast %get3A_1664 : i32 to index
        %get3A_1666 = arith.index_cast %mul3A_1659 : i32 to index
        %get3A_1667 = tpu.vector_load %arg8[%get3A_1665, %get3A_1666] {strides = array<i32>} : memref<16x256xi32, #tpu.memory_space<vmem>>, vector<16xi32>,
        %add3A_1668 = arith.addi %get3A_1663, %get3A_1667 : vector<16xi32>
        %swap3A_1669 = arith.constant 0 : i32
        %swap3A_1670 = arith.index_cast %swap3A_1669 : i32 to index
        %swap3A_1671 = arith.index_cast %mul3A_1659 : i32 to index
        %swap3A_1672 = tpu.vector_load %arg8[%swap3A_1670, %swap3A_1671] {strides = array<i32>} : memref<16x256xi32, #tpu.memory_space<vmem>>, vector<16xi32>,
        tpu.vector_store %arg8[%swap3A_1670, %swap3A_1671], %add3A_1668 {strides = array<i32>} : memref<16x256xi32, #tpu.memory_space<vmem>>, vector<16xi32>,
        %mul3A_1673 = arith.constant 16 : i32
        %mul3A_1674 = arith.muli %scan3A_1537, %mul3A_1673 : i32
        %get3A_1675 = arith.constant 1 : i32
        %get3A_1676 = arith.index_cast %get3A_1675 : i32 to index
        %get3A_1677 = arith.index_cast %mul3A_1674 : i32 to index
        %get3A_1678 = tpu.vector_load %arg8[%get3A_1676, %get3A_1677] {strides = array<i32>} : memref<16x256xi32, #tpu.memory_space<vmem>>, vector<16xi32>,
        %get3A_1679 = arith.constant 5 : i32
        %get3A_1680 = arith.index_cast %get3A_1679 : i32 to index
        %get3A_1681 = arith.index_cast %mul3A_1674 : i32 to index
        %get3A_1682 = tpu.vector_load %arg8[%get3A_1680, %get3A_1681] {strides = array<i32>} : memref<16x256xi32, #tpu.memory_space<vmem>>, vector<16xi32>,
        %add3A_1683 = arith.addi %get3A_1678, %get3A_1682 : vector<16xi32>
        %swap3A_1684 = arith.constant 1 : i32
        %swap3A_1685 = arith.index_cast %swap3A_1684 : i32 to index
        %swap3A_1686 = arith.index_cast %mul3A_1674 : i32 to index
        %swap3A_1687 = tpu.vector_load %arg8[%swap3A_1685, %swap3A_1686] {strides = array<i32>} : memref<16x256xi32, #tpu.memory_space<vmem>>, vector<16xi32>,
        tpu.vector_store %arg8[%swap3A_1685, %swap3A_1686], %add3A_1683 {strides = array<i32>} : memref<16x256xi32, #tpu.memory_space<vmem>>, vector<16xi32>,
        %mul3A_1688 = arith.constant 16 : i32
        %mul3A_1689 = arith.muli %scan3A_1537, %mul3A_1688 : i32
        %get3A_1690 = arith.constant 2 : i32
        %get3A_1691 = arith.index_cast %get3A_1690 : i32 to index
        %get3A_1692 = arith.index_cast %mul3A_1689 : i32 to index
        %get3A_1693 = tpu.vector_load %arg8[%get3A_1691, %get3A_1692] {strides = array<i32>} : memref<16x256xi32, #tpu.memory_space<vmem>>, vector<16xi32>,
        %get3A_1694 = arith.constant 6 : i32
        %get3A_1695 = arith.index_cast %get3A_1694 : i32 to index
        %get3A_1696 = arith.index_cast %mul3A_1689 : i32 to index
        %get3A_1697 = tpu.vector_load %arg8[%get3A_1695, %get3A_1696] {strides = array<i32>} : memref<16x256xi32, #tpu.memory_space<vmem>>, vector<16xi32>,
        %add3A_1698 = arith.addi %get3A_1693, %get3A_1697 : vector<16xi32>
        %swap3A_1699 = arith.constant 2 : i32
        %swap3A_1700 = arith.index_cast %swap3A_1699 : i32 to index
        %swap3A_1701 = arith.index_cast %mul3A_1689 : i32 to index
        %swap3A_1702 = tpu.vector_load %arg8[%swap3A_1700, %swap3A_1701] {strides = array<i32>} : memref<16x256xi32, #tpu.memory_space<vmem>>, vector<16xi32>,
        tpu.vector_store %arg8[%swap3A_1700, %swap3A_1701], %add3A_1698 {strides = array<i32>} : memref<16x256xi32, #tpu.memory_space<vmem>>, vector<16xi32>,
        %mul3A_1703 = arith.constant 16 : i32
        %mul3A_1704 = arith.muli %scan3A_1537, %mul3A_1703 : i32
        %get3A_1705 = arith.constant 3 : i32
        %get3A_1706 = arith.index_cast %get3A_1705 : i32 to index
        %get3A_1707 = arith.index_cast %mul3A_1704 : i32 to index
        %get3A_1708 = tpu.vector_load %arg8[%get3A_1706, %get3A_1707] {strides = array<i32>} : memref<16x256xi32, #tpu.memory_space<vmem>>, vector<16xi32>,
        %get3A_1709 = arith.constant 7 : i32
        %get3A_1710 = arith.index_cast %get3A_1709 : i32 to index
        %get3A_1711 = arith.index_cast %mul3A_1704 : i32 to index
        %get3A_1712 = tpu.vector_load %arg8[%get3A_1710, %get3A_1711] {strides = array<i32>} : memref<16x256xi32, #tpu.memory_space<vmem>>, vector<16xi32>,
        %add3A_1713 = arith.addi %get3A_1708, %get3A_1712 : vector<16xi32>
        %swap3A_1714 = arith.constant 3 : i32
        %swap3A_1715 = arith.index_cast %swap3A_1714 : i32 to index
        %swap3A_1716 = arith.index_cast %mul3A_1704 : i32 to index
        %swap3A_1717 = tpu.vector_load %arg8[%swap3A_1715, %swap3A_1716] {strides = array<i32>} : memref<16x256xi32, #tpu.memory_space<vmem>>, vector<16xi32>,
        tpu.vector_store %arg8[%swap3A_1715, %swap3A_1716], %add3A_1713 {strides = array<i32>} : memref<16x256xi32, #tpu.memory_space<vmem>>, vector<16xi32>,
        %mul3A_1718 = arith.constant 16 : i32
        %mul3A_1719 = arith.muli %scan3A_1537, %mul3A_1718 : i32
        %get3A_1720 = arith.constant 0 : i32
        %get3A_1721 = arith.index_cast %get3A_1720 : i32 to index
        %get3A_1722 = arith.index_cast %mul3A_1719 : i32 to index
        %get3A_1723 = tpu.vector_load %arg8[%get3A_1721, %get3A_1722] {strides = array<i32>} : memref<16x256xi32, #tpu.memory_space<vmem>>, vector<16xi32>,
        %get3A_1724 = arith.constant 2 : i32
        %get3A_1725 = arith.index_cast %get3A_1724 : i32 to index
        %get3A_1726 = arith.index_cast %mul3A_1719 : i32 to index
        %get3A_1727 = tpu.vector_load %arg8[%get3A_1725, %get3A_1726] {strides = array<i32>} : memref<16x256xi32, #tpu.memory_space<vmem>>, vector<16xi32>,
        %add3A_1728 = arith.addi %get3A_1723, %get3A_1727 : vector<16xi32>
        %swap3A_1729 = arith.constant 0 : i32
        %swap3A_1730 = arith.index_cast %swap3A_1729 : i32 to index
        %swap3A_1731 = arith.index_cast %mul3A_1719 : i32 to index
        %swap3A_1732 = tpu.vector_load %arg8[%swap3A_1730, %swap3A_1731] {strides = array<i32>} : memref<16x256xi32, #tpu.memory_space<vmem>>, vector<16xi32>,
        tpu.vector_store %arg8[%swap3A_1730, %swap3A_1731], %add3A_1728 {strides = array<i32>} : memref<16x256xi32, #tpu.memory_space<vmem>>, vector<16xi32>,
        %mul3A_1733 = arith.constant 16 : i32
        %mul3A_1734 = arith.muli %scan3A_1537, %mul3A_1733 : i32
        %get3A_1735 = arith.constant 1 : i32
        %get3A_1736 = arith.index_cast %get3A_1735 : i32 to index
        %get3A_1737 = arith.index_cast %mul3A_1734 : i32 to index
        %get3A_1738 = tpu.vector_load %arg8[%get3A_1736, %get3A_1737] {strides = array<i32>} : memref<16x256xi32, #tpu.memory_space<vmem>>, vector<16xi32>,
        %get3A_1739 = arith.constant 3 : i32
        %get3A_1740 = arith.index_cast %get3A_1739 : i32 to index
        %get3A_1741 = arith.index_cast %mul3A_1734 : i32 to index
        %get3A_1742 = tpu.vector_load %arg8[%get3A_1740, %get3A_1741] {strides = array<i32>} : memref<16x256xi32, #tpu.memory_space<vmem>>, vector<16xi32>,
        %add3A_1743 = arith.addi %get3A_1738, %get3A_1742 : vector<16xi32>
        %swap3A_1744 = arith.constant 1 : i32
        %swap3A_1745 = arith.index_cast %swap3A_1744 : i32 to index
        %swap3A_1746 = arith.index_cast %mul3A_1734 : i32 to index
        %swap3A_1747 = tpu.vector_load %arg8[%swap3A_1745, %swap3A_1746] {strides = array<i32>} : memref<16x256xi32, #tpu.memory_space<vmem>>, vector<16xi32>,
        tpu.vector_store %arg8[%swap3A_1745, %swap3A_1746], %add3A_1743 {strides = array<i32>} : memref<16x256xi32, #tpu.memory_space<vmem>>, vector<16xi32>,
        %mul3A_1748 = arith.constant 16 : i32
        %mul3A_1749 = arith.muli %scan3A_1537, %mul3A_1748 : i32
        %get3A_1750 = arith.constant 0 : i32
        %get3A_1751 = arith.index_cast %get3A_1750 : i32 to index
        %get3A_1752 = arith.index_cast %mul3A_1749 : i32 to index
        %get3A_1753 = tpu.vector_load %arg8[%get3A_1751, %get3A_1752] {strides = array<i32>} : memref<16x256xi32, #tpu.memory_space<vmem>>, vector<16xi32>,
        %get3A_1754 = arith.constant 1 : i32
        %get3A_1755 = arith.index_cast %get3A_1754 : i32 to index
        %get3A_1756 = arith.index_cast %mul3A_1749 : i32 to index
        %get3A_1757 = tpu.vector_load %arg8[%get3A_1755, %get3A_1756] {strides = array<i32>} : memref<16x256xi32, #tpu.memory_space<vmem>>, vector<16xi32>,
        %add3A_1758 = arith.addi %get3A_1753, %get3A_1757 : vector<16xi32>
        %swap3A_1759 = arith.constant 0 : i32
        %swap3A_1760 = arith.index_cast %swap3A_1759 : i32 to index
        %swap3A_1761 = arith.index_cast %mul3A_1749 : i32 to index
        %swap3A_1762 = tpu.vector_load %arg8[%swap3A_1760, %swap3A_1761] {strides = array<i32>} : memref<16x256xi32, #tpu.memory_space<vmem>>, vector<16xi32>,
        tpu.vector_store %arg8[%swap3A_1760, %swap3A_1761], %add3A_1758 {strides = array<i32>} : memref<16x256xi32, #tpu.memory_space<vmem>>, vector<16xi32>,
      }
      %scan3A_415 = arith.constant 16 : i32
      %get3A_416 = arith.constant 0 : i32
      %get3A_417 = arith.index_cast %get3A_416 : i32 to index
      %get3A_418 = arith.constant 0 : index
      %get3A_419 = tpu.vector_load %arg8[%get3A_417, %get3A_418] {strides = array<i32>} : memref<16x256xi32, #tpu.memory_space<vmem>>, vector<16xi32>,
      %reduce_sum3A_420 = arith.constant true
      %reduce_sum3A_421 = vector.broadcast %reduce_sum3A_420 : i1 to vector<16xi1>
      %reduce_sum3A_422 = tpu.scan <sum>, %get3A_419 masked %reduce_sum3A_421 : vector<16xi32>, vector<16xi1> -> vector<16xi32>
      %reduce_sum3A_423 = vector.extract %reduce_sum3A_422[15] : i32 from vector<16xi32>
      %get3A_424 = arith.constant 0 : i32
      %get3A_425 = arith.index_cast %get3A_424 : i32 to index
      %get3A_426 = arith.constant 16 : index
      %get3A_427 = tpu.vector_load %arg8[%get3A_425, %get3A_426] {strides = array<i32>} : memref<16x256xi32, #tpu.memory_space<vmem>>, vector<16xi32>,
      %reduce_sum3A_428 = arith.constant true
      %reduce_sum3A_429 = vector.broadcast %reduce_sum3A_428 : i1 to vector<16xi1>
      %reduce_sum3A_430 = tpu.scan <sum>, %get3A_427 masked %reduce_sum3A_429 : vector<16xi32>, vector<16xi1> -> vector<16xi32>
      %reduce_sum3A_431 = vector.extract %reduce_sum3A_430[15] : i32 from vector<16xi32>
      %get3A_432 = arith.constant 0 : i32
      %get3A_433 = arith.index_cast %get3A_432 : i32 to index
      %get3A_434 = arith.constant 32 : index
      %get3A_435 = tpu.vector_load %arg8[%get3A_433, %get3A_434] {strides = array<i32>} : memref<16x256xi32, #tpu.memory_space<vmem>>, vector<16xi32>,
      %reduce_sum3A_436 = arith.constant true
      %reduce_sum3A_437 = vector.broadcast %reduce_sum3A_436 : i1 to vector<16xi1>
      %reduce_sum3A_438 = tpu.scan <sum>, %get3A_435 masked %reduce_sum3A_437 : vector<16xi32>, vector<16xi1> -> vector<16xi32>
      %reduce_sum3A_439 = vector.extract %reduce_sum3A_438[15] : i32 from vector<16xi32>
      %get3A_440 = arith.constant 0 : i32
      %get3A_441 = arith.index_cast %get3A_440 : i32 to index
      %get3A_442 = arith.constant 48 : index
      %get3A_443 = tpu.vector_load %arg8[%get3A_441, %get3A_442] {strides = array<i32>} : memref<16x256xi32, #tpu.memory_space<vmem>>, vector<16xi32>,
      %reduce_sum3A_444 = arith.constant true
      %reduce_sum3A_445 = vector.broadcast %reduce_sum3A_444 : i1 to vector<16xi1>
      %reduce_sum3A_446 = tpu.scan <sum>, %get3A_443 masked %reduce_sum3A_445 : vector<16xi32>, vector<16xi1> -> vector<16xi32>
      %reduce_sum3A_447 = vector.extract %reduce_sum3A_446[15] : i32 from vector<16xi32>
      %get3A_448 = arith.constant 0 : i32
      %get3A_449 = arith.index_cast %get3A_448 : i32 to index
      %get3A_450 = arith.constant 64 : index
      %get3A_451 = tpu.vector_load %arg8[%get3A_449, %get3A_450] {strides = array<i32>} : memref<16x256xi32, #tpu.memory_space<vmem>>, vector<16xi32>,
      %reduce_sum3A_452 = arith.constant true
      %reduce_sum3A_453 = vector.broadcast %reduce_sum3A_452 : i1 to vector<16xi1>
      %reduce_sum3A_454 = tpu.scan <sum>, %get3A_451 masked %reduce_sum3A_453 : vector<16xi32>, vector<16xi1> -> vector<16xi32>
      %reduce_sum3A_455 = vector.extract %reduce_sum3A_454[15] : i32 from vector<16xi32>
      %get3A_456 = arith.constant 0 : i32
      %get3A_457 = arith.index_cast %get3A_456 : i32 to index
      %get3A_458 = arith.constant 80 : index
      %get3A_459 = tpu.vector_load %arg8[%get3A_457, %get3A_458] {strides = array<i32>} : memref<16x256xi32, #tpu.memory_space<vmem>>, vector<16xi32>,
      %reduce_sum3A_460 = arith.constant true
      %reduce_sum3A_461 = vector.broadcast %reduce_sum3A_460 : i1 to vector<16xi1>
      %reduce_sum3A_462 = tpu.scan <sum>, %get3A_459 masked %reduce_sum3A_461 : vector<16xi32>, vector<16xi1> -> vector<16xi32>
      %reduce_sum3A_463 = vector.extract %reduce_sum3A_462[15] : i32 from vector<16xi32>
      %get3A_464 = arith.constant 0 : i32
      %get3A_465 = arith.index_cast %get3A_464 : i32 to index
      %get3A_466 = arith.constant 96 : index
      %get3A_467 = tpu.vector_load %arg8[%get3A_465, %get3A_466] {strides = array<i32>} : memref<16x256xi32, #tpu.memory_space<vmem>>, vector<16xi32>,
      %reduce_sum3A_468 = arith.constant true
      %reduce_sum3A_469 = vector.broadcast %reduce_sum3A_468 : i1 to vector<16xi1>
      %reduce_sum3A_470 = tpu.scan <sum>, %get3A_467 masked %reduce_sum3A_469 : vector<16xi32>, vector<16xi1> -> vector<16xi32>
      %reduce_sum3A_471 = vector.extract %reduce_sum3A_470[15] : i32 from vector<16xi32>
      %get3A_472 = arith.constant 0 : i32
      %get3A_473 = arith.index_cast %get3A_472 : i32 to index
      %get3A_474 = arith.constant 112 : index
      %get3A_475 = tpu.vector_load %arg8[%get3A_473, %get3A_474] {strides = array<i32>} : memref<16x256xi32, #tpu.memory_space<vmem>>, vector<16xi32>,
      %reduce_sum3A_476 = arith.constant true
      %reduce_sum3A_477 = vector.broadcast %reduce_sum3A_476 : i1 to vector<16xi1>
      %reduce_sum3A_478 = tpu.scan <sum>, %get3A_475 masked %reduce_sum3A_477 : vector<16xi32>, vector<16xi1> -> vector<16xi32>
      %reduce_sum3A_479 = vector.extract %reduce_sum3A_478[15] : i32 from vector<16xi32>
      %get3A_480 = arith.constant 0 : i32
      %get3A_481 = arith.index_cast %get3A_480 : i32 to index
      %get3A_482 = arith.constant 128 : index
      %get3A_483 = tpu.vector_load %arg8[%get3A_481, %get3A_482] {strides = array<i32>} : memref<16x256xi32, #tpu.memory_space<vmem>>, vector<16xi32>,
      %reduce_sum3A_484 = arith.constant true
      %reduce_sum3A_485 = vector.broadcast %reduce_sum3A_484 : i1 to vector<16xi1>
      %reduce_sum3A_486 = tpu.scan <sum>, %get3A_483 masked %reduce_sum3A_485 : vector<16xi32>, vector<16xi1> -> vector<16xi32>
      %reduce_sum3A_487 = vector.extract %reduce_sum3A_486[15] : i32 from vector<16xi32>
      %get3A_488 = arith.constant 0 : i32
      %get3A_489 = arith.index_cast %get3A_488 : i32 to index
      %get3A_490 = arith.constant 144 : index
      %get3A_491 = tpu.vector_load %arg8[%get3A_489, %get3A_490] {strides = array<i32>} : memref<16x256xi32, #tpu.memory_space<vmem>>, vector<16xi32>,
      %reduce_sum3A_492 = arith.constant true
      %reduce_sum3A_493 = vector.broadcast %reduce_sum3A_492 : i1 to vector<16xi1>
      %reduce_sum3A_494 = tpu.scan <sum>, %get3A_491 masked %reduce_sum3A_493 : vector<16xi32>, vector<16xi1> -> vector<16xi32>
      %reduce_sum3A_495 = vector.extract %reduce_sum3A_494[15] : i32 from vector<16xi32>
      %get3A_496 = arith.constant 0 : i32
      %get3A_497 = arith.index_cast %get3A_496 : i32 to index
      %get3A_498 = arith.constant 160 : index
      %get3A_499 = tpu.vector_load %arg8[%get3A_497, %get3A_498] {strides = array<i32>} : memref<16x256xi32, #tpu.memory_space<vmem>>, vector<16xi32>,
      %reduce_sum3A_500 = arith.constant true
      %reduce_sum3A_501 = vector.broadcast %reduce_sum3A_500 : i1 to vector<16xi1>
      %reduce_sum3A_502 = tpu.scan <sum>, %get3A_499 masked %reduce_sum3A_501 : vector<16xi32>, vector<16xi1> -> vector<16xi32>
      %reduce_sum3A_503 = vector.extract %reduce_sum3A_502[15] : i32 from vector<16xi32>
      %get3A_504 = arith.constant 0 : i32
      %get3A_505 = arith.index_cast %get3A_504 : i32 to index
      %get3A_506 = arith.constant 176 : index
      %get3A_507 = tpu.vector_load %arg8[%get3A_505, %get3A_506] {strides = array<i32>} : memref<16x256xi32, #tpu.memory_space<vmem>>, vector<16xi32>,
      %reduce_sum3A_508 = arith.constant true
      %reduce_sum3A_509 = vector.broadcast %reduce_sum3A_508 : i1 to vector<16xi1>
      %reduce_sum3A_510 = tpu.scan <sum>, %get3A_507 masked %reduce_sum3A_509 : vector<16xi32>, vector<16xi1> -> vector<16xi32>
      %reduce_sum3A_511 = vector.extract %reduce_sum3A_510[15] : i32 from vector<16xi32>
      %get3A_512 = arith.constant 0 : i32
      %get3A_513 = arith.index_cast %get3A_512 : i32 to index
      %get3A_514 = arith.constant 192 : index
      %get3A_515 = tpu.vector_load %arg8[%get3A_513, %get3A_514] {strides = array<i32>} : memref<16x256xi32, #tpu.memory_space<vmem>>, vector<16xi32>,
      %reduce_sum3A_516 = arith.constant true
      %reduce_sum3A_517 = vector.broadcast %reduce_sum3A_516 : i1 to vector<16xi1>
      %reduce_sum3A_518 = tpu.scan <sum>, %get3A_515 masked %reduce_sum3A_517 : vector<16xi32>, vector<16xi1> -> vector<16xi32>
      %reduce_sum3A_519 = vector.extract %reduce_sum3A_518[15] : i32 from vector<16xi32>
      %get3A_520 = arith.constant 0 : i32
      %get3A_521 = arith.index_cast %get3A_520 : i32 to index
      %get3A_522 = arith.constant 208 : index
      %get3A_523 = tpu.vector_load %arg8[%get3A_521, %get3A_522] {strides = array<i32>} : memref<16x256xi32, #tpu.memory_space<vmem>>, vector<16xi32>,
      %reduce_sum3A_524 = arith.constant true
      %reduce_sum3A_525 = vector.broadcast %reduce_sum3A_524 : i1 to vector<16xi1>
      %reduce_sum3A_526 = tpu.scan <sum>, %get3A_523 masked %reduce_sum3A_525 : vector<16xi32>, vector<16xi1> -> vector<16xi32>
      %reduce_sum3A_527 = vector.extract %reduce_sum3A_526[15] : i32 from vector<16xi32>
      %get3A_528 = arith.constant 0 : i32
      %get3A_529 = arith.index_cast %get3A_528 : i32 to index
      %get3A_530 = arith.constant 224 : index
      %get3A_531 = tpu.vector_load %arg8[%get3A_529, %get3A_530] {strides = array<i32>} : memref<16x256xi32, #tpu.memory_space<vmem>>, vector<16xi32>,
      %reduce_sum3A_532 = arith.constant true
      %reduce_sum3A_533 = vector.broadcast %reduce_sum3A_532 : i1 to vector<16xi1>
      %reduce_sum3A_534 = tpu.scan <sum>, %get3A_531 masked %reduce_sum3A_533 : vector<16xi32>, vector<16xi1> -> vector<16xi32>
      %reduce_sum3A_535 = vector.extract %reduce_sum3A_534[15] : i32 from vector<16xi32>
      %get3A_536 = arith.constant 0 : i32
      %get3A_537 = arith.index_cast %get3A_536 : i32 to index
      %get3A_538 = arith.constant 240 : index
      %get3A_539 = tpu.vector_load %arg8[%get3A_537, %get3A_538] {strides = array<i32>} : memref<16x256xi32, #tpu.memory_space<vmem>>, vector<16xi32>,
      %reduce_sum3A_540 = arith.constant true
      %reduce_sum3A_541 = vector.broadcast %reduce_sum3A_540 : i1 to vector<16xi1>
      %reduce_sum3A_542 = tpu.scan <sum>, %get3A_539 masked %reduce_sum3A_541 : vector<16xi32>, vector<16xi1> -> vector<16xi32>
      %reduce_sum3A_543 = vector.extract %reduce_sum3A_542[15] : i32 from vector<16xi32>
      %add3A_544 = arith.constant 0 : i32
      %add3A_545 = arith.addi %add3A_544, %reduce_sum3A_543 : i32
      %add3A_546 = arith.addi %add3A_545, %reduce_sum3A_535 : i32
      %add3A_547 = arith.addi %add3A_546, %reduce_sum3A_527 : i32
      %add3A_548 = arith.addi %add3A_547, %reduce_sum3A_519 : i32
      %add3A_549 = arith.addi %add3A_548, %reduce_sum3A_511 : i32
      %add3A_550 = arith.addi %add3A_549, %reduce_sum3A_503 : i32
      %add3A_551 = arith.addi %add3A_550, %reduce_sum3A_495 : i32
      %add3A_552 = arith.addi %add3A_551, %reduce_sum3A_487 : i32
      %add3A_553 = arith.addi %add3A_552, %reduce_sum3A_479 : i32
      %add3A_554 = arith.addi %add3A_553, %reduce_sum3A_471 : i32
      %add3A_555 = arith.addi %add3A_554, %reduce_sum3A_463 : i32
      %add3A_556 = arith.addi %add3A_555, %reduce_sum3A_455 : i32
      %add3A_557 = arith.addi %add3A_556, %reduce_sum3A_447 : i32
      %add3A_558 = arith.addi %add3A_557, %reduce_sum3A_439 : i32
      %add3A_559 = arith.addi %add3A_558, %reduce_sum3A_431 : i32
      %add3A_560 = arith.addi %add3A_559, %reduce_sum3A_423 : i32
      %lt3A_561 = arith.cmpi slt, %add3A_559, %sub3A_381 : i32
      %add3A_562 = arith.addi %add3A_559, %reduce_sum3A_423 : i32
      %ge3A_563 = arith.cmpi sge, %add3A_562, %sub3A_381 : i32
      %and3A_564 = arith.andi %lt3A_561, %ge3A_563 : i1
      %jit3A_565 = arith.constant 0 : i32
      %jit3A_566 = arith.constant 0 : i32
      %select_n3A_567 = arith.select %and3A_564, %jit3A_565, %jit3A_566 : i32
      %jit3A_568 = arith.constant 0 : i32
      %select_n3A_569 = arith.select %and3A_564, %add3A_559, %jit3A_568 : i32
      %lt3A_570 = arith.cmpi slt, %add3A_558, %sub3A_381 : i32
      %add3A_571 = arith.addi %add3A_558, %reduce_sum3A_431 : i32
      %ge3A_572 = arith.cmpi sge, %add3A_571, %sub3A_381 : i32
      %and3A_573 = arith.andi %lt3A_570, %ge3A_572 : i1
      %jit3A_574 = arith.constant 1 : i32
      %select_n3A_575 = arith.select %and3A_573, %jit3A_574, %select_n3A_567 : i32
      %select_n3A_576 = arith.select %and3A_573, %add3A_558, %select_n3A_569 : i32
      %lt3A_577 = arith.cmpi slt, %add3A_557, %sub3A_381 : i32
      %add3A_578 = arith.addi %add3A_557, %reduce_sum3A_439 : i32
      %ge3A_579 = arith.cmpi sge, %add3A_578, %sub3A_381 : i32
      %and3A_580 = arith.andi %lt3A_577, %ge3A_579 : i1
      %jit3A_581 = arith.constant 2 : i32
      %select_n3A_582 = arith.select %and3A_580, %jit3A_581, %select_n3A_575 : i32
      %select_n3A_583 = arith.select %and3A_580, %add3A_557, %select_n3A_576 : i32
      %lt3A_584 = arith.cmpi slt, %add3A_556, %sub3A_381 : i32
      %add3A_585 = arith.addi %add3A_556, %reduce_sum3A_447 : i32
      %ge3A_586 = arith.cmpi sge, %add3A_585, %sub3A_381 : i32
      %and3A_587 = arith.andi %lt3A_584, %ge3A_586 : i1
      %jit3A_588 = arith.constant 3 : i32
      %select_n3A_589 = arith.select %and3A_587, %jit3A_588, %select_n3A_582 : i32
      %select_n3A_590 = arith.select %and3A_587, %add3A_556, %select_n3A_583 : i32
      %lt3A_591 = arith.cmpi slt, %add3A_555, %sub3A_381 : i32
      %add3A_592 = arith.addi %add3A_555, %reduce_sum3A_455 : i32
      %ge3A_593 = arith.cmpi sge, %add3A_592, %sub3A_381 : i32
      %and3A_594 = arith.andi %lt3A_591, %ge3A_593 : i1
      %jit3A_595 = arith.constant 4 : i32
      %select_n3A_596 = arith.select %and3A_594, %jit3A_595, %select_n3A_589 : i32
      %select_n3A_597 = arith.select %and3A_594, %add3A_555, %select_n3A_590 : i32
      %lt3A_598 = arith.cmpi slt, %add3A_554, %sub3A_381 : i32
      %add3A_599 = arith.addi %add3A_554, %reduce_sum3A_463 : i32
      %ge3A_600 = arith.cmpi sge, %add3A_599, %sub3A_381 : i32
      %and3A_601 = arith.andi %lt3A_598, %ge3A_600 : i1
      %jit3A_602 = arith.constant 5 : i32
      %select_n3A_603 = arith.select %and3A_601, %jit3A_602, %select_n3A_596 : i32
      %select_n3A_604 = arith.select %and3A_601, %add3A_554, %select_n3A_597 : i32
      %lt3A_605 = arith.cmpi slt, %add3A_553, %sub3A_381 : i32
      %add3A_606 = arith.addi %add3A_553, %reduce_sum3A_471 : i32
      %ge3A_607 = arith.cmpi sge, %add3A_606, %sub3A_381 : i32
      %and3A_608 = arith.andi %lt3A_605, %ge3A_607 : i1
      %jit3A_609 = arith.constant 6 : i32
      %select_n3A_610 = arith.select %and3A_608, %jit3A_609, %select_n3A_603 : i32
      %select_n3A_611 = arith.select %and3A_608, %add3A_553, %select_n3A_604 : i32
      %lt3A_612 = arith.cmpi slt, %add3A_552, %sub3A_381 : i32
      %add3A_613 = arith.addi %add3A_552, %reduce_sum3A_479 : i32
      %ge3A_614 = arith.cmpi sge, %add3A_613, %sub3A_381 : i32
      %and3A_615 = arith.andi %lt3A_612, %ge3A_614 : i1
      %jit3A_616 = arith.constant 7 : i32
      %select_n3A_617 = arith.select %and3A_615, %jit3A_616, %select_n3A_610 : i32
      %select_n3A_618 = arith.select %and3A_615, %add3A_552, %select_n3A_611 : i32
      %lt3A_619 = arith.cmpi slt, %add3A_551, %sub3A_381 : i32
      %add3A_620 = arith.addi %add3A_551, %reduce_sum3A_487 : i32
      %ge3A_621 = arith.cmpi sge, %add3A_620, %sub3A_381 : i32
      %and3A_622 = arith.andi %lt3A_619, %ge3A_621 : i1
      %jit3A_623 = arith.constant 8 : i32
      %select_n3A_624 = arith.select %and3A_622, %jit3A_623, %select_n3A_617 : i32
      %select_n3A_625 = arith.select %and3A_622, %add3A_551, %select_n3A_618 : i32
      %lt3A_626 = arith.cmpi slt, %add3A_550, %sub3A_381 : i32
      %add3A_627 = arith.addi %add3A_550, %reduce_sum3A_495 : i32
      %ge3A_628 = arith.cmpi sge, %add3A_627, %sub3A_381 : i32
      %and3A_629 = arith.andi %lt3A_626, %ge3A_628 : i1
      %jit3A_630 = arith.constant 9 : i32
      %select_n3A_631 = arith.select %and3A_629, %jit3A_630, %select_n3A_624 : i32
      %select_n3A_632 = arith.select %and3A_629, %add3A_550, %select_n3A_625 : i32
      %lt3A_633 = arith.cmpi slt, %add3A_549, %sub3A_381 : i32
      %add3A_634 = arith.addi %add3A_549, %reduce_sum3A_503 : i32
      %ge3A_635 = arith.cmpi sge, %add3A_634, %sub3A_381 : i32
      %and3A_636 = arith.andi %lt3A_633, %ge3A_635 : i1
      %jit3A_637 = arith.constant 10 : i32
      %select_n3A_638 = arith.select %and3A_636, %jit3A_637, %select_n3A_631 : i32
      %select_n3A_639 = arith.select %and3A_636, %add3A_549, %select_n3A_632 : i32
      %lt3A_640 = arith.cmpi slt, %add3A_548, %sub3A_381 : i32
      %add3A_641 = arith.addi %add3A_548, %reduce_sum3A_511 : i32
      %ge3A_642 = arith.cmpi sge, %add3A_641, %sub3A_381 : i32
      %and3A_643 = arith.andi %lt3A_640, %ge3A_642 : i1
      %jit3A_644 = arith.constant 11 : i32
      %select_n3A_645 = arith.select %and3A_643, %jit3A_644, %select_n3A_638 : i32
      %select_n3A_646 = arith.select %and3A_643, %add3A_548, %select_n3A_639 : i32
      %lt3A_647 = arith.cmpi slt, %add3A_547, %sub3A_381 : i32
      %add3A_648 = arith.addi %add3A_547, %reduce_sum3A_519 : i32
      %ge3A_649 = arith.cmpi sge, %add3A_648, %sub3A_381 : i32
      %and3A_650 = arith.andi %lt3A_647, %ge3A_649 : i1
      %jit3A_651 = arith.constant 12 : i32
      %select_n3A_652 = arith.select %and3A_650, %jit3A_651, %select_n3A_645 : i32
      %select_n3A_653 = arith.select %and3A_650, %add3A_547, %select_n3A_646 : i32
      %lt3A_654 = arith.cmpi slt, %add3A_546, %sub3A_381 : i32
      %add3A_655 = arith.addi %add3A_546, %reduce_sum3A_527 : i32
      %ge3A_656 = arith.cmpi sge, %add3A_655, %sub3A_381 : i32
      %and3A_657 = arith.andi %lt3A_654, %ge3A_656 : i1
      %jit3A_658 = arith.constant 13 : i32
      %select_n3A_659 = arith.select %and3A_657, %jit3A_658, %select_n3A_652 : i32
      %select_n3A_660 = arith.select %and3A_657, %add3A_546, %select_n3A_653 : i32
      %lt3A_661 = arith.cmpi slt, %add3A_545, %sub3A_381 : i32
      %add3A_662 = arith.addi %add3A_545, %reduce_sum3A_535 : i32
      %ge3A_663 = arith.cmpi sge, %add3A_662, %sub3A_381 : i32
      %and3A_664 = arith.andi %lt3A_661, %ge3A_663 : i1
      %jit3A_665 = arith.constant 14 : i32
      %select_n3A_666 = arith.select %and3A_664, %jit3A_665, %select_n3A_659 : i32
      %select_n3A_667 = arith.select %and3A_664, %add3A_545, %select_n3A_660 : i32
      %lt3A_668 = arith.constant 0 : i32
      %lt3A_669 = arith.cmpi slt, %lt3A_668, %sub3A_381 : i32
      %add3A_670 = arith.constant 0 : i32
      %add3A_671 = arith.addi %add3A_670, %reduce_sum3A_543 : i32
      %ge3A_672 = arith.cmpi sge, %add3A_671, %sub3A_381 : i32
      %and3A_673 = arith.andi %lt3A_669, %ge3A_672 : i1
      %jit3A_674 = arith.constant 15 : i32
      %select_n3A_675 = arith.select %and3A_673, %jit3A_674, %select_n3A_666 : i32
      %jit3A_676 = arith.constant 0 : i32
      %select_n3A_677 = arith.select %and3A_673, %jit3A_676, %select_n3A_667 : i32
      %mul3A_678 = arith.constant 16 : i32
      %mul3A_679 = arith.muli %select_n3A_675, %mul3A_678 : i32
      %get3A_680 = arith.constant 0 : i32
      %get3A_681 = arith.index_cast %get3A_680 : i32 to index
      %get3A_682 = arith.index_cast %mul3A_679 : i32 to index
      %get3A_683 = tpu.vector_load %arg8[%get3A_681, %get3A_682] {strides = array<i32>} : memref<16x256xi32, #tpu.memory_space<vmem>>, vector<16xi32>,
      %rev3A_684 = arith.constant 15 : i32
      %rev3A_685 = vector.broadcast %rev3A_684 : i32 to vector<16xi32>
      %rev3A_686 = tpu.iota {dimensions = array<i32: 0>} : vector<16xi32>
      %rev3A_687 = arith.subi %rev3A_685, %rev3A_686 : vector<16xi32>
      %rev3A_688 = tpu.dynamic_gather %get3A_683[%rev3A_687] in [0] : vector<16xi32>, vector<16xi32> -> vector<16xi32>
      %cumsum3A_689 = arith.constant true
      %cumsum3A_690 = vector.broadcast %cumsum3A_689 : i1 to vector<16xi1>
      %cumsum3A_691 = tpu.scan <sum>, %rev3A_688 masked %cumsum3A_690 : vector<16xi32>, vector<16xi1> -> vector<16xi32>
      %rev3A_692 = arith.constant 15 : i32
      %rev3A_693 = vector.broadcast %rev3A_692 : i32 to vector<16xi32>
      %rev3A_694 = tpu.iota {dimensions = array<i32: 0>} : vector<16xi32>
      %rev3A_695 = arith.subi %rev3A_693, %rev3A_694 : vector<16xi32>
      %rev3A_696 = tpu.dynamic_gather %cumsum3A_691[%rev3A_695] in [0] : vector<16xi32>, vector<16xi32> -> vector<16xi32>
      %broadcast_in_dim3A_697 = arith.constant 0 : i32
      %broadcast_in_dim3A_698 = vector.broadcast %broadcast_in_dim3A_697 : i32 to vector<16xi32>
      %add3A_699 = vector.broadcast %select_n3A_677 : i32 to vector<16xi32>
      %add3A_700 = arith.addi %broadcast_in_dim3A_698, %add3A_699 : vector<16xi32>
      %add3A_701 = arith.addi %rev3A_696, %add3A_700 : vector<16xi32>
      %broadcast_in_dim3A_702 = arith.constant 0 : i32
      %broadcast_in_dim3A_703 = vector.broadcast %broadcast_in_dim3A_702 : i32 to vector<16xi32>
      %add3A_704 = vector.broadcast %sub3A_381 : i32 to vector<16xi32>
      %add3A_705 = arith.addi %broadcast_in_dim3A_703, %add3A_704 : vector<16xi32>
      %ge3A_706 = arith.cmpi sge, %add3A_701, %add3A_705 : vector<16xi32>
      %jit3A_707 = arith.constant -1 : i32
      %broadcast_in_dim3A_708 = vector.broadcast %jit3A_707 : i32 to vector<16xi32>
      %select_n3A_709 = arith.select %ge3A_706, %iota3A, %broadcast_in_dim3A_708 : vector<16xi1>, vector<16xi32>
      %reduce_max3A_710 = arith.constant true
      %reduce_max3A_711 = vector.broadcast %reduce_max3A_710 : i1 to vector<16xi1>
      %reduce_max3A_712 = arith.constant -2147483648 : i32
      %reduce_max3A_713 = vector.broadcast %reduce_max3A_712 : i32 to vector<16xi32>
      %reduce_max3A_714 = arith.xori %select_n3A_709, %reduce_max3A_713 : vector<16xi32>
      %reduce_max3A_715 = tpu.scan <max>, %reduce_max3A_714 masked %reduce_max3A_711 : vector<16xi32>, vector<16xi1> -> vector<16xi32>
      %reduce_max3A_716 = arith.xori %reduce_max3A_715, %reduce_max3A_713 : vector<16xi32>
      %reduce_max3A_717 = vector.extract %reduce_max3A_716[15] : i32 from vector<16xi32>
      %broadcast_in_dim3A_718 = arith.constant 0 : i32
      %broadcast_in_dim3A_719 = vector.broadcast %broadcast_in_dim3A_718 : i32 to vector<16xi32>
      %add3A_720 = vector.broadcast %reduce_max3A_717 : i32 to vector<16xi32>
      %add3A_721 = arith.addi %broadcast_in_dim3A_719, %add3A_720 : vector<16xi32>
      %eq3A_722 = arith.cmpi eq, %iota3A, %add3A_721 : vector<16xi32>
      %jit3A_723 = arith.constant 0 : i32
      %broadcast_in_dim3A_724 = vector.broadcast %jit3A_723 : i32 to vector<16xi32>
      %select_n3A_725 = arith.select %eq3A_722, %get3A_683, %broadcast_in_dim3A_724 : vector<16xi1>, vector<16xi32>
      %reduce_sum3A_726 = arith.constant true
      %reduce_sum3A_727 = vector.broadcast %reduce_sum3A_726 : i1 to vector<16xi1>
      %reduce_sum3A_728 = tpu.scan <sum>, %select_n3A_725 masked %reduce_sum3A_727 : vector<16xi32>, vector<16xi1> -> vector<16xi32>
      %reduce_sum3A_729 = vector.extract %reduce_sum3A_728[15] : i32 from vector<16xi32>
      %jit3A_730 = arith.constant 0 : i32
      %broadcast_in_dim3A_731 = vector.broadcast %jit3A_730 : i32 to vector<16xi32>
      %select_n3A_732 = arith.select %eq3A_722, %rev3A_696, %broadcast_in_dim3A_731 : vector<16xi1>, vector<16xi32>
      %reduce_sum3A_733 = arith.constant true
      %reduce_sum3A_734 = vector.broadcast %reduce_sum3A_733 : i1 to vector<16xi1>
      %reduce_sum3A_735 = tpu.scan <sum>, %select_n3A_732 masked %reduce_sum3A_734 : vector<16xi32>, vector<16xi1> -> vector<16xi32>
      %reduce_sum3A_736 = vector.extract %reduce_sum3A_735[15] : i32 from vector<16xi32>
      %add3A_737 = arith.addi %select_n3A_677, %reduce_sum3A_736 : i32
      %sub3A_738 = arith.subi %add3A_737, %reduce_sum3A_729 : i32
      %mul3A_739 = arith.constant 16 : i32
      %mul3A_740 = arith.muli %select_n3A_675, %mul3A_739 : i32
      %add3A_741 = arith.addi %mul3A_740, %reduce_max3A_717 : i32
      %sub3A_742 = arith.subi %sub3A_381, %sub3A_738 : i32
      %and3A_743 = arith.constant 255 : i32
      %and3A_744 = arith.andi %add3A_741, %and3A_743 : i32
      %shift_left3A_745 = arith.constant 16 : i32
      %shift_left3A_746 = arith.shli %and3A_744, %shift_left3A_745 : i32
      %or3A = arith.ori %shift_left3A_385, %shift_left3A_746 : i32
      %or3A_747 = arith.constant 65535 : i32
      %or3A_748 = arith.ori %or3A, %or3A_747 : i32
      %broadcast_in_dim3A_749 = arith.constant 0 : i32
      %broadcast_in_dim3A_750 = vector.broadcast %broadcast_in_dim3A_749 : i32 to vector<16xi32>
      %add3A_751 = vector.broadcast %or3A_748 : i32 to vector<16xi32>
      %add3A_752 = arith.addi %broadcast_in_dim3A_750, %add3A_751 : vector<16xi32>
      %or3A_753 = arith.constant 32768 : i32
      %or3A_754 = arith.ori %or3A, %or3A_753 : i32
      %broadcast_in_dim3A_755 = arith.constant 0 : i32
      %broadcast_in_dim3A_756 = vector.broadcast %broadcast_in_dim3A_755 : i32 to vector<16xi32>
      %add3A_757 = vector.broadcast %or3A_754 : i32 to vector<16xi32>
      %add3A_758 = arith.addi %broadcast_in_dim3A_756, %add3A_757 : vector<16xi32>
      %lt3A_759 = arith.constant 0 : i32
      %lt3A_760 = vector.broadcast %lt3A_759 : i32 to vector<16xi32>
      %lt3A_761 = arith.cmpi slt, %add3A_758, %lt3A_760 : vector<16xi32>
      %xor3A_762 = arith.constant 2147483647 : i32
      %xor3A_763 = vector.broadcast %xor3A_762 : i32 to vector<16xi32>
      %xor3A_764 = arith.xori %add3A_758, %xor3A_763 : vector<16xi32>
      %select_n3A_765 = arith.select %lt3A_761, %xor3A_764, %add3A_758 : vector<16xi1>, vector<16xi32>
      %bitcast_convert_type3A = tpu.bitcast %select_n3A_765 : vector<16xi32> -> vector<16xf32>
      %broadcast_in_dim3A_766 = arith.constant 0.000000e+00 : f32
      %broadcast_in_dim3A_767 = vector.broadcast %broadcast_in_dim3A_766 : f32 to vector<16xf32>
      %scan3A_768 = arith.constant 0 : i32
      %scan3A_769 = arith.constant 64 : i32
      %scan3A_770 = arith.addi %scan3A_768, %scan3A_769 : i32
      %scan3A_771 = arith.constant 8 : i32
      %scan3A_772:2 = scf.for %scan3A_856 = %scan3A_768 to %scan3A_770 step %scan3A_771 iter_args(%scan3A_857 = %broadcast_in_dim3A_767, %scan3A_858 = %broadcast_in_dim3A_4) -> (vector<16xf32>, vector<16xi32>)  : i32 {
        %mul3A_859 = arith.constant 16 : i32
        %mul3A_860 = arith.muli %scan3A_856, %mul3A_859 : i32
        %get3A_861 = arith.index_cast %mul3A_860 : i32 to index
        %get3A_862 = tpu.vector_load %arg5[%get3A_861] {strides = array<i32>} : memref<1024xi32, #tpu.memory_space<vmem>>, vector<16xi32>,
        %mul3A_863 = arith.constant 16 : i32
        %mul3A_864 = arith.muli %scan3A_856, %mul3A_863 : i32
        %get3A_865 = arith.index_cast %mul3A_864 : i32 to index
        %get3A_866 = tpu.vector_load %arg4[%get3A_865] {strides = array<i32>} : memref<1024xf32, #tpu.memory_space<vmem>>, vector<16xf32>,
        %gt3A = arith.cmpi sgt, %get3A_862, %add3A_752 : vector<16xi32>
        %jit3A_867 = arith.constant 0.000000e+00 : f32
        %broadcast_in_dim3A_868 = vector.broadcast %jit3A_867 : f32 to vector<16xf32>
        %select_n3A_869 = arith.select %gt3A, %get3A_866, %broadcast_in_dim3A_868 : vector<16xi1>, vector<16xf32>
        %add3A_870 = arith.addf %scan3A_857, %select_n3A_869 : vector<16xf32>
        %jit3A_871 = arith.constant 1 : i32
        %jit3A_872 = arith.constant 0 : i32
        %broadcast_in_dim3A_873 = vector.broadcast %jit3A_871 : i32 to vector<16xi32>
        %broadcast_in_dim3A_874 = vector.broadcast %jit3A_872 : i32 to vector<16xi32>
        %select_n3A_875 = arith.select %gt3A, %broadcast_in_dim3A_873, %broadcast_in_dim3A_874 : vector<16xi1>, vector<16xi32>
        %add3A_876 = arith.addi %scan3A_858, %select_n3A_875 : vector<16xi32>
        %scan3A_877 = arith.constant 1 : i32
        %scan3A_878 = arith.addi %scan3A_856, %scan3A_877 : i32
        %mul3A_879 = arith.constant 16 : i32
        %mul3A_880 = arith.muli %scan3A_878, %mul3A_879 : i32
        %get3A_881 = arith.index_cast %mul3A_880 : i32 to index
        %get3A_882 = tpu.vector_load %arg5[%get3A_881] {strides = array<i32>} : memref<1024xi32, #tpu.memory_space<vmem>>, vector<16xi32>,
        %mul3A_883 = arith.constant 16 : i32
        %mul3A_884 = arith.muli %scan3A_878, %mul3A_883 : i32
        %get3A_885 = arith.index_cast %mul3A_884 : i32 to index
        %get3A_886 = tpu.vector_load %arg4[%get3A_885] {strides = array<i32>} : memref<1024xf32, #tpu.memory_space<vmem>>, vector<16xf32>,
        %gt3A_887 = arith.cmpi sgt, %get3A_882, %add3A_752 : vector<16xi32>
        %jit3A_888 = arith.constant 0.000000e+00 : f32
        %broadcast_in_dim3A_889 = vector.broadcast %jit3A_888 : f32 to vector<16xf32>
        %select_n3A_890 = arith.select %gt3A_887, %get3A_886, %broadcast_in_dim3A_889 : vector<16xi1>, vector<16xf32>
        %add3A_891 = arith.addf %add3A_870, %select_n3A_890 : vector<16xf32>
        %jit3A_892 = arith.constant 1 : i32
        %jit3A_893 = arith.constant 0 : i32
        %broadcast_in_dim3A_894 = vector.broadcast %jit3A_892 : i32 to vector<16xi32>
        %broadcast_in_dim3A_895 = vector.broadcast %jit3A_893 : i32 to vector<16xi32>
        %select_n3A_896 = arith.select %gt3A_887, %broadcast_in_dim3A_894, %broadcast_in_dim3A_895 : vector<16xi1>, vector<16xi32>
        %add3A_897 = arith.addi %add3A_876, %select_n3A_896 : vector<16xi32>
        %scan3A_898 = arith.constant 2 : i32
        %scan3A_899 = arith.addi %scan3A_856, %scan3A_898 : i32
        %mul3A_900 = arith.constant 16 : i32
        %mul3A_901 = arith.muli %scan3A_899, %mul3A_900 : i32
        %get3A_902 = arith.index_cast %mul3A_901 : i32 to index
        %get3A_903 = tpu.vector_load %arg5[%get3A_902] {strides = array<i32>} : memref<1024xi32, #tpu.memory_space<vmem>>, vector<16xi32>,
        %mul3A_904 = arith.constant 16 : i32
        %mul3A_905 = arith.muli %scan3A_899, %mul3A_904 : i32
        %get3A_906 = arith.index_cast %mul3A_905 : i32 to index
        %get3A_907 = tpu.vector_load %arg4[%get3A_906] {strides = array<i32>} : memref<1024xf32, #tpu.memory_space<vmem>>, vector<16xf32>,
        %gt3A_908 = arith.cmpi sgt, %get3A_903, %add3A_752 : vector<16xi32>
        %jit3A_909 = arith.constant 0.000000e+00 : f32
        %broadcast_in_dim3A_910 = vector.broadcast %jit3A_909 : f32 to vector<16xf32>
        %select_n3A_911 = arith.select %gt3A_908, %get3A_907, %broadcast_in_dim3A_910 : vector<16xi1>, vector<16xf32>
        %add3A_912 = arith.addf %add3A_891, %select_n3A_911 : vector<16xf32>
        %jit3A_913 = arith.constant 1 : i32
        %jit3A_914 = arith.constant 0 : i32
        %broadcast_in_dim3A_915 = vector.broadcast %jit3A_913 : i32 to vector<16xi32>
        %broadcast_in_dim3A_916 = vector.broadcast %jit3A_914 : i32 to vector<16xi32>
        %select_n3A_917 = arith.select %gt3A_908, %broadcast_in_dim3A_915, %broadcast_in_dim3A_916 : vector<16xi1>, vector<16xi32>
        %add3A_918 = arith.addi %add3A_897, %select_n3A_917 : vector<16xi32>
        %scan3A_919 = arith.constant 3 : i32
        %scan3A_920 = arith.addi %scan3A_856, %scan3A_919 : i32
        %mul3A_921 = arith.constant 16 : i32
        %mul3A_922 = arith.muli %scan3A_920, %mul3A_921 : i32
        %get3A_923 = arith.index_cast %mul3A_922 : i32 to index
        %get3A_924 = tpu.vector_load %arg5[%get3A_923] {strides = array<i32>} : memref<1024xi32, #tpu.memory_space<vmem>>, vector<16xi32>,
        %mul3A_925 = arith.constant 16 : i32
        %mul3A_926 = arith.muli %scan3A_920, %mul3A_925 : i32
        %get3A_927 = arith.index_cast %mul3A_926 : i32 to index
        %get3A_928 = tpu.vector_load %arg4[%get3A_927] {strides = array<i32>} : memref<1024xf32, #tpu.memory_space<vmem>>, vector<16xf32>,
        %gt3A_929 = arith.cmpi sgt, %get3A_924, %add3A_752 : vector<16xi32>
        %jit3A_930 = arith.constant 0.000000e+00 : f32
        %broadcast_in_dim3A_931 = vector.broadcast %jit3A_930 : f32 to vector<16xf32>
        %select_n3A_932 = arith.select %gt3A_929, %get3A_928, %broadcast_in_dim3A_931 : vector<16xi1>, vector<16xf32>
        %add3A_933 = arith.addf %add3A_912, %select_n3A_932 : vector<16xf32>
        %jit3A_934 = arith.constant 1 : i32
        %jit3A_935 = arith.constant 0 : i32
        %broadcast_in_dim3A_936 = vector.broadcast %jit3A_934 : i32 to vector<16xi32>
        %broadcast_in_dim3A_937 = vector.broadcast %jit3A_935 : i32 to vector<16xi32>
        %select_n3A_938 = arith.select %gt3A_929, %broadcast_in_dim3A_936, %broadcast_in_dim3A_937 : vector<16xi1>, vector<16xi32>
        %add3A_939 = arith.addi %add3A_918, %select_n3A_938 : vector<16xi32>
        %scan3A_940 = arith.constant 4 : i32
        %scan3A_941 = arith.addi %scan3A_856, %scan3A_940 : i32
        %mul3A_942 = arith.constant 16 : i32
        %mul3A_943 = arith.muli %scan3A_941, %mul3A_942 : i32
        %get3A_944 = arith.index_cast %mul3A_943 : i32 to index
        %get3A_945 = tpu.vector_load %arg5[%get3A_944] {strides = array<i32>} : memref<1024xi32, #tpu.memory_space<vmem>>, vector<16xi32>,
        %mul3A_946 = arith.constant 16 : i32
        %mul3A_947 = arith.muli %scan3A_941, %mul3A_946 : i32
        %get3A_948 = arith.index_cast %mul3A_947 : i32 to index
        %get3A_949 = tpu.vector_load %arg4[%get3A_948] {strides = array<i32>} : memref<1024xf32, #tpu.memory_space<vmem>>, vector<16xf32>,
        %gt3A_950 = arith.cmpi sgt, %get3A_945, %add3A_752 : vector<16xi32>
        %jit3A_951 = arith.constant 0.000000e+00 : f32
        %broadcast_in_dim3A_952 = vector.broadcast %jit3A_951 : f32 to vector<16xf32>
        %select_n3A_953 = arith.select %gt3A_950, %get3A_949, %broadcast_in_dim3A_952 : vector<16xi1>, vector<16xf32>
        %add3A_954 = arith.addf %add3A_933, %select_n3A_953 : vector<16xf32>
        %jit3A_955 = arith.constant 1 : i32
        %jit3A_956 = arith.constant 0 : i32
        %broadcast_in_dim3A_957 = vector.broadcast %jit3A_955 : i32 to vector<16xi32>
        %broadcast_in_dim3A_958 = vector.broadcast %jit3A_956 : i32 to vector<16xi32>
        %select_n3A_959 = arith.select %gt3A_950, %broadcast_in_dim3A_957, %broadcast_in_dim3A_958 : vector<16xi1>, vector<16xi32>
        %add3A_960 = arith.addi %add3A_939, %select_n3A_959 : vector<16xi32>
        %scan3A_961 = arith.constant 5 : i32
        %scan3A_962 = arith.addi %scan3A_856, %scan3A_961 : i32
        %mul3A_963 = arith.constant 16 : i32
        %mul3A_964 = arith.muli %scan3A_962, %mul3A_963 : i32
        %get3A_965 = arith.index_cast %mul3A_964 : i32 to index
        %get3A_966 = tpu.vector_load %arg5[%get3A_965] {strides = array<i32>} : memref<1024xi32, #tpu.memory_space<vmem>>, vector<16xi32>,
        %mul3A_967 = arith.constant 16 : i32
        %mul3A_968 = arith.muli %scan3A_962, %mul3A_967 : i32
        %get3A_969 = arith.index_cast %mul3A_968 : i32 to index
        %get3A_970 = tpu.vector_load %arg4[%get3A_969] {strides = array<i32>} : memref<1024xf32, #tpu.memory_space<vmem>>, vector<16xf32>,
        %gt3A_971 = arith.cmpi sgt, %get3A_966, %add3A_752 : vector<16xi32>
        %jit3A_972 = arith.constant 0.000000e+00 : f32
        %broadcast_in_dim3A_973 = vector.broadcast %jit3A_972 : f32 to vector<16xf32>
        %select_n3A_974 = arith.select %gt3A_971, %get3A_970, %broadcast_in_dim3A_973 : vector<16xi1>, vector<16xf32>
        %add3A_975 = arith.addf %add3A_954, %select_n3A_974 : vector<16xf32>
        %jit3A_976 = arith.constant 1 : i32
        %jit3A_977 = arith.constant 0 : i32
        %broadcast_in_dim3A_978 = vector.broadcast %jit3A_976 : i32 to vector<16xi32>
        %broadcast_in_dim3A_979 = vector.broadcast %jit3A_977 : i32 to vector<16xi32>
        %select_n3A_980 = arith.select %gt3A_971, %broadcast_in_dim3A_978, %broadcast_in_dim3A_979 : vector<16xi1>, vector<16xi32>
        %add3A_981 = arith.addi %add3A_960, %select_n3A_980 : vector<16xi32>
        %scan3A_982 = arith.constant 6 : i32
        %scan3A_983 = arith.addi %scan3A_856, %scan3A_982 : i32
        %mul3A_984 = arith.constant 16 : i32
        %mul3A_985 = arith.muli %scan3A_983, %mul3A_984 : i32
        %get3A_986 = arith.index_cast %mul3A_985 : i32 to index
        %get3A_987 = tpu.vector_load %arg5[%get3A_986] {strides = array<i32>} : memref<1024xi32, #tpu.memory_space<vmem>>, vector<16xi32>,
        %mul3A_988 = arith.constant 16 : i32
        %mul3A_989 = arith.muli %scan3A_983, %mul3A_988 : i32
        %get3A_990 = arith.index_cast %mul3A_989 : i32 to index
        %get3A_991 = tpu.vector_load %arg4[%get3A_990] {strides = array<i32>} : memref<1024xf32, #tpu.memory_space<vmem>>, vector<16xf32>,
        %gt3A_992 = arith.cmpi sgt, %get3A_987, %add3A_752 : vector<16xi32>
        %jit3A_993 = arith.constant 0.000000e+00 : f32
        %broadcast_in_dim3A_994 = vector.broadcast %jit3A_993 : f32 to vector<16xf32>
        %select_n3A_995 = arith.select %gt3A_992, %get3A_991, %broadcast_in_dim3A_994 : vector<16xi1>, vector<16xf32>
        %add3A_996 = arith.addf %add3A_975, %select_n3A_995 : vector<16xf32>
        %jit3A_997 = arith.constant 1 : i32
        %jit3A_998 = arith.constant 0 : i32
        %broadcast_in_dim3A_999 = vector.broadcast %jit3A_997 : i32 to vector<16xi32>
        %broadcast_in_dim3A_1000 = vector.broadcast %jit3A_998 : i32 to vector<16xi32>
        %select_n3A_1001 = arith.select %gt3A_992, %broadcast_in_dim3A_999, %broadcast_in_dim3A_1000 : vector<16xi1>, vector<16xi32>
        %add3A_1002 = arith.addi %add3A_981, %select_n3A_1001 : vector<16xi32>
        %scan3A_1003 = arith.constant 7 : i32
        %scan3A_1004 = arith.addi %scan3A_856, %scan3A_1003 : i32
        %mul3A_1005 = arith.constant 16 : i32
        %mul3A_1006 = arith.muli %scan3A_1004, %mul3A_1005 : i32
        %get3A_1007 = arith.index_cast %mul3A_1006 : i32 to index
        %get3A_1008 = tpu.vector_load %arg5[%get3A_1007] {strides = array<i32>} : memref<1024xi32, #tpu.memory_space<vmem>>, vector<16xi32>,
        %mul3A_1009 = arith.constant 16 : i32
        %mul3A_1010 = arith.muli %scan3A_1004, %mul3A_1009 : i32
        %get3A_1011 = arith.index_cast %mul3A_1010 : i32 to index
        %get3A_1012 = tpu.vector_load %arg4[%get3A_1011] {strides = array<i32>} : memref<1024xf32, #tpu.memory_space<vmem>>, vector<16xf32>,
        %gt3A_1013 = arith.cmpi sgt, %get3A_1008, %add3A_752 : vector<16xi32>
        %jit3A_1014 = arith.constant 0.000000e+00 : f32
        %broadcast_in_dim3A_1015 = vector.broadcast %jit3A_1014 : f32 to vector<16xf32>
        %select_n3A_1016 = arith.select %gt3A_1013, %get3A_1012, %broadcast_in_dim3A_1015 : vector<16xi1>, vector<16xf32>
        %add3A_1017 = arith.addf %add3A_996, %select_n3A_1016 : vector<16xf32>
        %jit3A_1018 = arith.constant 1 : i32
        %jit3A_1019 = arith.constant 0 : i32
        %broadcast_in_dim3A_1020 = vector.broadcast %jit3A_1018 : i32 to vector<16xi32>
        %broadcast_in_dim3A_1021 = vector.broadcast %jit3A_1019 : i32 to vector<16xi32>
        %select_n3A_1022 = arith.select %gt3A_1013, %broadcast_in_dim3A_1020, %broadcast_in_dim3A_1021 : vector<16xi1>, vector<16xi32>
        %add3A_1023 = arith.addi %add3A_1002, %select_n3A_1022 : vector<16xi32>
        scf.yield %add3A_1017, %add3A_1023 : vector<16xf32>, vector<16xi32>
      }
      %scan3A_773 = arith.constant 64 : i32
      %reduce_sum3A_774 = arith.constant true
      %reduce_sum3A_775 = vector.broadcast %reduce_sum3A_774 : i1 to vector<16xi1>
      %reduce_sum3A_776 = tpu.scan <sum>, %scan3A_772#0 masked %reduce_sum3A_775 : vector<16xf32>, vector<16xi1> -> vector<16xf32>
      %reduce_sum3A_777 = vector.extract %reduce_sum3A_776[15] : f32 from vector<16xf32>
      %reduce_sum3A_778 = arith.constant true
      %reduce_sum3A_779 = vector.broadcast %reduce_sum3A_778 : i1 to vector<16xi1>
      %reduce_sum3A_780 = tpu.scan <sum>, %scan3A_772#1 masked %reduce_sum3A_779 : vector<16xi32>, vector<16xi1> -> vector<16xi32>
      %reduce_sum3A_781 = vector.extract %reduce_sum3A_780[15] : i32 from vector<16xi32>
      %convert_element_type3A_782 = arith.sitofp %reduce_sum3A_781 : i32 to f32
      %eq3A_783 = arith.constant 0 : i32
      %eq3A_784 = vector.broadcast %eq3A_783 : i32 to vector<16xi32>
      %eq3A_785 = arith.cmpi eq, %iota3A, %eq3A_784 : vector<16xi32>
      %broadcast_in_dim3A_786 = arith.constant 0.000000e+00 : f32
      %broadcast_in_dim3A_787 = vector.broadcast %broadcast_in_dim3A_786 : f32 to vector<16xf32>
      %add3A_788 = vector.broadcast %reduce_sum3A_777 : f32 to vector<16xf32>
      %add3A_789 = arith.addf %broadcast_in_dim3A_787, %add3A_788 : vector<16xf32>
      %eq3A_790 = arith.constant 1 : i32
      %eq3A_791 = vector.broadcast %eq3A_790 : i32 to vector<16xi32>
      %eq3A_792 = arith.cmpi eq, %iota3A, %eq3A_791 : vector<16xi32>
      %broadcast_in_dim3A_793 = arith.constant 0.000000e+00 : f32
      %broadcast_in_dim3A_794 = vector.broadcast %broadcast_in_dim3A_793 : f32 to vector<16xf32>
      %add3A_795 = vector.broadcast %convert_element_type3A_782 : f32 to vector<16xf32>
      %add3A_796 = arith.addf %broadcast_in_dim3A_794, %add3A_795 : vector<16xf32>
      %broadcast_in_dim3A_797 = arith.constant 0.000000e+00 : f32
      %broadcast_in_dim3A_798 = vector.broadcast %broadcast_in_dim3A_797 : f32 to vector<16xf32>
      %select_n3A_799 = arith.select %eq3A_792, %add3A_796, %broadcast_in_dim3A_798 : vector<16xi1>, vector<16xf32>
      %select_n3A_800 = arith.select %eq3A_785, %add3A_789, %select_n3A_799 : vector<16xi1>, vector<16xf32>
      %swap3A = arith.constant 0 : index
      %swap3A_801 = tpu.vector_load %arg9[%swap3A] {strides = array<i32>} : memref<256xf32, #tpu.memory_space<vmem>>, vector<16xf32>,
      tpu.vector_store %arg9[%swap3A], %select_n3A_800 {strides = array<i32>} : memref<256xf32, #tpu.memory_space<vmem>>, vector<16xf32>,
      "tpu.region"() ({
        %run_scoped3A = tpu.sem_alloc : memref<!tpu.dma_semaphore, #tpu.memory_space<semaphore_mem>>
        %dma_start3A = arith.constant 0 : i32
        %dma_start3A_856 = tpu.memref_slice %arg13[%arg1, %dma_start3A] : memref<16x256xf32, #tpu.memory_space<vmem_shared>> -> memref<1x256xf32, #tpu.memory_space<vmem_shared>>
        %dma_start3A_857 = tpu.memref_squeeze %dma_start3A_856 : memref<1x256xf32, #tpu.memory_space<vmem_shared>> -> memref<256xf32, #tpu.memory_space<vmem_shared>>
        %dma_start3A_858 = arith.constant 0 : i32
        %dma_start3A_859 = tpu.memref_slice %arg13[%arg1, %dma_start3A_858] : memref<16x256xf32, #tpu.memory_space<vmem_shared>> -> memref<1x256xf32, #tpu.memory_space<vmem_shared>>
        %dma_start3A_860 = tpu.memref_squeeze %dma_start3A_859 : memref<1x256xf32, #tpu.memory_space<vmem_shared>> -> memref<256xf32, #tpu.memory_space<vmem_shared>>
        tpu.enqueue_dma source(%arg9 : memref<256xf32, #tpu.memory_space<vmem>>) target(%dma_start3A_860 : memref<256xf32, #tpu.memory_space<vmem_shared>>) target_semaphore(%run_scoped3A : memref<!tpu.dma_semaphore, #tpu.memory_space<semaphore_mem>>)
        %dma_wait3A = arith.constant 0 : i32
        %dma_wait3A_861 = tpu.memref_slice %arg13[%arg1, %dma_wait3A] : memref<16x256xf32, #tpu.memory_space<vmem_shared>> -> memref<1x256xf32, #tpu.memory_space<vmem_shared>>
        %dma_wait3A_862 = tpu.memref_squeeze %dma_wait3A_861 : memref<1x256xf32, #tpu.memory_space<vmem_shared>> -> memref<256xf32, #tpu.memory_space<vmem_shared>>
        %dma_wait3A_863 = arith.constant 0 : i32
        %dma_wait3A_864 = tpu.memref_slice %arg13[%arg1, %dma_wait3A_863] : memref<16x256xf32, #tpu.memory_space<vmem_shared>> -> memref<1x256xf32, #tpu.memory_space<vmem_shared>>
        %dma_wait3A_865 = tpu.memref_squeeze %dma_wait3A_864 : memref<1x256xf32, #tpu.memory_space<vmem_shared>> -> memref<256xf32, #tpu.memory_space<vmem_shared>>
        tpu.wait_dma2 semaphore(%run_scoped3A : memref<!tpu.dma_semaphore, #tpu.memory_space<semaphore_mem>>) src(%arg9 : memref<256xf32, #tpu.memory_space<vmem>>) dst(%dma_wait3A_865 : memref<256xf32, #tpu.memory_space<vmem_shared>>)
        tpu.yield
      }) : () -> ()
      %barrier3A_802 = arith.constant 0 : index
      tpu.barrier barrier_id(%barrier3A_802)
      "tpu.region"() ({
        %run_scoped3A = tpu.sem_alloc : memref<!tpu.dma_semaphore, #tpu.memory_space<semaphore_mem>>
        tpu.enqueue_dma source(%arg13 : memref<16x256xf32, #tpu.memory_space<vmem_shared>>) target(%arg10 : memref<16x256xf32, #tpu.memory_space<vmem>>) target_semaphore(%run_scoped3A : memref<!tpu.dma_semaphore, #tpu.memory_space<semaphore_mem>>)
        tpu.wait_dma2 semaphore(%run_scoped3A : memref<!tpu.dma_semaphore, #tpu.memory_space<semaphore_mem>>) src(%arg13 : memref<16x256xf32, #tpu.memory_space<vmem_shared>>) dst(%arg10 : memref<16x256xf32, #tpu.memory_space<vmem>>)
        tpu.yield
      }) : () -> ()
      %broadcast_in_dim3A_803 = arith.constant 0.000000e+00 : f32
      %broadcast_in_dim3A_804 = vector.broadcast %broadcast_in_dim3A_803 : f32 to vector<16xf32>
      %scan3A_805 = arith.constant 0 : i32
      %scan3A_806 = arith.constant 16 : i32
      %scan3A_807 = arith.addi %scan3A_805, %scan3A_806 : i32
      %scan3A_808 = arith.constant 4 : i32
      %scan3A_809 = scf.for %scan3A_856 = %scan3A_805 to %scan3A_807 step %scan3A_808 iter_args(%scan3A_857 = %broadcast_in_dim3A_804) -> (vector<16xf32>)  : i32 {
        %get3A_858 = arith.index_cast %scan3A_856 : i32 to index
        %get3A_859 = arith.constant 0 : index
        %get3A_860 = tpu.vector_load %arg10[%get3A_858, %get3A_859] {strides = array<i32>} : memref<16x256xf32, #tpu.memory_space<vmem>>, vector<16xf32>,
        %add3A_861 = arith.addf %scan3A_857, %get3A_860 : vector<16xf32>
        %scan3A_862 = arith.constant 1 : i32
        %scan3A_863 = arith.addi %scan3A_856, %scan3A_862 : i32
        %get3A_864 = arith.index_cast %scan3A_863 : i32 to index
        %get3A_865 = arith.constant 0 : index
        %get3A_866 = tpu.vector_load %arg10[%get3A_864, %get3A_865] {strides = array<i32>} : memref<16x256xf32, #tpu.memory_space<vmem>>, vector<16xf32>,
        %add3A_867 = arith.addf %add3A_861, %get3A_866 : vector<16xf32>
        %scan3A_868 = arith.constant 2 : i32
        %scan3A_869 = arith.addi %scan3A_856, %scan3A_868 : i32
        %get3A_870 = arith.index_cast %scan3A_869 : i32 to index
        %get3A_871 = arith.constant 0 : index
        %get3A_872 = tpu.vector_load %arg10[%get3A_870, %get3A_871] {strides = array<i32>} : memref<16x256xf32, #tpu.memory_space<vmem>>, vector<16xf32>,
        %add3A_873 = arith.addf %add3A_867, %get3A_872 : vector<16xf32>
        %scan3A_874 = arith.constant 3 : i32
        %scan3A_875 = arith.addi %scan3A_856, %scan3A_874 : i32
        %get3A_876 = arith.index_cast %scan3A_875 : i32 to index
        %get3A_877 = arith.constant 0 : index
        %get3A_878 = tpu.vector_load %arg10[%get3A_876, %get3A_877] {strides = array<i32>} : memref<16x256xf32, #tpu.memory_space<vmem>>, vector<16xf32>,
        %add3A_879 = arith.addf %add3A_873, %get3A_878 : vector<16xf32>
        scf.yield %add3A_879 : vector<16xf32>
      }
      %scan3A_810 = arith.constant 16 : i32
      %eq3A_811 = arith.constant 0 : i32
      %eq3A_812 = vector.broadcast %eq3A_811 : i32 to vector<16xi32>
      %eq3A_813 = arith.cmpi eq, %iota3A, %eq3A_812 : vector<16xi32>
      %jit3A_814 = arith.constant 0.000000e+00 : f32
      %broadcast_in_dim3A_815 = vector.broadcast %jit3A_814 : f32 to vector<16xf32>
      %select_n3A_816 = arith.select %eq3A_813, %scan3A_809, %broadcast_in_dim3A_815 : vector<16xi1>, vector<16xf32>
      %reduce_sum3A_817 = arith.constant true
      %reduce_sum3A_818 = vector.broadcast %reduce_sum3A_817 : i1 to vector<16xi1>
      %reduce_sum3A_819 = tpu.scan <sum>, %select_n3A_816 masked %reduce_sum3A_818 : vector<16xf32>, vector<16xi1> -> vector<16xf32>
      %reduce_sum3A_820 = vector.extract %reduce_sum3A_819[15] : f32 from vector<16xf32>
      %eq3A_821 = arith.constant 1 : i32
      %eq3A_822 = vector.broadcast %eq3A_821 : i32 to vector<16xi32>
      %eq3A_823 = arith.cmpi eq, %iota3A, %eq3A_822 : vector<16xi32>
      %jit3A_824 = arith.constant 0.000000e+00 : f32
      %broadcast_in_dim3A_825 = vector.broadcast %jit3A_824 : f32 to vector<16xf32>
      %select_n3A_826 = arith.select %eq3A_823, %scan3A_809, %broadcast_in_dim3A_825 : vector<16xi1>, vector<16xf32>
      %reduce_sum3A_827 = arith.constant true
      %reduce_sum3A_828 = vector.broadcast %reduce_sum3A_827 : i1 to vector<16xi1>
      %reduce_sum3A_829 = tpu.scan <sum>, %select_n3A_826 masked %reduce_sum3A_828 : vector<16xf32>, vector<16xi1> -> vector<16xf32>
      %reduce_sum3A_830 = vector.extract %reduce_sum3A_829[15] : f32 from vector<16xf32>
      %broadcast_in_dim3A_831 = arith.constant 0.000000e+00 : f32
      %broadcast_in_dim3A_832 = vector.broadcast %broadcast_in_dim3A_831 : f32 to vector<16xf32>
      %add3A_833 = vector.broadcast %reduce_sum3A_820 : f32 to vector<16xf32>
      %add3A_834 = arith.addf %broadcast_in_dim3A_832, %add3A_833 : vector<16xf32>
      %broadcast_in_dim3A_835 = arith.constant 0.000000e+00 : f32
      %broadcast_in_dim3A_836 = vector.broadcast %broadcast_in_dim3A_835 : f32 to vector<16xf32>
      %add3A_837 = arith.constant 1.146800e+04 : f32
      %add3A_838 = vector.broadcast %add3A_837 : f32 to vector<16xf32>
      %add3A_839 = arith.addf %broadcast_in_dim3A_836, %add3A_838 : vector<16xf32>
      %broadcast_in_dim3A_840 = arith.constant 0.000000e+00 : f32
      %broadcast_in_dim3A_841 = vector.broadcast %broadcast_in_dim3A_840 : f32 to vector<16xf32>
      %add3A_842 = vector.broadcast %reduce_sum3A_830 : f32 to vector<16xf32>
      %add3A_843 = arith.addf %broadcast_in_dim3A_841, %add3A_842 : vector<16xf32>
      %sub3A_844 = arith.subf %add3A_839, %add3A_843 : vector<16xf32>
      %mul3A_845 = arith.mulf %bitcast_convert_type3A, %sub3A_844 : vector<16xf32>
      %add3A_846 = arith.addf %add3A_834, %mul3A_845 : vector<16xf32>
      %div3A = arith.constant 1.146800e+04 : f32
      %div3A_847 = vector.broadcast %div3A : f32 to vector<16xf32>
      %div3A_848 = arith.divf %add3A_846, %div3A_847 : vector<16xf32>
      %swap3A_849 = arith.constant 0 : index
      %swap3A_850 = tpu.vector_load %arg11[%swap3A_849] {strides = array<i32>} : memref<16xf32, #tpu.memory_space<vmem>>, vector<16xf32>,
      tpu.vector_store %arg11[%swap3A_849], %div3A_848 {strides = array<i32>} : memref<16xf32, #tpu.memory_space<vmem>>, vector<16xf32>,
      %eq3A_851 = arith.constant 0 : i32
      %eq3A_852 = arith.cmpi eq, %arg1, %eq3A_851 : i32
      %convert_element_type3A_853 = arith.extui %eq3A_852 : i1 to i32
      %cond3A_854 = arith.constant 0 : i32
      %cond3A_855 = arith.cmpi ne, %convert_element_type3A_853, %cond3A_854 : i32
      scf.if %cond3A_855 {
        "tpu.region"() ({
          %run_scoped3A = tpu.sem_alloc : memref<!tpu.dma_semaphore, #tpu.memory_space<semaphore_mem>>
          tpu.enqueue_dma source(%arg11 : memref<16xf32, #tpu.memory_space<vmem>>) target(%arg3 : memref<16xf32, #tpu.memory_space<hbm>>) target_semaphore(%run_scoped3A : memref<!tpu.dma_semaphore, #tpu.memory_space<semaphore_mem>>)
          tpu.wait_dma2 semaphore(%run_scoped3A : memref<!tpu.dma_semaphore, #tpu.memory_space<semaphore_mem>>) src(%arg11 : memref<16xf32, #tpu.memory_space<vmem>>) dst(%arg3 : memref<16xf32, #tpu.memory_space<hbm>>)
          tpu.yield
        }) : () -> ()
      } else {
      }
    } else {
    }
    return
  }
}

module attributes {stable_mosaic.version = 14 : i64} {
  func.func @_tc_loss_body(%arg0: i32, %arg1: memref<1000x2048xf32, #tpu.memory_space<vmem>>, %arg2: memref<2048xi32, #tpu.memory_space<vmem>>, %arg3: memref<2048xf32, #tpu.memory_space<vmem>>) attributes {dimension_semantics = [#tpu.dimension_semantics<arbitrary>], iteration_bounds = array<i64: 8>, scalar_prefetch = 0 : i64, scratch_operands = 0 : i64, tpu.core_type = #tpu.core_type<tc>, window_params = [{transform_indices = @transform_0, window_bounds = array<i64: 1000, 2048>}, {transform_indices = @transform_1, window_bounds = array<i64: 2048>}, {transform_indices = @transform_2, window_bounds = array<i64: 2048>}]} {
    %get3A = arith.constant 0 : index
    %get3A_0 = arith.constant 0 : index
    %get3A_1 = vector.load %arg1[%get3A, %get3A_0] : memref<1000x2048xf32, #tpu.memory_space<vmem>>, vector<1000x2048xf32>
    %get3A_2 = arith.constant 0 : index
    %get3A_3 = vector.load %arg2[%get3A_2] : memref<2048xi32, #tpu.memory_space<vmem>>, vector<2048xi32>
    %reshape3A = vector.shape_cast %get3A_3 : vector<2048xi32> to vector<1x2048xi32>
    %exp3A = math.exp %get3A_1 : vector<1000x2048xf32>
    %reduce_sum3A = arith.constant dense<0.000000e+00> : vector<2048xf32>
    %reduce_sum3A_4 = vector.multi_reduction <add>, %exp3A, %reduce_sum3A [0] : vector<1000x2048xf32> to vector<2048xf32>
    %broadcast_in_dim3A = vector.shape_cast %reduce_sum3A_4 : vector<2048xf32> to vector<1x2048xf32>
    %iota3A = tpu.iota {dimensions = array<i32: 0>} : vector<1000x2048xi32>
    %eq3A = vector.broadcast %reshape3A : vector<1x2048xi32> to vector<1000x2048xi32>
    %eq3A_5 = arith.cmpi eq, %iota3A, %eq3A : vector<1000x2048xi32>
    %jit3A = arith.constant 0.000000e+00 : f32
    %broadcast_in_dim3A_6 = vector.broadcast %jit3A : f32 to vector<1000x2048xf32>
    %select_n3A = arith.select %eq3A_5, %get3A_1, %broadcast_in_dim3A_6 : vector<1000x2048xi1>, vector<1000x2048xf32>
    %reduce_sum3A_7 = arith.constant dense<0.000000e+00> : vector<2048xf32>
    %reduce_sum3A_8 = vector.multi_reduction <add>, %select_n3A, %reduce_sum3A_7 [0] : vector<1000x2048xf32> to vector<2048xf32>
    %broadcast_in_dim3A_9 = vector.shape_cast %reduce_sum3A_8 : vector<2048xf32> to vector<1x2048xf32>
    %lt3A = arith.constant 0 : i32
    %lt3A_10 = vector.broadcast %lt3A : i32 to vector<1x2048xi32>
    %lt3A_11 = arith.cmpi slt, %reshape3A, %lt3A_10 : vector<1x2048xi32>
    %log3A = math.log %broadcast_in_dim3A : vector<1x2048xf32>
    %sub3A = arith.subf %log3A, %broadcast_in_dim3A_9 : vector<1x2048xf32>
    %jit3A_12 = arith.constant 0.000000e+00 : f32
    %broadcast_in_dim3A_13 = vector.broadcast %jit3A_12 : f32 to vector<1x2048xf32>
    %select_n3A_14 = arith.select %lt3A_11, %broadcast_in_dim3A_13, %sub3A : vector<1x2048xi1>, vector<1x2048xf32>
    %squeeze3A = vector.shape_cast %select_n3A_14 : vector<1x2048xf32> to vector<2048xf32>
    %swap3A = arith.constant 0 : index
    %swap3A_15 = vector.load %arg3[%swap3A] : memref<2048xf32, #tpu.memory_space<vmem>>, vector<2048xf32>
    tpu.vector_store %arg3[%swap3A], %squeeze3A {strides = array<i32>} : memref<2048xf32, #tpu.memory_space<vmem>>, vector<2048xf32>,
    return
  }
  func.func @transform_0(%arg0: i32) -> (i32, i32) {
    %c0_i32 = arith.constant 0 : i32
    %c0_i32_0 = arith.constant 0 : i32
    return %c0_i32, %arg0 : i32, i32
  }
  func.func @transform_1(%arg0: i32) -> i32 {
    %c0_i32 = arith.constant 0 : i32
    return %arg0 : i32
  }
  func.func @transform_2(%arg0: i32) -> i32 {
    %c0_i32 = arith.constant 0 : i32
    return %arg0 : i32
  }
}

</mosaic_0001>

<sc_bundles>
// kernel: kernel.4.cloned.1.call-start
scs
__scs_entry_jumppad:
0x0: {  	(pc) =	sbr.rel $0x88, $3  }
0x1: {  	(tag) =	ssettag $0x0;
	lr =	simm.s32 $0x1  }
0x2: {  	[smem:$0x3F9F] =	sst lr;
	_ =	strace $0xD0000000  }
0x3: {  	_ = 	snop  }
0x4: {  	_ = 	snop  }
0x5: {  	_ = 	snop  }
0x6: {  	_ = 	snop  }
0x7: {  	_ = 	snop  }
__scs_overlays_trampoline_lowered:
0x8: {  	[smem:$0x3FAE] =	sst s0  }
0x9: {  	[smem:$0x3FAF] =	sst s1  }
0xa: {  	[smem:$0x3FB0] =	sst s2  }
0xb: {  	[smem:$0x3FB1] =	sst s3  }
0xc: {  	[smem:$0x3FB2] =	sst s4  }
0xd: {  	[smem:$0x3FB3] =	sst s5  }
0xe: {  	[smem:$0x3FB4] =	sst s6  }
0xf: {  	[smem:$0x3FB5] =	sst s7  }
0x10: {  	[smem:$0x3FB6] =	sst s8  }
0x11: {  	[smem:$0x3FB7] =	sst s9;
	s0 =	simm.s32 @!p0 $0x0  }
0x12: {  	s1 =	sld [smem:$0x3F9D];
	s0 =	simm.s32 @p0 $0x1  }
0x13: {  	[smem:$0x3FB8] =	sst s0;
	s0 =	simm.s32 @!p1 $0x0  }
0x14: {  	s2 =	sld [smem:$0x3F9C];
	s0 =	simm.s32 @p1 $0x1  }
0x15: {  	[smem:$0x3FB9] =	sst s0;
	s0 =	simm.s32 @!p2 $0x0  }
0x16: {  	s3 =	sld [smem:$0x3FDB];
	s0 =	simm.s32 @p2 $0x1  }
0x17: {  	s4 =	simm.s32 $0x1BF5;
	[smem:$0x3FBB] =	sst s0  }
0x18: {  	s0 =	sld [smem:$0x3F9E];
	_ =	swait.ge [sflag:s4], $0x0  }
0x19: {  	s7 =	sld [smem:$0x3F9F]  }
0x1a: {  	s8 =	sadd.s32 $0xFFFFE003, lr  }
0x1b: {  	s9 =	sadd.s32 $0xFFFFFEF7, lr;
	s5 =	simm.s32 $0xFFFFFFFF;
	p2 =	slt.u32 s8, $0xFFFFF086  }
0x1c: {  	p1 =	slt.u32 s9, $0xF7A;
	s5 =	simm.s32 @!p2 $0x0  }
0x1d: {  	s5 =	simm.s32 @p1 $0x1;
	p0 =	seq.s32 s7, s2  }
0x1e: {  	s7 =	smul.u32 @!p0 $0xF7A, s2;
	p2 =	seq.s32 @!p0 s5, $0x0  }
0x1f: {  	s9 =	smul.u32 $0xF7A, s1;
	s8 =	simm.s32 @!p0 $0x1BF5;
	p2 =	por !p2, p0  }
0x20: {  	[sflag:s8] =	ssyncset.s32 @!p0 $0xFFFFF086;
	s6 =	sadd.s32 @!p0 s3, s7;
	s7 =	simm.s32 @!p0 $0x108  }
0x21: {  	s3 =	sadd.s32 s3, s9;
	s6 =	sadd.s32 @!p0 $0x88, s6;
	s7 =	simm.s32 @p2 $0x1082  }
0x22: {  	[simem:s7], [sflag:s8] =	dma.local @!p0 [hbm:s6], $0xF7A  }
0x23: {  	s9 =	sor.u32 $0xD0000000, s2;
	s6 =	simm.s32 $0x108;
	_ =	swait.ge @!p0 [sflag:s8], $0x0  }
0x24: {  	s3 =	sadd.s32 $0x88, s3;
	s6 =	simm.s32 @!p1 $0x1082;
	[sflag:s4] =	ssyncset.s32 $0xFFFFF086  }
0x25: {  	[simem:s6], [sflag:s4] =	dma.local [hbm:s3], $0xF7A  }
0x26: {  	[smem:$0x3F9F] =	sst s1;
	(tag) =	ssettag s2;
	_ =	strace s9  }
0x27: {  	s1 =	sld [smem:$0x3FAF]  }
0x28: {  	s2 =	sld [smem:$0x3FB0]  }
0x29: {  	s4 =	sld [smem:$0x3FB2]  }
0x2a: {  	p0 =	seq.s32 s5, $0x0;
	s5 =	sld [smem:$0x3FB3]  }
0x2b: {  	s6 =	sld [smem:$0x3FB4]  }
0x2c: {  	s7 =	sld [smem:$0x3FB5]  }
0x2d: {  	s3 =	simm.s32 $0x108;
	s8 =	sld [smem:$0x3FB6]  }
0x2e: {  	s3 =	simm.s32 @!p0 $0x1082;
	s9 =	sld [smem:$0x3FB7]  }
0x2f: {  	lr =	sadd.s32 s0, s3;
	s0 =	sld [smem:$0x3FAE]  }
0x30: {  	s3 =	sld [smem:$0x3FB1]  }
0x31: {  	[smem:$0x3FBA] =	sst s10  }
0x32: {  	s10 =	sld [smem:$0x3FB8];
	_ =	sdelay $0x3  }
0x33: {  	p0 =	seq.s32 s10, $0x1;
	s10 =	sld [smem:$0x3FBA];
	_ =	sdelay $0x3  }
0x34: {  	[smem:$0x3FBA] =	sst s10  }
0x35: {  	s10 =	sld [smem:$0x3FB9];
	_ =	sdelay $0x3  }
0x36: {  	p1 =	seq.s32 s10, $0x1;
	s10 =	sld [smem:$0x3FBA];
	_ =	sdelay $0x3  }
0x37: {  	[smem:$0x3FBA] =	sst s10  }
0x38: {  	s10 =	sld [smem:$0x3FBB]  }
0x39: {  	_ = 	snop;
	(pc) =	sbr.ind lr, $3  }
0x3a: {  	_ = 	snop  }
0x3b: {  	_ = 	snop  }
0x3c: {  	p2 =	seq.s32 s10, $0x1;
	s10 =	sld [smem:$0x3FBA]  }
0x3d: {  	_ =	shalt  }
0x3e: {  	_ =	shalt  }
0x3f: {  	_ =	shalt  }
0x40: {  	_ =	shalt  }
0x41: {  	_ =	shalt  }
0x42: {  	_ =	shalt  }
0x43: {  	_ =	shalt  }
0x44: {  	_ =	shalt  }
0x45: {  	_ =	shalt  }
0x46: {  	_ =	shalt  }
0x47: {  	_ =	shalt  }
0x48: {  	_ =	shalt  }
0x49: {  	_ =	shalt  }
0x4a: {  	_ =	shalt  }
0x4b: {  	_ =	shalt  }
0x4c: {  	_ =	shalt  }
0x4d: {  	_ =	shalt  }
0x4e: {  	_ =	shalt  }
0x4f: {  	_ =	shalt  }
0x50: {  	_ =	shalt  }
0x51: {  	_ =	shalt  }
0x52: {  	_ =	shalt  }
0x53: {  	_ =	shalt  }
0x54: {  	_ =	shalt  }
0x55: {  	_ =	shalt  }
0x56: {  	_ =	shalt  }
0x57: {  	_ =	shalt  }
0x58: {  	_ =	shalt  }
0x59: {  	_ =	shalt  }
0x5a: {  	_ =	shalt  }
0x5b: {  	_ =	shalt  }
0x5c: {  	_ =	shalt  }
0x5d: {  	_ =	shalt  }
0x5e: {  	_ =	shalt  }
0x5f: {  	_ =	shalt  }
0x60: {  	_ =	shalt  }
0x61: {  	_ =	shalt  }
0x62: {  	_ =	shalt  }
0x63: {  	_ =	shalt  }
0x64: {  	_ =	shalt  }
0x65: {  	_ =	shalt  }
0x66: {  	_ =	shalt  }
0x67: {  	_ =	shalt  }
0x68: {  	_ =	shalt  }
0x69: {  	_ =	shalt  }
0x6a: {  	_ =	shalt  }
0x6b: {  	_ =	shalt  }
0x6c: {  	_ =	shalt  }
0x6d: {  	_ =	shalt  }
0x6e: {  	_ =	shalt  }
0x6f: {  	_ =	shalt  }
0x70: {  	_ =	shalt  }
0x71: {  	_ =	shalt  }
0x72: {  	_ =	shalt  }
0x73: {  	_ =	shalt  }
0x74: {  	_ =	shalt  }
0x75: {  	_ =	shalt  }
0x76: {  	_ =	shalt  }
0x77: {  	_ =	shalt  }
0x78: {  	_ =	shalt  }
0x79: {  	_ =	shalt  }
0x7a: {  	_ =	shalt  }
0x7b: {  	_ =	shalt  }
0x7c: {  	_ =	shalt  }
0x7d: {  	_ =	shalt  }
0x7e: {  	_ =	shalt  }
0x7f: {  	_ =	shalt  }
0x80: {  	_ =	shalt  }
0x81: {  	_ =	shalt  }
0x82: {  	_ =	shalt  }
0x83: {  	_ =	shalt  }
0x84: {  	_ =	shalt  }
0x85: {  	_ =	shalt  }
0x86: {  	_ =	shalt  }
0x87: {  	_ =	shalt  }
.Lfunc_end0:
.L_simem_size_0:
called_computation_lowered:
.L_overlay_start_0:
0x88: {  	s2 =	sld [smem:$0x3FD9]  }
0x89: {  	s3 =	sld [smem:$0x3FFE];
	_ =	sdelay $0x1  }
0x8a: {  	s1 =	srdreg.scid  }
0x8b: {  	s0 =	sand.u32 $0x1, s1  }
0x8c: {  	s17 =	sshll.u32 s0, $0xA;
	s2 =	sadd.s32 s3, s2  }
0x8d: {  	s2 =	sadd.s32 s2, s17  }
0x8e: {  	[smem:$0x3FC6] =	sst s2  }
0x8f: {  	_ = 	snop  }
0x90: {  	s2 =	sld [smem:$0x3FD0];
	(tm) =	ssettm $0x1  }
0x91: {  	s18 =	sld [smem:$0x3FFB];
	_ =	sdelay $0x3  }
0x92: {  	_ =	strace s18  }
0x93: {  	s3 =	sld [smem:$0x3FFC];
	_ =	sdelay $0x3  }
0x94: {  	_ =	strace s3  }
0x95: {  	s3 =	sld [smem:$0x3FFD];
	_ =	sdelay $0x3  }
0x96: {  	_ =	strace s3  }
0x97: {  	_ =	strace $0x8FFFFFFF  }
0x98: {  	s19 =	sld [smem:$0x3FDB];
	_ =	sdelay $0x1  }
0x99: {  	s4 =	simm.s32 $_scs_section_size  }
0x9a: {  	s5 =	simm.s32 $_size__tile_overlayer_lowered;
	s6 =	simm.s32 $_tile_overlayer_lowered  }
0x9b: {  	s22 =	simm.s32 $0x1BFF;
	s21 =	sshll.u32 s6, $0x1;
	s3 =	sadd.s32 s4, s19  }
0x9c: {  	s7 =	simm.s32 $0x0;
	s20 =	sshll.u32 s5, $0x1;
	s5 =	sadd.s32 s21, s3  }
0x9d: {  	[timem:s7], [sflag:s22] =	dma.local [hbm:s5], s20  }
0x9e: {  	_ =	swait.ge [sflag:s22], s20  }
0x9f: {  	s4 =	ssub.s32 $0x0, s20;
	[sflag:s22] =	ssyncset.done $0x0  }
0xa0: {  	[sflag:s22] =	ssyncadd.s32 s4;
	_ =	sdelay $0x1  }
0xa1: {  	s23 =	simm.s32 $0x1B8B  }
0xa2: {  	_ =	swait.ge [sflag:s23], $0x1  }
0xa3: {  	[sflag:s23] =	ssyncset.done $0x0  }
0xa4: {  	s25 =	simm.s32 $0x1B8E;
	s24 =	sld [smem:$0x3FFE];
	[sflag:s23] =	ssyncadd.s32 $0xFFFFFFFF  }
0xa5: {  	s26 =	simm.s32 $execute0_lowered;
	[smem:$0x3FD2] =	sst s25  }
0xa6: {  	s5 =	sshll.u32 s26, $0x1;
	_ =	strace $0x80000046;
	[dreg:$0x1] =	wrdreg $0xFFFFFFFF  }
0xa7: {  	s28 =	simm.s32 $_size_execute0_lowered;
	s3 =	sadd.s32 s3, s5;
	[dreg:$0x0] =	wrdreg $0x0  }
0xa8: {  	s5 =	sshll.u32 s28, $0x1;
	[dreg:$0x2] =	wrdreg s3  }
0xa9: {  	[dreg:$0x3] =	wrdreg s5  }
0xaa: {  	[dreg:$0x4] =	wrdreg $0xC0  }
0xab: {  	_ =	task [dreg:s7], $0x5FFFF  }
0xac: {  	[dreg:$0x1] =	wrdreg $0xFFFFFFFF  }
0xad: {  	[dreg:$0x0] =	wrdreg $0x60  }
0xae: {  	[dreg:$0x2] =	wrdreg s24  }
0xaf: {  	[dreg:$0x3] =	wrdreg s2  }
0xb0: {  	[dreg:$0x4] =	wrdreg $0x39800  }
0xb1: {  	[dreg:$0x5] =	wrdreg $0x3A800  }
0xb2: {  	[dreg:$0x6] =	wrdreg $0x9  }
0xb3: {  	_ =	task.clear_ibuf [dreg:s7], $0x7FFFF;
	_ =	strace $0x90000046  }
0xb4: {  	s29 =	simm.s32 $0x9;
	_ =	strace $0x80000048  }
0xb5: {  	_ =	swait.ge [sflag:s29], $0x1  }
0xb6: {  	[sflag:s29] =	ssyncadd.s32 $0xFFFFFFFF  }
0xb7: {  	_ =	strace $0x90000048  }
0xb8: {  	_ =	sfence  }
0xb9: {  	s30 =	sld [smem:$0x0];
	_ =	sdelay $0x2  }
0xba: {  	s31 =	sshll.u32 s1, $0xD;
	s1 =	sshrl.u32 s1, $0x2  }
0xbb: {  	s3 =	sand.u32 $0x4000, s31;
	s1 =	sadd.s32 s1, s30  }
0xbc: {  	s0 =	sor.u32 s3, s0;
	s1 =	sshll.u32 s1, $0x11  }
0xbd: {  	s0 =	sor.u32 s1, s0  }
0xbe: {  	s0 =	sadd.s32 $0x8F2B, s0  }
0xbf: {  	[sflag:s0] =	ssyncadd.remote.s32 $0x1  }
0xc0: {  	_ =	sfence.sel $0xFFFF  }
0xc1: {  	[dreg:$0x0] =	wrdreg $0xFFFFFFFF;
	(pc) =	sbr.abs _section_cstart, $3  }
0xc2: {  	[dreg:$0x1] =	wrdreg $0xFFFFFFFF  }
0xc3: {  	_ =	task.clear_ibuf [dreg:s7], $0x2FFFF;
	_ =	strace $0x9FFFFFFF  }
0xc4: {  	(tm) =	ssettm $0x7FFFFFFF  }
0xc5: {  	_ =	shalt  }
tec
execute0_lowered:
.L_overlay_start_1:
0x0: {  	(tag) =	ssettag $0x1  }
0x1: {  	s4 =	rddreg [dreg:$0x0]  }
0x2: {  	s1 =	rddreg [dreg:$0x1]  }
0x3: {  	s5 =	rddreg [dreg:$0x2]  }
0x4: {  	s3 =	rddreg [dreg:$0x3];
	s6 =	simm.s32 $0x0  }
0x5: {  	[smem:$0x7FF] =	sst s6  }
0x6: {  	s0 =	rddreg [dreg:$0x4];
	v0 =	vimm.f32 $1.146800000e+04;
	_ =	strace $0x80000047  }
0x7: {  	(erf) = vrcp.f32 v0;
	_ =	sdelay $0x1  }
0x8: {  	s2 =	srdreg.scid  }
0x9: {  	s2 =	sand.u32 $0x1, s2  }
0xa: {  	p0 =	seq.s32 s2, $0x1  }
.Ltmp0:
0xb: {  	_ = 	snop;
	(pc) =	sbr.rel @p0 .LBB2_20-.Ltmp0, $2  }
0xc: {  	_ =	sdelay $0x2  }
0xd: {  	s2 =	stileid.u32;
	v0 =	vpop (erf)  }
0xe: {  	s4 =	sadd.s32 $0x800, s4;
	s8 =	sshll.u32 s2, $0x7  }
0xf: {  	s29 =	simm.s32 $0x1;
	s4 =	sadd.s32 s4, s8  }
0x10: {  	[tilespmem:s6], [sflag:$0x1] =	stream.linear.gather [hbm4b:s4+s6], $0x400, $0x38;
	[tilespmem:$0x3B80] =	vst v63  }
0x11: {  	_ =	swait.ge [sflag:s29], $0x400  }
0x12: {  	[sflag:s29] =	ssyncset.done $0x0  }
0x13: {  	s7 =	simm.s32 $0x840;
	v1 =	vimm.s32 $0x0;
	[sflag:s29] =	ssyncadd.s32 $0xFFFFFC00  }
0x14: {  	[tilespmem:s7+$0xFFFFFFC0] =	vst v1  }
0x15: {  	[tilespmem:s7+$0x30] =	vst v1  }
0x16: {  	[tilespmem:s7+$0x20] =	vst v1  }
0x17: {  	s30 =	sshll.u32 s2, $0x8;
	[tilespmem:s7+$0x10] =	vst v1  }
0x18: {  	s31 =	sand.u32 $0x380, s8;
	s4 =	sand.u32 $0x800, s30;
	[tilespmem:s7+$0x0] =	vst v1  }
0x19: {  	s4 =	sor.u32 s31, s4;
	[tilespmem:s7+$0xFFFFFFF0] =	vst v1  }
0x1a: {  	s8 =	simm.s32 $0x0;
	s6 =	sadd.s32 s4, s5;
	s4 =	sadd.s32 s4, s3;
	[tilespmem:s7+$0xFFFFFFE0] =	vst v1  }
.LBB2_2:
0x1b: {  	s8 =	sadd.s32 $0x8, s8;
	[tilespmem:s7+$0xFFFFFFD0] =	vst v1;
	s7 =	sadd.s32 $0x80, s7  }
0x1c: {  	[tilespmem:s7+$0xFFFFFFC0] =	vst v1;
	p0 =	slt.u32 s8, $0xF8  }
0x1d: {  	[tilespmem:s7+$0x30] =	vst v1  }
.Ltmp1:
0x1e: {  	[tilespmem:s7+$0x20] =	vst v1;
	(pc) =	sbr.rel @p0 .LBB2_2-.Ltmp1, $4  }
0x1f: {  	[tilespmem:s7+$0x10] =	vst v1  }
0x20: {  	[tilespmem:s7+$0x0] =	vst v1  }
0x21: {  	[tilespmem:s7+$0xFFFFFFF0] =	vst v1  }
0x22: {  	[tilespmem:s7+$0xFFFFFFE0] =	vst v1  }
0x23: {  	v2 =	vlaneseq.u32  }
0x24: {  	v2 =	vmul.u32 $0x2, v2;
	_ =	sdelay $0x1  }
0x25: {  	[tilespmem:s7+$0xFFFFFFD0] =	vst v1;
	s8 =	simm.s32 $0x0;
	v1 =	vor.u32 $0x1, v2;
	v2 =	vimm.s32 $0x1  }
.LBB2_4:
0x26: {  	s7 =	sshra.s32 s8, $0x2  }
0x27: {  	v3 =	vld [tilespmem:s7+$0x0];
	_ =	sdelay $0x4  }
0x28: {  	vm0 =	vlt.s32 v3, $0x0;
	v4 =	vxor.u32 $0x7FFFFFFF, v3  }
0x29: {  	v3 =	vsel vm0, v4, v3  }
0x2a: {  	v4 =	vshrl.u32 v3, $0x1F  }
0x2b: {  	v5 =	vshrl.u32 v3, $0x18;
	v4 =	vxor.u32 v1, v4  }
0x2c: {  	v5 =	vand.u32 $0x7F, v5;
	v4 =	vshll.u32 v4, $0x7  }
0x2d: {  	p0 =	sne.s32 s8, $0xFC0;
	v4 =	vor.u32 v5, v4  }
.Ltmp2:
0x2e: {  	_ = 	snop;
	(pc) =	sbr.rel @p0 .LBB2_4-.Ltmp2, $3  }
0x2f: {  	_ =	sdelay $0x1  }
0x30: {  	[tilespmem:s7+$0x400] =	vst v3;
	s7 =	simm.s32 $0x800  }
0x31: {  	s8 =	sadd.s32 $0x40, s8;
	[tilespmem:v4+s7+$0x0] =	vst.idx.add.s32.msk $0xffff, v2  }
0x32: {  	s8 =	simm.s32 $0xFFFFFFFC;
	s9 =	simm.s32 $0x0  }
.LBB2_6:
0x33: {  	v1 =	vld [tilespmem:s7+$0x0];
	s10 =	sand.u32 $0xC0, s9  }
0x34: {  	v2 =	vld [tilespmem:s10+$0x1000];
	_ =	sdelay $0x4  }
0x35: {  	v1 =	vadd.s32 v1, v2  }
0x36: {  	[tilespmem:s7+$0x0] =	vst v1  }
0x37: {  	v1 =	vld [tilespmem:s10+$0x900]  }
0x38: {  	v2 =	vld [tilespmem:s10+$0x1100]  }
0x39: {  	v3 =	vld [tilespmem:s10+$0xA00]  }
0x3a: {  	v4 =	vld [tilespmem:s10+$0x1200]  }
0x3b: {  	v5 =	vld [tilespmem:s10+$0xB00]  }
0x3c: {  	v6 =	vld [tilespmem:s10+$0x1300]  }
0x3d: {  	v9 =	vld [tilespmem:s10+$0xD00]  }
0x3e: {  	v10 =	vld [tilespmem:s10+$0x1500]  }
0x3f: {  	v11 =	vld [tilespmem:s10+$0xE00]  }
0x40: {  	v12 =	vld [tilespmem:s10+$0x1600]  }
0x41: {  	v7 =	vld [tilespmem:s10+$0xC00]  }
0x42: {  	v8 =	vld [tilespmem:s10+$0x1400]  }
0x43: {  	v1 =	vadd.s32 v1, v2;
	v2 =	vld [tilespmem:s10+$0xF00]  }
0x44: {  	v58 =	vadd.s32 v9, v10;
	[tilespmem:s10+$0x900] =	vst v1;
	v1 =	vadd.s32 v3, v4;
	v3 =	vld [tilespmem:s10+$0x1700]  }
0x45: {  	v59 =	vadd.s32 v11, v12;
	[tilespmem:s10+$0xD00] =	vst v58  }
0x46: {  	[tilespmem:s10+$0xE00] =	vst v59  }
0x47: {  	[tilespmem:s10+$0xA00] =	vst v1;
	v1 =	vadd.s32 v5, v6  }
0x48: {  	[tilespmem:s10+$0xB00] =	vst v1;
	v1 =	vadd.s32 v7, v8  }
0x49: {  	[tilespmem:s10+$0xC00] =	vst v1;
	v2 =	vadd.s32 v2, v3  }
0x4a: {  	[tilespmem:s10+$0xF00] =	vst v2  }
0x4b: {  	v2 =	vld [tilespmem:s7+$0x0];
	_ =	sdelay $0x4  }
0x4c: {  	v1 =	vadd.s32 v1, v2  }
0x4d: {  	[tilespmem:s7+$0x0] =	vst v1  }
0x4e: {  	v1 =	vld [tilespmem:s10+$0x900]  }
0x4f: {  	v2 =	vld [tilespmem:s10+$0xD00]  }
0x50: {  	v3 =	vld [tilespmem:s10+$0xA00]  }
0x51: {  	v60 =	vld [tilespmem:s10+$0xB00]  }
0x52: {  	v61 =	vld [tilespmem:s10+$0xF00]  }
0x53: {  	v4 =	vld [tilespmem:s10+$0xE00];
	_ =	sdelay $0x2  }
0x54: {  	v1 =	vadd.s32 v1, v2  }
0x55: {  	v2 =	vadd.s32 v60, v61;
	[tilespmem:s10+$0x900] =	vst v1  }
0x56: {  	v1 =	vadd.s32 v3, v4;
	[tilespmem:s10+$0xB00] =	vst v2  }
0x57: {  	[tilespmem:s10+$0xA00] =	vst v1  }
0x58: {  	v2 =	vld [tilespmem:s7+$0x0];
	_ =	sdelay $0x4  }
0x59: {  	v1 =	vadd.s32 v1, v2  }
0x5a: {  	[tilespmem:s7+$0x0] =	vst v1  }
0x5b: {  	v1 =	vld [tilespmem:s10+$0x900]  }
0x5c: {  	v2 =	vld [tilespmem:s10+$0xB00];
	_ =	sdelay $0x4  }
0x5d: {  	v1 =	vadd.s32 v1, v2  }
0x5e: {  	[tilespmem:s10+$0x900] =	vst v1  }
0x5f: {  	v2 =	vld [tilespmem:s7+$0x0]  }
0x60: {  	v3 =	vld [tilespmem:s7+$0x110]  }
0x61: {  	v62 =	vld [tilespmem:s7+$0x910]  }
0x62: {  	v63 =	vld [tilespmem:s7+$0x210]  }
0x63: {  	v20 =	vld [tilespmem:s7+$0xA10]  }
0x64: {  	v21 =	vld [tilespmem:s7+$0x310]  }
0x65: {  	v22 =	vld [tilespmem:s7+$0xB10]  }
0x66: {  	v23 =	vld [tilespmem:s7+$0x410]  }
0x67: {  	v24 =	vld [tilespmem:s7+$0xC10]  }
0x68: {  	v25 =	vld [tilespmem:s7+$0x510]  }
0x69: {  	v26 =	vld [tilespmem:s7+$0xD10]  }
0x6a: {  	v13 =	vld [tilespmem:s7+$0x610]  }
0x6b: {  	v14 =	vld [tilespmem:s7+$0xE10]  }
0x6c: {  	v15 =	vld [tilespmem:s7+$0x710]  }
0x6d: {  	v16 =	vld [tilespmem:s7+$0xF10]  }
0x6e: {  	v32 =	vld [tilespmem:s7+$0x120]  }
0x6f: {  	v33 =	vld [tilespmem:s7+$0x220]  }
0x70: {  	v34 =	vld [tilespmem:s7+$0xA20]  }
0x71: {  	v35 =	vld [tilespmem:s7+$0x320]  }
0x72: {  	v36 =	vld [tilespmem:s7+$0xB20]  }
0x73: {  	v37 =	vld [tilespmem:s7+$0x420]  }
0x74: {  	v38 =	vld [tilespmem:s7+$0xC20]  }
0x75: {  	v39 =	vld [tilespmem:s7+$0x520]  }
0x76: {  	v40 =	vld [tilespmem:s7+$0xD20]  }
0x77: {  	v41 =	vld [tilespmem:s7+$0x620]  }
0x78: {  	v42 =	vld [tilespmem:s7+$0xE20]  }
0x79: {  	v43 =	vld [tilespmem:s7+$0x720]  }
0x7a: {  	v44 =	vld [tilespmem:s7+$0xF20]  }
0x7b: {  	v50 =	vld [tilespmem:s7+$0x130]  }
0x7c: {  	v1 =	vadd.s32 v1, v2;
	v2 =	vld [tilespmem:s7+$0x810]  }
0x7d: {  	[tilespmem:s7+$0x0] =	vst v1;
	v1 =	vld [tilespmem:s7+$0x10]  }
0x7e: {  	v51 =	vld [tilespmem:s7+$0x230]  }
0x7f: {  	v52 =	vld [tilespmem:s7+$0xA30]  }
0x80: {  	v53 =	vld [tilespmem:s7+$0x330];
	v27 =	vadd.s32 v21, v22;
	v28 =	vadd.s32 v23, v24;
	v31 =	vadd.s32 v15, v16  }
0x81: {  	v54 =	vld [tilespmem:s7+$0x430];
	v29 =	vadd.s32 v25, v26;
	v30 =	vadd.s32 v13, v14;
	v4 =	vadd.s32 v27, v31;
	[tilespmem:s7+$0x410] =	vst v28  }
0x82: {  	v55 =	vld [tilespmem:s7+$0xC30];
	[tilespmem:s7+$0x510] =	vst v29;
	v1 =	vadd.s32 v1, v2;
	v2 =	vadd.s32 v3, v62;
	v3 =	vadd.s32 v63, v20  }
0x83: {  	v56 =	vld [tilespmem:s7+$0x530];
	[tilespmem:s7+$0x610] =	vst v30;
	v1 =	vadd.s32 v1, v28;
	v2 =	vadd.s32 v2, v29;
	v3 =	vadd.s32 v3, v30  }
0x84: {  	v1 =	vadd.s32 v1, v3;
	v2 =	vadd.s32 v2, v4;
	[tilespmem:s7+$0x210] =	vst v3;
	v3 =	vld [tilespmem:s7+$0x920]  }
0x85: {  	v1 =	vadd.s32 v1, v2;
	[tilespmem:s7+$0x110] =	vst v2;
	v2 =	vld [tilespmem:s7+$0x820]  }
0x86: {  	[tilespmem:s7+$0x10] =	vst v1;
	v1 =	vld [tilespmem:s7+$0x20]  }
0x87: {  	v57 =	vld [tilespmem:s7+$0xD30];
	v46 =	vadd.s32 v37, v38;
	[tilespmem:s7+$0x710] =	vst v31  }
0x88: {  	v58 =	vld [tilespmem:s7+$0x630];
	v47 =	vadd.s32 v39, v40;
	[tilespmem:s7+$0x420] =	vst v46  }
0x89: {  	v59 =	vld [tilespmem:s7+$0xE30];
	v45 =	vadd.s32 v35, v36;
	v49 =	vadd.s32 v43, v44;
	[tilespmem:s7+$0x520] =	vst v47  }
0x8a: {  	v60 =	vld [tilespmem:s7+$0x730];
	v48 =	vadd.s32 v41, v42;
	[tilespmem:s7+$0x310] =	vst v4;
	v4 =	vadd.s32 v45, v49  }
0x8b: {  	v61 =	vld [tilespmem:s7+$0xF30];
	[tilespmem:s7+$0x620] =	vst v48;
	v1 =	vadd.s32 v1, v2;
	v2 =	vadd.s32 v32, v3;
	v3 =	vadd.s32 v33, v34  }
0x8c: {  	[tilespmem:s7+$0x720] =	vst v49;
	v62 =	vld [tilespmem:s7+$0xB30];
	v1 =	vadd.s32 v1, v46;
	v2 =	vadd.s32 v2, v47;
	v3 =	vadd.s32 v3, v48  }
0x8d: {  	v1 =	vadd.s32 v1, v3;
	v2 =	vadd.s32 v2, v4;
	[tilespmem:s7+$0x220] =	vst v3;
	v3 =	vld [tilespmem:s7+$0x930]  }
0x8e: {  	v1 =	vadd.s32 v1, v2;
	[tilespmem:s7+$0x120] =	vst v2;
	v2 =	vld [tilespmem:s7+$0x830]  }
0x8f: {  	v6 =	vadd.s32 v54, v55;
	[tilespmem:s7+$0x20] =	vst v1;
	v1 =	vld [tilespmem:s7+$0x30]  }
0x90: {  	v7 =	vadd.s32 v56, v57;
	[tilespmem:s7+$0x430] =	vst v6  }
0x91: {  	v8 =	vadd.s32 v58, v59;
	[tilespmem:s7+$0x530] =	vst v7  }
0x92: {  	s8 =	sadd.s32 $0x4, s8;
	[tilespmem:s7+$0x630] =	vst v8;
	v63 =	vadd.s32 v60, v61;
	v5 =	vadd.s32 v53, v62  }
0x93: {  	p0 =	slt.u32 s8, $0xC;
	[tilespmem:s7+$0x320] =	vst v4;
	v4 =	vadd.s32 v5, v63  }
.Ltmp3:
0x94: {  	[tilespmem:s7+$0x730] =	vst v63;
	v3 =	vadd.s32 v50, v3;
	v1 =	vadd.s32 v1, v2;
	v2 =	vadd.s32 v51, v52;
	(pc) =	sbr.rel @p0 .LBB2_6-.Ltmp3, $4  }
0x95: {  	[tilespmem:s7+$0x330] =	vst v4;
	v3 =	vadd.s32 v3, v7;
	v2 =	vadd.s32 v2, v8;
	v1 =	vadd.s32 v1, v6  }
0x96: {  	[tilespmem:s7+$0x230] =	vst v2;
	v1 =	vadd.s32 v1, v2;
	v2 =	vadd.s32 v3, v4  }
0x97: {  	[tilespmem:s7+$0x130] =	vst v2;
	v1 =	vadd.s32 v1, v2  }
0x98: {  	s9 =	sadd.s32 $0x40, s9;
	[tilespmem:s7+$0x30] =	vst v1;
	s7 =	sadd.s32 $0x40, s7  }
0x99: {  	s7 =	simm.s32 $0x80  }
0x9a: {  	s8 =	simm.s32 $0x400;
	s9 =	simm.s32 $0x800;
	s30 =	simm.s32 $0x1  }
0x9b: {  	[spmem:s6] =	stream.strided.scatter [tilespmem:s9], [sflag:$0x1], $0x100, s8, s7, $0x38;
	[tilespmem:$0x3B80] =	vst v63  }
0x9c: {  	_ =	swait.ge [sflag:s30], $0x100  }
0x9d: {  	[sflag:s30] =	ssyncset.done $0x0  }
0x9e: {  	[sflag:s30] =	ssyncadd.s32 $0xFFFFFF00  }
0x9f: {  	s31 =	simm.s32 $0x1800;
	[bflag:$0x0] =	sbarrier.arrive $0xFFFF  }
0xa0: {  	[tilespmem:s31], [sflag:$0x1] =	stream.linear.gather [spmem:s5], $0x1000, $0x38;
	[tilespmem:$0x3B80] =	vst v63  }
0xa1: {  	_ =	swait.ge [sflag:s30], $0x1000  }
0xa2: {  	p0 =	por $0x0, $0x0;
	[sflag:s30] =	ssyncset.done $0x0  }
0xa3: {  	s10 =	simm.s32 $0x0;
	s7 =	simm.s32 $0xFFFFFFFC;
	[sflag:s30] =	ssyncadd.s32 $0xFFFFF000  }
0xa4: {  	s8 =	simm.s32 $0x0;
	s9 =	simm.s32 $0x0;
	[bflag:$0x0] =	sbarrier.arrive $0xFFFF  }
.LBB2_8:
0xa5: {  	s21 =	sand.u32 $0x400, s10  }
0xa6: {  	s15 =	sand.u32 $0x40, s8;
	s13 =	sor.u32 $0x1800, s21  }
0xa7: {  	s11 =	sor.u32 $0x2000, s21;
	s22 =	sor.u32 s15, s13  }
0xa8: {  	s12 =	sor.u32 s15, s11;
	v1 =	vld [tilespmem:s22+$0x0]  }
0xa9: {  	v2 =	vld [tilespmem:s12+$0x0];
	_ =	sdelay $0x4  }
0xaa: {  	s12 =	sor.u32 $0x2080, s21;
	v1 =	vadd.s32 v1, v2  }
0xab: {  	s14 =	sor.u32 s15, s12;
	[tilespmem:s22+$0x0] =	vst v1;
	v1 =	vld [tilespmem:s22+$0x80]  }
0xac: {  	v2 =	vld [tilespmem:s14+$0x0];
	_ =	sdelay $0x4  }
0xad: {  	s14 =	sor.u32 $0x2100, s21;
	v1 =	vadd.s32 v1, v2  }
0xae: {  	s16 =	sor.u32 s15, s14;
	[tilespmem:s22+$0x80] =	vst v1;
	v1 =	vld [tilespmem:s22+$0x100]  }
0xaf: {  	v2 =	vld [tilespmem:s16+$0x0];
	_ =	sdelay $0x4  }
0xb0: {  	s16 =	sor.u32 $0x2180, s21;
	v1 =	vadd.s32 v1, v2  }
0xb1: {  	s17 =	sor.u32 s15, s16;
	[tilespmem:s22+$0x100] =	vst v1;
	v1 =	vld [tilespmem:s22+$0x180]  }
0xb2: {  	v2 =	vld [tilespmem:s17+$0x0];
	_ =	sdelay $0x1  }
0xb3: {  	s17 =	simm.s32 $0x1  }
0xb4: {  	s17 =	simm.s32 @!p0 $0x0  }
0xb5: {  	s17 =	sshll.u32 s17, $0x6  }
0xb6: {  	s17 =	sadd.s32 s17, s10;
	v1 =	vadd.s32 v1, v2  }
0xb7: {  	s18 =	sor.u32 $0x2200, s21;
	s23 =	sor.u32 $0x200, s17;
	[tilespmem:s22+$0x180] =	vst v1  }
0xb8: {  	s19 =	sor.u32 s15, s18;
	v1 =	vld [tilespmem:s23+$0x1800]  }
0xb9: {  	v2 =	vld [tilespmem:s19+$0x0];
	_ =	sdelay $0x4  }
0xba: {  	v1 =	vadd.s32 v1, v2  }
0xbb: {  	s24 =	sor.u32 $0x280, s9;
	s19 =	sor.u32 $0x2280, s21;
	[tilespmem:s23+$0x1800] =	vst v1  }
0xbc: {  	s20 =	sor.u32 s15, s19;
	v1 =	vld [tilespmem:s24+$0x1800]  }
0xbd: {  	v2 =	vld [tilespmem:s20+$0x0];
	_ =	sdelay $0x4  }
0xbe: {  	v1 =	vadd.s32 v1, v2  }
0xbf: {  	s25 =	sor.u32 $0x300, s17;
	s20 =	sor.u32 $0x2300, s21;
	[tilespmem:s24+$0x1800] =	vst v1  }
0xc0: {  	s26 =	sor.u32 s15, s20;
	v1 =	vld [tilespmem:s25+$0x1800]  }
0xc1: {  	v2 =	vld [tilespmem:s26+$0x0];
	_ =	sdelay $0x4  }
0xc2: {  	v1 =	vadd.s32 v1, v2  }
0xc3: {  	s30 =	sor.u32 $0x380, s9;
	s21 =	sor.u32 $0x2380, s21;
	[tilespmem:s25+$0x1800] =	vst v1  }
0xc4: {  	s28 =	sor.u32 s15, s21;
	v1 =	vld [tilespmem:s30+$0x1800]  }
0xc5: {  	v2 =	vld [tilespmem:s28+$0x0];
	_ =	sdelay $0x4  }
0xc6: {  	v1 =	vadd.s32 v1, v2  }
0xc7: {  	[tilespmem:s30+$0x1800] =	vst v1  }
0xc8: {  	v1 =	vld [tilespmem:s22+$0x0]  }
0xc9: {  	v2 =	vld [tilespmem:s23+$0x1800];
	_ =	sdelay $0x4  }
0xca: {  	v1 =	vadd.s32 v1, v2  }
0xcb: {  	v2 =	vld [tilespmem:s22+$0x80];
	[tilespmem:s22+$0x0] =	vst v1  }
0xcc: {  	v3 =	vld [tilespmem:s24+$0x1800];
	_ =	sdelay $0x4  }
0xcd: {  	v2 =	vadd.s32 v2, v3  }
0xce: {  	v3 =	vld [tilespmem:s22+$0x100];
	[tilespmem:s22+$0x80] =	vst v2  }
0xcf: {  	v4 =	vld [tilespmem:s25+$0x1800];
	_ =	sdelay $0x4  }
0xd0: {  	v3 =	vadd.s32 v3, v4  }
0xd1: {  	v57 =	vld [tilespmem:s22+$0x180];
	[tilespmem:s22+$0x100] =	vst v3  }
0xd2: {  	v5 =	vld [tilespmem:s30+$0x1800];
	_ =	sdelay $0x4  }
0xd3: {  	v4 =	vadd.s32 v57, v5  }
0xd4: {  	v1 =	vadd.s32 v1, v3;
	v2 =	vadd.s32 v2, v4  }
0xd5: {  	s24 =	sor.u32 $0x10, s15;
	[tilespmem:s22+$0x180] =	vst v4;
	v1 =	vadd.s32 v1, v2  }
0xd6: {  	s23 =	sor.u32 s24, s13;
	[tilespmem:s22+$0x0] =	vst v1  }
0xd7: {  	s31 =	sor.u32 s24, s11;
	[tilespmem:s22+$0x80] =	vst v2;
	v1 =	vld [tilespmem:s23+$0x0]  }
0xd8: {  	v2 =	vld [tilespmem:s31+$0x0];
	_ =	sdelay $0x4  }
0xd9: {  	v1 =	vadd.s32 v1, v2  }
0xda: {  	s25 =	sor.u32 s24, s12;
	[tilespmem:s23+$0x0] =	vst v1;
	v1 =	vld [tilespmem:s23+$0x80]  }
0xdb: {  	v2 =	vld [tilespmem:s25+$0x0];
	_ =	sdelay $0x4  }
0xdc: {  	v1 =	vadd.s32 v1, v2  }
0xdd: {  	s26 =	sor.u32 s24, s14;
	[tilespmem:s23+$0x80] =	vst v1;
	v1 =	vld [tilespmem:s23+$0x100]  }
0xde: {  	v2 =	vld [tilespmem:s26+$0x0];
	_ =	sdelay $0x4  }
0xdf: {  	v1 =	vadd.s32 v1, v2  }
0xe0: {  	s28 =	sor.u32 s24, s16;
	[tilespmem:s23+$0x100] =	vst v1;
	v1 =	vld [tilespmem:s23+$0x180]  }
0xe1: {  	v2 =	vld [tilespmem:s28+$0x0];
	_ =	sdelay $0x4  }
0xe2: {  	s22 =	sadd.s32 $0x10, s17;
	v1 =	vadd.s32 v1, v2  }
0xe3: {  	s25 =	sor.u32 $0x200, s22;
	[tilespmem:s23+$0x180] =	vst v1  }
0xe4: {  	s29 =	sor.u32 s24, s18;
	v1 =	vld [tilespmem:s25+$0x1800]  }
0xe5: {  	v2 =	vld [tilespmem:s29+$0x0];
	_ =	sdelay $0x4  }
0xe6: {  	v1 =	vadd.s32 v1, v2  }
0xe7: {  	s26 =	sor.u32 $0x280, s22;
	[tilespmem:s25+$0x1800] =	vst v1  }
0xe8: {  	s30 =	sor.u32 s24, s19;
	v1 =	vld [tilespmem:s26+$0x1800]  }
0xe9: {  	v2 =	vld [tilespmem:s30+$0x0];
	_ =	sdelay $0x4  }
0xea: {  	v1 =	vadd.s32 v1, v2  }
0xeb: {  	s31 =	sor.u32 $0x300, s22;
	[tilespmem:s26+$0x1800] =	vst v1  }
0xec: {  	s29 =	sor.u32 s24, s20;
	v1 =	vld [tilespmem:s31+$0x1800]  }
0xed: {  	v2 =	vld [tilespmem:s29+$0x0];
	_ =	sdelay $0x4  }
0xee: {  	v1 =	vadd.s32 v1, v2  }
0xef: {  	s22 =	sor.u32 $0x380, s22;
	[tilespmem:s31+$0x1800] =	vst v1  }
0xf0: {  	s24 =	sor.u32 s24, s21;
	v1 =	vld [tilespmem:s22+$0x1800]  }
0xf1: {  	v2 =	vld [tilespmem:s24+$0x0];
	_ =	sdelay $0x4  }
0xf2: {  	v1 =	vadd.s32 v1, v2  }
0xf3: {  	[tilespmem:s22+$0x1800] =	vst v1  }
0xf4: {  	v1 =	vld [tilespmem:s23+$0x0]  }
0xf5: {  	v2 =	vld [tilespmem:s25+$0x1800];
	_ =	sdelay $0x4  }
0xf6: {  	v1 =	vadd.s32 v1, v2  }
0xf7: {  	v2 =	vld [tilespmem:s23+$0x80];
	[tilespmem:s23+$0x0] =	vst v1  }
0xf8: {  	v3 =	vld [tilespmem:s26+$0x1800];
	_ =	sdelay $0x4  }
0xf9: {  	v2 =	vadd.s32 v2, v3  }
0xfa: {  	v3 =	vld [tilespmem:s23+$0x100];
	[tilespmem:s23+$0x80] =	vst v2  }
0xfb: {  	v4 =	vld [tilespmem:s31+$0x1800];
	_ =	sdelay $0x4  }
0xfc: {  	v3 =	vadd.s32 v3, v4  }
0xfd: {  	v58 =	vld [tilespmem:s23+$0x180];
	[tilespmem:s23+$0x100] =	vst v3  }
0xfe: {  	v59 =	vld [tilespmem:s22+$0x1800];
	_ =	sdelay $0x4  }
0xff: {  	v4 =	vadd.s32 v58, v59  }
0x100: {  	v1 =	vadd.s32 v1, v3;
	v2 =	vadd.s32 v2, v4  }
0x101: {  	s24 =	sor.u32 $0x20, s15;
	[tilespmem:s23+$0x180] =	vst v4;
	v1 =	vadd.s32 v1, v2  }
0x102: {  	s22 =	sor.u32 s24, s13;
	[tilespmem:s23+$0x0] =	vst v1  }
0x103: {  	s30 =	sor.u32 s24, s11;
	[tilespmem:s23+$0x80] =	vst v2;
	v1 =	vld [tilespmem:s22+$0x0]  }
0x104: {  	v2 =	vld [tilespmem:s30+$0x0];
	_ =	sdelay $0x4  }
0x105: {  	v1 =	vadd.s32 v1, v2  }
0x106: {  	s31 =	sor.u32 s24, s12;
	[tilespmem:s22+$0x0] =	vst v1;
	v1 =	vld [tilespmem:s22+$0x80]  }
0x107: {  	v2 =	vld [tilespmem:s31+$0x0];
	_ =	sdelay $0x4  }
0x108: {  	v1 =	vadd.s32 v1, v2  }
0x109: {  	s25 =	sor.u32 s24, s14;
	[tilespmem:s22+$0x80] =	vst v1;
	v1 =	vld [tilespmem:s22+$0x100]  }
0x10a: {  	v2 =	vld [tilespmem:s25+$0x0];
	_ =	sdelay $0x4  }
0x10b: {  	v1 =	vadd.s32 v1, v2  }
0x10c: {  	s26 =	sor.u32 s24, s16;
	[tilespmem:s22+$0x100] =	vst v1;
	v1 =	vld [tilespmem:s22+$0x180]  }
0x10d: {  	v2 =	vld [tilespmem:s26+$0x0];
	_ =	sdelay $0x4  }
0x10e: {  	s23 =	sadd.s32 $0x20, s17;
	v1 =	vadd.s32 v1, v2  }
0x10f: {  	s25 =	sor.u32 $0x200, s23;
	[tilespmem:s22+$0x180] =	vst v1  }
0x110: {  	s28 =	sor.u32 s24, s18;
	v1 =	vld [tilespmem:s25+$0x1800]  }
0x111: {  	v2 =	vld [tilespmem:s28+$0x0];
	_ =	sdelay $0x4  }
0x112: {  	v1 =	vadd.s32 v1, v2  }
0x113: {  	s26 =	sor.u32 $0x280, s23;
	[tilespmem:s25+$0x1800] =	vst v1  }
0x114: {  	s29 =	sor.u32 s24, s19;
	v1 =	vld [tilespmem:s26+$0x1800]  }
0x115: {  	v2 =	vld [tilespmem:s29+$0x0];
	_ =	sdelay $0x4  }
0x116: {  	v1 =	vadd.s32 v1, v2  }
0x117: {  	s30 =	sor.u32 $0x300, s23;
	[tilespmem:s26+$0x1800] =	vst v1  }
0x118: {  	s31 =	sor.u32 s24, s20;
	v1 =	vld [tilespmem:s30+$0x1800]  }
0x119: {  	v2 =	vld [tilespmem:s31+$0x0];
	_ =	sdelay $0x4  }
0x11a: {  	v1 =	vadd.s32 v1, v2  }
0x11b: {  	s23 =	sor.u32 $0x380, s23;
	[tilespmem:s30+$0x1800] =	vst v1  }
0x11c: {  	s24 =	sor.u32 s24, s21;
	v1 =	vld [tilespmem:s23+$0x1800]  }
0x11d: {  	v2 =	vld [tilespmem:s24+$0x0];
	_ =	sdelay $0x4  }
0x11e: {  	v1 =	vadd.s32 v1, v2  }
0x11f: {  	[tilespmem:s23+$0x1800] =	vst v1  }
0x120: {  	v1 =	vld [tilespmem:s22+$0x0]  }
0x121: {  	v2 =	vld [tilespmem:s25+$0x1800];
	_ =	sdelay $0x4  }
0x122: {  	v1 =	vadd.s32 v1, v2  }
0x123: {  	v2 =	vld [tilespmem:s22+$0x80];
	[tilespmem:s22+$0x0] =	vst v1  }
0x124: {  	v3 =	vld [tilespmem:s26+$0x1800];
	_ =	sdelay $0x4  }
0x125: {  	v2 =	vadd.s32 v2, v3  }
0x126: {  	v3 =	vld [tilespmem:s22+$0x100];
	[tilespmem:s22+$0x80] =	vst v2  }
0x127: {  	v4 =	vld [tilespmem:s30+$0x1800];
	_ =	sdelay $0x4  }
0x128: {  	v3 =	vadd.s32 v3, v4  }
0x129: {  	v60 =	vld [tilespmem:s22+$0x180];
	[tilespmem:s22+$0x100] =	vst v3  }
0x12a: {  	v61 =	vld [tilespmem:s23+$0x1800];
	_ =	sdelay $0x4  }
0x12b: {  	v4 =	vadd.s32 v60, v61  }
0x12c: {  	v1 =	vadd.s32 v1, v3;
	v2 =	vadd.s32 v2, v4  }
0x12d: {  	s15 =	sor.u32 $0x30, s15;
	[tilespmem:s22+$0x180] =	vst v4;
	v1 =	vadd.s32 v1, v2  }
0x12e: {  	s13 =	sor.u32 s15, s13;
	[tilespmem:s22+$0x0] =	vst v1  }
0x12f: {  	s11 =	sor.u32 s15, s11;
	[tilespmem:s22+$0x80] =	vst v2;
	v1 =	vld [tilespmem:s13+$0x0]  }
0x130: {  	v2 =	vld [tilespmem:s11+$0x0];
	_ =	sdelay $0x4  }
0x131: {  	v1 =	vadd.s32 v1, v2  }
0x132: {  	s12 =	sor.u32 s15, s12;
	[tilespmem:s13+$0x0] =	vst v1;
	v1 =	vld [tilespmem:s13+$0x80]  }
0x133: {  	v2 =	vld [tilespmem:s12+$0x0];
	_ =	sdelay $0x4  }
0x134: {  	v1 =	vadd.s32 v1, v2  }
0x135: {  	s22 =	sor.u32 s15, s14;
	[tilespmem:s13+$0x80] =	vst v1;
	v1 =	vld [tilespmem:s13+$0x100]  }
0x136: {  	v2 =	vld [tilespmem:s22+$0x0];
	_ =	sdelay $0x4  }
0x137: {  	v1 =	vadd.s32 v1, v2  }
0x138: {  	s23 =	sor.u32 s15, s16;
	[tilespmem:s13+$0x100] =	vst v1;
	v1 =	vld [tilespmem:s13+$0x180]  }
0x139: {  	v2 =	vld [tilespmem:s23+$0x0];
	_ =	sdelay $0x4  }
0x13a: {  	s24 =	sadd.s32 $0x30, s17;
	v1 =	vadd.s32 v1, v2  }
0x13b: {  	s25 =	sor.u32 $0x200, s24;
	[tilespmem:s13+$0x180] =	vst v1  }
0x13c: {  	s26 =	sor.u32 s15, s18;
	v1 =	vld [tilespmem:s25+$0x1800]  }
0x13d: {  	v2 =	vld [tilespmem:s26+$0x0];
	_ =	sdelay $0x4  }
0x13e: {  	v1 =	vadd.s32 v1, v2  }
0x13f: {  	s28 =	sor.u32 $0x280, s24;
	[tilespmem:s25+$0x1800] =	vst v1  }
0x140: {  	s29 =	sor.u32 s15, s19;
	v1 =	vld [tilespmem:s28+$0x1800]  }
0x141: {  	v2 =	vld [tilespmem:s29+$0x0];
	_ =	sdelay $0x4  }
0x142: {  	v1 =	vadd.s32 v1, v2  }
0x143: {  	s30 =	sor.u32 $0x300, s24;
	[tilespmem:s28+$0x1800] =	vst v1  }
0x144: {  	s31 =	sor.u32 s15, s20;
	v1 =	vld [tilespmem:s30+$0x1800]  }
0x145: {  	v2 =	vld [tilespmem:s31+$0x0];
	_ =	sdelay $0x4  }
0x146: {  	v1 =	vadd.s32 v1, v2  }
0x147: {  	s11 =	sor.u32 $0x380, s24;
	[tilespmem:s30+$0x1800] =	vst v1  }
0x148: {  	s15 =	sor.u32 s15, s21;
	v1 =	vld [tilespmem:s11+$0x1800]  }
0x149: {  	v2 =	vld [tilespmem:s15+$0x0];
	_ =	sdelay $0x4  }
0x14a: {  	v1 =	vadd.s32 v1, v2  }
0x14b: {  	[tilespmem:s11+$0x1800] =	vst v1  }
0x14c: {  	v1 =	vld [tilespmem:s13+$0x0]  }
0x14d: {  	v2 =	vld [tilespmem:s25+$0x1800];
	_ =	sdelay $0x4  }
0x14e: {  	v1 =	vadd.s32 v1, v2  }
0x14f: {  	v2 =	vld [tilespmem:s13+$0x80];
	[tilespmem:s13+$0x0] =	vst v1  }
0x150: {  	v3 =	vld [tilespmem:s28+$0x1800];
	_ =	sdelay $0x4  }
0x151: {  	v2 =	vadd.s32 v2, v3  }
0x152: {  	v3 =	vld [tilespmem:s13+$0x100];
	[tilespmem:s13+$0x80] =	vst v2  }
0x153: {  	v4 =	vld [tilespmem:s30+$0x1800];
	_ =	sdelay $0x4  }
0x154: {  	v3 =	vadd.s32 v3, v4  }
0x155: {  	v62 =	vld [tilespmem:s13+$0x180];
	[tilespmem:s13+$0x100] =	vst v3  }
0x156: {  	v63 =	vld [tilespmem:s11+$0x1800];
	_ =	sdelay $0x1  }
0x157: {  	s7 =	sadd.s32 $0x4, s7  }
0x158: {  	p1 =	slt.u32 s7, $0xC  }
.Ltmp4:
0x159: {  	_ = 	snop;
	(pc) =	sbr.rel @p1 .LBB2_8-.Ltmp4, $4  }
0x15a: {  	v4 =	vadd.s32 v62, v63  }
0x15b: {  	v1 =	vadd.s32 v1, v3;
	[tilespmem:s13+$0x180] =	vst v4;
	v2 =	vadd.s32 v2, v4  }
0x15c: {  	s9 =	sadd.s32 $0x240, s9;
	[tilespmem:s13+$0x80] =	vst v2;
	v1 =	vadd.s32 v1, v2  }
0x15d: {  	s8 =	sadd.s32 $0x40, s8;
	p0 =	por !p0, !p0;
	s10 =	sadd.s32 $0x200, s10;
	[tilespmem:s13+$0x0] =	vst v1  }
0x15e: {  	v1 =	vld [tilespmem:$0x1810]  }
0x15f: {  	v2 =	vld [tilespmem:$0x1820]  }
0x160: {  	v3 =	vld [tilespmem:$0x1830]  }
0x161: {  	v4 =	vld [tilespmem:$0x1840]  }
0x162: {  	v5 =	vld [tilespmem:$0x1850]  }
0x163: {  	(xrf0) =	vadd.scan.msk.s32 $0xffff, v1;
	v1 =	vld [tilespmem:$0x1860]  }
0x164: {  	(xrf0) =	vadd.scan.msk.s32 $0xffff, v2;
	v2 =	vld [tilespmem:$0x1870]  }
0x165: {  	(xrf0) =	vadd.scan.msk.s32 $0xffff, v3;
	v3 =	vld [tilespmem:$0x1C00]  }
0x166: {  	(xrf0) =	vadd.scan.msk.s32 $0xffff, v4;
	v4 =	vld [tilespmem:$0x1C10]  }
0x167: {  	(xrf0) =	vadd.scan.msk.s32 $0xffff, v5;
	v5 =	vld [tilespmem:$0x1C20]  }
0x168: {  	(xrf0) =	vadd.scan.msk.s32 $0xffff, v1;
	v1 =	vld [tilespmem:$0x1C30]  }
0x169: {  	v6, _, _ =	vpop (xrf0);
	(xrf0) =	vadd.scan.msk.s32 $0xffff, v2;
	v2 =	vld [tilespmem:$0x1C40]  }
0x16a: {  	(v2sf) =	vpush v6, $0xF;
	v6, _, _ =	vpop (xrf0);
	(xrf0) =	vadd.scan.msk.s32 $0xffff, v3;
	v3 =	vld [tilespmem:$0x1C50]  }
0x16b: {  	(v2sf) =	vpush v6, $0xF;
	v6, _, _ =	vpop (xrf0);
	(xrf0) =	vadd.scan.msk.s32 $0xffff, v4;
	v4 =	vld [tilespmem:$0x1C60]  }
0x16c: {  	(v2sf) =	vpush v6, $0xF;
	v6, _, _ =	vpop (xrf0);
	(xrf0) =	vadd.scan.msk.s32 $0xffff, v5;
	v5 =	vld [tilespmem:$0x1C70]  }
0x16d: {  	(v2sf) =	vpush v6, $0xF;
	v6, _, _ =	vpop (xrf0);
	(xrf0) =	vadd.scan.msk.s32 $0xffff, v1  }
0x16e: {  	(v2sf) =	vpush v6, $0xF;
	v1, _, _ =	vpop (xrf0);
	(xrf0) =	vadd.scan.msk.s32 $0xffff, v2  }
0x16f: {  	(v2sf) =	vpush v1, $0xF;
	v1, _, _ =	vpop (xrf0);
	(xrf0) =	vadd.scan.msk.s32 $0xffff, v3  }
0x170: {  	(v2sf) =	vpush v1, $0xF;
	v1, _, _ =	vpop (xrf0);
	(xrf0) =	vadd.scan.msk.s32 $0xffff, v4  }
0x171: {  	(v2sf) =	vpush v1, $0xF;
	v1, _, _ =	vpop (xrf0);
	(xrf0) =	vadd.scan.msk.s32 $0xffff, v5  }
0x172: {  	v2, _, _ =	vpop (xrf0);
	(v2sf) =	vpush v1, $0xF  }
0x173: {  	v1, _, _ =	vpop (xrf0);
	(v2sf) =	vpush v2, $0xF  }
0x174: {  	v2, _, _ =	vpop (xrf0);
	(v2sf) =	vpush v1, $0xF  }
0x175: {  	v1, _, _ =	vpop (xrf0);
	(v2sf) =	vpush v2, $0xF  }
0x176: {  	v2, _, _ =	vpop (xrf0);
	(v2sf) =	vpush v1, $0xF  }
0x177: {  	(v2sf) =	vpush v2, $0xF;
	v1, _, _ =	vpop (xrf0)  }
0x178: {  	(v2sf) =	vpush v1, $0xF  }
0x179: {  	s7 =	spop (v2sf)  }
0x17a: {  	s21 =	spop (v2sf)  }
0x17b: {  	s20 =	spop (v2sf)  }
0x17c: {  	s19 =	spop (v2sf)  }
0x17d: {  	s18 =	spop (v2sf)  }
0x17e: {  	s17 =	spop (v2sf)  }
0x17f: {  	s16 =	spop (v2sf)  }
0x180: {  	s15 =	spop (v2sf)  }
0x181: {  	s14 =	spop (v2sf)  }
0x182: {  	s13 =	spop (v2sf)  }
0x183: {  	s12 =	spop (v2sf)  }
0x184: {  	s11 =	spop (v2sf)  }
0x185: {  	s10 =	spop (v2sf)  }
0x186: {  	s9 =	spop (v2sf)  }
0x187: {  	s8 =	spop (v2sf)  }
0x188: {  	s9 =	sadd.s32 s9, s8  }
0x189: {  	s10 =	sadd.s32 s10, s9  }
0x18a: {  	s11 =	sadd.s32 s11, s10  }
0x18b: {  	s12 =	sadd.s32 s12, s11  }
0x18c: {  	s13 =	sadd.s32 s13, s12  }
0x18d: {  	s14 =	sadd.s32 s14, s13  }
0x18e: {  	s15 =	sadd.s32 s15, s14  }
0x18f: {  	s16 =	sadd.s32 s16, s15  }
0x190: {  	s17 =	sadd.s32 s17, s16  }
0x191: {  	s18 =	sadd.s32 s18, s17  }
0x192: {  	s19 =	sadd.s32 s19, s18  }
0x193: {  	s20 =	sadd.s32 s20, s19  }
0x194: {  	s21 =	sadd.s32 s21, s20  }
0x195: {  	s7 =	sadd.s32 s7, s21  }
0x196: {  	p0 =	slt.s32 s21, $0x2CCC;
	p1 =	sgt.s32 s7, $0x2CCB  }
0x197: {  	p4 =	slt.s32 s18, $0x2CCC;
	p0 =	por !p0, !p1  }
0x198: {  	p2 =	slt.s32 s19, $0x2CCC;
	p5 =	slt.s32 s20, $0x2CCC;
	s22 =	simm.s32 @!p0 $0x0  }
0x199: {  	p3 =	sgt.s32 s20, $0x2CCB;
	p6 =	sgt.s32 s21, $0x2CCB;
	s22 =	simm.s32 @p0 $0x1  }
0x19a: {  	p0 =	por !p5, !p6;
	p5 =	por !p2, !p3;
	p2 =	sgt.s32 s19, $0x2CCB  }
0x19b: {  	p6 =	slt.s32 s17, $0x2CCC;
	[smem:$0x7EE] =	sst s22;
	s22 =	simm.s32 @!p0 $0x0  }
0x19c: {  	p3 =	sgt.s32 s17, $0x2CCB;
	p5 =	por !p5, !p5;
	s22 =	simm.s32 @p0 $0x1  }
0x19d: {  	p0 =	por !p4, !p2;
	p2 =	slt.s32 s16, $0x2CCC;
	s25 =	sld [smem:$0x7EE]  }
0x19e: {  	p4 =	slt.s32 s15, $0x2CCC;
	[smem:$0x7EF] =	sst s22;
	s22 =	simm.s32 @!p0 $0x0  }
0x19f: {  	p1 =	por !p2, !p3;
	s22 =	simm.s32 @p0 $0x1;
	p0 =	sgt.s32 s18, $0x2CCB  }
0x1a0: {  	p3 =	sgt.s32 s16, $0x2CCB;
	s23 =	sld [smem:$0x7EF];
	p0 =	por !p6, !p0  }
0x1a1: {  	[smem:$0x7F2] =	sst s22;
	p6 =	slt.s32 s14, $0x2CCC;
	s22 =	simm.s32 @!p0 $0x0  }
0x1a2: {  	s26 =	sld [smem:$0x7F2];
	s22 =	simm.s32 @p0 $0x1;
	p0 =	por !p4, !p3  }
0x1a3: {  	p3 =	slt.s32 s13, $0x2CCC;
	p4 =	sgt.s32 s14, $0x2CCB;
	[smem:$0x7F4] =	sst s22  }
0x1a4: {  	s22 =	simm.s32 @!p0 $0x0;
	p2 =	por !p3, !p4;
	p4 =	sgt.s32 s13, $0x2CCB  }
0x1a5: {  	p3 =	seq.s32 s23, $0x1;
	s22 =	simm.s32 @p0 $0x1;
	p0 =	sgt.s32 s15, $0x2CCB  }
0x1a6: {  	s28 =	sld [smem:$0x7F4];
	p6 =	por !p6, !p0;
	p0 =	slt.s32 s12, $0x2CCC  }
0x1a7: {  	[smem:$0x7F7] =	sst s22;
	p0 =	por !p0, !p4;
	p4 =	seq.s32 s25, $0x1  }
0x1a8: {  	s29 =	sld [smem:$0x7F7];
	s22 =	simm.s32 @!p0 $0x0;
	p4 =	por !p4, !p4  }
0x1a9: {  	s22 =	simm.s32 @p0 $0x1;
	p0 =	por !p3, !p3;
	s23 =	simm.s32 @!p4 $0x0  }
0x1aa: {  	[smem:$0x7FB] =	sst s22;
	s22 =	simm.s32 $0x10;
	s23 =	simm.s32 @p4 $0x1  }
0x1ab: {  	p3 =	sgt.s32 s12, $0x2CCB;
	[smem:$0x7F0] =	sst s23;
	s22 =	simm.s32 @!p4 $0x0  }
0x1ac: {  	s23 =	simm.s32 @!p0 $0x0;
	p4 =	slt.s32 s11, $0x2CCC;
	s30 =	sld [smem:$0x7FB]  }
0x1ad: {  	s23 =	simm.s32 @p0 $0x1;
	s22 =	simm.s32 @p0 $0x20;
	p3 =	por !p4, !p3  }
0x1ae: {  	p4 =	seq.s32 s26, $0x1;
	[smem:$0x7F1] =	sst s23;
	s23 =	simm.s32 @!p5 $0x0  }
0x1af: {  	p4 =	por !p4, !p4;
	s22 =	simm.s32 @p5 $0x30;
	s23 =	simm.s32 @p5 $0x1  }
0x1b0: {  	p5 =	seq.s32 s28, $0x1;
	[smem:$0x7F3] =	sst s23;
	s23 =	simm.s32 @!p4 $0x0  }
0x1b1: {  	p0 =	por !p1, !p1;
	p5 =	por !p5, !p5;
	s23 =	simm.s32 @p4 $0x1  }
0x1b2: {  	s22 =	simm.s32 @p4 $0x40;
	[smem:$0x7F5] =	sst s23;
	s23 =	simm.s32 @!p5 $0x0  }
0x1b3: {  	p3 =	por !p3, !p3;
	s22 =	simm.s32 @p5 $0x50;
	s23 =	simm.s32 @p5 $0x1  }
0x1b4: {  	p4 =	slt.s32 s10, $0x2CCC;
	p5 =	sgt.s32 s11, $0x2CCB;
	[smem:$0x7F6] =	sst s23  }
0x1b5: {  	p4 =	por !p4, !p5;
	p5 =	seq.s32 s29, $0x1;
	s23 =	simm.s32 @!p0 $0x0  }
0x1b6: {  	s22 =	simm.s32 @p0 $0x60;
	p1 =	por !p5, !p5;
	s23 =	simm.s32 @p0 $0x1  }
0x1b7: {  	p0 =	por !p6, !p6;
	p6 =	por !p2, !p2;
	p2 =	seq.s32 s30, $0x1  }
0x1b8: {  	[smem:$0x7F8] =	sst s23;
	s23 =	simm.s32 @!p1 $0x0;
	s22 =	simm.s32 @p1 $0x70  }
0x1b9: {  	p4 =	por !p4, !p4;
	s23 =	simm.s32 @p1 $0x1;
	s22 =	simm.s32 @p0 $0x80  }
0x1ba: {  	p1 =	sgt.s32 s10, $0x2CCB;
	[smem:$0x7F9] =	sst s23;
	s23 =	simm.s32 @!p0 $0x0  }
0x1bb: {  	s22 =	simm.s32 @p6 $0x90;
	s23 =	simm.s32 @p0 $0x1;
	p0 =	slt.s32 s9, $0x2CCC  }
0x1bc: {  	[smem:$0x7FA] =	sst s23;
	p5 =	por !p0, !p1;
	p0 =	por !p2, !p2  }
0x1bd: {  	s23 =	simm.s32 @!p6 $0x0;
	p1 =	slt.s32 s8, $0x2CCC;
	p2 =	sgt.s32 s9, $0x2CCB  }
0x1be: {  	s23 =	simm.s32 @p6 $0x1;
	s22 =	simm.s32 @p0 $0xA0;
	p5 =	por !p5, !p5  }
0x1bf: {  	[smem:$0x7FC] =	sst s23;
	s23 =	simm.s32 @!p0 $0x0;
	s22 =	simm.s32 @p3 $0xB0  }
0x1c0: {  	s23 =	simm.s32 @p0 $0x1;
	p0 =	por !p1, !p2;
	s22 =	simm.s32 @p4 $0xC0  }
0x1c1: {  	p6 =	por !p0, !p0;
	s22 =	simm.s32 @p5 $0xD0  }
0x1c2: {  	p0 =	sgt.s32 s8, $0x2CCB;
	s22 =	simm.s32 @p6 $0xE0  }
0x1c3: {  	s22 =	simm.s32 @p0 $0xF0  }
0x1c4: {  	s31 =	sshll.u32 s22, $0x3  }
0x1c5: {  	[smem:$0x7FD] =	sst s23;
	s24 =	sand.u32 $0x7F, s22;
	s23 =	sand.u32 $0x7FFFFC00, s31  }
0x1c6: {  	s23 =	sor.u32 s24, s23  }
0x1c7: {  	v1 =	vld [tilespmem:s23+$0x1800]  }
0x1c8: {  	v2 =	vlaneseq.u32  }
0x1c9: {  	v2 =	vmul.u32 $0xFFFFFFFF, v2;
	_ =	sdelay $0x1  }
0x1ca: {  	v2 =	vadd.s32 $0xF, v2  }
0x1cb: {  	v3 =	vperm.xlane v1, v2;
	_ =	sdelay $0x1  }
0x1cc: {  	s23 =	simm.s32 $0x840;
	(xrf0) =	vadd.scan.msk.s32 $0xffff, v3;
	v3 =	vimm.s32 $0x0  }
0x1cd: {  	v4 =	vld [tilespmem:$0x1800];
	[tilespmem:s23+$0xFFFFFFC0] =	vst v3  }
0x1ce: {  	[tilespmem:s23+$0x30] =	vst v3  }
0x1cf: {  	[tilespmem:s23+$0x20] =	vst v3  }
0x1d0: {  	[tilespmem:s23+$0x10] =	vst v3  }
0x1d1: {  	[tilespmem:s23+$0x0] =	vst v3  }
0x1d2: {  	[tilespmem:s23+$0xFFFFFFF0] =	vst v3;
	v5, _, _ =	vpop (xrf0)  }
0x1d3: {  	s24 =	simm.s32 $0x0;
	[tilespmem:s23+$0xFFFFFFE0] =	vst v3;
	v2 =	vperm.xlane v5, v2  }
.LBB2_10:
0x1d4: {  	s24 =	sadd.s32 $0x8, s24;
	[tilespmem:s23+$0xFFFFFFD0] =	vst v3;
	s23 =	sadd.s32 $0x80, s23  }
0x1d5: {  	[tilespmem:s23+$0xFFFFFFC0] =	vst v3;
	p1 =	slt.u32 s24, $0xF8  }
0x1d6: {  	[tilespmem:s23+$0x30] =	vst v3  }
.Ltmp5:
0x1d7: {  	[tilespmem:s23+$0x20] =	vst v3;
	(pc) =	sbr.rel @p1 .LBB2_10-.Ltmp5, $4  }
0x1d8: {  	[tilespmem:s23+$0x10] =	vst v3  }
0x1d9: {  	[tilespmem:s23+$0x0] =	vst v3  }
0x1da: {  	[tilespmem:s23+$0xFFFFFFF0] =	vst v3  }
0x1db: {  	[tilespmem:s23+$0xFFFFFFE0] =	vst v3  }
0x1dc: {  	(xrf0) =	vadd.scan.msk.s32 $0xffff, v4;
	_ =	sdelay $0x5  }
0x1dd: {  	v4, _, _ =	vpop (xrf0)  }
0x1de: {  	(v2sf) =	vpush v4, $0xF;
	_ =	sdelay $0xe  }
0x1df: {  	s24 =	spop (v2sf)  }
0x1e0: {  	s29 =	sld [smem:$0x7F0];
	s24 =	sadd.s32 s24, s7  }
0x1e1: {  	p1 =	sgt.s32 s24, $0x2CCB  }
0x1e2: {  	p2 =	slt.s32 s7, $0x2CCC;
	s30 =	sld [smem:$0x7F1];
	s7 =	simm.s32 @!p1 $0x0  }
0x1e3: {  	s31 =	sld [smem:$0x7F3];
	p1 =	seq.s32 s29, $0x1;
	s7 =	simm.s32 @!p2 $0x0  }
0x1e4: {  	s7 =	smov.u32 @p1 s21;
	s21 =	sld [smem:$0x7F5]  }
0x1e5: {  	s24 =	sld [smem:$0x7F6];
	p1 =	seq.s32 s30, $0x1  }
0x1e6: {  	s25 =	sld [smem:$0x7F8];
	s7 =	smov.u32 @p1 s20;
	p1 =	seq.s32 s31, $0x1  }
0x1e7: {  	s26 =	sld [smem:$0x7F9];
	s7 =	smov.u32 @p1 s19;
	p1 =	seq.s32 s21, $0x1  }
0x1e8: {  	s28 =	sld [smem:$0x7FA];
	s7 =	smov.u32 @p1 s18;
	p1 =	seq.s32 s24, $0x1  }
0x1e9: {  	s29 =	sld [smem:$0x7FC];
	s7 =	smov.u32 @p1 s17;
	p1 =	seq.s32 s25, $0x1  }
0x1ea: {  	s30 =	sld [smem:$0x7FD];
	s7 =	smov.u32 @p1 s16;
	p1 =	seq.s32 s26, $0x1  }
0x1eb: {  	s7 =	smov.u32 @p1 s15;
	p1 =	seq.s32 s28, $0x1  }
0x1ec: {  	s7 =	smov.u32 @p1 s14;
	p1 =	seq.s32 s29, $0x1  }
0x1ed: {  	s7 =	smov.u32 @p1 s13;
	p1 =	seq.s32 s30, $0x1  }
0x1ee: {  	s7 =	smov.u32 @p1 s12  }
0x1ef: {  	s7 =	smov.u32 @p3 s11  }
0x1f0: {  	s7 =	smov.u32 @p4 s10  }
0x1f1: {  	s7 =	smov.u32 @p5 s9  }
0x1f2: {  	s7 =	smov.u32 @p6 s8  }
0x1f3: {  	s7 =	simm.s32 @p0 $0x0  }
0x1f4: {  	v5 =	vlaneseq.u32;
	v4 =	vadd.s32 s7, v2  }
0x1f5: {  	vm0 =	vgt.s32 v4, $0x2CCB;
	v4 =	vor.u32 $0x80000000, v5  }
0x1f6: {  	v4 =	vnsel vm0, $0x7FFFFFFF, v4  }
0x1f7: {  	(xrf0) =	vmax.scan.msk.u32 $0xffff, v4;
	_ =	sdelay $0x5  }
0x1f8: {  	v4, _, _ =	vpop (xrf0)  }
0x1f9: {  	(v2sf) =	vpush v4, $0xF;
	_ =	sdelay $0xe  }
0x1fa: {  	s9 =	spop (v2sf)  }
0x1fb: {  	s31 =	sadd.s32 s22, s9  }
0x1fc: {  	s8 =	sshll.u32 s31, $0x18  }
0x1fd: {  	s8 =	sxor.u32 $0x80000000, s8  }
0x1fe: {  	[tilespmem:s23+$0xFFFFFFD0] =	vst v3;
	s12 =	simm.s32 $0x0;
	s10 =	simm.s32 $0x0;
	v4 =	vmul.u32 $0x100, v5;
	v5 =	vimm.s32 $0x1;
	v3 =	vmov s8  }
.LBB2_12:
0x1ff: {  	s11 =	sshra.s32 s12, $0x2  }
0x200: {  	v6 =	vld [tilespmem:s11+$0x400];
	_ =	sdelay $0x4  }
0x201: {  	v7 =	vand.u32 $0xFF000000, v6;
	v6 =	vshrl.u32 v6, $0x10  }
0x202: {  	vm0 =	veq.s32 v7, v3;
	v6 =	vand.u32 $0xFF, v6  }
0x203: {  	p0 =	sne.s32 s12, $0xFC0;
	v6 =	vor.u32 v4, v6  }
.Ltmp6:
0x204: {  	_ = 	snop;
	(pc) =	sbr.rel @p0 .LBB2_12-.Ltmp6, $3  }
0x205: {  	_ =	sdelay $0x1  }
0x206: {  	s11 =	simm.s32 $0x800  }
0x207: {  	s12 =	sadd.s32 $0x40, s12;
	[tilespmem:v6+s11+$0x0] =	vst.idx.add.s32.msk vm0, v5  }
0x208: {  	s12 =	simm.s32 $0xFFFFFFFC  }
.LBB2_14:
0x209: {  	v3 =	vld [tilespmem:s11+$0x0];
	s13 =	sand.u32 $0xC0, s10  }
0x20a: {  	v4 =	vld [tilespmem:s13+$0x1000];
	_ =	sdelay $0x4  }
0x20b: {  	v3 =	vadd.s32 v3, v4  }
0x20c: {  	[tilespmem:s11+$0x0] =	vst v3  }
0x20d: {  	v3 =	vld [tilespmem:s13+$0x900]  }
0x20e: {  	v39 =	vld [tilespmem:s13+$0x1100]  }
0x20f: {  	v5 =	vld [tilespmem:s13+$0xA00]  }
0x210: {  	v6 =	vld [tilespmem:s13+$0x1200]  }
0x211: {  	v7 =	vld [tilespmem:s13+$0xB00]  }
0x212: {  	v11 =	vld [tilespmem:s13+$0xD00]  }
0x213: {  	v12 =	vld [tilespmem:s13+$0x1500]  }
0x214: {  	v13 =	vld [tilespmem:s13+$0xE00]  }
0x215: {  	v14 =	vld [tilespmem:s13+$0x1600]  }
0x216: {  	v40 =	vld [tilespmem:s13+$0xF00]  }
0x217: {  	v41 =	vld [tilespmem:s13+$0x1700]  }
0x218: {  	v8 =	vld [tilespmem:s13+$0x1300]  }
0x219: {  	v9 =	vld [tilespmem:s13+$0xC00];
	v3 =	vadd.s32 v3, v39  }
0x21a: {  	v10 =	vld [tilespmem:s13+$0x1400];
	v42 =	vadd.s32 v11, v12;
	[tilespmem:s13+$0x900] =	vst v3  }
0x21b: {  	v43 =	vadd.s32 v13, v14;
	[tilespmem:s13+$0xD00] =	vst v42  }
0x21c: {  	v4 =	vadd.s32 v40, v41;
	[tilespmem:s13+$0xE00] =	vst v43  }
0x21d: {  	v3 =	vadd.s32 v5, v6;
	[tilespmem:s13+$0xF00] =	vst v4  }
0x21e: {  	[tilespmem:s13+$0xA00] =	vst v3;
	v3 =	vadd.s32 v7, v8  }
0x21f: {  	[tilespmem:s13+$0xB00] =	vst v3;
	v3 =	vadd.s32 v9, v10  }
0x220: {  	[tilespmem:s13+$0xC00] =	vst v3  }
0x221: {  	v4 =	vld [tilespmem:s11+$0x0];
	_ =	sdelay $0x4  }
0x222: {  	v3 =	vadd.s32 v3, v4  }
0x223: {  	[tilespmem:s11+$0x0] =	vst v3  }
0x224: {  	v3 =	vld [tilespmem:s13+$0x900]  }
0x225: {  	v44 =	vld [tilespmem:s13+$0xD00]  }
0x226: {  	v45 =	vld [tilespmem:s13+$0xA00]  }
0x227: {  	v46 =	vld [tilespmem:s13+$0xB00]  }
0x228: {  	v47 =	vld [tilespmem:s13+$0xF00]  }
0x229: {  	v6 =	vld [tilespmem:s13+$0xE00];
	_ =	sdelay $0x2  }
0x22a: {  	v3 =	vadd.s32 v3, v44  }
0x22b: {  	v48 =	vadd.s32 v46, v47;
	[tilespmem:s13+$0x900] =	vst v3  }
0x22c: {  	v3 =	vadd.s32 v45, v6;
	[tilespmem:s13+$0xB00] =	vst v48  }
0x22d: {  	[tilespmem:s13+$0xA00] =	vst v3  }
0x22e: {  	v4 =	vld [tilespmem:s11+$0x0];
	_ =	sdelay $0x4  }
0x22f: {  	v3 =	vadd.s32 v3, v4  }
0x230: {  	[tilespmem:s11+$0x0] =	vst v3  }
0x231: {  	v3 =	vld [tilespmem:s13+$0x900]  }
0x232: {  	v49 =	vld [tilespmem:s13+$0xB00];
	_ =	sdelay $0x4  }
0x233: {  	v3 =	vadd.s32 v3, v49  }
0x234: {  	[tilespmem:s13+$0x900] =	vst v3  }
0x235: {  	v50 =	vld [tilespmem:s11+$0x0]  }
0x236: {  	v51 =	vld [tilespmem:s11+$0x810]  }
0x237: {  	v52 =	vld [tilespmem:s11+$0x110]  }
0x238: {  	v53 =	vld [tilespmem:s11+$0x910]  }
0x239: {  	v54 =	vld [tilespmem:s11+$0x210]  }
0x23a: {  	v55 =	vld [tilespmem:s11+$0xA10]  }
0x23b: {  	v56 =	vld [tilespmem:s11+$0x310]  }
0x23c: {  	v57 =	vld [tilespmem:s11+$0xB10]  }
0x23d: {  	v58 =	vld [tilespmem:s11+$0x410]  }
0x23e: {  	v59 =	vld [tilespmem:s11+$0xC10]  }
0x23f: {  	v60 =	vld [tilespmem:s11+$0x510]  }
0x240: {  	v61 =	vld [tilespmem:s11+$0xD10]  }
0x241: {  	v15 =	vld [tilespmem:s11+$0x610]  }
0x242: {  	v16 =	vld [tilespmem:s11+$0xE10]  }
0x243: {  	v17 =	vld [tilespmem:s11+$0x710]  }
0x244: {  	v18 =	vld [tilespmem:s11+$0xF10]  }
0x245: {  	v24 =	vld [tilespmem:s11+$0x820]  }
0x246: {  	v25 =	vld [tilespmem:s11+$0x120]  }
0x247: {  	v26 =	vld [tilespmem:s11+$0x920]  }
0x248: {  	v27 =	vld [tilespmem:s11+$0x220]  }
0x249: {  	v28 =	vld [tilespmem:s11+$0xA20]  }
0x24a: {  	v29 =	vld [tilespmem:s11+$0x320]  }
0x24b: {  	v30 =	vld [tilespmem:s11+$0xB20]  }
0x24c: {  	v31 =	vld [tilespmem:s11+$0x420]  }
0x24d: {  	v32 =	vld [tilespmem:s11+$0xC20]  }
0x24e: {  	v33 =	vld [tilespmem:s11+$0x520]  }
0x24f: {  	v34 =	vld [tilespmem:s11+$0xD20]  }
0x250: {  	v35 =	vld [tilespmem:s11+$0x620]  }
0x251: {  	v36 =	vld [tilespmem:s11+$0xE20]  }
0x252: {  	v37 =	vld [tilespmem:s11+$0x720];
	v3 =	vadd.s32 v3, v50  }
0x253: {  	[tilespmem:s11+$0x0] =	vst v3;
	v3 =	vld [tilespmem:s11+$0x10]  }
0x254: {  	v38 =	vld [tilespmem:s11+$0xF20]  }
0x255: {  	v46 =	vld [tilespmem:s11+$0x830]  }
0x256: {  	v47 =	vld [tilespmem:s11+$0x130];
	v62 =	vadd.s32 v52, v53;
	v63 =	vadd.s32 v54, v55;
	v20 =	vadd.s32 v58, v59  }
0x257: {  	v48 =	vld [tilespmem:s11+$0x930];
	v19 =	vadd.s32 v56, v57;
	v21 =	vadd.s32 v60, v61;
	v22 =	vadd.s32 v15, v16;
	[tilespmem:s11+$0x410] =	vst v20  }
0x258: {  	v49 =	vld [tilespmem:s11+$0x230];
	v23 =	vadd.s32 v17, v18;
	v4 =	vadd.s32 v62, v21;
	[tilespmem:s11+$0x510] =	vst v21;
	v3 =	vadd.s32 v3, v51  }
0x259: {  	v50 =	vld [tilespmem:s11+$0xA30];
	v5 =	vadd.s32 v63, v22;
	v6 =	vadd.s32 v19, v23;
	[tilespmem:s11+$0x610] =	vst v22;
	v3 =	vadd.s32 v3, v20  }
0x25a: {  	v42 =	vadd.s32 v31, v32;
	v52 =	vld [tilespmem:s11+$0x430];
	[tilespmem:s11+$0x710] =	vst v23;
	v4 =	vadd.s32 v4, v6;
	v3 =	vadd.s32 v3, v5  }
0x25b: {  	v53 =	vld [tilespmem:s11+$0xC30];
	[tilespmem:s11+$0x420] =	vst v42;
	v3 =	vadd.s32 v3, v4  }
0x25c: {  	v43 =	vadd.s32 v33, v34;
	[tilespmem:s11+$0x10] =	vst v3;
	v3 =	vld [tilespmem:s11+$0x20]  }
0x25d: {  	v44 =	vadd.s32 v35, v36;
	v54 =	vld [tilespmem:s11+$0x530];
	[tilespmem:s11+$0x520] =	vst v43  }
0x25e: {  	v45 =	vadd.s32 v37, v38;
	v55 =	vld [tilespmem:s11+$0xD30];
	[tilespmem:s11+$0x620] =	vst v44  }
0x25f: {  	v56 =	vld [tilespmem:s11+$0x630];
	[tilespmem:s11+$0x720] =	vst v45  }
0x260: {  	v39 =	vadd.s32 v25, v26;
	v41 =	vadd.s32 v29, v30;
	v57 =	vld [tilespmem:s11+$0xE30];
	[tilespmem:s11+$0x210] =	vst v5  }
0x261: {  	v40 =	vadd.s32 v27, v28;
	v58 =	vld [tilespmem:s11+$0x730];
	[tilespmem:s11+$0x310] =	vst v6;
	v6 =	vadd.s32 v41, v45;
	v3 =	vadd.s32 v3, v24  }
0x262: {  	v59 =	vld [tilespmem:s11+$0xF30];
	[tilespmem:s11+$0x110] =	vst v4;
	v5 =	vadd.s32 v40, v44;
	v4 =	vadd.s32 v39, v43;
	v3 =	vadd.s32 v3, v42  }
0x263: {  	v60 =	vld [tilespmem:s11+$0xB30];
	[tilespmem:s11+$0x320] =	vst v6;
	v8 =	vadd.s32 v52, v53;
	v4 =	vadd.s32 v4, v6;
	v3 =	vadd.s32 v3, v5  }
0x264: {  	v51 =	vld [tilespmem:s11+$0x330];
	[tilespmem:s11+$0x430] =	vst v8;
	v3 =	vadd.s32 v3, v4  }
0x265: {  	v9 =	vadd.s32 v54, v55;
	[tilespmem:s11+$0x20] =	vst v3;
	v3 =	vld [tilespmem:s11+$0x30]  }
0x266: {  	v10 =	vadd.s32 v56, v57;
	[tilespmem:s11+$0x530] =	vst v9  }
0x267: {  	v62 =	vadd.s32 v58, v59;
	[tilespmem:s11+$0x630] =	vst v10  }
0x268: {  	s12 =	sadd.s32 $0x4, s12;
	[tilespmem:s11+$0x730] =	vst v62  }
0x269: {  	p0 =	slt.u32 s12, $0xC;
	v61 =	vadd.s32 v49, v50;
	[tilespmem:s11+$0x220] =	vst v5;
	v7 =	vadd.s32 v51, v60  }
.Ltmp7:
0x26a: {  	[tilespmem:s11+$0x120] =	vst v4;
	v6 =	vadd.s32 v7, v62;
	v5 =	vadd.s32 v47, v48;
	v3 =	vadd.s32 v3, v46;
	(pc) =	sbr.rel @p0 .LBB2_14-.Ltmp7, $4  }
0x26b: {  	[tilespmem:s11+$0x330] =	vst v6;
	v4 =	vadd.s32 v61, v10;
	v5 =	vadd.s32 v5, v9;
	v3 =	vadd.s32 v3, v8  }
0x26c: {  	[tilespmem:s11+$0x230] =	vst v4;
	v63 =	vadd.s32 v5, v6;
	v3 =	vadd.s32 v3, v4  }
0x26d: {  	[tilespmem:s11+$0x130] =	vst v63;
	v3 =	vadd.s32 v3, v63  }
0x26e: {  	s10 =	sadd.s32 $0x40, s10;
	[tilespmem:s11+$0x30] =	vst v3;
	s11 =	sadd.s32 $0x40, s11  }
0x26f: {  	s10 =	simm.s32 $0x80  }
0x270: {  	s11 =	simm.s32 $0x400;
	s12 =	simm.s32 $0x800;
	s30 =	simm.s32 $0x1  }
0x271: {  	[spmem:s6] =	stream.strided.scatter [tilespmem:s12], [sflag:$0x1], $0x100, s11, s10, $0x38;
	[tilespmem:$0x3B80] =	vst v63  }
0x272: {  	_ =	swait.ge [sflag:s30], $0x100  }
0x273: {  	[sflag:s30] =	ssyncset.done $0x0  }
0x274: {  	[sflag:s30] =	ssyncadd.s32 $0xFFFFFF00  }
0x275: {  	s31 =	simm.s32 $0x1800;
	[bflag:$0x0] =	sbarrier.arrive $0xFFFF  }
0x276: {  	[tilespmem:s31], [sflag:$0x1] =	stream.linear.gather [spmem:s5], $0x1000, $0x38;
	[tilespmem:$0x3B80] =	vst v63  }
0x277: {  	_ =	swait.ge [sflag:s30], $0x1000  }
0x278: {  	p0 =	por $0x0, $0x0;
	[sflag:s30] =	ssyncset.done $0x0  }
0x279: {  	s6 =	simm.s32 $0x0;
	s10 =	simm.s32 $0x0;
	[sflag:s30] =	ssyncadd.s32 $0xFFFFF000  }
0x27a: {  	s11 =	simm.s32 $0x0;
	s5 =	simm.s32 $0xFFFFFFFC;
	[bflag:$0x0] =	sbarrier.arrive $0xFFFF  }
.LBB2_16:
0x27b: {  	s22 =	sand.u32 $0x400, s11  }
0x27c: {  	s16 =	sand.u32 $0x40, s6;
	s14 =	sor.u32 $0x1800, s22  }
0x27d: {  	s12 =	sor.u32 $0x2000, s22;
	s23 =	sor.u32 s16, s14  }
0x27e: {  	s13 =	sor.u32 s16, s12;
	v3 =	vld [tilespmem:s23+$0x0]  }
0x27f: {  	v4 =	vld [tilespmem:s13+$0x0];
	_ =	sdelay $0x4  }
0x280: {  	s13 =	sor.u32 $0x2080, s22;
	v3 =	vadd.s32 v3, v4  }
0x281: {  	s15 =	sor.u32 s16, s13;
	[tilespmem:s23+$0x0] =	vst v3;
	v3 =	vld [tilespmem:s23+$0x80]  }
0x282: {  	v14 =	vld [tilespmem:s15+$0x0];
	_ =	sdelay $0x4  }
0x283: {  	s15 =	sor.u32 $0x2100, s22;
	v3 =	vadd.s32 v3, v14  }
0x284: {  	s17 =	sor.u32 s16, s15;
	[tilespmem:s23+$0x80] =	vst v3;
	v3 =	vld [tilespmem:s23+$0x100]  }
0x285: {  	v15 =	vld [tilespmem:s17+$0x0];
	_ =	sdelay $0x4  }
0x286: {  	s17 =	sor.u32 $0x2180, s22;
	v3 =	vadd.s32 v3, v15  }
0x287: {  	s18 =	sor.u32 s16, s17;
	[tilespmem:s23+$0x100] =	vst v3;
	v3 =	vld [tilespmem:s23+$0x180]  }
0x288: {  	v16 =	vld [tilespmem:s18+$0x0];
	_ =	sdelay $0x1  }
0x289: {  	s18 =	simm.s32 $0x1  }
0x28a: {  	s18 =	simm.s32 @!p0 $0x0  }
0x28b: {  	s18 =	sshll.u32 s18, $0x6  }
0x28c: {  	s18 =	sadd.s32 s18, s11;
	v3 =	vadd.s32 v3, v16  }
0x28d: {  	s19 =	sor.u32 $0x2200, s22;
	s24 =	sor.u32 $0x200, s18;
	[tilespmem:s23+$0x180] =	vst v3  }
0x28e: {  	s20 =	sor.u32 s16, s19;
	v3 =	vld [tilespmem:s24+$0x1800]  }
0x28f: {  	v17 =	vld [tilespmem:s20+$0x0];
	_ =	sdelay $0x4  }
0x290: {  	v3 =	vadd.s32 v3, v17  }
0x291: {  	s25 =	sor.u32 $0x280, s10;
	s20 =	sor.u32 $0x2280, s22;
	[tilespmem:s24+$0x1800] =	vst v3  }
0x292: {  	s21 =	sor.u32 s16, s20;
	v3 =	vld [tilespmem:s25+$0x1800]  }
0x293: {  	v18 =	vld [tilespmem:s21+$0x0];
	_ =	sdelay $0x4  }
0x294: {  	v3 =	vadd.s32 v3, v18  }
0x295: {  	s26 =	sor.u32 $0x300, s18;
	s21 =	sor.u32 $0x2300, s22;
	[tilespmem:s25+$0x1800] =	vst v3  }
0x296: {  	s28 =	sor.u32 s16, s21;
	v3 =	vld [tilespmem:s26+$0x1800]  }
0x297: {  	v19 =	vld [tilespmem:s28+$0x0];
	_ =	sdelay $0x4  }
0x298: {  	v3 =	vadd.s32 v3, v19  }
0x299: {  	s31 =	sor.u32 $0x380, s10;
	s22 =	sor.u32 $0x2380, s22;
	[tilespmem:s26+$0x1800] =	vst v3  }
0x29a: {  	s29 =	sor.u32 s16, s22;
	v3 =	vld [tilespmem:s31+$0x1800]  }
0x29b: {  	v20 =	vld [tilespmem:s29+$0x0];
	_ =	sdelay $0x4  }
0x29c: {  	v3 =	vadd.s32 v3, v20  }
0x29d: {  	[tilespmem:s31+$0x1800] =	vst v3  }
0x29e: {  	v3 =	vld [tilespmem:s23+$0x0]  }
0x29f: {  	v21 =	vld [tilespmem:s24+$0x1800];
	_ =	sdelay $0x4  }
0x2a0: {  	v3 =	vadd.s32 v3, v21  }
0x2a1: {  	v22 =	vld [tilespmem:s23+$0x80];
	[tilespmem:s23+$0x0] =	vst v3  }
0x2a2: {  	v5 =	vld [tilespmem:s25+$0x1800];
	_ =	sdelay $0x4  }
0x2a3: {  	v4 =	vadd.s32 v22, v5  }
0x2a4: {  	v23 =	vld [tilespmem:s23+$0x100];
	[tilespmem:s23+$0x80] =	vst v4  }
0x2a5: {  	v6 =	vld [tilespmem:s26+$0x1800];
	_ =	sdelay $0x4  }
0x2a6: {  	v5 =	vadd.s32 v23, v6  }
0x2a7: {  	v24 =	vld [tilespmem:s23+$0x180];
	[tilespmem:s23+$0x100] =	vst v5  }
0x2a8: {  	v7 =	vld [tilespmem:s31+$0x1800];
	_ =	sdelay $0x4  }
0x2a9: {  	v6 =	vadd.s32 v24, v7  }
0x2aa: {  	v3 =	vadd.s32 v3, v5;
	v4 =	vadd.s32 v4, v6  }
0x2ab: {  	s25 =	sor.u32 $0x10, s16;
	[tilespmem:s23+$0x180] =	vst v6;
	v3 =	vadd.s32 v3, v4  }
0x2ac: {  	s24 =	sor.u32 s25, s14;
	[tilespmem:s23+$0x0] =	vst v3  }
0x2ad: {  	s30 =	sor.u32 s25, s12;
	[tilespmem:s23+$0x80] =	vst v4;
	v3 =	vld [tilespmem:s24+$0x0]  }
0x2ae: {  	v4 =	vld [tilespmem:s30+$0x0];
	_ =	sdelay $0x4  }
0x2af: {  	v3 =	vadd.s32 v3, v4  }
0x2b0: {  	s31 =	sor.u32 s25, s13;
	[tilespmem:s24+$0x0] =	vst v3;
	v3 =	vld [tilespmem:s24+$0x80]  }
0x2b1: {  	v25 =	vld [tilespmem:s31+$0x0];
	_ =	sdelay $0x4  }
0x2b2: {  	v3 =	vadd.s32 v3, v25  }
0x2b3: {  	s26 =	sor.u32 s25, s15;
	[tilespmem:s24+$0x80] =	vst v3;
	v3 =	vld [tilespmem:s24+$0x100]  }
0x2b4: {  	v26 =	vld [tilespmem:s26+$0x0];
	_ =	sdelay $0x4  }
0x2b5: {  	v3 =	vadd.s32 v3, v26  }
0x2b6: {  	s28 =	sor.u32 s25, s17;
	[tilespmem:s24+$0x100] =	vst v3;
	v3 =	vld [tilespmem:s24+$0x180]  }
0x2b7: {  	v27 =	vld [tilespmem:s28+$0x0];
	_ =	sdelay $0x4  }
0x2b8: {  	s23 =	sadd.s32 $0x10, s18;
	v3 =	vadd.s32 v3, v27  }
0x2b9: {  	s26 =	sor.u32 $0x200, s23;
	[tilespmem:s24+$0x180] =	vst v3  }
0x2ba: {  	s29 =	sor.u32 s25, s19;
	v3 =	vld [tilespmem:s26+$0x1800]  }
0x2bb: {  	v28 =	vld [tilespmem:s29+$0x0];
	_ =	sdelay $0x4  }
0x2bc: {  	v3 =	vadd.s32 v3, v28  }
0x2bd: {  	s28 =	sor.u32 $0x280, s23;
	[tilespmem:s26+$0x1800] =	vst v3  }
0x2be: {  	s30 =	sor.u32 s25, s20;
	v3 =	vld [tilespmem:s28+$0x1800]  }
0x2bf: {  	v29 =	vld [tilespmem:s30+$0x0];
	_ =	sdelay $0x4  }
0x2c0: {  	v3 =	vadd.s32 v3, v29  }
0x2c1: {  	s31 =	sor.u32 $0x300, s23;
	[tilespmem:s28+$0x1800] =	vst v3  }
0x2c2: {  	s30 =	sor.u32 s25, s21;
	v3 =	vld [tilespmem:s31+$0x1800]  }
0x2c3: {  	v30 =	vld [tilespmem:s30+$0x0];
	_ =	sdelay $0x4  }
0x2c4: {  	v3 =	vadd.s32 v3, v30  }
0x2c5: {  	s23 =	sor.u32 $0x380, s23;
	[tilespmem:s31+$0x1800] =	vst v3  }
0x2c6: {  	s25 =	sor.u32 s25, s22;
	v3 =	vld [tilespmem:s23+$0x1800]  }
0x2c7: {  	v31 =	vld [tilespmem:s25+$0x0];
	_ =	sdelay $0x4  }
0x2c8: {  	v3 =	vadd.s32 v3, v31  }
0x2c9: {  	[tilespmem:s23+$0x1800] =	vst v3  }
0x2ca: {  	v3 =	vld [tilespmem:s24+$0x0]  }
0x2cb: {  	v32 =	vld [tilespmem:s26+$0x1800];
	_ =	sdelay $0x4  }
0x2cc: {  	v3 =	vadd.s32 v3, v32  }
0x2cd: {  	v33 =	vld [tilespmem:s24+$0x80];
	[tilespmem:s24+$0x0] =	vst v3  }
0x2ce: {  	v34 =	vld [tilespmem:s28+$0x1800];
	_ =	sdelay $0x4  }
0x2cf: {  	v4 =	vadd.s32 v33, v34  }
0x2d0: {  	v35 =	vld [tilespmem:s24+$0x100];
	[tilespmem:s24+$0x80] =	vst v4  }
0x2d1: {  	v6 =	vld [tilespmem:s31+$0x1800];
	_ =	sdelay $0x4  }
0x2d2: {  	v5 =	vadd.s32 v35, v6  }
0x2d3: {  	v36 =	vld [tilespmem:s24+$0x180];
	[tilespmem:s24+$0x100] =	vst v5  }
0x2d4: {  	v37 =	vld [tilespmem:s23+$0x1800];
	_ =	sdelay $0x4  }
0x2d5: {  	v6 =	vadd.s32 v36, v37  }
0x2d6: {  	v3 =	vadd.s32 v3, v5;
	v4 =	vadd.s32 v4, v6  }
0x2d7: {  	s25 =	sor.u32 $0x20, s16;
	[tilespmem:s24+$0x180] =	vst v6;
	v3 =	vadd.s32 v3, v4  }
0x2d8: {  	s23 =	sor.u32 s25, s14;
	[tilespmem:s24+$0x0] =	vst v3  }
0x2d9: {  	s30 =	sor.u32 s25, s12;
	[tilespmem:s24+$0x80] =	vst v4;
	v3 =	vld [tilespmem:s23+$0x0]  }
0x2da: {  	v4 =	vld [tilespmem:s30+$0x0];
	_ =	sdelay $0x4  }
0x2db: {  	v3 =	vadd.s32 v3, v4  }
0x2dc: {  	s31 =	sor.u32 s25, s13;
	[tilespmem:s23+$0x0] =	vst v3;
	v3 =	vld [tilespmem:s23+$0x80]  }
0x2dd: {  	v38 =	vld [tilespmem:s31+$0x0];
	_ =	sdelay $0x4  }
0x2de: {  	v3 =	vadd.s32 v3, v38  }
0x2df: {  	s26 =	sor.u32 s25, s15;
	[tilespmem:s23+$0x80] =	vst v3;
	v3 =	vld [tilespmem:s23+$0x100]  }
0x2e0: {  	v39 =	vld [tilespmem:s26+$0x0];
	_ =	sdelay $0x4  }
0x2e1: {  	v3 =	vadd.s32 v3, v39  }
0x2e2: {  	s28 =	sor.u32 s25, s17;
	[tilespmem:s23+$0x100] =	vst v3;
	v3 =	vld [tilespmem:s23+$0x180]  }
0x2e3: {  	v40 =	vld [tilespmem:s28+$0x0];
	_ =	sdelay $0x4  }
0x2e4: {  	s24 =	sadd.s32 $0x20, s18;
	v3 =	vadd.s32 v3, v40  }
0x2e5: {  	s26 =	sor.u32 $0x200, s24;
	[tilespmem:s23+$0x180] =	vst v3  }
0x2e6: {  	s29 =	sor.u32 s25, s19;
	v3 =	vld [tilespmem:s26+$0x1800]  }
0x2e7: {  	v41 =	vld [tilespmem:s29+$0x0];
	_ =	sdelay $0x4  }
0x2e8: {  	v3 =	vadd.s32 v3, v41  }
0x2e9: {  	s28 =	sor.u32 $0x280, s24;
	[tilespmem:s26+$0x1800] =	vst v3  }
0x2ea: {  	s30 =	sor.u32 s25, s20;
	v3 =	vld [tilespmem:s28+$0x1800]  }
0x2eb: {  	v42 =	vld [tilespmem:s30+$0x0];
	_ =	sdelay $0x4  }
0x2ec: {  	v3 =	vadd.s32 v3, v42  }
0x2ed: {  	s29 =	sor.u32 $0x300, s24;
	[tilespmem:s28+$0x1800] =	vst v3  }
0x2ee: {  	s31 =	sor.u32 s25, s21;
	v3 =	vld [tilespmem:s29+$0x1800]  }
0x2ef: {  	v43 =	vld [tilespmem:s31+$0x0];
	_ =	sdelay $0x4  }
0x2f0: {  	v3 =	vadd.s32 v3, v43  }
0x2f1: {  	s24 =	sor.u32 $0x380, s24;
	[tilespmem:s29+$0x1800] =	vst v3  }
0x2f2: {  	s25 =	sor.u32 s25, s22;
	v3 =	vld [tilespmem:s24+$0x1800]  }
0x2f3: {  	v44 =	vld [tilespmem:s25+$0x0];
	_ =	sdelay $0x4  }
0x2f4: {  	v3 =	vadd.s32 v3, v44  }
0x2f5: {  	[tilespmem:s24+$0x1800] =	vst v3  }
0x2f6: {  	v3 =	vld [tilespmem:s23+$0x0]  }
0x2f7: {  	v45 =	vld [tilespmem:s26+$0x1800];
	_ =	sdelay $0x4  }
0x2f8: {  	v3 =	vadd.s32 v3, v45  }
0x2f9: {  	v46 =	vld [tilespmem:s23+$0x80];
	[tilespmem:s23+$0x0] =	vst v3  }
0x2fa: {  	v47 =	vld [tilespmem:s28+$0x1800];
	_ =	sdelay $0x4  }
0x2fb: {  	v4 =	vadd.s32 v46, v47  }
0x2fc: {  	v48 =	vld [tilespmem:s23+$0x100];
	[tilespmem:s23+$0x80] =	vst v4  }
0x2fd: {  	v6 =	vld [tilespmem:s29+$0x1800];
	_ =	sdelay $0x4  }
0x2fe: {  	v5 =	vadd.s32 v48, v6  }
0x2ff: {  	v49 =	vld [tilespmem:s23+$0x180];
	[tilespmem:s23+$0x100] =	vst v5  }
0x300: {  	v50 =	vld [tilespmem:s24+$0x1800];
	_ =	sdelay $0x4  }
0x301: {  	v6 =	vadd.s32 v49, v50  }
0x302: {  	v3 =	vadd.s32 v3, v5;
	v4 =	vadd.s32 v4, v6  }
0x303: {  	s16 =	sor.u32 $0x30, s16;
	[tilespmem:s23+$0x180] =	vst v6;
	v3 =	vadd.s32 v3, v4  }
0x304: {  	s14 =	sor.u32 s16, s14;
	[tilespmem:s23+$0x0] =	vst v3  }
0x305: {  	s12 =	sor.u32 s16, s12;
	[tilespmem:s23+$0x80] =	vst v4;
	v3 =	vld [tilespmem:s14+$0x0]  }
0x306: {  	v4 =	vld [tilespmem:s12+$0x0];
	_ =	sdelay $0x4  }
0x307: {  	v3 =	vadd.s32 v3, v4  }
0x308: {  	s13 =	sor.u32 s16, s13;
	[tilespmem:s14+$0x0] =	vst v3;
	v3 =	vld [tilespmem:s14+$0x80]  }
0x309: {  	v51 =	vld [tilespmem:s13+$0x0];
	_ =	sdelay $0x4  }
0x30a: {  	v3 =	vadd.s32 v3, v51  }
0x30b: {  	s15 =	sor.u32 s16, s15;
	[tilespmem:s14+$0x80] =	vst v3;
	v3 =	vld [tilespmem:s14+$0x100]  }
0x30c: {  	v52 =	vld [tilespmem:s15+$0x0];
	_ =	sdelay $0x4  }
0x30d: {  	v3 =	vadd.s32 v3, v52  }
0x30e: {  	s23 =	sor.u32 s16, s17;
	[tilespmem:s14+$0x100] =	vst v3;
	v3 =	vld [tilespmem:s14+$0x180]  }
0x30f: {  	v53 =	vld [tilespmem:s23+$0x0];
	_ =	sdelay $0x4  }
0x310: {  	s24 =	sadd.s32 $0x30, s18;
	v3 =	vadd.s32 v3, v53  }
0x311: {  	s25 =	sor.u32 $0x200, s24;
	[tilespmem:s14+$0x180] =	vst v3  }
0x312: {  	s26 =	sor.u32 s16, s19;
	v3 =	vld [tilespmem:s25+$0x1800]  }
0x313: {  	v54 =	vld [tilespmem:s26+$0x0];
	_ =	sdelay $0x4  }
0x314: {  	v3 =	vadd.s32 v3, v54  }
0x315: {  	s28 =	sor.u32 $0x280, s24;
	[tilespmem:s25+$0x1800] =	vst v3  }
0x316: {  	s29 =	sor.u32 s16, s20;
	v3 =	vld [tilespmem:s28+$0x1800]  }
0x317: {  	v55 =	vld [tilespmem:s29+$0x0];
	_ =	sdelay $0x4  }
0x318: {  	v3 =	vadd.s32 v3, v55  }
0x319: {  	s30 =	sor.u32 $0x300, s24;
	[tilespmem:s28+$0x1800] =	vst v3  }
0x31a: {  	s31 =	sor.u32 s16, s21;
	v3 =	vld [tilespmem:s30+$0x1800]  }
0x31b: {  	v56 =	vld [tilespmem:s31+$0x0];
	_ =	sdelay $0x4  }
0x31c: {  	v3 =	vadd.s32 v3, v56  }
0x31d: {  	s12 =	sor.u32 $0x380, s24;
	[tilespmem:s30+$0x1800] =	vst v3  }
0x31e: {  	s16 =	sor.u32 s16, s22;
	v3 =	vld [tilespmem:s12+$0x1800]  }
0x31f: {  	v57 =	vld [tilespmem:s16+$0x0];
	_ =	sdelay $0x4  }
0x320: {  	v3 =	vadd.s32 v3, v57  }
0x321: {  	[tilespmem:s12+$0x1800] =	vst v3  }
0x322: {  	v3 =	vld [tilespmem:s14+$0x0]  }
0x323: {  	v58 =	vld [tilespmem:s25+$0x1800];
	_ =	sdelay $0x4  }
0x324: {  	v3 =	vadd.s32 v3, v58  }
0x325: {  	v59 =	vld [tilespmem:s14+$0x80];
	[tilespmem:s14+$0x0] =	vst v3  }
0x326: {  	v60 =	vld [tilespmem:s28+$0x1800];
	_ =	sdelay $0x4  }
0x327: {  	v4 =	vadd.s32 v59, v60  }
0x328: {  	v61 =	vld [tilespmem:s14+$0x100];
	[tilespmem:s14+$0x80] =	vst v4  }
0x329: {  	v6 =	vld [tilespmem:s30+$0x1800];
	_ =	sdelay $0x4  }
0x32a: {  	v5 =	vadd.s32 v61, v6  }
0x32b: {  	v62 =	vld [tilespmem:s14+$0x180];
	[tilespmem:s14+$0x100] =	vst v5  }
0x32c: {  	v63 =	vld [tilespmem:s12+$0x1800];
	_ =	sdelay $0x1  }
0x32d: {  	s5 =	sadd.s32 $0x4, s5  }
0x32e: {  	p1 =	slt.u32 s5, $0xC  }
.Ltmp8:
0x32f: {  	_ = 	snop;
	(pc) =	sbr.rel @p1 .LBB2_16-.Ltmp8, $4  }
0x330: {  	v6 =	vadd.s32 v62, v63  }
0x331: {  	v3 =	vadd.s32 v3, v5;
	[tilespmem:s14+$0x180] =	vst v6;
	v4 =	vadd.s32 v4, v6  }
0x332: {  	s10 =	sadd.s32 $0x240, s10;
	[tilespmem:s14+$0x80] =	vst v4;
	v3 =	vadd.s32 v3, v4  }
0x333: {  	s6 =	sadd.s32 $0x40, s6;
	p0 =	por !p0, !p0;
	s11 =	sadd.s32 $0x200, s11;
	[tilespmem:s14+$0x0] =	vst v3  }
0x334: {  	s5 =	sxor.u32 $0x80000000, s9  }
0x335: {  	v3 =	vlaneseq.u32;
	v5 =	vld [tilespmem:$0x1800];
	v4 =	vmov s5  }
0x336: {  	vm0 =	veq.s32 v4, v3;
	v4 =	vld [tilespmem:$0x1810]  }
0x337: {  	v6 =	vld [tilespmem:$0x1820];
	v1 =	vnsel vm0, $0x0, v1  }
0x338: {  	(xrf0) =	vadd.scan.msk.s32 $0xffff, v1;
	v1 =	vnsel vm0, $0x0, v2;
	v2 =	vld [tilespmem:$0x1830]  }
0x339: {  	(xrf0) =	vadd.scan.msk.s32 $0xffff, v1;
	v1 =	vld [tilespmem:$0x1840]  }
0x33a: {  	(xrf0) =	vadd.scan.msk.s32 $0xffff, v5;
	v5 =	vld [tilespmem:$0x1850]  }
0x33b: {  	(xrf0) =	vadd.scan.msk.s32 $0xffff, v4;
	v4 =	vld [tilespmem:$0x1860]  }
0x33c: {  	(xrf0) =	vadd.scan.msk.s32 $0xffff, v6;
	v6 =	vld [tilespmem:$0x1870]  }
0x33d: {  	(xrf0) =	vadd.scan.msk.s32 $0xffff, v2;
	v2 =	vld [tilespmem:$0x1C00]  }
0x33e: {  	v7, _, _ =	vpop (xrf0);
	(xrf0) =	vadd.scan.msk.s32 $0xffff, v1;
	v1 =	vld [tilespmem:$0x1C10]  }
0x33f: {  	(v2sf) =	vpush v7, $0xF;
	v7, _, _ =	vpop (xrf0);
	(xrf0) =	vadd.scan.msk.s32 $0xffff, v5;
	v5 =	vld [tilespmem:$0x1C20]  }
0x340: {  	(v2sf) =	vpush v7, $0xF;
	v7, _, _ =	vpop (xrf0);
	(xrf0) =	vadd.scan.msk.s32 $0xffff, v4;
	v4 =	vld [tilespmem:$0x1C30]  }
0x341: {  	(v2sf) =	vpush v7, $0xF;
	v7, _, _ =	vpop (xrf0);
	(xrf0) =	vadd.scan.msk.s32 $0xffff, v6;
	v6 =	vld [tilespmem:$0x1C40]  }
0x342: {  	(v2sf) =	vpush v7, $0xF;
	v7, _, _ =	vpop (xrf0);
	(xrf0) =	vadd.scan.msk.s32 $0xffff, v2;
	v2 =	vld [tilespmem:$0x1C50]  }
0x343: {  	(v2sf) =	vpush v7, $0xF;
	v7, _, _ =	vpop (xrf0);
	(xrf0) =	vadd.scan.msk.s32 $0xffff, v1;
	v1 =	vld [tilespmem:$0x1C60]  }
0x344: {  	(v2sf) =	vpush v7, $0xF;
	v7, _, _ =	vpop (xrf0);
	(xrf0) =	vadd.scan.msk.s32 $0xffff, v5;
	v5 =	vld [tilespmem:$0x1C70]  }
0x345: {  	(v2sf) =	vpush v7, $0xF;
	v7, _, _ =	vpop (xrf0);
	(xrf0) =	vadd.scan.msk.s32 $0xffff, v4  }
0x346: {  	(v2sf) =	vpush v7, $0xF;
	v4, _, _ =	vpop (xrf0);
	(xrf0) =	vadd.scan.msk.s32 $0xffff, v6  }
0x347: {  	(v2sf) =	vpush v4, $0xF;
	v4, _, _ =	vpop (xrf0);
	(xrf0) =	vadd.scan.msk.s32 $0xffff, v2  }
0x348: {  	(v2sf) =	vpush v4, $0xF;
	v2, _, _ =	vpop (xrf0);
	(xrf0) =	vadd.scan.msk.s32 $0xffff, v1  }
0x349: {  	(v2sf) =	vpush v2, $0xF;
	v1, _, _ =	vpop (xrf0);
	(xrf0) =	vadd.scan.msk.s32 $0xffff, v5  }
0x34a: {  	v2, _, _ =	vpop (xrf0);
	(v2sf) =	vpush v1, $0xF  }
0x34b: {  	v1, _, _ =	vpop (xrf0);
	(v2sf) =	vpush v2, $0xF  }
0x34c: {  	v2, _, _ =	vpop (xrf0);
	(v2sf) =	vpush v1, $0xF  }
0x34d: {  	v1, _, _ =	vpop (xrf0);
	(v2sf) =	vpush v2, $0xF  }
0x34e: {  	v2, _, _ =	vpop (xrf0);
	s15 =	spop (v2sf);
	(v2sf) =	vpush v1, $0xF  }
0x34f: {  	s21 =	spop (v2sf);
	(v2sf) =	vpush v2, $0xF;
	v1, _, _ =	vpop (xrf0)  }
0x350: {  	s13 =	spop (v2sf);
	(v2sf) =	vpush v1, $0xF  }
0x351: {  	s23 =	spop (v2sf)  }
0x352: {  	s22 =	spop (v2sf)  }
0x353: {  	s24 =	spop (v2sf)  }
0x354: {  	s20 =	spop (v2sf)  }
0x355: {  	s19 =	spop (v2sf)  }
0x356: {  	s18 =	spop (v2sf)  }
0x357: {  	s17 =	spop (v2sf)  }
0x358: {  	s16 =	spop (v2sf)  }
0x359: {  	s14 =	spop (v2sf)  }
0x35a: {  	s12 =	spop (v2sf)  }
0x35b: {  	s11 =	spop (v2sf)  }
0x35c: {  	s10 =	spop (v2sf)  }
0x35d: {  	s31 =	spop (v2sf)  }
0x35e: {  	s6 =	spop (v2sf)  }
0x35f: {  	s5 =	spop (v2sf)  }
0x360: {  	s6 =	sadd.s32 s6, s5  }
0x361: {  	s9 =	sadd.s32 s31, s6  }
0x362: {  	s10 =	sadd.s32 s10, s9  }
0x363: {  	s11 =	sadd.s32 s11, s10  }
0x364: {  	s12 =	sadd.s32 s12, s11  }
0x365: {  	s14 =	sadd.s32 s14, s12  }
0x366: {  	s16 =	sadd.s32 s16, s14  }
0x367: {  	s17 =	sadd.s32 s17, s16  }
0x368: {  	s7 =	sadd.s32 s21, s7;
	s18 =	sadd.s32 s18, s17  }
0x369: {  	s7 =	ssub.s32 s15, s7;
	s19 =	sadd.s32 s19, s18  }
0x36a: {  	s7 =	sadd.s32 $0x2CCC, s7;
	s20 =	sadd.s32 s20, s19  }
0x36b: {  	p4 =	slt.s32 s19, s7;
	s21 =	sadd.s32 s24, s20;
	p6 =	sge.s32 s20, s7  }
0x36c: {  	s22 =	sadd.s32 s22, s21;
	p2 =	slt.s32 s21, s7;
	p6 =	por !p4, !p6  }
0x36d: {  	p4 =	sge.s32 s18, s7;
	s15 =	sadd.s32 s23, s22;
	p1 =	slt.s32 s22, s7  }
0x36e: {  	p3 =	sge.s32 s22, s7;
	p6 =	por !p6, !p6;
	p0 =	sge.s32 s15, s7  }
0x36f: {  	s13 =	sadd.s32 s13, s15;
	p5 =	por !p1, !p0;
	p0 =	por !p2, !p3  }
0x370: {  	p2 =	slt.s32 s20, s7;
	p3 =	sge.s32 s21, s7;
	s23 =	simm.s32 @!p0 $0x0  }
0x371: {  	p1 =	slt.s32 s18, s7;
	s23 =	simm.s32 @p0 $0x1;
	p0 =	por !p2, !p3  }
0x372: {  	p5 =	por !p5, !p5;
	[smem:$0x7DD] =	sst s23;
	s23 =	simm.s32 @!p0 $0x0  }
0x373: {  	p2 =	sge.s32 s19, s7;
	p3 =	slt.s32 s17, s7;
	s23 =	simm.s32 @p0 $0x1  }
0x374: {  	p0 =	por !p1, !p2;
	p1 =	slt.s32 s16, s7;
	s25 =	sld [smem:$0x7DD]  }
0x375: {  	p2 =	slt.s32 s14, s7;
	[smem:$0x7DE] =	sst s23;
	s23 =	simm.s32 @!p0 $0x0  }
0x376: {  	s23 =	simm.s32 @p0 $0x1;
	p0 =	por !p3, !p4;
	s26 =	sld [smem:$0x7DE]  }
0x377: {  	p4 =	sge.s32 s17, s7;
	p3 =	sge.s32 s16, s7;
	[smem:$0x7DF] =	sst s23  }
0x378: {  	s23 =	simm.s32 @!p0 $0x0;
	p4 =	por !p1, !p4;
	p1 =	slt.s32 s12, s7  }
0x379: {  	s23 =	simm.s32 @p0 $0x1;
	p0 =	por !p2, !p3;
	s28 =	sld [smem:$0x7DF]  }
0x37a: {  	p2 =	sge.s32 s14, s7;
	p3 =	slt.s32 s11, s7;
	[smem:$0x7E0] =	sst s23  }
0x37b: {  	s23 =	simm.s32 @!p0 $0x0;
	p2 =	por !p1, !p2;
	p1 =	sge.s32 s11, s7  }
0x37c: {  	s23 =	simm.s32 @p0 $0x1;
	p0 =	sge.s32 s12, s7;
	s29 =	sld [smem:$0x7E0]  }
0x37d: {  	p2 =	por !p2, !p2;
	[smem:$0x7E1] =	sst s23;
	s23 =	simm.s32 @!p5 $0x0  }
0x37e: {  	p3 =	por !p3, !p0;
	p0 =	slt.s32 s10, s7;
	s23 =	simm.s32 @p5 $0x1  }
0x37f: {  	p0 =	por !p0, !p1;
	p1 =	seq.s32 s25, $0x1;
	s30 =	sld [smem:$0x7E1]  }
0x380: {  	[smem:$0x7E4] =	sst s23;
	s23 =	simm.s32 $0x10;
	s24 =	simm.s32 @!p0 $0x0  }
0x381: {  	s24 =	simm.s32 @p0 $0x1;
	p0 =	por !p1, !p1;
	s23 =	simm.s32 @!p5 $0x0  }
0x382: {  	p5 =	seq.s32 s26, $0x1;
	[smem:$0x7E2] =	sst s24;
	s24 =	simm.s32 @!p0 $0x0  }
0x383: {  	p1 =	por !p5, !p5;
	s23 =	simm.s32 @p0 $0x20;
	s24 =	simm.s32 @p0 $0x1  }
0x384: {  	p5 =	slt.s32 s9, s7;
	[smem:$0x7E5] =	sst s24;
	s24 =	simm.s32 @!p1 $0x0  }
0x385: {  	s23 =	simm.s32 @p1 $0x30;
	s31 =	sld [smem:$0x7E2];
	s24 =	simm.s32 @p1 $0x1  }
0x386: {  	s23 =	simm.s32 @p6 $0x40;
	p1 =	sge.s32 s10, s7;
	[smem:$0x7E6] =	sst s24  }
0x387: {  	s24 =	simm.s32 @!p6 $0x0;
	p0 =	por !p5, !p1;
	p5 =	seq.s32 s28, $0x1  }
0x388: {  	s24 =	simm.s32 @p6 $0x1;
	p6 =	seq.s32 s29, $0x1;
	s29 =	sld [smem:$0x7E4]  }
0x389: {  	[smem:$0x7E7] =	sst s24;
	s24 =	simm.s32 @!p0 $0x0;
	p1 =	por !p6, !p6  }
0x38a: {  	p6 =	por !p4, !p4;
	p4 =	por !p3, !p3;
	p3 =	seq.s32 s31, $0x1  }
0x38b: {  	s31 =	sld [smem:$0x7E6];
	s24 =	simm.s32 @p0 $0x1;
	p0 =	por !p5, !p5  }
0x38c: {  	p5 =	seq.s32 s30, $0x1;
	[smem:$0x7E3] =	sst s24;
	s24 =	simm.s32 @!p0 $0x0  }
0x38d: {  	s30 =	sld [smem:$0x7E5];
	s23 =	simm.s32 @p0 $0x50;
	s24 =	simm.s32 @p0 $0x1  }
0x38e: {  	s23 =	simm.s32 @p1 $0x60;
	[smem:$0x7E8] =	sst s24;
	s24 =	simm.s32 @!p1 $0x0  }
0x38f: {  	p0 =	slt.s32 s6, s7;
	s25 =	sld [smem:$0x7E3];
	s24 =	simm.s32 @p1 $0x1  }
0x390: {  	p1 =	sge.s32 s9, s7;
	[smem:$0x7E9] =	sst s24;
	s24 =	simm.s32 @!p6 $0x0  }
0x391: {  	p1 =	por !p0, !p1;
	p0 =	por !p5, !p5;
	s24 =	simm.s32 @p6 $0x1  }
0x392: {  	s23 =	simm.s32 @p6 $0x70;
	[smem:$0x7EA] =	sst s24;
	s24 =	simm.s32 @!p0 $0x0  }
0x393: {  	s23 =	simm.s32 @p0 $0x80;
	p6 =	slt.s32 s5, s7;
	s24 =	simm.s32 @p0 $0x1  }
0x394: {  	s23 =	simm.s32 @p2 $0x90;
	[smem:$0x7EB] =	sst s24;
	s24 =	simm.s32 @!p2 $0x0  }
0x395: {  	p0 =	sge.s32 s6, s7;
	s23 =	simm.s32 @p4 $0xA0;
	s24 =	simm.s32 @p2 $0x1  }
0x396: {  	p0 =	por !p6, !p0;
	[smem:$0x7EC] =	sst s24;
	s24 =	simm.s32 @!p4 $0x0  }
0x397: {  	p6 =	por !p3, !p3;
	s24 =	simm.s32 @p4 $0x1;
	p4 =	seq.s32 s25, $0x1  }
0x398: {  	p5 =	sgt.s32 s7, $0x0;
	s23 =	simm.s32 @p6 $0xB0;
	p4 =	por !p4, !p4  }
0x399: {  	p3 =	por !p1, !p1;
	p2 =	sge.s32 s5, s7;
	s23 =	simm.s32 @p4 $0xC0  }
0x39a: {  	p1 =	por !p5, !p2;
	p2 =	por !p0, !p0;
	s23 =	simm.s32 @p3 $0xD0  }
0x39b: {  	p5 =	sge.s32 s13, s7;
	p1 =	por !p1, !p1;
	s23 =	simm.s32 @p2 $0xE0  }
0x39c: {  	p0 =	slt.s32 s15, s7;
	s15 =	simm.s32 @!p5 $0x0;
	s23 =	simm.s32 @p1 $0xF0  }
0x39d: {  	[smem:$0x7ED] =	sst s24;
	s15 =	simm.s32 @!p0 $0x0;
	s25 =	sshll.u32 s23, $0x3  }
0x39e: {  	p0 =	seq.s32 s29, $0x1;
	s26 =	sand.u32 $0x7F, s23;
	s25 =	sand.u32 $0x7FFFFC00, s25  }
0x39f: {  	s15 =	smov.u32 @p0 s22;
	p0 =	seq.s32 s30, $0x1;
	s28 =	sor.u32 s26, s25  }
0x3a0: {  	s15 =	smov.u32 @p0 s21;
	s21 =	sld [smem:$0x7E7];
	v1 =	vld [tilespmem:s28+$0x1800]  }
0x3a1: {  	s22 =	sld [smem:$0x7E8]  }
0x3a2: {  	v2 =	vmul.u32 $0xFFFFFFFF, v3;
	s24 =	sld [smem:$0x7E9];
	p0 =	seq.s32 s31, $0x1  }
0x3a3: {  	s15 =	smov.u32 @p0 s20;
	p0 =	seq.s32 s21, $0x1;
	s25 =	sld [smem:$0x7EA]  }
0x3a4: {  	v2 =	vadd.s32 $0xF, v2;
	s15 =	smov.u32 @p0 s19;
	p0 =	seq.s32 s22, $0x1;
	s26 =	sld [smem:$0x7EB]  }
0x3a5: {  	s15 =	smov.u32 @p0 s18;
	p0 =	seq.s32 s24, $0x1;
	s28 =	sld [smem:$0x7EC];
	v1 =	vperm.xlane v1, v2  }
0x3a6: {  	s29 =	sld [smem:$0x7ED];
	s15 =	smov.u32 @p0 s17;
	p0 =	seq.s32 s25, $0x1  }
0x3a7: {  	s15 =	smov.u32 @p0 s16;
	p0 =	seq.s32 s26, $0x1;
	(xrf0) =	vadd.scan.msk.s32 $0xffff, v1  }
0x3a8: {  	s15 =	smov.u32 @p0 s14;
	p0 =	seq.s32 s28, $0x1  }
0x3a9: {  	s15 =	smov.u32 @p0 s12;
	p0 =	seq.s32 s29, $0x1  }
0x3aa: {  	s15 =	smov.u32 @p0 s11  }
0x3ab: {  	s15 =	smov.u32 @p6 s10  }
0x3ac: {  	s15 =	smov.u32 @p4 s9  }
0x3ad: {  	s15 =	smov.u32 @p3 s6;
	v1, _, _ =	vpop (xrf0)  }
0x3ae: {  	s15 =	smov.u32 @p2 s5;
	v1 =	vperm.xlane v1, v2  }
0x3af: {  	s15 =	simm.s32 @p1 $0x0  }
0x3b0: {  	v1 =	vadd.s32 s15, v1  }
0x3b1: {  	vm0 =	vlt.s32 v1, s7;
	v1 =	vor.u32 $0x80000000, v3  }
0x3b2: {  	v1 =	vsel vm0, $0x7FFFFFFF, v1  }
0x3b3: {  	(xrf0) =	vmax.scan.msk.u32 $0xffff, v1;
	_ =	sdelay $0x5  }
0x3b4: {  	v1, _, _ =	vpop (xrf0)  }
0x3b5: {  	(v2sf) =	vpush v1, $0xF;
	_ =	sdelay $0xc  }
0x3b6: {  	s30 =	simm.s32 $0x440  }
0x3b7: {  	v11 =	vld [tilespmem:s30+$0x30]  }
0x3b8: {  	v6 =	vld [tilespmem:s30+$0xFFFFFFD0];
	s31 =	spop (v2sf)  }
0x3b9: {  	v10 =	vld [tilespmem:s30+$0xFFFFFFE0];
	s5 =	sadd.s32 s23, s31  }
0x3ba: {  	s6 =	simm.s32 $0x40;
	v3 =	vld [tilespmem:s30+$0xFFFFFFC0];
	s5 =	sshll.u32 s5, $0x10  }
0x3bb: {  	v5 =	vld [tilespmem:s6+$0xFFFFFFC0];
	s5 =	sand.u32 $0xFF0000, s5  }
0x3bc: {  	v4 =	vld [tilespmem:s30+$0x10];
	s5 =	sor.u32 s8, s5  }
0x3bd: {  	v7 =	vld [tilespmem:s6+$0xFFFFFFD0];
	s8 =	sor.u32 $0xFFFF, s5  }
0x3be: {  	v12 =	vld [tilespmem:s30+$0xFFFFFFF0];
	v2 =	vmov s8  }
0x3bf: {  	vm1 =	vgt.s32 v3, v2;
	v3 =	vld [tilespmem:s6+$0xFFFFFFE0]  }
0x3c0: {  	v8 =	vimm.f32 $0.0e+00;
	v1 =	vld [tilespmem:s30+$0x20];
	v5 =	vnsel vm1, $0x0, v5  }
0x3c1: {  	vm3 =	vgt.s32 v6, v2;
	v5 =	vadd.f32 v5, v8;
	v8 =	vld [tilespmem:s6+$0xFFFFFFF0]  }
0x3c2: {  	v9 =	vld [tilespmem:s30+$0x0];
	v6 =	vnsel vm3, $0x0, v7  }
0x3c3: {  	vm4 =	vgt.s32 v10, v2;
	v7 =	vadd.f32 v6, v5;
	v6 =	vld [tilespmem:s6+$0x0]  }
0x3c4: {  	vm2 =	vgt.s32 v12, v2;
	vm0 =	vgt.s32 v11, v2;
	v5 =	vld [tilespmem:s6+$0x30];
	v10 =	vnsel vm4, $0x0, v3  }
0x3c5: {  	s7 =	simm.s32 $0x0;
	s8 =	simm.s32 $0x4C0;
	v11 =	vimm.s32 $0x0;
	v3 =	vimm.s32 $0x0;
	v10 =	vadd.f32 v10, v7;
	v7 =	vld [tilespmem:s6+$0x10]  }
.LBB2_18:
0x3c6: {  	v12 =	vld [tilespmem:s8+$0x30];
	v8 =	vnsel vm2, $0x0, v8;
	vm6 =	vgt.s32 v4, v2;
	vm5 =	vgt.s32 v1, v2  }
0x3c7: {  	v4 =	vsel vm1, $0x1, v3;
	v8 =	vadd.f32 v8, v10;
	vm1 =	vgt.s32 v9, v2;
	v9 =	vld [tilespmem:s6+$0x20]  }
0x3c8: {  	v10 =	vadd.s32 v4, v11;
	v11 =	vsel vm3, $0x1, v3;
	v1 =	vld [tilespmem:s8+$0x20];
	v6 =	vnsel vm1, $0x0, v6  }
0x3c9: {  	v10 =	vadd.s32 v11, v10;
	v11 =	vsel vm4, $0x1, v3;
	v4 =	vld [tilespmem:s8+$0x10];
	v6 =	vadd.f32 v6, v8  }
0x3ca: {  	s7 =	sadd.s32 $0x8, s7;
	s6 =	sadd.s32 $0x80, s6;
	v10 =	vadd.s32 v11, v10;
	v11 =	vsel vm2, $0x1, v3;
	v8 =	vld [tilespmem:s8+$0xFFFFFFC0];
	v7 =	vnsel vm6, $0x0, v7  }
0x3cb: {  	p0 =	slt.u32 s7, $0x38;
	v10 =	vadd.s32 v11, v10;
	v11 =	vsel vm1, $0x1, v3;
	v13 =	vld [tilespmem:s6+$0xFFFFFFC0];
	v6 =	vadd.f32 v7, v6  }
0x3cc: {  	v10 =	vadd.s32 v11, v10;
	v11 =	vsel vm6, $0x1, v3;
	v7 =	vld [tilespmem:s8+$0xFFFFFFD0];
	v9 =	vnsel vm5, $0x0, v9  }
0x3cd: {  	v10 =	vadd.s32 v11, v10;
	v14 =	vld [tilespmem:s6+$0xFFFFFFD0];
	v6 =	vadd.f32 v9, v6;
	v9 =	vsel vm5, $0x1, v3  }
0x3ce: {  	v5 =	vnsel vm0, $0x0, v5;
	v15 =	vld [tilespmem:s8+$0xFFFFFFE0];
	v9 =	vadd.s32 v9, v10;
	v10 =	vsel vm0, $0x1, v3  }
0x3cf: {  	vm1 =	vgt.s32 v8, v2;
	v16 =	vld [tilespmem:s6+$0xFFFFFFE0];
	v5 =	vadd.f32 v5, v6;
	v11 =	vadd.s32 v10, v9  }
0x3d0: {  	v6 =	vnsel vm1, $0x0, v13;
	v13 =	vld [tilespmem:s8+$0xFFFFFFF0]  }
.Ltmp9:
0x3d1: {  	v5 =	vadd.f32 v6, v5;
	vm3 =	vgt.s32 v7, v2;
	v8 =	vld [tilespmem:s6+$0xFFFFFFF0];
	(pc) =	sbr.rel @p0 .LBB2_18-.Ltmp9, $4  }
0x3d2: {  	v6 =	vnsel vm3, $0x0, v14;
	v9 =	vld [tilespmem:s8+$0x0]  }
0x3d3: {  	v7 =	vadd.f32 v6, v5;
	vm4 =	vgt.s32 v15, v2;
	v6 =	vld [tilespmem:s6+$0x0]  }
0x3d4: {  	v10 =	vnsel vm4, $0x0, v16;
	v5 =	vld [tilespmem:s6+$0x30]  }
0x3d5: {  	vm0 =	vgt.s32 v12, v2;
	s8 =	sadd.s32 $0x80, s8;
	v10 =	vadd.f32 v10, v7;
	vm2 =	vgt.s32 v13, v2;
	v7 =	vld [tilespmem:s6+$0x10]  }
0x3d6: {  	v12 =	vsel vm1, $0x1, v3  }
0x3d7: {  	v27 =	vsel vm3, $0x1, v3;
	v11 =	vadd.s32 v12, v11  }
0x3d8: {  	v28 =	vsel vm4, $0x1, v3;
	v11 =	vadd.s32 v27, v11  }
0x3d9: {  	v30 =	vsel vm2, $0x1, v3;
	vm9 =	vgt.s32 v9, v2;
	v29 =	vadd.s32 v28, v11  }
0x3da: {  	vm10 =	vgt.s32 v4, v2;
	v32 =	vsel vm9, $0x1, v3;
	v31 =	vadd.s32 v30, v29  }
0x3db: {  	vm11 =	vgt.s32 v1, v2;
	v34 =	vsel vm10, $0x1, v3;
	v33 =	vadd.s32 v32, v31  }
0x3dc: {  	v35 =	vsel vm11, $0x1, v3;
	v1 =	vadd.s32 v34, v33  }
0x3dd: {  	v36 =	vsel vm0, $0x1, v3;
	v1 =	vadd.s32 v35, v1  }
0x3de: {  	v1 =	vadd.s32 v36, v1  }
0x3df: {  	(xrf0) =	vadd.scan.msk.s32 $0xffff, v1  }
0x3e0: {  	v37 =	vnsel vm2, $0x0, v8  }
0x3e1: {  	v38 =	vld [tilespmem:s6+$0x20];
	v1 =	vadd.f32 v37, v10  }
0x3e2: {  	v39 =	vnsel vm9, $0x0, v6  }
0x3e3: {  	v1 =	vadd.f32 v39, v1  }
0x3e4: {  	v40 =	vnsel vm10, $0x0, v7  }
0x3e5: {  	v1 =	vadd.f32 v40, v1;
	v41, _, _ =	vpop (xrf0)  }
0x3e6: {  	v2 =	vnsel vm11, $0x0, v38;
	(v2sf) =	vpush v41, $0xF  }
0x3e7: {  	v1 =	vadd.f32 v2, v1  }
0x3e8: {  	v42 =	vnsel vm0, $0x0, v5  }
0x3e9: {  	v1 =	vadd.f32 v42, v1;
	_ =	sdelay $0x1  }
0x3ea: {  	(xrf2) =	vadd.scan.msk.f32 $0xffff, v1;
	_ =	sdelay $0x9  }
0x3eb: {  	v1, _, _ =	vpop (xrf2);
	s26 =	spop (v2sf)  }
0x3ec: {  	v1 =	vadd.f32 $0.0e+00, v1;
	s6 =	scvt.s32.f32 s26;
	_ =	sdelay $0x1  }
0x3ed: {  	vm12 =	vcmask $0x704;
	v1 =	vbroadcast v1, $0xF;
	v43 =	vmov s6  }
0x3ee: {  	vm13 =	vmmov $0x1;
	v2 =	vnsel vm12, $0x0, v43  }
0x3ef: {  	s28 =	simm.s32 $0x80;
	v1 =	vsel vm13, v1, v2  }
0x3f0: {  	s7 =	simm.s32 $0x400;
	s8 =	simm.s32 $0x2800;
	s29 =	simm.s32 $0x1;
	[tilespmem:$0x2800] =	vst v1  }
0x3f1: {  	[spmem:s4] =	stream.strided.scatter [tilespmem:s8], [sflag:$0x1], $0x100, s7, s28, $0x38;
	[tilespmem:$0x3B80] =	vst v63  }
0x3f2: {  	_ =	swait.ge [sflag:s29], $0x100  }
0x3f3: {  	[sflag:s29] =	ssyncset.done $0x0  }
0x3f4: {  	[sflag:s29] =	ssyncadd.s32 $0xFFFFFF00  }
0x3f5: {  	s30 =	simm.s32 $0x2900;
	[bflag:$0x0] =	sbarrier.arrive $0xFFFF  }
0x3f6: {  	[tilespmem:s30], [sflag:$0x1] =	stream.linear.gather [spmem:s3], $0x1000, $0x38;
	[tilespmem:$0x3B80] =	vst v63  }
0x3f7: {  	_ =	swait.ge [sflag:s29], $0x1000  }
0x3f8: {  	[sflag:s29] =	ssyncset.done $0x0  }
0x3f9: {  	[sflag:s29] =	ssyncadd.s32 $0xFFFFF000  }
0x3fa: {  	v44 =	vld [tilespmem:$0x2900];
	_ =	sdelay $0x1  }
0x3fb: {  	v45 =	vld [tilespmem:$0x2980];
	_ =	sdelay $0x1  }
0x3fc: {  	v46 =	vld [tilespmem:$0x2A00]  }
0x3fd: {  	v1 =	vadd.f32 $0.0e+00, v44  }
0x3fe: {  	v47 =	vld [tilespmem:$0x2A80]  }
0x3ff: {  	v1 =	vadd.f32 v45, v1  }
0x400: {  	v48 =	vld [tilespmem:$0x2B00]  }
0x401: {  	v1 =	vadd.f32 v46, v1  }
0x402: {  	v49 =	vld [tilespmem:$0x2B80]  }
0x403: {  	v1 =	vadd.f32 v47, v1  }
0x404: {  	v50 =	vld [tilespmem:$0x2C00]  }
0x405: {  	v1 =	vadd.f32 v48, v1  }
0x406: {  	v51 =	vld [tilespmem:$0x2C80]  }
0x407: {  	v1 =	vadd.f32 v49, v1  }
0x408: {  	v52 =	vld [tilespmem:$0x3100]  }
0x409: {  	v1 =	vadd.f32 v50, v1  }
0x40a: {  	v53 =	vld [tilespmem:$0x3180]  }
0x40b: {  	v1 =	vadd.f32 v51, v1  }
0x40c: {  	v54 =	vld [tilespmem:$0x3200]  }
0x40d: {  	v1 =	vadd.f32 v52, v1  }
0x40e: {  	v55 =	vld [tilespmem:$0x3280]  }
0x40f: {  	v1 =	vadd.f32 v53, v1  }
0x410: {  	v56 =	vld [tilespmem:$0x3300]  }
0x411: {  	v1 =	vadd.f32 v54, v1  }
0x412: {  	v57 =	vld [tilespmem:$0x3380]  }
0x413: {  	v1 =	vadd.f32 v55, v1  }
0x414: {  	v58 =	vld [tilespmem:$0x3400]  }
0x415: {  	v1 =	vadd.f32 v56, v1  }
0x416: {  	v59 =	vld [tilespmem:$0x3480]  }
0x417: {  	v1 =	vadd.f32 v57, v1;
	_ =	sdelay $0x1  }
0x418: {  	v1 =	vadd.f32 v58, v1;
	_ =	sdelay $0x1  }
0x419: {  	v1 =	vadd.f32 v59, v1;
	_ =	sdelay $0x1  }
0x41a: {  	vm14 =	vcmask $0x308;
	v60 =	vnsel vm13, $0x0, v1  }
0x41b: {  	v1 =	vsel vm14, $0x0, v1;
	(xrf2) =	vadd.scan.msk.f32 $0xffff, v60  }
0x41c: {  	(xrf2) =	vadd.scan.msk.f32 $0xffff, v1;
	_ =	sdelay $0x8  }
0x41d: {  	v61, _, _ =	vpop (xrf2)  }
0x41e: {  	v62, _, _ =	vpop (xrf2)  }
0x41f: {  	v2 =	vadd.f32 $0.0e+00, v62  }
0x420: {  	s31 =	sor.u32 $0x8000, s5  }
0x421: {  	v63 =	vmov s31;
	v2 =	vsub.f32 $1.146800000e+04, v2  }
0x422: {  	vm15 =	vlt.s32 v63, $0x0  }
0x423: {  	v3 =	vxor.u32 $0x7FFFFFFF, v63;
	v1 =	vadd.f32 $0.0e+00, v61;
	v2 =	vbroadcast v2, $0xF  }
0x424: {  	v3 =	vnsel vm15, s31, v3  }
0x425: {  	v1 =	vbroadcast v1, $0xF;
	v2 =	vmul.f32 v3, v2;
	_ =	sdelay $0x1  }
0x426: {  	v1 =	vadd.f32 v2, v1;
	_ =	sdelay $0x1  }
0x427: {  	v0 =	vmul.f32 v1, v0  }
0x428: {  	p0 =	sne.s32 s2, $0x0  }
0x429: {  	s4 =	simm.s32 @!p0 $0x3900;
	s3 =	simm.s32 @!p0 $0x0;
	[tilespmem:$0x3900] =	vst v0  }
0x42a: {  	[hbm4b:s1+s3] =	stream.linear.scatter @!p0 [tilespmem:s4], [sflag:$0x1], $0x80, $0x38;
	[tilespmem:$0x3B80] =	vst v63  }
0x42b: {  	s1 =	simm.s32 @!p0 $0x1  }
0x42c: {  	_ =	swait.ge @!p0 [sflag:s1], $0x80  }
0x42d: {  	[sflag:s1] =	ssyncset.done @!p0 $0x0  }
0x42e: {  	[sflag:s1] =	ssyncadd.s32 @!p0 $0xFFFFFF80  }
.LBB2_20:
0x42f: {  	_ =	sfence.sel $0x180000  }
0x430: {  	[bflag:$0x0] =	sbarrier.arrive $0xFFFF  }
0x431: {  	p0 =	sne.s32 s2, $0x0;
	_ =	strace $0x90000047  }
0x432: {  	s0 =	sadd.s32 @!p0 $0x100000, s0;
	[bflag:$0x2] =	sbarrier.arrive $0xFFFF  }
0x433: {  	[sflag:s0] =	ssyncadd.tile.s32 @!p0 $0x1;
	_ =	shalt  }
.Lfunc_end2:
_tile_overlayer_lowered:
.L_overlay_start_2:
0x434: {  	(tag) =	ssettag $0x2  }
0x435: {  	s0 =	rddreg [dreg:$0x0];
	s2 =	stileid.u32  }
0x436: {  	s1 =	rddreg [dreg:$0x1];
	p0 =	sne.s32 s2, $0x0  }
0x437: {  	s3 =	rddreg [dreg:$0x2];
	[bflag:$0x3] =	sbarrier.arrive $0xFFFF;
	s2 =	simm.s32 @!p0 $0x1C01  }
0x438: {  	[timem:s3], [sflag:s2] =	dma.local @!p0 [hbm:s0], s1  }
0x439: {  	s0 =	simm.s32 @!p0 $0x1  }
0x43a: {  	_ =	swait.ge @!p0 [sflag:s0], s1  }
0x43b: {  	s1 =	ssub.s32 @!p0 $0x0, s1;
	[sflag:s0] =	ssyncset.done @!p0 $0x0  }
0x43c: {  	[sflag:s0] =	ssyncadd.s32 @!p0 s1  }
0x43d: {  	[bflag:$0x3] =	sbarrier.arrive $0xFFFF  }
0x43e: {  	_ =	shalt  }

</sc_bundles>
